<compile_context>
chip_gen: v7x
topology: tpu7x:2x2x1
jax: 0.10.2.dev20260603
libtpu: 0.0.44.dev20260713+nightly
codegen_flags: <defaults>
</compile_context>

<pallas_src>
import functools

import jax
import jax.numpy as jnp
from jax import lax
from jax.experimental import pallas as pl
from jax.experimental.pallas import tpu as pltpu
from jax.experimental.pallas import tpu_sc as plsc

_N = 4096
_E = 65536
_NC = 2
_NS = 16
_NW = _NC * _NS
_EPW = _E // _NW
_CHUNK = 128
_NCHUNK = _EPW // _CHUNK

_MESH = dict(core_axis_name="c", subcore_axis_name="s")
_SC_PARAMS = pltpu.CompilerParams(
    needs_layout_passes=False, use_tc_tiling_on_sc=False)
_DOT = dict(preferred_element_type=jnp.float32, precision=lax.Precision.HIGHEST)



def _deg_body(dst_hbm, ew_hbm, out_hbm, pk_hbm, dst_v, ew_v, deg_v, pk_v):
    c = lax.axis_index("c")
    s = lax.axis_index("s")
    wid = s * _NC + c
    pltpu.sync_copy(dst_hbm.at[wid], dst_v)
    pltpu.sync_copy(ew_hbm.at[wid], ew_v)

    def zero(i, carry):
        deg_v[pl.ds(pl.multiple_of(i * 16, 16), 16)] = jnp.zeros((16,), jnp.float32)
        return carry
    lax.fori_loop(0, _N // 16, zero, 0)

    def edge(i, carry):
        o = pl.multiple_of(i * 16, 16)
        dv = dst_v[pl.ds(o, 16)]
        wv = ew_v[pl.ds(o, 16)]
        plsc.addupdate_scatter(deg_v, [dv], wv)
        wb = (plsc.bitcast(wv, jnp.int32) + 0x8000) & jnp.int32(-65536)
        pk_v[pl.ds(o, 16)] = dv | wb
        return carry
    lax.fori_loop(0, _EPW // 16, edge, 0)

    pltpu.sync_copy(deg_v, out_hbm.at[wid])
    pltpu.sync_copy(pk_v, pk_hbm.at[wid])


_deg_kernel = pl.kernel(
    _deg_body,
    out_type=[jax.ShapeDtypeStruct((_NW, _N), jnp.float32),
              jax.ShapeDtypeStruct((_NW, _EPW), jnp.int32)],
    mesh=plsc.VectorSubcoreMesh(**_MESH),
    compiler_params=_SC_PARAMS,
    scratch_types=[
        pltpu.VMEM((_EPW,), jnp.int32),
        pltpu.VMEM((_EPW,), jnp.float32),
        pltpu.VMEM((_N,), jnp.float32),
        pltpu.VMEM((_EPW,), jnp.int32),
    ],
)


def _agg_body(F, table_hbm, src_hbm, pk_hbm, out_hbm,
              src_v, pk_v, tab_v, acc_v):
    nsl = F // 16
    tps = _NS // nsl
    p = _NC * tps
    epp = _E // p
    c = lax.axis_index("c")
    s = lax.axis_index("s")
    fslice = s % nsl
    part = c * tps + s // nsl

    pltpu.sync_copy(table_hbm.at[fslice], tab_v)

    def zero(i, carry):
        for u in range(8):
            acc_v[i * 8 + u, :] = jnp.zeros((16,), jnp.float32)
        return carry
    lax.fori_loop(0, _N // 8, zero, 0)

    lane = lax.iota(jnp.int32, 16)
    sch = 2048
    nch = sch // _CHUNK

    def superchunk(sc_i, carry):
        e0 = part * epp + sc_i * sch
        pltpu.sync_copy(src_hbm.at[pl.ds(e0, sch)], src_v)
        pltpu.sync_copy(pk_hbm.at[pl.ds(e0 // _CHUNK, nch)], pk_v)

        def chunk(j, carry2):
            @plsc.parallel_loop(0, _CHUNK // 16, unroll=2)
            def group(g):
                o = pl.multiple_of(g * 16, 16)
                pkv = pk_v[j, pl.ds(o, 16)]
                sv = src_v[pl.ds(pl.multiple_of(j * _CHUNK, 16) + o, 16)]
                for t in range(16):
                    pick = jnp.full((16,), t, jnp.int32)
                    cs = pkv.at[pick].get(mode="promise_in_bounds")
                    ss = sv.at[pick].get(mode="promise_in_bounds")
                    da = cs & 0xFFFF
                    ws = plsc.bitcast(cs & jnp.int32(-65536), jnp.float32)
                    xw = plsc.load_gather(tab_v, [ss & (_N // 2 - 1), lane])
                    amt = 16 - ((ss >> 11) << 4)
                    row = plsc.bitcast((xw << amt) & jnp.int32(-65536),
                                       jnp.float32)
                    plsc.addupdate_scatter(acc_v, [da, lane], row * ws)
            return carry2
        lax.fori_loop(0, nch, chunk, 0)
        return carry
    lax.fori_loop(0, epp // sch, superchunk, 0)

    pltpu.sync_copy(acc_v, out_hbm.at[part, :, pl.ds(fslice * 16, 16)])


def _make_agg(F):
    nsl = F // 16
    scratch = [
        pltpu.VMEM((2048,), jnp.int32),
        pltpu.VMEM((2048 // _CHUNK, _CHUNK), jnp.int32),
        pltpu.VMEM((_N // 2, 16), jnp.int32),
        pltpu.VMEM((_N, 16), jnp.float32),
    ]
    return pl.kernel(
        functools.partial(_agg_body, F),
        out_type=jax.ShapeDtypeStruct((_NC * (_NS // nsl), _N, F), jnp.float32),
        mesh=plsc.VectorSubcoreMesh(**_MESH),
        compiler_params=_SC_PARAMS,
        scratch_types=scratch,
    )


_agg128 = _make_agg(128)
_agg256 = _make_agg(256)


def _pack_rows_body(lo_ref, hi_ref, o_ref):
    lo = lax.bitcast_convert_type(lo_ref[...], jnp.int32) + 0x8000
    hi = lax.bitcast_convert_type(hi_ref[...], jnp.int32) + 0x8000
    o_ref[...] = lax.shift_right_logical(lo, 16) | (hi & jnp.int32(-65536))


def _pack_rows(t):
    nsl = t.shape[0]
    blk = 512
    nb = (_N // 2) // blk
    return pl.pallas_call(
        _pack_rows_body,
        grid=(nb,),
        in_specs=[pl.BlockSpec((nsl, blk, 16), lambda i: (0, i, 0)),
                  pl.BlockSpec((nsl, blk, 16), lambda i: (0, i + nb, 0))],
        out_specs=pl.BlockSpec((nsl, blk, 16), lambda i: (0, i, 0)),
        out_shape=jax.ShapeDtypeStruct((nsl, _N // 2, 16), jnp.int32),
    )(t, t)



def _dinv_body(degp_ref, dinv_ref):
    dinv_ref[...] = lax.rsqrt(jnp.sum(degp_ref[...], axis=0) + 1.0)


def _dinv_kernel(degp):
    blk = 512
    return pl.pallas_call(
        _dinv_body,
        grid=(_N // blk,),
        in_specs=[pl.BlockSpec((_NW, blk), lambda i: (0, i))],
        out_specs=pl.BlockSpec((blk,), lambda i: (i,)),
        out_shape=jax.ShapeDtypeStruct((_N,), jnp.float32),
    )(degp)


def _tslices(x, o_ref):
    for sl in range(o_ref.shape[0]):
        o_ref[sl] = x[:, sl * 16:(sl + 1) * 16]


def _scale_body(x_ref, d_ref, o_ref):
    _tslices(x_ref[...] * d_ref[...], o_ref)


def _scale_kernel(x, dcol):
    blk = 512
    f = x.shape[1]
    return pl.pallas_call(
        _scale_body,
        grid=(_N // blk,),
        in_specs=[pl.BlockSpec((blk, f), lambda i: (i, 0)),
                  pl.BlockSpec((blk, 1), lambda i: (i, 0))],
        out_specs=pl.BlockSpec((f // 16, blk, 16), lambda i: (0, i, 0)),
        out_shape=jax.ShapeDtypeStruct((f // 16, _N, 16), jnp.float32),
    )(x, dcol)


def _layer_body(acc_ref, xp_ref, d_ref, W_ref, b_ref, o_ref):
    d = d_ref[...]
    xp = jnp.concatenate(
        [xp_ref[sl] for sl in range(xp_ref.shape[0])], axis=1)
    t = d * (jnp.sum(acc_ref[...], axis=0) + xp)
    h = jax.nn.relu(jnp.dot(t, W_ref[...], **_DOT) + b_ref[...])
    _tslices(h * d, o_ref)


def _layer_kernel(acc, xp, dcol, W, b):
    blk = 512
    fi, fo = W.shape
    return pl.pallas_call(
        _layer_body,
        grid=(_N // blk,),
        in_specs=[pl.BlockSpec((acc.shape[0], blk, fi), lambda i: (0, i, 0)),
                  pl.BlockSpec((fi // 16, blk, 16), lambda i: (0, i, 0)),
                  pl.BlockSpec((blk, 1), lambda i: (i, 0)),
                  pl.BlockSpec((fi, fo), lambda i: (0, 0)),
                  pl.BlockSpec((1, fo), lambda i: (0, 0))],
        out_specs=pl.BlockSpec((fo // 16, blk, 16), lambda i: (0, i, 0)),
        out_shape=jax.ShapeDtypeStruct((fo // 16, _N, 16), jnp.float32),
    )(acc, xp, dcol, W, b.reshape(1, fo))


def _head_body(acc_ref, xp_ref, d_ref, W_ref, b_ref, lW_ref, lb_ref, o_ref):
    xp = jnp.concatenate(
        [xp_ref[sl] for sl in range(xp_ref.shape[0])], axis=1)
    t = d_ref[...] * (jnp.sum(acc_ref[...], axis=0) + xp)
    h = jax.nn.relu(jnp.dot(t, W_ref[...], **_DOT) + b_ref[...])
    o_ref[...] = jnp.dot(h, lW_ref[...], **_DOT) + lb_ref[...]


def _head_kernel(acc, xp, dcol, W, b, lW, lb):
    blk = 512
    fi, fo = W.shape
    fh = lW.shape[1]
    return pl.pallas_call(
        _head_body,
        grid=(_N // blk,),
        in_specs=[pl.BlockSpec((acc.shape[0], blk, fi), lambda i: (0, i, 0)),
                  pl.BlockSpec((fi // 16, blk, 16), lambda i: (0, i, 0)),
                  pl.BlockSpec((blk, 1), lambda i: (i, 0)),
                  pl.BlockSpec((fi, fo), lambda i: (0, 0)),
                  pl.BlockSpec((1, fo), lambda i: (0, 0)),
                  pl.BlockSpec((fo, fh), lambda i: (0, 0)),
                  pl.BlockSpec((1, fh), lambda i: (0, 0))],
        out_specs=pl.BlockSpec((blk, fh), lambda i: (i, 0)),
        out_shape=jax.ShapeDtypeStruct((_N, fh), jnp.float32),
    )(acc, xp, dcol, W, b.reshape(1, fo), lW, lb.reshape(1, fh))


def _iota_body(o_ref):
    blk = o_ref.shape[1]
    k = lax.broadcasted_iota(jnp.int32, o_ref.shape, 1) + pl.program_id(0) * blk
    row = lax.broadcasted_iota(jnp.int32, o_ref.shape, 0)
    o_ref[...] = jnp.where(row == 0, k >> 12, k & (_N - 1))


def _edge_iota():
    blk = 1 << 20
    total = _N * _N
    return pl.pallas_call(
        _iota_body,
        grid=(total // blk,),
        out_specs=pl.BlockSpec((2, blk), lambda i: (0, i)),
        out_shape=jax.ShapeDtypeStruct((2, total), jnp.int32),
    )()



def kernel(z_, edge_index, edge_attr, W1, b1, W2, b2, linW, linb):
    new_edge_index = _edge_iota()

    src1 = edge_index[0]
    dstd = edge_index[1].reshape(_NW, _EPW)
    ewd = edge_attr.reshape(_NW, _EPW)

    degp, pk = _deg_kernel(dstd, ewd)
    dinv = _dinv_kernel(degp)
    dcol = dinv.reshape(_N, 1)
    pk2 = pk.reshape(_E // _CHUNK, _CHUNK)

    x0p = _scale_kernel(z_, dcol)
    acc1 = _agg128(_pack_rows(x0p), src1, pk2)
    x1p = _layer_kernel(acc1, x0p, dcol, W1, b1)
    acc2 = _agg256(_pack_rows(x1p), src1, pk2)
    out = _head_kernel(acc2, x1p, dcol, W2, b2, linW, linb)
    return (out, new_edge_index)

# --- scband reference (transcript-rebuilt; emitter-appended) ---
"""Pipeline reference for scband-decoder-18365280158001 (READ-ONLY COPY).

The authoritative reference and input builder live on the scoring server;
editing this copy changes nothing except your own understanding.
"""

import jax, jax.numpy as jnp
import numpy as np

N = 4096
ZF = 128
XF = 128
E = N * 16


def gcn_conv(x, edge_index, edge_weight, W, b):
    # PyG GCNConv: add self loops, symmetric normalization, x @ W, scatter-add, + bias
    n = x.shape[0]
    loop = jnp.arange(n, dtype=edge_index.dtype)
    src = jnp.concatenate([edge_index[0], loop])
    dst = jnp.concatenate([edge_index[1], loop])
    ew = jnp.concatenate([edge_weight, jnp.ones((n,), dtype=x.dtype)])
    deg = jnp.zeros((n,), dtype=x.dtype).at[dst].add(ew)
    deg_safe = jnp.where(deg > 0, deg, 1.0)
    dinv = jnp.where(deg > 0, 1.0 / jnp.sqrt(deg_safe), 0.0)
    norm = dinv[src] * ew * dinv[dst]
    h = x @ W
    msg = h[src] * norm[:, None]
    out = jnp.zeros((n, h.shape[1]), dtype=x.dtype).at[dst].add(msg)
    return out + b


def setup_inputs(seed: int = 0):
    key = jax.random.key(seed)
    ks = jax.random.split(key, 10)
    z_ = jax.random.normal(ks[0], (N, ZF), dtype=jnp.float32)
    edge_index = jax.random.randint(ks[1], (2, E), 0, N, dtype=jnp.int32)
    edge_attr = jax.random.uniform(ks[2], (E,), dtype=jnp.float32)
    W1 = jax.random.normal(ks[3], (ZF, 2 * XF), dtype=jnp.float32) * 0.05
    b1 = jnp.zeros((2 * XF,), dtype=jnp.float32)
    W2 = jax.random.normal(ks[4], (2 * XF, 2 * XF), dtype=jnp.float32) * 0.05
    b2 = jnp.zeros((2 * XF,), dtype=jnp.float32)
    linW = jax.random.normal(ks[5], (2 * XF, XF), dtype=jnp.float32) * 0.05
    linb = jnp.zeros((XF,), dtype=jnp.float32)
    return {"z_": z_, "edge_index": edge_index, "edge_attr": edge_attr,
            "W1": W1, "b1": b1, "W2": W2, "b2": b2, "linW": linW, "linb": linb}


def reference(z_, edge_index, edge_attr, W1, b1, W2, b2, linW, linb):
    # adj = sigmoid(z z^T); dense_to_sparse keeps nonzero entries (all of them after sigmoid)
    adj = jax.nn.sigmoid(z_ @ z_.T)
    r, c = jnp.nonzero(adj, size=adj.shape[0] * adj.shape[1])
    new_edge_index = jnp.stack([r, c], axis=0)
    # two GCN layers (dropout is identity in eval mode)
    h = jax.nn.relu(gcn_conv(z_, edge_index, edge_attr, W1, b1))
    h = jax.nn.relu(gcn_conv(h, edge_index, edge_attr, W2, b2))
    out = h @ linW + linb
    return (out, new_edge_index)

if __name__ == "__main__":
    import jax
    _d = setup_inputs()
    print(jax.jit(kernel)(*tuple(_d.values())))

</pallas_src>

<mosaic_0001>
#map = affine_map<(d0, d1) -> (0, 0, 0)>
#map1 = affine_map<(d0, d1) -> (0)>
#map2 = affine_map<(d0, d1) -> (0, 0)>
module attributes {stable_mosaic.version = 14 : i64} {
  func.func @_agg_body(%arg0: i32, %arg1: i32, %arg2: memref<16x2048x16xi32, #tpu.memory_space<hbm>>, %arg3: memref<65536xi32, #tpu.memory_space<hbm>>, %arg4: memref<512x128xi32, #tpu.memory_space<hbm>>, %arg5: memref<2x4096x256xf32, #tpu.memory_space<hbm>>, %arg6: memref<2048xi32, #tpu.memory_space<vmem>>, %arg7: memref<16x128xi32, #tpu.memory_space<vmem>>, %arg8: memref<2048x16xi32, #tpu.memory_space<vmem>>, %arg9: memref<4096x16xf32, #tpu.memory_space<vmem>>) attributes {dimension_semantics = [#tpu.dimension_semantics<core_parallel>, #tpu.dimension_semantics<subcore_parallel>], iteration_bounds = array<i64: 2, 16>, scalar_prefetch = 0 : i64, scratch_operands = 4 : i64, tpu.core_type = #tpu.core_type<sc_vector_subcore>, window_params = [{transform_indices = #map}, {transform_indices = #map1}, {transform_indices = #map2}, {transform_indices = #map}]} {
    %jit3A = arith.constant 16 : i32
    %eq3A = arith.constant 0 : i32
    %eq3A_0 = arith.cmpi eq, %jit3A, %eq3A : i32
    %jit3A_1 = arith.constant 1 : i32
    %select_n3A = arith.select %eq3A_0, %jit3A_1, %jit3A : i32
    %rem3A = arith.remsi %arg1, %select_n3A : i32
    %ne3A = arith.constant 0 : i32
    %ne3A_2 = arith.cmpi ne, %rem3A, %ne3A : i32
    %lt3A = arith.constant 0 : i32
    %lt3A_3 = arith.cmpi slt, %rem3A, %lt3A : i32
    %lt3A_4 = arith.constant 0 : i32
    %lt3A_5 = arith.cmpi slt, %select_n3A, %lt3A_4 : i32
    %ne3A_6 = arith.xori %lt3A_3, %lt3A_5 : i1
    %and3A = arith.andi %ne3A_6, %ne3A_2 : i1
    %add3A = arith.addi %rem3A, %select_n3A : i32
    %select_n3A_7 = arith.select %and3A, %add3A, %rem3A : i32
    %mul3A = arith.constant 1 : i32
    %mul3A_8 = arith.muli %arg0, %mul3A : i32
    %jit3A_9 = arith.constant 16 : i32
    %div3A = arith.divsi %arg1, %jit3A_9 : i32
    %sign3A = arith.constant 0 : i32
    %sign3A_10 = arith.cmpi sgt, %arg1, %sign3A : i32
    %sign3A_11 = arith.extui %sign3A_10 : i1 to i32
    %sign3A_12 = arith.constant 0 : i32
    %sign3A_13 = arith.cmpi slt, %arg1, %sign3A_12 : i32
    %sign3A_14 = arith.extui %sign3A_13 : i1 to i32
    %sign3A_15 = arith.subi %sign3A_11, %sign3A_14 : i32
    %sign3A_16 = arith.constant 0 : i32
    %sign3A_17 = arith.cmpi sgt, %jit3A_9, %sign3A_16 : i32
    %sign3A_18 = arith.extui %sign3A_17 : i1 to i32
    %sign3A_19 = arith.constant 0 : i32
    %sign3A_20 = arith.cmpi slt, %jit3A_9, %sign3A_19 : i32
    %sign3A_21 = arith.extui %sign3A_20 : i1 to i32
    %sign3A_22 = arith.subi %sign3A_18, %sign3A_21 : i32
    %ne3A_23 = arith.cmpi ne, %sign3A_15, %sign3A_22 : i32
    %rem3A_24 = arith.remsi %arg1, %jit3A_9 : i32
    %ne3A_25 = arith.constant 0 : i32
    %ne3A_26 = arith.cmpi ne, %rem3A_24, %ne3A_25 : i32
    %and3A_27 = arith.andi %ne3A_23, %ne3A_26 : i1
    %sub3A = arith.constant 1 : i32
    %sub3A_28 = arith.subi %div3A, %sub3A : i32
    %select_n3A_29 = arith.select %and3A_27, %sub3A_28, %div3A : i32
    %add3A_30 = arith.addi %mul3A_8, %select_n3A_29 : i32
    "tpu.region"() ({
      %run_scoped3A = tpu.sem_alloc : memref<!tpu.dma_semaphore, #tpu.memory_space<semaphore_mem>>
      %dma_start3A = arith.constant 0 : i32
      %dma_start3A_44 = arith.constant 0 : i32
      %dma_start3A_45 = tpu.memref_slice %arg2[%select_n3A_7, %dma_start3A, %dma_start3A_44] : memref<16x2048x16xi32, #tpu.memory_space<hbm>> -> memref<1x2048x16xi32, #tpu.memory_space<hbm>>
      %dma_start3A_46 = tpu.memref_squeeze %dma_start3A_45 : memref<1x2048x16xi32, #tpu.memory_space<hbm>> -> memref<2048x16xi32, #tpu.memory_space<hbm>>
      %dma_start3A_47 = arith.constant 0 : i32
      %dma_start3A_48 = arith.constant 0 : i32
      %dma_start3A_49 = tpu.memref_slice %arg2[%select_n3A_7, %dma_start3A_47, %dma_start3A_48] : memref<16x2048x16xi32, #tpu.memory_space<hbm>> -> memref<1x2048x16xi32, #tpu.memory_space<hbm>>
      %dma_start3A_50 = tpu.memref_squeeze %dma_start3A_49 : memref<1x2048x16xi32, #tpu.memory_space<hbm>> -> memref<2048x16xi32, #tpu.memory_space<hbm>>
      tpu.enqueue_dma source(%dma_start3A_50 : memref<2048x16xi32, #tpu.memory_space<hbm>>) target(%arg8 : memref<2048x16xi32, #tpu.memory_space<vmem>>) target_semaphore(%run_scoped3A : memref<!tpu.dma_semaphore, #tpu.memory_space<semaphore_mem>>)
      %dma_wait3A = arith.constant 0 : i32
      %dma_wait3A_51 = arith.constant 0 : i32
      %dma_wait3A_52 = tpu.memref_slice %arg2[%select_n3A_7, %dma_wait3A, %dma_wait3A_51] : memref<16x2048x16xi32, #tpu.memory_space<hbm>> -> memref<1x2048x16xi32, #tpu.memory_space<hbm>>
      %dma_wait3A_53 = tpu.memref_squeeze %dma_wait3A_52 : memref<1x2048x16xi32, #tpu.memory_space<hbm>> -> memref<2048x16xi32, #tpu.memory_space<hbm>>
      %dma_wait3A_54 = arith.constant 0 : i32
      %dma_wait3A_55 = arith.constant 0 : i32
      %dma_wait3A_56 = tpu.memref_slice %arg2[%select_n3A_7, %dma_wait3A_54, %dma_wait3A_55] : memref<16x2048x16xi32, #tpu.memory_space<hbm>> -> memref<1x2048x16xi32, #tpu.memory_space<hbm>>
      %dma_wait3A_57 = tpu.memref_squeeze %dma_wait3A_56 : memref<1x2048x16xi32, #tpu.memory_space<hbm>> -> memref<2048x16xi32, #tpu.memory_space<hbm>>
      tpu.wait_dma2 semaphore(%run_scoped3A : memref<!tpu.dma_semaphore, #tpu.memory_space<semaphore_mem>>) src(%dma_wait3A_57 : memref<2048x16xi32, #tpu.memory_space<hbm>>) dst(%arg8 : memref<2048x16xi32, #tpu.memory_space<vmem>>)
      tpu.yield
    }) : () -> ()
    %scan3A = arith.constant 0 : i32
    %scan3A_31 = arith.constant 0 : i32
    %scan3A_32 = arith.constant 512 : i32
    %scan3A_33 = arith.addi %scan3A_31, %scan3A_32 : i32
    %scan3A_34 = arith.constant 1 : i32
    scf.for %scan3A_44 = %scan3A_31 to %scan3A_33 step %scan3A_34  : i32 {
      %broadcast_in_dim3A = arith.constant 0.000000e+00 : f32
      %broadcast_in_dim3A_45 = vector.broadcast %broadcast_in_dim3A : f32 to vector<16xf32>
      %mul3A_46 = arith.constant 8 : i32
      %mul3A_47 = arith.muli %scan3A_44, %mul3A_46 : i32
      %add3A_48 = arith.constant 0 : i32
      %add3A_49 = arith.addi %mul3A_47, %add3A_48 : i32
      %swap3A = arith.index_cast %add3A_49 : i32 to index
      %swap3A_50 = arith.constant 0 : index
      %swap3A_51 = tpu.vector_load %arg9[%swap3A, %swap3A_50] {strides = array<i32>} : memref<4096x16xf32, #tpu.memory_space<vmem>>, vector<16xf32>,
      tpu.vector_store %arg9[%swap3A, %swap3A_50], %broadcast_in_dim3A_45 {strides = array<i32>} : memref<4096x16xf32, #tpu.memory_space<vmem>>, vector<16xf32>,
      %broadcast_in_dim3A_52 = arith.constant 0.000000e+00 : f32
      %broadcast_in_dim3A_53 = vector.broadcast %broadcast_in_dim3A_52 : f32 to vector<16xf32>
      %mul3A_54 = arith.constant 8 : i32
      %mul3A_55 = arith.muli %scan3A_44, %mul3A_54 : i32
      %add3A_56 = arith.constant 1 : i32
      %add3A_57 = arith.addi %mul3A_55, %add3A_56 : i32
      %swap3A_58 = arith.index_cast %add3A_57 : i32 to index
      %swap3A_59 = arith.constant 0 : index
      %swap3A_60 = tpu.vector_load %arg9[%swap3A_58, %swap3A_59] {strides = array<i32>} : memref<4096x16xf32, #tpu.memory_space<vmem>>, vector<16xf32>,
      tpu.vector_store %arg9[%swap3A_58, %swap3A_59], %broadcast_in_dim3A_53 {strides = array<i32>} : memref<4096x16xf32, #tpu.memory_space<vmem>>, vector<16xf32>,
      %broadcast_in_dim3A_61 = arith.constant 0.000000e+00 : f32
      %broadcast_in_dim3A_62 = vector.broadcast %broadcast_in_dim3A_61 : f32 to vector<16xf32>
      %mul3A_63 = arith.constant 8 : i32
      %mul3A_64 = arith.muli %scan3A_44, %mul3A_63 : i32
      %add3A_65 = arith.constant 2 : i32
      %add3A_66 = arith.addi %mul3A_64, %add3A_65 : i32
      %swap3A_67 = arith.index_cast %add3A_66 : i32 to index
      %swap3A_68 = arith.constant 0 : index
      %swap3A_69 = tpu.vector_load %arg9[%swap3A_67, %swap3A_68] {strides = array<i32>} : memref<4096x16xf32, #tpu.memory_space<vmem>>, vector<16xf32>,
      tpu.vector_store %arg9[%swap3A_67, %swap3A_68], %broadcast_in_dim3A_62 {strides = array<i32>} : memref<4096x16xf32, #tpu.memory_space<vmem>>, vector<16xf32>,
      %broadcast_in_dim3A_70 = arith.constant 0.000000e+00 : f32
      %broadcast_in_dim3A_71 = vector.broadcast %broadcast_in_dim3A_70 : f32 to vector<16xf32>
      %mul3A_72 = arith.constant 8 : i32
      %mul3A_73 = arith.muli %scan3A_44, %mul3A_72 : i32
      %add3A_74 = arith.constant 3 : i32
      %add3A_75 = arith.addi %mul3A_73, %add3A_74 : i32
      %swap3A_76 = arith.index_cast %add3A_75 : i32 to index
      %swap3A_77 = arith.constant 0 : index
      %swap3A_78 = tpu.vector_load %arg9[%swap3A_76, %swap3A_77] {strides = array<i32>} : memref<4096x16xf32, #tpu.memory_space<vmem>>, vector<16xf32>,
      tpu.vector_store %arg9[%swap3A_76, %swap3A_77], %broadcast_in_dim3A_71 {strides = array<i32>} : memref<4096x16xf32, #tpu.memory_space<vmem>>, vector<16xf32>,
      %broadcast_in_dim3A_79 = arith.constant 0.000000e+00 : f32
      %broadcast_in_dim3A_80 = vector.broadcast %broadcast_in_dim3A_79 : f32 to vector<16xf32>
      %mul3A_81 = arith.constant 8 : i32
      %mul3A_82 = arith.muli %scan3A_44, %mul3A_81 : i32
      %add3A_83 = arith.constant 4 : i32
      %add3A_84 = arith.addi %mul3A_82, %add3A_83 : i32
      %swap3A_85 = arith.index_cast %add3A_84 : i32 to index
      %swap3A_86 = arith.constant 0 : index
      %swap3A_87 = tpu.vector_load %arg9[%swap3A_85, %swap3A_86] {strides = array<i32>} : memref<4096x16xf32, #tpu.memory_space<vmem>>, vector<16xf32>,
      tpu.vector_store %arg9[%swap3A_85, %swap3A_86], %broadcast_in_dim3A_80 {strides = array<i32>} : memref<4096x16xf32, #tpu.memory_space<vmem>>, vector<16xf32>,
      %broadcast_in_dim3A_88 = arith.constant 0.000000e+00 : f32
      %broadcast_in_dim3A_89 = vector.broadcast %broadcast_in_dim3A_88 : f32 to vector<16xf32>
      %mul3A_90 = arith.constant 8 : i32
      %mul3A_91 = arith.muli %scan3A_44, %mul3A_90 : i32
      %add3A_92 = arith.constant 5 : i32
      %add3A_93 = arith.addi %mul3A_91, %add3A_92 : i32
      %swap3A_94 = arith.index_cast %add3A_93 : i32 to index
      %swap3A_95 = arith.constant 0 : index
      %swap3A_96 = tpu.vector_load %arg9[%swap3A_94, %swap3A_95] {strides = array<i32>} : memref<4096x16xf32, #tpu.memory_space<vmem>>, vector<16xf32>,
      tpu.vector_store %arg9[%swap3A_94, %swap3A_95], %broadcast_in_dim3A_89 {strides = array<i32>} : memref<4096x16xf32, #tpu.memory_space<vmem>>, vector<16xf32>,
      %broadcast_in_dim3A_97 = arith.constant 0.000000e+00 : f32
      %broadcast_in_dim3A_98 = vector.broadcast %broadcast_in_dim3A_97 : f32 to vector<16xf32>
      %mul3A_99 = arith.constant 8 : i32
      %mul3A_100 = arith.muli %scan3A_44, %mul3A_99 : i32
      %add3A_101 = arith.constant 6 : i32
      %add3A_102 = arith.addi %mul3A_100, %add3A_101 : i32
      %swap3A_103 = arith.index_cast %add3A_102 : i32 to index
      %swap3A_104 = arith.constant 0 : index
      %swap3A_105 = tpu.vector_load %arg9[%swap3A_103, %swap3A_104] {strides = array<i32>} : memref<4096x16xf32, #tpu.memory_space<vmem>>, vector<16xf32>,
      tpu.vector_store %arg9[%swap3A_103, %swap3A_104], %broadcast_in_dim3A_98 {strides = array<i32>} : memref<4096x16xf32, #tpu.memory_space<vmem>>, vector<16xf32>,
      %broadcast_in_dim3A_106 = arith.constant 0.000000e+00 : f32
      %broadcast_in_dim3A_107 = vector.broadcast %broadcast_in_dim3A_106 : f32 to vector<16xf32>
      %mul3A_108 = arith.constant 8 : i32
      %mul3A_109 = arith.muli %scan3A_44, %mul3A_108 : i32
      %add3A_110 = arith.constant 7 : i32
      %add3A_111 = arith.addi %mul3A_109, %add3A_110 : i32
      %swap3A_112 = arith.index_cast %add3A_111 : i32 to index
      %swap3A_113 = arith.constant 0 : index
      %swap3A_114 = tpu.vector_load %arg9[%swap3A_112, %swap3A_113] {strides = array<i32>} : memref<4096x16xf32, #tpu.memory_space<vmem>>, vector<16xf32>,
      tpu.vector_store %arg9[%swap3A_112, %swap3A_113], %broadcast_in_dim3A_107 {strides = array<i32>} : memref<4096x16xf32, #tpu.memory_space<vmem>>, vector<16xf32>,
    }
    %scan3A_35 = arith.constant 512 : i32
    %iota3A = tpu.iota {dimensions = array<i32: 0>} : vector<16xi32>
    %scan3A_36 = arith.constant 0 : i32
    %scan3A_37 = arith.constant 0 : i32
    %scan3A_38 = arith.constant 16 : i32
    %scan3A_39 = arith.addi %scan3A_37, %scan3A_38 : i32
    %scan3A_40 = arith.constant 1 : i32
    scf.for %scan3A_44 = %scan3A_37 to %scan3A_39 step %scan3A_40  : i32 {
      %mul3A_45 = arith.constant 32768 : i32
      %mul3A_46 = arith.muli %add3A_30, %mul3A_45 : i32
      %mul3A_47 = arith.constant 2048 : i32
      %mul3A_48 = arith.muli %scan3A_44, %mul3A_47 : i32
      %add3A_49 = arith.addi %mul3A_46, %mul3A_48 : i32
      "tpu.region"() ({
        %run_scoped3A = tpu.sem_alloc : memref<!tpu.dma_semaphore, #tpu.memory_space<semaphore_mem>>
        %dma_start3A = tpu.memref_slice %arg3[%add3A_49] : memref<65536xi32, #tpu.memory_space<hbm>> -> memref<2048xi32, #tpu.memory_space<hbm>>
        %dma_start3A_80 = tpu.memref_slice %arg3[%add3A_49] : memref<65536xi32, #tpu.memory_space<hbm>> -> memref<2048xi32, #tpu.memory_space<hbm>>
        tpu.enqueue_dma source(%dma_start3A_80 : memref<2048xi32, #tpu.memory_space<hbm>>) target(%arg6 : memref<2048xi32, #tpu.memory_space<vmem>>) target_semaphore(%run_scoped3A : memref<!tpu.dma_semaphore, #tpu.memory_space<semaphore_mem>>)
        %dma_wait3A = tpu.memref_slice %arg3[%add3A_49] : memref<65536xi32, #tpu.memory_space<hbm>> -> memref<2048xi32, #tpu.memory_space<hbm>>
        %dma_wait3A_81 = tpu.memref_slice %arg3[%add3A_49] : memref<65536xi32, #tpu.memory_space<hbm>> -> memref<2048xi32, #tpu.memory_space<hbm>>
        tpu.wait_dma2 semaphore(%run_scoped3A : memref<!tpu.dma_semaphore, #tpu.memory_space<semaphore_mem>>) src(%dma_wait3A_81 : memref<2048xi32, #tpu.memory_space<hbm>>) dst(%arg6 : memref<2048xi32, #tpu.memory_space<vmem>>)
        tpu.yield
      }) : () -> ()
      %jit3A_50 = arith.constant 128 : i32
      %div3A_51 = arith.divsi %add3A_49, %jit3A_50 : i32
      %sign3A_52 = arith.constant 0 : i32
      %sign3A_53 = arith.cmpi sgt, %add3A_49, %sign3A_52 : i32
      %sign3A_54 = arith.extui %sign3A_53 : i1 to i32
      %sign3A_55 = arith.constant 0 : i32
      %sign3A_56 = arith.cmpi slt, %add3A_49, %sign3A_55 : i32
      %sign3A_57 = arith.extui %sign3A_56 : i1 to i32
      %sign3A_58 = arith.subi %sign3A_54, %sign3A_57 : i32
      %sign3A_59 = arith.constant 0 : i32
      %sign3A_60 = arith.cmpi sgt, %jit3A_50, %sign3A_59 : i32
      %sign3A_61 = arith.extui %sign3A_60 : i1 to i32
      %sign3A_62 = arith.constant 0 : i32
      %sign3A_63 = arith.cmpi slt, %jit3A_50, %sign3A_62 : i32
      %sign3A_64 = arith.extui %sign3A_63 : i1 to i32
      %sign3A_65 = arith.subi %sign3A_61, %sign3A_64 : i32
      %ne3A_66 = arith.cmpi ne, %sign3A_58, %sign3A_65 : i32
      %rem3A_67 = arith.remsi %add3A_49, %jit3A_50 : i32
      %ne3A_68 = arith.constant 0 : i32
      %ne3A_69 = arith.cmpi ne, %rem3A_67, %ne3A_68 : i32
      %and3A_70 = arith.andi %ne3A_66, %ne3A_69 : i1
      %sub3A_71 = arith.constant 1 : i32
      %sub3A_72 = arith.subi %div3A_51, %sub3A_71 : i32
      %select_n3A_73 = arith.select %and3A_70, %sub3A_72, %div3A_51 : i32
      "tpu.region"() ({
        %run_scoped3A = tpu.sem_alloc : memref<!tpu.dma_semaphore, #tpu.memory_space<semaphore_mem>>
        %dma_start3A = arith.constant 0 : i32
        %dma_start3A_80 = tpu.memref_slice %arg4[%select_n3A_73, %dma_start3A] : memref<512x128xi32, #tpu.memory_space<hbm>> -> memref<16x128xi32, #tpu.memory_space<hbm>>
        %dma_start3A_81 = arith.constant 0 : i32
        %dma_start3A_82 = tpu.memref_slice %arg4[%select_n3A_73, %dma_start3A_81] : memref<512x128xi32, #tpu.memory_space<hbm>> -> memref<16x128xi32, #tpu.memory_space<hbm>>
        tpu.enqueue_dma source(%dma_start3A_82 : memref<16x128xi32, #tpu.memory_space<hbm>>) target(%arg7 : memref<16x128xi32, #tpu.memory_space<vmem>>) target_semaphore(%run_scoped3A : memref<!tpu.dma_semaphore, #tpu.memory_space<semaphore_mem>>)
        %dma_wait3A = arith.constant 0 : i32
        %dma_wait3A_83 = tpu.memref_slice %arg4[%select_n3A_73, %dma_wait3A] : memref<512x128xi32, #tpu.memory_space<hbm>> -> memref<16x128xi32, #tpu.memory_space<hbm>>
        %dma_wait3A_84 = arith.constant 0 : i32
        %dma_wait3A_85 = tpu.memref_slice %arg4[%select_n3A_73, %dma_wait3A_84] : memref<512x128xi32, #tpu.memory_space<hbm>> -> memref<16x128xi32, #tpu.memory_space<hbm>>
        tpu.wait_dma2 semaphore(%run_scoped3A : memref<!tpu.dma_semaphore, #tpu.memory_space<semaphore_mem>>) src(%dma_wait3A_85 : memref<16x128xi32, #tpu.memory_space<hbm>>) dst(%arg7 : memref<16x128xi32, #tpu.memory_space<vmem>>)
        tpu.yield
      }) : () -> ()
      %scan3A_74 = arith.constant 0 : i32
      %scan3A_75 = arith.constant 0 : i32
      %scan3A_76 = arith.constant 16 : i32
      %scan3A_77 = arith.addi %scan3A_75, %scan3A_76 : i32
      %scan3A_78 = arith.constant 1 : i32
      scf.for %scan3A_80 = %scan3A_75 to %scan3A_77 step %scan3A_78  : i32 {
        %parallel_loop3A = arith.constant 0 : i32
        %parallel_loop3A_81 = arith.constant 8 : i32
        %parallel_loop3A_82 = arith.constant 1 : i32
        scf.for %parallel_loop3A_83 = %parallel_loop3A to %parallel_loop3A_81 step %parallel_loop3A_82  : i32 {
          %parallel_loop3A_84 = arith.constant 16 : i32
          %parallel_loop3A_85 = arith.muli %parallel_loop3A_83, %parallel_loop3A_84 : i32
          %parallel_loop3A_86 = tpu.assume_multiple %parallel_loop3A_85, 16 : i32
          %parallel_loop3A_87 = arith.index_cast %scan3A_80 : i32 to index
          %parallel_loop3A_88 = arith.index_cast %parallel_loop3A_86 : i32 to index
          %parallel_loop3A_89 = tpu.vector_load %arg7[%parallel_loop3A_87, %parallel_loop3A_88] {strides = array<i32>} : memref<16x128xi32, #tpu.memory_space<vmem>>, vector<16xi32>,
          %parallel_loop3A_90 = arith.constant 128 : i32
          %parallel_loop3A_91 = arith.muli %scan3A_80, %parallel_loop3A_90 : i32
          %parallel_loop3A_92 = tpu.assume_multiple %parallel_loop3A_91, 16 : i32
          %parallel_loop3A_93 = arith.addi %parallel_loop3A_92, %parallel_loop3A_86 : i32
          %parallel_loop3A_94 = arith.index_cast %parallel_loop3A_93 : i32 to index
          %parallel_loop3A_95 = tpu.vector_load %arg6[%parallel_loop3A_94] {strides = array<i32>} : memref<2048xi32, #tpu.memory_space<vmem>>, vector<16xi32>,
          %parallel_loop3A_96 = arith.constant 0 : i32
          %parallel_loop3A_97 = vector.broadcast %parallel_loop3A_96 : i32 to vector<16xi32>
          %parallel_loop3A_98 = arith.constant 0 : i32
          %parallel_loop3A_99 = vector.broadcast %parallel_loop3A_98 : i32 to vector<16xi32>
          %parallel_loop3A_100 = arith.cmpi slt, %parallel_loop3A_97, %parallel_loop3A_99 : vector<16xi32>
          %parallel_loop3A_101 = arith.constant 16 : i32
          %parallel_loop3A_102 = vector.broadcast %parallel_loop3A_101 : i32 to vector<16xi32>
          %parallel_loop3A_103 = arith.addi %parallel_loop3A_97, %parallel_loop3A_102 : vector<16xi32>
          %parallel_loop3A_104 = arith.select %parallel_loop3A_100, %parallel_loop3A_103, %parallel_loop3A_97 : vector<16xi1>, vector<16xi32>
          %parallel_loop3A_105 = vector.shape_cast %parallel_loop3A_104 : vector<16xi32> to vector<16x1xi32>
          %parallel_loop3A_106 = vector.shape_cast %parallel_loop3A_105 : vector<16x1xi32> to vector<16xi32>
          %parallel_loop3A_107 = tpu.dynamic_gather %parallel_loop3A_89[%parallel_loop3A_106] in [0] : vector<16xi32>, vector<16xi32> -> vector<16xi32>
          %parallel_loop3A_108 = arith.constant 0 : i32
          %parallel_loop3A_109 = vector.broadcast %parallel_loop3A_108 : i32 to vector<16xi32>
          %parallel_loop3A_110 = arith.cmpi slt, %parallel_loop3A_97, %parallel_loop3A_109 : vector<16xi32>
          %parallel_loop3A_111 = arith.constant 16 : i32
          %parallel_loop3A_112 = vector.broadcast %parallel_loop3A_111 : i32 to vector<16xi32>
          %parallel_loop3A_113 = arith.addi %parallel_loop3A_97, %parallel_loop3A_112 : vector<16xi32>
          %parallel_loop3A_114 = arith.select %parallel_loop3A_110, %parallel_loop3A_113, %parallel_loop3A_97 : vector<16xi1>, vector<16xi32>
          %parallel_loop3A_115 = vector.shape_cast %parallel_loop3A_114 : vector<16xi32> to vector<16x1xi32>
          %parallel_loop3A_116 = vector.shape_cast %parallel_loop3A_115 : vector<16x1xi32> to vector<16xi32>
          %parallel_loop3A_117 = tpu.dynamic_gather %parallel_loop3A_95[%parallel_loop3A_116] in [0] : vector<16xi32>, vector<16xi32> -> vector<16xi32>
          %parallel_loop3A_118 = arith.constant 65535 : i32
          %parallel_loop3A_119 = vector.broadcast %parallel_loop3A_118 : i32 to vector<16xi32>
          %parallel_loop3A_120 = arith.andi %parallel_loop3A_107, %parallel_loop3A_119 : vector<16xi32>
          %parallel_loop3A_121 = arith.constant -65536 : i32
          %parallel_loop3A_122 = vector.broadcast %parallel_loop3A_121 : i32 to vector<16xi32>
          %parallel_loop3A_123 = arith.andi %parallel_loop3A_107, %parallel_loop3A_122 : vector<16xi32>
          %parallel_loop3A_124 = vector.bitcast %parallel_loop3A_123 : vector<16xi32> to vector<16xf32>
          %parallel_loop3A_125 = arith.constant 2047 : i32
          %parallel_loop3A_126 = vector.broadcast %parallel_loop3A_125 : i32 to vector<16xi32>
          %parallel_loop3A_127 = arith.andi %parallel_loop3A_117, %parallel_loop3A_126 : vector<16xi32>
          %parallel_loop3A_128 = tpu.vector_load_idx %arg8[%parallel_loop3A_127, %iota3A] : memref<2048x16xi32, #tpu.memory_space<vmem>>[vector<16xi32>, vector<16xi32>], vector<16xi32>,
          %parallel_loop3A_129 = arith.constant 11 : i32
          %parallel_loop3A_130 = vector.broadcast %parallel_loop3A_129 : i32 to vector<16xi32>
          %parallel_loop3A_131 = arith.shrsi %parallel_loop3A_117, %parallel_loop3A_130 : vector<16xi32>
          %parallel_loop3A_132 = arith.constant 4 : i32
          %parallel_loop3A_133 = vector.broadcast %parallel_loop3A_132 : i32 to vector<16xi32>
          %parallel_loop3A_134 = arith.shli %parallel_loop3A_131, %parallel_loop3A_133 : vector<16xi32>
          %parallel_loop3A_135 = arith.constant 16 : i32
          %parallel_loop3A_136 = vector.broadcast %parallel_loop3A_135 : i32 to vector<16xi32>
          %parallel_loop3A_137 = arith.subi %parallel_loop3A_136, %parallel_loop3A_134 : vector<16xi32>
          %parallel_loop3A_138 = arith.shli %parallel_loop3A_128, %parallel_loop3A_137 : vector<16xi32>
          %parallel_loop3A_139 = arith.constant -65536 : i32
          %parallel_loop3A_140 = vector.broadcast %parallel_loop3A_139 : i32 to vector<16xi32>
          %parallel_loop3A_141 = arith.andi %parallel_loop3A_138, %parallel_loop3A_140 : vector<16xi32>
          %parallel_loop3A_142 = vector.bitcast %parallel_loop3A_141 : vector<16xi32> to vector<16xf32>
          %parallel_loop3A_143 = arith.mulf %parallel_loop3A_142, %parallel_loop3A_124 : vector<16xf32>
          tpu.vector_store_idx %arg9[%parallel_loop3A_120, %iota3A], %parallel_loop3A_143 {add = true} : memref<4096x16xf32, #tpu.memory_space<vmem>>[vector<16xi32>, vector<16xi32>], vector<16xf32>,
          %parallel_loop3A_144 = arith.constant 1 : i32
          %parallel_loop3A_145 = vector.broadcast %parallel_loop3A_144 : i32 to vector<16xi32>
          %parallel_loop3A_146 = arith.constant 0 : i32
          %parallel_loop3A_147 = vector.broadcast %parallel_loop3A_146 : i32 to vector<16xi32>
          %parallel_loop3A_148 = arith.cmpi slt, %parallel_loop3A_145, %parallel_loop3A_147 : vector<16xi32>
          %parallel_loop3A_149 = arith.constant 16 : i32
          %parallel_loop3A_150 = vector.broadcast %parallel_loop3A_149 : i32 to vector<16xi32>
          %parallel_loop3A_151 = arith.addi %parallel_loop3A_145, %parallel_loop3A_150 : vector<16xi32>
          %parallel_loop3A_152 = arith.select %parallel_loop3A_148, %parallel_loop3A_151, %parallel_loop3A_145 : vector<16xi1>, vector<16xi32>
          %parallel_loop3A_153 = vector.shape_cast %parallel_loop3A_152 : vector<16xi32> to vector<16x1xi32>
          %parallel_loop3A_154 = vector.shape_cast %parallel_loop3A_153 : vector<16x1xi32> to vector<16xi32>
          %parallel_loop3A_155 = tpu.dynamic_gather %parallel_loop3A_89[%parallel_loop3A_154] in [0] : vector<16xi32>, vector<16xi32> -> vector<16xi32>
          %parallel_loop3A_156 = arith.constant 0 : i32
          %parallel_loop3A_157 = vector.broadcast %parallel_loop3A_156 : i32 to vector<16xi32>
          %parallel_loop3A_158 = arith.cmpi slt, %parallel_loop3A_145, %parallel_loop3A_157 : vector<16xi32>
          %parallel_loop3A_159 = arith.constant 16 : i32
          %parallel_loop3A_160 = vector.broadcast %parallel_loop3A_159 : i32 to vector<16xi32>
          %parallel_loop3A_161 = arith.addi %parallel_loop3A_145, %parallel_loop3A_160 : vector<16xi32>
          %parallel_loop3A_162 = arith.select %parallel_loop3A_158, %parallel_loop3A_161, %parallel_loop3A_145 : vector<16xi1>, vector<16xi32>
          %parallel_loop3A_163 = vector.shape_cast %parallel_loop3A_162 : vector<16xi32> to vector<16x1xi32>
          %parallel_loop3A_164 = vector.shape_cast %parallel_loop3A_163 : vector<16x1xi32> to vector<16xi32>
          %parallel_loop3A_165 = tpu.dynamic_gather %parallel_loop3A_95[%parallel_loop3A_164] in [0] : vector<16xi32>, vector<16xi32> -> vector<16xi32>
          %parallel_loop3A_166 = arith.constant 65535 : i32
          %parallel_loop3A_167 = vector.broadcast %parallel_loop3A_166 : i32 to vector<16xi32>
          %parallel_loop3A_168 = arith.andi %parallel_loop3A_155, %parallel_loop3A_167 : vector<16xi32>
          %parallel_loop3A_169 = arith.constant -65536 : i32
          %parallel_loop3A_170 = vector.broadcast %parallel_loop3A_169 : i32 to vector<16xi32>
          %parallel_loop3A_171 = arith.andi %parallel_loop3A_155, %parallel_loop3A_170 : vector<16xi32>
          %parallel_loop3A_172 = vector.bitcast %parallel_loop3A_171 : vector<16xi32> to vector<16xf32>
          %parallel_loop3A_173 = arith.constant 2047 : i32
          %parallel_loop3A_174 = vector.broadcast %parallel_loop3A_173 : i32 to vector<16xi32>
          %parallel_loop3A_175 = arith.andi %parallel_loop3A_165, %parallel_loop3A_174 : vector<16xi32>
          %parallel_loop3A_176 = tpu.vector_load_idx %arg8[%parallel_loop3A_175, %iota3A] : memref<2048x16xi32, #tpu.memory_space<vmem>>[vector<16xi32>, vector<16xi32>], vector<16xi32>,
          %parallel_loop3A_177 = arith.constant 11 : i32
          %parallel_loop3A_178 = vector.broadcast %parallel_loop3A_177 : i32 to vector<16xi32>
          %parallel_loop3A_179 = arith.shrsi %parallel_loop3A_165, %parallel_loop3A_178 : vector<16xi32>
          %parallel_loop3A_180 = arith.constant 4 : i32
          %parallel_loop3A_181 = vector.broadcast %parallel_loop3A_180 : i32 to vector<16xi32>
          %parallel_loop3A_182 = arith.shli %parallel_loop3A_179, %parallel_loop3A_181 : vector<16xi32>
          %parallel_loop3A_183 = arith.constant 16 : i32
          %parallel_loop3A_184 = vector.broadcast %parallel_loop3A_183 : i32 to vector<16xi32>
          %parallel_loop3A_185 = arith.subi %parallel_loop3A_184, %parallel_loop3A_182 : vector<16xi32>
          %parallel_loop3A_186 = arith.shli %parallel_loop3A_176, %parallel_loop3A_185 : vector<16xi32>
          %parallel_loop3A_187 = arith.constant -65536 : i32
          %parallel_loop3A_188 = vector.broadcast %parallel_loop3A_187 : i32 to vector<16xi32>
          %parallel_loop3A_189 = arith.andi %parallel_loop3A_186, %parallel_loop3A_188 : vector<16xi32>
          %parallel_loop3A_190 = vector.bitcast %parallel_loop3A_189 : vector<16xi32> to vector<16xf32>
          %parallel_loop3A_191 = arith.mulf %parallel_loop3A_190, %parallel_loop3A_172 : vector<16xf32>
          tpu.vector_store_idx %arg9[%parallel_loop3A_168, %iota3A], %parallel_loop3A_191 {add = true} : memref<4096x16xf32, #tpu.memory_space<vmem>>[vector<16xi32>, vector<16xi32>], vector<16xf32>,
          %parallel_loop3A_192 = arith.constant 2 : i32
          %parallel_loop3A_193 = vector.broadcast %parallel_loop3A_192 : i32 to vector<16xi32>
          %parallel_loop3A_194 = arith.constant 0 : i32
          %parallel_loop3A_195 = vector.broadcast %parallel_loop3A_194 : i32 to vector<16xi32>
          %parallel_loop3A_196 = arith.cmpi slt, %parallel_loop3A_193, %parallel_loop3A_195 : vector<16xi32>
          %parallel_loop3A_197 = arith.constant 16 : i32
          %parallel_loop3A_198 = vector.broadcast %parallel_loop3A_197 : i32 to vector<16xi32>
          %parallel_loop3A_199 = arith.addi %parallel_loop3A_193, %parallel_loop3A_198 : vector<16xi32>
          %parallel_loop3A_200 = arith.select %parallel_loop3A_196, %parallel_loop3A_199, %parallel_loop3A_193 : vector<16xi1>, vector<16xi32>
          %parallel_loop3A_201 = vector.shape_cast %parallel_loop3A_200 : vector<16xi32> to vector<16x1xi32>
          %parallel_loop3A_202 = vector.shape_cast %parallel_loop3A_201 : vector<16x1xi32> to vector<16xi32>
          %parallel_loop3A_203 = tpu.dynamic_gather %parallel_loop3A_89[%parallel_loop3A_202] in [0] : vector<16xi32>, vector<16xi32> -> vector<16xi32>
          %parallel_loop3A_204 = arith.constant 0 : i32
          %parallel_loop3A_205 = vector.broadcast %parallel_loop3A_204 : i32 to vector<16xi32>
          %parallel_loop3A_206 = arith.cmpi slt, %parallel_loop3A_193, %parallel_loop3A_205 : vector<16xi32>
          %parallel_loop3A_207 = arith.constant 16 : i32
          %parallel_loop3A_208 = vector.broadcast %parallel_loop3A_207 : i32 to vector<16xi32>
          %parallel_loop3A_209 = arith.addi %parallel_loop3A_193, %parallel_loop3A_208 : vector<16xi32>
          %parallel_loop3A_210 = arith.select %parallel_loop3A_206, %parallel_loop3A_209, %parallel_loop3A_193 : vector<16xi1>, vector<16xi32>
          %parallel_loop3A_211 = vector.shape_cast %parallel_loop3A_210 : vector<16xi32> to vector<16x1xi32>
          %parallel_loop3A_212 = vector.shape_cast %parallel_loop3A_211 : vector<16x1xi32> to vector<16xi32>
          %parallel_loop3A_213 = tpu.dynamic_gather %parallel_loop3A_95[%parallel_loop3A_212] in [0] : vector<16xi32>, vector<16xi32> -> vector<16xi32>
          %parallel_loop3A_214 = arith.constant 65535 : i32
          %parallel_loop3A_215 = vector.broadcast %parallel_loop3A_214 : i32 to vector<16xi32>
          %parallel_loop3A_216 = arith.andi %parallel_loop3A_203, %parallel_loop3A_215 : vector<16xi32>
          %parallel_loop3A_217 = arith.constant -65536 : i32
          %parallel_loop3A_218 = vector.broadcast %parallel_loop3A_217 : i32 to vector<16xi32>
          %parallel_loop3A_219 = arith.andi %parallel_loop3A_203, %parallel_loop3A_218 : vector<16xi32>
          %parallel_loop3A_220 = vector.bitcast %parallel_loop3A_219 : vector<16xi32> to vector<16xf32>
          %parallel_loop3A_221 = arith.constant 2047 : i32
          %parallel_loop3A_222 = vector.broadcast %parallel_loop3A_221 : i32 to vector<16xi32>
          %parallel_loop3A_223 = arith.andi %parallel_loop3A_213, %parallel_loop3A_222 : vector<16xi32>
          %parallel_loop3A_224 = tpu.vector_load_idx %arg8[%parallel_loop3A_223, %iota3A] : memref<2048x16xi32, #tpu.memory_space<vmem>>[vector<16xi32>, vector<16xi32>], vector<16xi32>,
          %parallel_loop3A_225 = arith.constant 11 : i32
          %parallel_loop3A_226 = vector.broadcast %parallel_loop3A_225 : i32 to vector<16xi32>
          %parallel_loop3A_227 = arith.shrsi %parallel_loop3A_213, %parallel_loop3A_226 : vector<16xi32>
          %parallel_loop3A_228 = arith.constant 4 : i32
          %parallel_loop3A_229 = vector.broadcast %parallel_loop3A_228 : i32 to vector<16xi32>
          %parallel_loop3A_230 = arith.shli %parallel_loop3A_227, %parallel_loop3A_229 : vector<16xi32>
          %parallel_loop3A_231 = arith.constant 16 : i32
          %parallel_loop3A_232 = vector.broadcast %parallel_loop3A_231 : i32 to vector<16xi32>
          %parallel_loop3A_233 = arith.subi %parallel_loop3A_232, %parallel_loop3A_230 : vector<16xi32>
          %parallel_loop3A_234 = arith.shli %parallel_loop3A_224, %parallel_loop3A_233 : vector<16xi32>
          %parallel_loop3A_235 = arith.constant -65536 : i32
          %parallel_loop3A_236 = vector.broadcast %parallel_loop3A_235 : i32 to vector<16xi32>
          %parallel_loop3A_237 = arith.andi %parallel_loop3A_234, %parallel_loop3A_236 : vector<16xi32>
          %parallel_loop3A_238 = vector.bitcast %parallel_loop3A_237 : vector<16xi32> to vector<16xf32>
          %parallel_loop3A_239 = arith.mulf %parallel_loop3A_238, %parallel_loop3A_220 : vector<16xf32>
          tpu.vector_store_idx %arg9[%parallel_loop3A_216, %iota3A], %parallel_loop3A_239 {add = true} : memref<4096x16xf32, #tpu.memory_space<vmem>>[vector<16xi32>, vector<16xi32>], vector<16xf32>,
          %parallel_loop3A_240 = arith.constant 3 : i32
          %parallel_loop3A_241 = vector.broadcast %parallel_loop3A_240 : i32 to vector<16xi32>
          %parallel_loop3A_242 = arith.constant 0 : i32
          %parallel_loop3A_243 = vector.broadcast %parallel_loop3A_242 : i32 to vector<16xi32>
          %parallel_loop3A_244 = arith.cmpi slt, %parallel_loop3A_241, %parallel_loop3A_243 : vector<16xi32>
          %parallel_loop3A_245 = arith.constant 16 : i32
          %parallel_loop3A_246 = vector.broadcast %parallel_loop3A_245 : i32 to vector<16xi32>
          %parallel_loop3A_247 = arith.addi %parallel_loop3A_241, %parallel_loop3A_246 : vector<16xi32>
          %parallel_loop3A_248 = arith.select %parallel_loop3A_244, %parallel_loop3A_247, %parallel_loop3A_241 : vector<16xi1>, vector<16xi32>
          %parallel_loop3A_249 = vector.shape_cast %parallel_loop3A_248 : vector<16xi32> to vector<16x1xi32>
          %parallel_loop3A_250 = vector.shape_cast %parallel_loop3A_249 : vector<16x1xi32> to vector<16xi32>
          %parallel_loop3A_251 = tpu.dynamic_gather %parallel_loop3A_89[%parallel_loop3A_250] in [0] : vector<16xi32>, vector<16xi32> -> vector<16xi32>
          %parallel_loop3A_252 = arith.constant 0 : i32
          %parallel_loop3A_253 = vector.broadcast %parallel_loop3A_252 : i32 to vector<16xi32>
          %parallel_loop3A_254 = arith.cmpi slt, %parallel_loop3A_241, %parallel_loop3A_253 : vector<16xi32>
          %parallel_loop3A_255 = arith.constant 16 : i32
          %parallel_loop3A_256 = vector.broadcast %parallel_loop3A_255 : i32 to vector<16xi32>
          %parallel_loop3A_257 = arith.addi %parallel_loop3A_241, %parallel_loop3A_256 : vector<16xi32>
          %parallel_loop3A_258 = arith.select %parallel_loop3A_254, %parallel_loop3A_257, %parallel_loop3A_241 : vector<16xi1>, vector<16xi32>
          %parallel_loop3A_259 = vector.shape_cast %parallel_loop3A_258 : vector<16xi32> to vector<16x1xi32>
          %parallel_loop3A_260 = vector.shape_cast %parallel_loop3A_259 : vector<16x1xi32> to vector<16xi32>
          %parallel_loop3A_261 = tpu.dynamic_gather %parallel_loop3A_95[%parallel_loop3A_260] in [0] : vector<16xi32>, vector<16xi32> -> vector<16xi32>
          %parallel_loop3A_262 = arith.constant 65535 : i32
          %parallel_loop3A_263 = vector.broadcast %parallel_loop3A_262 : i32 to vector<16xi32>
          %parallel_loop3A_264 = arith.andi %parallel_loop3A_251, %parallel_loop3A_263 : vector<16xi32>
          %parallel_loop3A_265 = arith.constant -65536 : i32
          %parallel_loop3A_266 = vector.broadcast %parallel_loop3A_265 : i32 to vector<16xi32>
          %parallel_loop3A_267 = arith.andi %parallel_loop3A_251, %parallel_loop3A_266 : vector<16xi32>
          %parallel_loop3A_268 = vector.bitcast %parallel_loop3A_267 : vector<16xi32> to vector<16xf32>
          %parallel_loop3A_269 = arith.constant 2047 : i32
          %parallel_loop3A_270 = vector.broadcast %parallel_loop3A_269 : i32 to vector<16xi32>
          %parallel_loop3A_271 = arith.andi %parallel_loop3A_261, %parallel_loop3A_270 : vector<16xi32>
          %parallel_loop3A_272 = tpu.vector_load_idx %arg8[%parallel_loop3A_271, %iota3A] : memref<2048x16xi32, #tpu.memory_space<vmem>>[vector<16xi32>, vector<16xi32>], vector<16xi32>,
          %parallel_loop3A_273 = arith.constant 11 : i32
          %parallel_loop3A_274 = vector.broadcast %parallel_loop3A_273 : i32 to vector<16xi32>
          %parallel_loop3A_275 = arith.shrsi %parallel_loop3A_261, %parallel_loop3A_274 : vector<16xi32>
          %parallel_loop3A_276 = arith.constant 4 : i32
          %parallel_loop3A_277 = vector.broadcast %parallel_loop3A_276 : i32 to vector<16xi32>
          %parallel_loop3A_278 = arith.shli %parallel_loop3A_275, %parallel_loop3A_277 : vector<16xi32>
          %parallel_loop3A_279 = arith.constant 16 : i32
          %parallel_loop3A_280 = vector.broadcast %parallel_loop3A_279 : i32 to vector<16xi32>
          %parallel_loop3A_281 = arith.subi %parallel_loop3A_280, %parallel_loop3A_278 : vector<16xi32>
          %parallel_loop3A_282 = arith.shli %parallel_loop3A_272, %parallel_loop3A_281 : vector<16xi32>
          %parallel_loop3A_283 = arith.constant -65536 : i32
          %parallel_loop3A_284 = vector.broadcast %parallel_loop3A_283 : i32 to vector<16xi32>
          %parallel_loop3A_285 = arith.andi %parallel_loop3A_282, %parallel_loop3A_284 : vector<16xi32>
          %parallel_loop3A_286 = vector.bitcast %parallel_loop3A_285 : vector<16xi32> to vector<16xf32>
          %parallel_loop3A_287 = arith.mulf %parallel_loop3A_286, %parallel_loop3A_268 : vector<16xf32>
          tpu.vector_store_idx %arg9[%parallel_loop3A_264, %iota3A], %parallel_loop3A_287 {add = true} : memref<4096x16xf32, #tpu.memory_space<vmem>>[vector<16xi32>, vector<16xi32>], vector<16xf32>,
          %parallel_loop3A_288 = arith.constant 4 : i32
          %parallel_loop3A_289 = vector.broadcast %parallel_loop3A_288 : i32 to vector<16xi32>
          %parallel_loop3A_290 = arith.constant 0 : i32
          %parallel_loop3A_291 = vector.broadcast %parallel_loop3A_290 : i32 to vector<16xi32>
          %parallel_loop3A_292 = arith.cmpi slt, %parallel_loop3A_289, %parallel_loop3A_291 : vector<16xi32>
          %parallel_loop3A_293 = arith.constant 16 : i32
          %parallel_loop3A_294 = vector.broadcast %parallel_loop3A_293 : i32 to vector<16xi32>
          %parallel_loop3A_295 = arith.addi %parallel_loop3A_289, %parallel_loop3A_294 : vector<16xi32>
          %parallel_loop3A_296 = arith.select %parallel_loop3A_292, %parallel_loop3A_295, %parallel_loop3A_289 : vector<16xi1>, vector<16xi32>
          %parallel_loop3A_297 = vector.shape_cast %parallel_loop3A_296 : vector<16xi32> to vector<16x1xi32>
          %parallel_loop3A_298 = vector.shape_cast %parallel_loop3A_297 : vector<16x1xi32> to vector<16xi32>
          %parallel_loop3A_299 = tpu.dynamic_gather %parallel_loop3A_89[%parallel_loop3A_298] in [0] : vector<16xi32>, vector<16xi32> -> vector<16xi32>
          %parallel_loop3A_300 = arith.constant 0 : i32
          %parallel_loop3A_301 = vector.broadcast %parallel_loop3A_300 : i32 to vector<16xi32>
          %parallel_loop3A_302 = arith.cmpi slt, %parallel_loop3A_289, %parallel_loop3A_301 : vector<16xi32>
          %parallel_loop3A_303 = arith.constant 16 : i32
          %parallel_loop3A_304 = vector.broadcast %parallel_loop3A_303 : i32 to vector<16xi32>
          %parallel_loop3A_305 = arith.addi %parallel_loop3A_289, %parallel_loop3A_304 : vector<16xi32>
          %parallel_loop3A_306 = arith.select %parallel_loop3A_302, %parallel_loop3A_305, %parallel_loop3A_289 : vector<16xi1>, vector<16xi32>
          %parallel_loop3A_307 = vector.shape_cast %parallel_loop3A_306 : vector<16xi32> to vector<16x1xi32>
          %parallel_loop3A_308 = vector.shape_cast %parallel_loop3A_307 : vector<16x1xi32> to vector<16xi32>
          %parallel_loop3A_309 = tpu.dynamic_gather %parallel_loop3A_95[%parallel_loop3A_308] in [0] : vector<16xi32>, vector<16xi32> -> vector<16xi32>
          %parallel_loop3A_310 = arith.constant 65535 : i32
          %parallel_loop3A_311 = vector.broadcast %parallel_loop3A_310 : i32 to vector<16xi32>
          %parallel_loop3A_312 = arith.andi %parallel_loop3A_299, %parallel_loop3A_311 : vector<16xi32>
          %parallel_loop3A_313 = arith.constant -65536 : i32
          %parallel_loop3A_314 = vector.broadcast %parallel_loop3A_313 : i32 to vector<16xi32>
          %parallel_loop3A_315 = arith.andi %parallel_loop3A_299, %parallel_loop3A_314 : vector<16xi32>
          %parallel_loop3A_316 = vector.bitcast %parallel_loop3A_315 : vector<16xi32> to vector<16xf32>
          %parallel_loop3A_317 = arith.constant 2047 : i32
          %parallel_loop3A_318 = vector.broadcast %parallel_loop3A_317 : i32 to vector<16xi32>
          %parallel_loop3A_319 = arith.andi %parallel_loop3A_309, %parallel_loop3A_318 : vector<16xi32>
          %parallel_loop3A_320 = tpu.vector_load_idx %arg8[%parallel_loop3A_319, %iota3A] : memref<2048x16xi32, #tpu.memory_space<vmem>>[vector<16xi32>, vector<16xi32>], vector<16xi32>,
          %parallel_loop3A_321 = arith.constant 11 : i32
          %parallel_loop3A_322 = vector.broadcast %parallel_loop3A_321 : i32 to vector<16xi32>
          %parallel_loop3A_323 = arith.shrsi %parallel_loop3A_309, %parallel_loop3A_322 : vector<16xi32>
          %parallel_loop3A_324 = arith.constant 4 : i32
          %parallel_loop3A_325 = vector.broadcast %parallel_loop3A_324 : i32 to vector<16xi32>
          %parallel_loop3A_326 = arith.shli %parallel_loop3A_323, %parallel_loop3A_325 : vector<16xi32>
          %parallel_loop3A_327 = arith.constant 16 : i32
          %parallel_loop3A_328 = vector.broadcast %parallel_loop3A_327 : i32 to vector<16xi32>
          %parallel_loop3A_329 = arith.subi %parallel_loop3A_328, %parallel_loop3A_326 : vector<16xi32>
          %parallel_loop3A_330 = arith.shli %parallel_loop3A_320, %parallel_loop3A_329 : vector<16xi32>
          %parallel_loop3A_331 = arith.constant -65536 : i32
          %parallel_loop3A_332 = vector.broadcast %parallel_loop3A_331 : i32 to vector<16xi32>
          %parallel_loop3A_333 = arith.andi %parallel_loop3A_330, %parallel_loop3A_332 : vector<16xi32>
          %parallel_loop3A_334 = vector.bitcast %parallel_loop3A_333 : vector<16xi32> to vector<16xf32>
          %parallel_loop3A_335 = arith.mulf %parallel_loop3A_334, %parallel_loop3A_316 : vector<16xf32>
          tpu.vector_store_idx %arg9[%parallel_loop3A_312, %iota3A], %parallel_loop3A_335 {add = true} : memref<4096x16xf32, #tpu.memory_space<vmem>>[vector<16xi32>, vector<16xi32>], vector<16xf32>,
          %parallel_loop3A_336 = arith.constant 5 : i32
          %parallel_loop3A_337 = vector.broadcast %parallel_loop3A_336 : i32 to vector<16xi32>
          %parallel_loop3A_338 = arith.constant 0 : i32
          %parallel_loop3A_339 = vector.broadcast %parallel_loop3A_338 : i32 to vector<16xi32>
          %parallel_loop3A_340 = arith.cmpi slt, %parallel_loop3A_337, %parallel_loop3A_339 : vector<16xi32>
          %parallel_loop3A_341 = arith.constant 16 : i32
          %parallel_loop3A_342 = vector.broadcast %parallel_loop3A_341 : i32 to vector<16xi32>
          %parallel_loop3A_343 = arith.addi %parallel_loop3A_337, %parallel_loop3A_342 : vector<16xi32>
          %parallel_loop3A_344 = arith.select %parallel_loop3A_340, %parallel_loop3A_343, %parallel_loop3A_337 : vector<16xi1>, vector<16xi32>
          %parallel_loop3A_345 = vector.shape_cast %parallel_loop3A_344 : vector<16xi32> to vector<16x1xi32>
          %parallel_loop3A_346 = vector.shape_cast %parallel_loop3A_345 : vector<16x1xi32> to vector<16xi32>
          %parallel_loop3A_347 = tpu.dynamic_gather %parallel_loop3A_89[%parallel_loop3A_346] in [0] : vector<16xi32>, vector<16xi32> -> vector<16xi32>
          %parallel_loop3A_348 = arith.constant 0 : i32
          %parallel_loop3A_349 = vector.broadcast %parallel_loop3A_348 : i32 to vector<16xi32>
          %parallel_loop3A_350 = arith.cmpi slt, %parallel_loop3A_337, %parallel_loop3A_349 : vector<16xi32>
          %parallel_loop3A_351 = arith.constant 16 : i32
          %parallel_loop3A_352 = vector.broadcast %parallel_loop3A_351 : i32 to vector<16xi32>
          %parallel_loop3A_353 = arith.addi %parallel_loop3A_337, %parallel_loop3A_352 : vector<16xi32>
          %parallel_loop3A_354 = arith.select %parallel_loop3A_350, %parallel_loop3A_353, %parallel_loop3A_337 : vector<16xi1>, vector<16xi32>
          %parallel_loop3A_355 = vector.shape_cast %parallel_loop3A_354 : vector<16xi32> to vector<16x1xi32>
          %parallel_loop3A_356 = vector.shape_cast %parallel_loop3A_355 : vector<16x1xi32> to vector<16xi32>
          %parallel_loop3A_357 = tpu.dynamic_gather %parallel_loop3A_95[%parallel_loop3A_356] in [0] : vector<16xi32>, vector<16xi32> -> vector<16xi32>
          %parallel_loop3A_358 = arith.constant 65535 : i32
          %parallel_loop3A_359 = vector.broadcast %parallel_loop3A_358 : i32 to vector<16xi32>
          %parallel_loop3A_360 = arith.andi %parallel_loop3A_347, %parallel_loop3A_359 : vector<16xi32>
          %parallel_loop3A_361 = arith.constant -65536 : i32
          %parallel_loop3A_362 = vector.broadcast %parallel_loop3A_361 : i32 to vector<16xi32>
          %parallel_loop3A_363 = arith.andi %parallel_loop3A_347, %parallel_loop3A_362 : vector<16xi32>
          %parallel_loop3A_364 = vector.bitcast %parallel_loop3A_363 : vector<16xi32> to vector<16xf32>
          %parallel_loop3A_365 = arith.constant 2047 : i32
          %parallel_loop3A_366 = vector.broadcast %parallel_loop3A_365 : i32 to vector<16xi32>
          %parallel_loop3A_367 = arith.andi %parallel_loop3A_357, %parallel_loop3A_366 : vector<16xi32>
          %parallel_loop3A_368 = tpu.vector_load_idx %arg8[%parallel_loop3A_367, %iota3A] : memref<2048x16xi32, #tpu.memory_space<vmem>>[vector<16xi32>, vector<16xi32>], vector<16xi32>,
          %parallel_loop3A_369 = arith.constant 11 : i32
          %parallel_loop3A_370 = vector.broadcast %parallel_loop3A_369 : i32 to vector<16xi32>
          %parallel_loop3A_371 = arith.shrsi %parallel_loop3A_357, %parallel_loop3A_370 : vector<16xi32>
          %parallel_loop3A_372 = arith.constant 4 : i32
          %parallel_loop3A_373 = vector.broadcast %parallel_loop3A_372 : i32 to vector<16xi32>
          %parallel_loop3A_374 = arith.shli %parallel_loop3A_371, %parallel_loop3A_373 : vector<16xi32>
          %parallel_loop3A_375 = arith.constant 16 : i32
          %parallel_loop3A_376 = vector.broadcast %parallel_loop3A_375 : i32 to vector<16xi32>
          %parallel_loop3A_377 = arith.subi %parallel_loop3A_376, %parallel_loop3A_374 : vector<16xi32>
          %parallel_loop3A_378 = arith.shli %parallel_loop3A_368, %parallel_loop3A_377 : vector<16xi32>
          %parallel_loop3A_379 = arith.constant -65536 : i32
          %parallel_loop3A_380 = vector.broadcast %parallel_loop3A_379 : i32 to vector<16xi32>
          %parallel_loop3A_381 = arith.andi %parallel_loop3A_378, %parallel_loop3A_380 : vector<16xi32>
          %parallel_loop3A_382 = vector.bitcast %parallel_loop3A_381 : vector<16xi32> to vector<16xf32>
          %parallel_loop3A_383 = arith.mulf %parallel_loop3A_382, %parallel_loop3A_364 : vector<16xf32>
          tpu.vector_store_idx %arg9[%parallel_loop3A_360, %iota3A], %parallel_loop3A_383 {add = true} : memref<4096x16xf32, #tpu.memory_space<vmem>>[vector<16xi32>, vector<16xi32>], vector<16xf32>,
          %parallel_loop3A_384 = arith.constant 6 : i32
          %parallel_loop3A_385 = vector.broadcast %parallel_loop3A_384 : i32 to vector<16xi32>
          %parallel_loop3A_386 = arith.constant 0 : i32
          %parallel_loop3A_387 = vector.broadcast %parallel_loop3A_386 : i32 to vector<16xi32>
          %parallel_loop3A_388 = arith.cmpi slt, %parallel_loop3A_385, %parallel_loop3A_387 : vector<16xi32>
          %parallel_loop3A_389 = arith.constant 16 : i32
          %parallel_loop3A_390 = vector.broadcast %parallel_loop3A_389 : i32 to vector<16xi32>
          %parallel_loop3A_391 = arith.addi %parallel_loop3A_385, %parallel_loop3A_390 : vector<16xi32>
          %parallel_loop3A_392 = arith.select %parallel_loop3A_388, %parallel_loop3A_391, %parallel_loop3A_385 : vector<16xi1>, vector<16xi32>
          %parallel_loop3A_393 = vector.shape_cast %parallel_loop3A_392 : vector<16xi32> to vector<16x1xi32>
          %parallel_loop3A_394 = vector.shape_cast %parallel_loop3A_393 : vector<16x1xi32> to vector<16xi32>
          %parallel_loop3A_395 = tpu.dynamic_gather %parallel_loop3A_89[%parallel_loop3A_394] in [0] : vector<16xi32>, vector<16xi32> -> vector<16xi32>
          %parallel_loop3A_396 = arith.constant 0 : i32
          %parallel_loop3A_397 = vector.broadcast %parallel_loop3A_396 : i32 to vector<16xi32>
          %parallel_loop3A_398 = arith.cmpi slt, %parallel_loop3A_385, %parallel_loop3A_397 : vector<16xi32>
          %parallel_loop3A_399 = arith.constant 16 : i32
          %parallel_loop3A_400 = vector.broadcast %parallel_loop3A_399 : i32 to vector<16xi32>
          %parallel_loop3A_401 = arith.addi %parallel_loop3A_385, %parallel_loop3A_400 : vector<16xi32>
          %parallel_loop3A_402 = arith.select %parallel_loop3A_398, %parallel_loop3A_401, %parallel_loop3A_385 : vector<16xi1>, vector<16xi32>
          %parallel_loop3A_403 = vector.shape_cast %parallel_loop3A_402 : vector<16xi32> to vector<16x1xi32>
          %parallel_loop3A_404 = vector.shape_cast %parallel_loop3A_403 : vector<16x1xi32> to vector<16xi32>
          %parallel_loop3A_405 = tpu.dynamic_gather %parallel_loop3A_95[%parallel_loop3A_404] in [0] : vector<16xi32>, vector<16xi32> -> vector<16xi32>
          %parallel_loop3A_406 = arith.constant 65535 : i32
          %parallel_loop3A_407 = vector.broadcast %parallel_loop3A_406 : i32 to vector<16xi32>
          %parallel_loop3A_408 = arith.andi %parallel_loop3A_395, %parallel_loop3A_407 : vector<16xi32>
          %parallel_loop3A_409 = arith.constant -65536 : i32
          %parallel_loop3A_410 = vector.broadcast %parallel_loop3A_409 : i32 to vector<16xi32>
          %parallel_loop3A_411 = arith.andi %parallel_loop3A_395, %parallel_loop3A_410 : vector<16xi32>
          %parallel_loop3A_412 = vector.bitcast %parallel_loop3A_411 : vector<16xi32> to vector<16xf32>
          %parallel_loop3A_413 = arith.constant 2047 : i32
          %parallel_loop3A_414 = vector.broadcast %parallel_loop3A_413 : i32 to vector<16xi32>
          %parallel_loop3A_415 = arith.andi %parallel_loop3A_405, %parallel_loop3A_414 : vector<16xi32>
          %parallel_loop3A_416 = tpu.vector_load_idx %arg8[%parallel_loop3A_415, %iota3A] : memref<2048x16xi32, #tpu.memory_space<vmem>>[vector<16xi32>, vector<16xi32>], vector<16xi32>,
          %parallel_loop3A_417 = arith.constant 11 : i32
          %parallel_loop3A_418 = vector.broadcast %parallel_loop3A_417 : i32 to vector<16xi32>
          %parallel_loop3A_419 = arith.shrsi %parallel_loop3A_405, %parallel_loop3A_418 : vector<16xi32>
          %parallel_loop3A_420 = arith.constant 4 : i32
          %parallel_loop3A_421 = vector.broadcast %parallel_loop3A_420 : i32 to vector<16xi32>
          %parallel_loop3A_422 = arith.shli %parallel_loop3A_419, %parallel_loop3A_421 : vector<16xi32>
          %parallel_loop3A_423 = arith.constant 16 : i32
          %parallel_loop3A_424 = vector.broadcast %parallel_loop3A_423 : i32 to vector<16xi32>
          %parallel_loop3A_425 = arith.subi %parallel_loop3A_424, %parallel_loop3A_422 : vector<16xi32>
          %parallel_loop3A_426 = arith.shli %parallel_loop3A_416, %parallel_loop3A_425 : vector<16xi32>
          %parallel_loop3A_427 = arith.constant -65536 : i32
          %parallel_loop3A_428 = vector.broadcast %parallel_loop3A_427 : i32 to vector<16xi32>
          %parallel_loop3A_429 = arith.andi %parallel_loop3A_426, %parallel_loop3A_428 : vector<16xi32>
          %parallel_loop3A_430 = vector.bitcast %parallel_loop3A_429 : vector<16xi32> to vector<16xf32>
          %parallel_loop3A_431 = arith.mulf %parallel_loop3A_430, %parallel_loop3A_412 : vector<16xf32>
          tpu.vector_store_idx %arg9[%parallel_loop3A_408, %iota3A], %parallel_loop3A_431 {add = true} : memref<4096x16xf32, #tpu.memory_space<vmem>>[vector<16xi32>, vector<16xi32>], vector<16xf32>,
          %parallel_loop3A_432 = arith.constant 7 : i32
          %parallel_loop3A_433 = vector.broadcast %parallel_loop3A_432 : i32 to vector<16xi32>
          %parallel_loop3A_434 = arith.constant 0 : i32
          %parallel_loop3A_435 = vector.broadcast %parallel_loop3A_434 : i32 to vector<16xi32>
          %parallel_loop3A_436 = arith.cmpi slt, %parallel_loop3A_433, %parallel_loop3A_435 : vector<16xi32>
          %parallel_loop3A_437 = arith.constant 16 : i32
          %parallel_loop3A_438 = vector.broadcast %parallel_loop3A_437 : i32 to vector<16xi32>
          %parallel_loop3A_439 = arith.addi %parallel_loop3A_433, %parallel_loop3A_438 : vector<16xi32>
          %parallel_loop3A_440 = arith.select %parallel_loop3A_436, %parallel_loop3A_439, %parallel_loop3A_433 : vector<16xi1>, vector<16xi32>
          %parallel_loop3A_441 = vector.shape_cast %parallel_loop3A_440 : vector<16xi32> to vector<16x1xi32>
          %parallel_loop3A_442 = vector.shape_cast %parallel_loop3A_441 : vector<16x1xi32> to vector<16xi32>
          %parallel_loop3A_443 = tpu.dynamic_gather %parallel_loop3A_89[%parallel_loop3A_442] in [0] : vector<16xi32>, vector<16xi32> -> vector<16xi32>
          %parallel_loop3A_444 = arith.constant 0 : i32
          %parallel_loop3A_445 = vector.broadcast %parallel_loop3A_444 : i32 to vector<16xi32>
          %parallel_loop3A_446 = arith.cmpi slt, %parallel_loop3A_433, %parallel_loop3A_445 : vector<16xi32>
          %parallel_loop3A_447 = arith.constant 16 : i32
          %parallel_loop3A_448 = vector.broadcast %parallel_loop3A_447 : i32 to vector<16xi32>
          %parallel_loop3A_449 = arith.addi %parallel_loop3A_433, %parallel_loop3A_448 : vector<16xi32>
          %parallel_loop3A_450 = arith.select %parallel_loop3A_446, %parallel_loop3A_449, %parallel_loop3A_433 : vector<16xi1>, vector<16xi32>
          %parallel_loop3A_451 = vector.shape_cast %parallel_loop3A_450 : vector<16xi32> to vector<16x1xi32>
          %parallel_loop3A_452 = vector.shape_cast %parallel_loop3A_451 : vector<16x1xi32> to vector<16xi32>
          %parallel_loop3A_453 = tpu.dynamic_gather %parallel_loop3A_95[%parallel_loop3A_452] in [0] : vector<16xi32>, vector<16xi32> -> vector<16xi32>
          %parallel_loop3A_454 = arith.constant 65535 : i32
          %parallel_loop3A_455 = vector.broadcast %parallel_loop3A_454 : i32 to vector<16xi32>
          %parallel_loop3A_456 = arith.andi %parallel_loop3A_443, %parallel_loop3A_455 : vector<16xi32>
          %parallel_loop3A_457 = arith.constant -65536 : i32
          %parallel_loop3A_458 = vector.broadcast %parallel_loop3A_457 : i32 to vector<16xi32>
          %parallel_loop3A_459 = arith.andi %parallel_loop3A_443, %parallel_loop3A_458 : vector<16xi32>
          %parallel_loop3A_460 = vector.bitcast %parallel_loop3A_459 : vector<16xi32> to vector<16xf32>
          %parallel_loop3A_461 = arith.constant 2047 : i32
          %parallel_loop3A_462 = vector.broadcast %parallel_loop3A_461 : i32 to vector<16xi32>
          %parallel_loop3A_463 = arith.andi %parallel_loop3A_453, %parallel_loop3A_462 : vector<16xi32>
          %parallel_loop3A_464 = tpu.vector_load_idx %arg8[%parallel_loop3A_463, %iota3A] : memref<2048x16xi32, #tpu.memory_space<vmem>>[vector<16xi32>, vector<16xi32>], vector<16xi32>,
          %parallel_loop3A_465 = arith.constant 11 : i32
          %parallel_loop3A_466 = vector.broadcast %parallel_loop3A_465 : i32 to vector<16xi32>
          %parallel_loop3A_467 = arith.shrsi %parallel_loop3A_453, %parallel_loop3A_466 : vector<16xi32>
          %parallel_loop3A_468 = arith.constant 4 : i32
          %parallel_loop3A_469 = vector.broadcast %parallel_loop3A_468 : i32 to vector<16xi32>
          %parallel_loop3A_470 = arith.shli %parallel_loop3A_467, %parallel_loop3A_469 : vector<16xi32>
          %parallel_loop3A_471 = arith.constant 16 : i32
          %parallel_loop3A_472 = vector.broadcast %parallel_loop3A_471 : i32 to vector<16xi32>
          %parallel_loop3A_473 = arith.subi %parallel_loop3A_472, %parallel_loop3A_470 : vector<16xi32>
          %parallel_loop3A_474 = arith.shli %parallel_loop3A_464, %parallel_loop3A_473 : vector<16xi32>
          %parallel_loop3A_475 = arith.constant -65536 : i32
          %parallel_loop3A_476 = vector.broadcast %parallel_loop3A_475 : i32 to vector<16xi32>
          %parallel_loop3A_477 = arith.andi %parallel_loop3A_474, %parallel_loop3A_476 : vector<16xi32>
          %parallel_loop3A_478 = vector.bitcast %parallel_loop3A_477 : vector<16xi32> to vector<16xf32>
          %parallel_loop3A_479 = arith.mulf %parallel_loop3A_478, %parallel_loop3A_460 : vector<16xf32>
          tpu.vector_store_idx %arg9[%parallel_loop3A_456, %iota3A], %parallel_loop3A_479 {add = true} : memref<4096x16xf32, #tpu.memory_space<vmem>>[vector<16xi32>, vector<16xi32>], vector<16xf32>,
          %parallel_loop3A_480 = arith.constant 8 : i32
          %parallel_loop3A_481 = vector.broadcast %parallel_loop3A_480 : i32 to vector<16xi32>
          %parallel_loop3A_482 = arith.constant 0 : i32
          %parallel_loop3A_483 = vector.broadcast %parallel_loop3A_482 : i32 to vector<16xi32>
          %parallel_loop3A_484 = arith.cmpi slt, %parallel_loop3A_481, %parallel_loop3A_483 : vector<16xi32>
          %parallel_loop3A_485 = arith.constant 16 : i32
          %parallel_loop3A_486 = vector.broadcast %parallel_loop3A_485 : i32 to vector<16xi32>
          %parallel_loop3A_487 = arith.addi %parallel_loop3A_481, %parallel_loop3A_486 : vector<16xi32>
          %parallel_loop3A_488 = arith.select %parallel_loop3A_484, %parallel_loop3A_487, %parallel_loop3A_481 : vector<16xi1>, vector<16xi32>
          %parallel_loop3A_489 = vector.shape_cast %parallel_loop3A_488 : vector<16xi32> to vector<16x1xi32>
          %parallel_loop3A_490 = vector.shape_cast %parallel_loop3A_489 : vector<16x1xi32> to vector<16xi32>
          %parallel_loop3A_491 = tpu.dynamic_gather %parallel_loop3A_89[%parallel_loop3A_490] in [0] : vector<16xi32>, vector<16xi32> -> vector<16xi32>
          %parallel_loop3A_492 = arith.constant 0 : i32
          %parallel_loop3A_493 = vector.broadcast %parallel_loop3A_492 : i32 to vector<16xi32>
          %parallel_loop3A_494 = arith.cmpi slt, %parallel_loop3A_481, %parallel_loop3A_493 : vector<16xi32>
          %parallel_loop3A_495 = arith.constant 16 : i32
          %parallel_loop3A_496 = vector.broadcast %parallel_loop3A_495 : i32 to vector<16xi32>
          %parallel_loop3A_497 = arith.addi %parallel_loop3A_481, %parallel_loop3A_496 : vector<16xi32>
          %parallel_loop3A_498 = arith.select %parallel_loop3A_494, %parallel_loop3A_497, %parallel_loop3A_481 : vector<16xi1>, vector<16xi32>
          %parallel_loop3A_499 = vector.shape_cast %parallel_loop3A_498 : vector<16xi32> to vector<16x1xi32>
          %parallel_loop3A_500 = vector.shape_cast %parallel_loop3A_499 : vector<16x1xi32> to vector<16xi32>
          %parallel_loop3A_501 = tpu.dynamic_gather %parallel_loop3A_95[%parallel_loop3A_500] in [0] : vector<16xi32>, vector<16xi32> -> vector<16xi32>
          %parallel_loop3A_502 = arith.constant 65535 : i32
          %parallel_loop3A_503 = vector.broadcast %parallel_loop3A_502 : i32 to vector<16xi32>
          %parallel_loop3A_504 = arith.andi %parallel_loop3A_491, %parallel_loop3A_503 : vector<16xi32>
          %parallel_loop3A_505 = arith.constant -65536 : i32
          %parallel_loop3A_506 = vector.broadcast %parallel_loop3A_505 : i32 to vector<16xi32>
          %parallel_loop3A_507 = arith.andi %parallel_loop3A_491, %parallel_loop3A_506 : vector<16xi32>
          %parallel_loop3A_508 = vector.bitcast %parallel_loop3A_507 : vector<16xi32> to vector<16xf32>
          %parallel_loop3A_509 = arith.constant 2047 : i32
          %parallel_loop3A_510 = vector.broadcast %parallel_loop3A_509 : i32 to vector<16xi32>
          %parallel_loop3A_511 = arith.andi %parallel_loop3A_501, %parallel_loop3A_510 : vector<16xi32>
          %parallel_loop3A_512 = tpu.vector_load_idx %arg8[%parallel_loop3A_511, %iota3A] : memref<2048x16xi32, #tpu.memory_space<vmem>>[vector<16xi32>, vector<16xi32>], vector<16xi32>,
          %parallel_loop3A_513 = arith.constant 11 : i32
          %parallel_loop3A_514 = vector.broadcast %parallel_loop3A_513 : i32 to vector<16xi32>
          %parallel_loop3A_515 = arith.shrsi %parallel_loop3A_501, %parallel_loop3A_514 : vector<16xi32>
          %parallel_loop3A_516 = arith.constant 4 : i32
          %parallel_loop3A_517 = vector.broadcast %parallel_loop3A_516 : i32 to vector<16xi32>
          %parallel_loop3A_518 = arith.shli %parallel_loop3A_515, %parallel_loop3A_517 : vector<16xi32>
          %parallel_loop3A_519 = arith.constant 16 : i32
          %parallel_loop3A_520 = vector.broadcast %parallel_loop3A_519 : i32 to vector<16xi32>
          %parallel_loop3A_521 = arith.subi %parallel_loop3A_520, %parallel_loop3A_518 : vector<16xi32>
          %parallel_loop3A_522 = arith.shli %parallel_loop3A_512, %parallel_loop3A_521 : vector<16xi32>
          %parallel_loop3A_523 = arith.constant -65536 : i32
          %parallel_loop3A_524 = vector.broadcast %parallel_loop3A_523 : i32 to vector<16xi32>
          %parallel_loop3A_525 = arith.andi %parallel_loop3A_522, %parallel_loop3A_524 : vector<16xi32>
          %parallel_loop3A_526 = vector.bitcast %parallel_loop3A_525 : vector<16xi32> to vector<16xf32>
          %parallel_loop3A_527 = arith.mulf %parallel_loop3A_526, %parallel_loop3A_508 : vector<16xf32>
          tpu.vector_store_idx %arg9[%parallel_loop3A_504, %iota3A], %parallel_loop3A_527 {add = true} : memref<4096x16xf32, #tpu.memory_space<vmem>>[vector<16xi32>, vector<16xi32>], vector<16xf32>,
          %parallel_loop3A_528 = arith.constant 9 : i32
          %parallel_loop3A_529 = vector.broadcast %parallel_loop3A_528 : i32 to vector<16xi32>
          %parallel_loop3A_530 = arith.constant 0 : i32
          %parallel_loop3A_531 = vector.broadcast %parallel_loop3A_530 : i32 to vector<16xi32>
          %parallel_loop3A_532 = arith.cmpi slt, %parallel_loop3A_529, %parallel_loop3A_531 : vector<16xi32>
          %parallel_loop3A_533 = arith.constant 16 : i32
          %parallel_loop3A_534 = vector.broadcast %parallel_loop3A_533 : i32 to vector<16xi32>
          %parallel_loop3A_535 = arith.addi %parallel_loop3A_529, %parallel_loop3A_534 : vector<16xi32>
          %parallel_loop3A_536 = arith.select %parallel_loop3A_532, %parallel_loop3A_535, %parallel_loop3A_529 : vector<16xi1>, vector<16xi32>
          %parallel_loop3A_537 = vector.shape_cast %parallel_loop3A_536 : vector<16xi32> to vector<16x1xi32>
          %parallel_loop3A_538 = vector.shape_cast %parallel_loop3A_537 : vector<16x1xi32> to vector<16xi32>
          %parallel_loop3A_539 = tpu.dynamic_gather %parallel_loop3A_89[%parallel_loop3A_538] in [0] : vector<16xi32>, vector<16xi32> -> vector<16xi32>
          %parallel_loop3A_540 = arith.constant 0 : i32
          %parallel_loop3A_541 = vector.broadcast %parallel_loop3A_540 : i32 to vector<16xi32>
          %parallel_loop3A_542 = arith.cmpi slt, %parallel_loop3A_529, %parallel_loop3A_541 : vector<16xi32>
          %parallel_loop3A_543 = arith.constant 16 : i32
          %parallel_loop3A_544 = vector.broadcast %parallel_loop3A_543 : i32 to vector<16xi32>
          %parallel_loop3A_545 = arith.addi %parallel_loop3A_529, %parallel_loop3A_544 : vector<16xi32>
          %parallel_loop3A_546 = arith.select %parallel_loop3A_542, %parallel_loop3A_545, %parallel_loop3A_529 : vector<16xi1>, vector<16xi32>
          %parallel_loop3A_547 = vector.shape_cast %parallel_loop3A_546 : vector<16xi32> to vector<16x1xi32>
          %parallel_loop3A_548 = vector.shape_cast %parallel_loop3A_547 : vector<16x1xi32> to vector<16xi32>
          %parallel_loop3A_549 = tpu.dynamic_gather %parallel_loop3A_95[%parallel_loop3A_548] in [0] : vector<16xi32>, vector<16xi32> -> vector<16xi32>
          %parallel_loop3A_550 = arith.constant 65535 : i32
          %parallel_loop3A_551 = vector.broadcast %parallel_loop3A_550 : i32 to vector<16xi32>
          %parallel_loop3A_552 = arith.andi %parallel_loop3A_539, %parallel_loop3A_551 : vector<16xi32>
          %parallel_loop3A_553 = arith.constant -65536 : i32
          %parallel_loop3A_554 = vector.broadcast %parallel_loop3A_553 : i32 to vector<16xi32>
          %parallel_loop3A_555 = arith.andi %parallel_loop3A_539, %parallel_loop3A_554 : vector<16xi32>
          %parallel_loop3A_556 = vector.bitcast %parallel_loop3A_555 : vector<16xi32> to vector<16xf32>
          %parallel_loop3A_557 = arith.constant 2047 : i32
          %parallel_loop3A_558 = vector.broadcast %parallel_loop3A_557 : i32 to vector<16xi32>
          %parallel_loop3A_559 = arith.andi %parallel_loop3A_549, %parallel_loop3A_558 : vector<16xi32>
          %parallel_loop3A_560 = tpu.vector_load_idx %arg8[%parallel_loop3A_559, %iota3A] : memref<2048x16xi32, #tpu.memory_space<vmem>>[vector<16xi32>, vector<16xi32>], vector<16xi32>,
          %parallel_loop3A_561 = arith.constant 11 : i32
          %parallel_loop3A_562 = vector.broadcast %parallel_loop3A_561 : i32 to vector<16xi32>
          %parallel_loop3A_563 = arith.shrsi %parallel_loop3A_549, %parallel_loop3A_562 : vector<16xi32>
          %parallel_loop3A_564 = arith.constant 4 : i32
          %parallel_loop3A_565 = vector.broadcast %parallel_loop3A_564 : i32 to vector<16xi32>
          %parallel_loop3A_566 = arith.shli %parallel_loop3A_563, %parallel_loop3A_565 : vector<16xi32>
          %parallel_loop3A_567 = arith.constant 16 : i32
          %parallel_loop3A_568 = vector.broadcast %parallel_loop3A_567 : i32 to vector<16xi32>
          %parallel_loop3A_569 = arith.subi %parallel_loop3A_568, %parallel_loop3A_566 : vector<16xi32>
          %parallel_loop3A_570 = arith.shli %parallel_loop3A_560, %parallel_loop3A_569 : vector<16xi32>
          %parallel_loop3A_571 = arith.constant -65536 : i32
          %parallel_loop3A_572 = vector.broadcast %parallel_loop3A_571 : i32 to vector<16xi32>
          %parallel_loop3A_573 = arith.andi %parallel_loop3A_570, %parallel_loop3A_572 : vector<16xi32>
          %parallel_loop3A_574 = vector.bitcast %parallel_loop3A_573 : vector<16xi32> to vector<16xf32>
          %parallel_loop3A_575 = arith.mulf %parallel_loop3A_574, %parallel_loop3A_556 : vector<16xf32>
          tpu.vector_store_idx %arg9[%parallel_loop3A_552, %iota3A], %parallel_loop3A_575 {add = true} : memref<4096x16xf32, #tpu.memory_space<vmem>>[vector<16xi32>, vector<16xi32>], vector<16xf32>,
          %parallel_loop3A_576 = arith.constant 10 : i32
          %parallel_loop3A_577 = vector.broadcast %parallel_loop3A_576 : i32 to vector<16xi32>
          %parallel_loop3A_578 = arith.constant 0 : i32
          %parallel_loop3A_579 = vector.broadcast %parallel_loop3A_578 : i32 to vector<16xi32>
          %parallel_loop3A_580 = arith.cmpi slt, %parallel_loop3A_577, %parallel_loop3A_579 : vector<16xi32>
          %parallel_loop3A_581 = arith.constant 16 : i32
          %parallel_loop3A_582 = vector.broadcast %parallel_loop3A_581 : i32 to vector<16xi32>
          %parallel_loop3A_583 = arith.addi %parallel_loop3A_577, %parallel_loop3A_582 : vector<16xi32>
          %parallel_loop3A_584 = arith.select %parallel_loop3A_580, %parallel_loop3A_583, %parallel_loop3A_577 : vector<16xi1>, vector<16xi32>
          %parallel_loop3A_585 = vector.shape_cast %parallel_loop3A_584 : vector<16xi32> to vector<16x1xi32>
          %parallel_loop3A_586 = vector.shape_cast %parallel_loop3A_585 : vector<16x1xi32> to vector<16xi32>
          %parallel_loop3A_587 = tpu.dynamic_gather %parallel_loop3A_89[%parallel_loop3A_586] in [0] : vector<16xi32>, vector<16xi32> -> vector<16xi32>
          %parallel_loop3A_588 = arith.constant 0 : i32
          %parallel_loop3A_589 = vector.broadcast %parallel_loop3A_588 : i32 to vector<16xi32>
          %parallel_loop3A_590 = arith.cmpi slt, %parallel_loop3A_577, %parallel_loop3A_589 : vector<16xi32>
          %parallel_loop3A_591 = arith.constant 16 : i32
          %parallel_loop3A_592 = vector.broadcast %parallel_loop3A_591 : i32 to vector<16xi32>
          %parallel_loop3A_593 = arith.addi %parallel_loop3A_577, %parallel_loop3A_592 : vector<16xi32>
          %parallel_loop3A_594 = arith.select %parallel_loop3A_590, %parallel_loop3A_593, %parallel_loop3A_577 : vector<16xi1>, vector<16xi32>
          %parallel_loop3A_595 = vector.shape_cast %parallel_loop3A_594 : vector<16xi32> to vector<16x1xi32>
          %parallel_loop3A_596 = vector.shape_cast %parallel_loop3A_595 : vector<16x1xi32> to vector<16xi32>
          %parallel_loop3A_597 = tpu.dynamic_gather %parallel_loop3A_95[%parallel_loop3A_596] in [0] : vector<16xi32>, vector<16xi32> -> vector<16xi32>
          %parallel_loop3A_598 = arith.constant 65535 : i32
          %parallel_loop3A_599 = vector.broadcast %parallel_loop3A_598 : i32 to vector<16xi32>
          %parallel_loop3A_600 = arith.andi %parallel_loop3A_587, %parallel_loop3A_599 : vector<16xi32>
          %parallel_loop3A_601 = arith.constant -65536 : i32
          %parallel_loop3A_602 = vector.broadcast %parallel_loop3A_601 : i32 to vector<16xi32>
          %parallel_loop3A_603 = arith.andi %parallel_loop3A_587, %parallel_loop3A_602 : vector<16xi32>
          %parallel_loop3A_604 = vector.bitcast %parallel_loop3A_603 : vector<16xi32> to vector<16xf32>
          %parallel_loop3A_605 = arith.constant 2047 : i32
          %parallel_loop3A_606 = vector.broadcast %parallel_loop3A_605 : i32 to vector<16xi32>
          %parallel_loop3A_607 = arith.andi %parallel_loop3A_597, %parallel_loop3A_606 : vector<16xi32>
          %parallel_loop3A_608 = tpu.vector_load_idx %arg8[%parallel_loop3A_607, %iota3A] : memref<2048x16xi32, #tpu.memory_space<vmem>>[vector<16xi32>, vector<16xi32>], vector<16xi32>,
          %parallel_loop3A_609 = arith.constant 11 : i32
          %parallel_loop3A_610 = vector.broadcast %parallel_loop3A_609 : i32 to vector<16xi32>
          %parallel_loop3A_611 = arith.shrsi %parallel_loop3A_597, %parallel_loop3A_610 : vector<16xi32>
          %parallel_loop3A_612 = arith.constant 4 : i32
          %parallel_loop3A_613 = vector.broadcast %parallel_loop3A_612 : i32 to vector<16xi32>
          %parallel_loop3A_614 = arith.shli %parallel_loop3A_611, %parallel_loop3A_613 : vector<16xi32>
          %parallel_loop3A_615 = arith.constant 16 : i32
          %parallel_loop3A_616 = vector.broadcast %parallel_loop3A_615 : i32 to vector<16xi32>
          %parallel_loop3A_617 = arith.subi %parallel_loop3A_616, %parallel_loop3A_614 : vector<16xi32>
          %parallel_loop3A_618 = arith.shli %parallel_loop3A_608, %parallel_loop3A_617 : vector<16xi32>
          %parallel_loop3A_619 = arith.constant -65536 : i32
          %parallel_loop3A_620 = vector.broadcast %parallel_loop3A_619 : i32 to vector<16xi32>
          %parallel_loop3A_621 = arith.andi %parallel_loop3A_618, %parallel_loop3A_620 : vector<16xi32>
          %parallel_loop3A_622 = vector.bitcast %parallel_loop3A_621 : vector<16xi32> to vector<16xf32>
          %parallel_loop3A_623 = arith.mulf %parallel_loop3A_622, %parallel_loop3A_604 : vector<16xf32>
          tpu.vector_store_idx %arg9[%parallel_loop3A_600, %iota3A], %parallel_loop3A_623 {add = true} : memref<4096x16xf32, #tpu.memory_space<vmem>>[vector<16xi32>, vector<16xi32>], vector<16xf32>,
          %parallel_loop3A_624 = arith.constant 11 : i32
          %parallel_loop3A_625 = vector.broadcast %parallel_loop3A_624 : i32 to vector<16xi32>
          %parallel_loop3A_626 = arith.constant 0 : i32
          %parallel_loop3A_627 = vector.broadcast %parallel_loop3A_626 : i32 to vector<16xi32>
          %parallel_loop3A_628 = arith.cmpi slt, %parallel_loop3A_625, %parallel_loop3A_627 : vector<16xi32>
          %parallel_loop3A_629 = arith.constant 16 : i32
          %parallel_loop3A_630 = vector.broadcast %parallel_loop3A_629 : i32 to vector<16xi32>
          %parallel_loop3A_631 = arith.addi %parallel_loop3A_625, %parallel_loop3A_630 : vector<16xi32>
          %parallel_loop3A_632 = arith.select %parallel_loop3A_628, %parallel_loop3A_631, %parallel_loop3A_625 : vector<16xi1>, vector<16xi32>
          %parallel_loop3A_633 = vector.shape_cast %parallel_loop3A_632 : vector<16xi32> to vector<16x1xi32>
          %parallel_loop3A_634 = vector.shape_cast %parallel_loop3A_633 : vector<16x1xi32> to vector<16xi32>
          %parallel_loop3A_635 = tpu.dynamic_gather %parallel_loop3A_89[%parallel_loop3A_634] in [0] : vector<16xi32>, vector<16xi32> -> vector<16xi32>
          %parallel_loop3A_636 = arith.constant 0 : i32
          %parallel_loop3A_637 = vector.broadcast %parallel_loop3A_636 : i32 to vector<16xi32>
          %parallel_loop3A_638 = arith.cmpi slt, %parallel_loop3A_625, %parallel_loop3A_637 : vector<16xi32>
          %parallel_loop3A_639 = arith.constant 16 : i32
          %parallel_loop3A_640 = vector.broadcast %parallel_loop3A_639 : i32 to vector<16xi32>
          %parallel_loop3A_641 = arith.addi %parallel_loop3A_625, %parallel_loop3A_640 : vector<16xi32>
          %parallel_loop3A_642 = arith.select %parallel_loop3A_638, %parallel_loop3A_641, %parallel_loop3A_625 : vector<16xi1>, vector<16xi32>
          %parallel_loop3A_643 = vector.shape_cast %parallel_loop3A_642 : vector<16xi32> to vector<16x1xi32>
          %parallel_loop3A_644 = vector.shape_cast %parallel_loop3A_643 : vector<16x1xi32> to vector<16xi32>
          %parallel_loop3A_645 = tpu.dynamic_gather %parallel_loop3A_95[%parallel_loop3A_644] in [0] : vector<16xi32>, vector<16xi32> -> vector<16xi32>
          %parallel_loop3A_646 = arith.constant 65535 : i32
          %parallel_loop3A_647 = vector.broadcast %parallel_loop3A_646 : i32 to vector<16xi32>
          %parallel_loop3A_648 = arith.andi %parallel_loop3A_635, %parallel_loop3A_647 : vector<16xi32>
          %parallel_loop3A_649 = arith.constant -65536 : i32
          %parallel_loop3A_650 = vector.broadcast %parallel_loop3A_649 : i32 to vector<16xi32>
          %parallel_loop3A_651 = arith.andi %parallel_loop3A_635, %parallel_loop3A_650 : vector<16xi32>
          %parallel_loop3A_652 = vector.bitcast %parallel_loop3A_651 : vector<16xi32> to vector<16xf32>
          %parallel_loop3A_653 = arith.constant 2047 : i32
          %parallel_loop3A_654 = vector.broadcast %parallel_loop3A_653 : i32 to vector<16xi32>
          %parallel_loop3A_655 = arith.andi %parallel_loop3A_645, %parallel_loop3A_654 : vector<16xi32>
          %parallel_loop3A_656 = tpu.vector_load_idx %arg8[%parallel_loop3A_655, %iota3A] : memref<2048x16xi32, #tpu.memory_space<vmem>>[vector<16xi32>, vector<16xi32>], vector<16xi32>,
          %parallel_loop3A_657 = arith.constant 11 : i32
          %parallel_loop3A_658 = vector.broadcast %parallel_loop3A_657 : i32 to vector<16xi32>
          %parallel_loop3A_659 = arith.shrsi %parallel_loop3A_645, %parallel_loop3A_658 : vector<16xi32>
          %parallel_loop3A_660 = arith.constant 4 : i32
          %parallel_loop3A_661 = vector.broadcast %parallel_loop3A_660 : i32 to vector<16xi32>
          %parallel_loop3A_662 = arith.shli %parallel_loop3A_659, %parallel_loop3A_661 : vector<16xi32>
          %parallel_loop3A_663 = arith.constant 16 : i32
          %parallel_loop3A_664 = vector.broadcast %parallel_loop3A_663 : i32 to vector<16xi32>
          %parallel_loop3A_665 = arith.subi %parallel_loop3A_664, %parallel_loop3A_662 : vector<16xi32>
          %parallel_loop3A_666 = arith.shli %parallel_loop3A_656, %parallel_loop3A_665 : vector<16xi32>
          %parallel_loop3A_667 = arith.constant -65536 : i32
          %parallel_loop3A_668 = vector.broadcast %parallel_loop3A_667 : i32 to vector<16xi32>
          %parallel_loop3A_669 = arith.andi %parallel_loop3A_666, %parallel_loop3A_668 : vector<16xi32>
          %parallel_loop3A_670 = vector.bitcast %parallel_loop3A_669 : vector<16xi32> to vector<16xf32>
          %parallel_loop3A_671 = arith.mulf %parallel_loop3A_670, %parallel_loop3A_652 : vector<16xf32>
          tpu.vector_store_idx %arg9[%parallel_loop3A_648, %iota3A], %parallel_loop3A_671 {add = true} : memref<4096x16xf32, #tpu.memory_space<vmem>>[vector<16xi32>, vector<16xi32>], vector<16xf32>,
          %parallel_loop3A_672 = arith.constant 12 : i32
          %parallel_loop3A_673 = vector.broadcast %parallel_loop3A_672 : i32 to vector<16xi32>
          %parallel_loop3A_674 = arith.constant 0 : i32
          %parallel_loop3A_675 = vector.broadcast %parallel_loop3A_674 : i32 to vector<16xi32>
          %parallel_loop3A_676 = arith.cmpi slt, %parallel_loop3A_673, %parallel_loop3A_675 : vector<16xi32>
          %parallel_loop3A_677 = arith.constant 16 : i32
          %parallel_loop3A_678 = vector.broadcast %parallel_loop3A_677 : i32 to vector<16xi32>
          %parallel_loop3A_679 = arith.addi %parallel_loop3A_673, %parallel_loop3A_678 : vector<16xi32>
          %parallel_loop3A_680 = arith.select %parallel_loop3A_676, %parallel_loop3A_679, %parallel_loop3A_673 : vector<16xi1>, vector<16xi32>
          %parallel_loop3A_681 = vector.shape_cast %parallel_loop3A_680 : vector<16xi32> to vector<16x1xi32>
          %parallel_loop3A_682 = vector.shape_cast %parallel_loop3A_681 : vector<16x1xi32> to vector<16xi32>
          %parallel_loop3A_683 = tpu.dynamic_gather %parallel_loop3A_89[%parallel_loop3A_682] in [0] : vector<16xi32>, vector<16xi32> -> vector<16xi32>
          %parallel_loop3A_684 = arith.constant 0 : i32
          %parallel_loop3A_685 = vector.broadcast %parallel_loop3A_684 : i32 to vector<16xi32>
          %parallel_loop3A_686 = arith.cmpi slt, %parallel_loop3A_673, %parallel_loop3A_685 : vector<16xi32>
          %parallel_loop3A_687 = arith.constant 16 : i32
          %parallel_loop3A_688 = vector.broadcast %parallel_loop3A_687 : i32 to vector<16xi32>
          %parallel_loop3A_689 = arith.addi %parallel_loop3A_673, %parallel_loop3A_688 : vector<16xi32>
          %parallel_loop3A_690 = arith.select %parallel_loop3A_686, %parallel_loop3A_689, %parallel_loop3A_673 : vector<16xi1>, vector<16xi32>
          %parallel_loop3A_691 = vector.shape_cast %parallel_loop3A_690 : vector<16xi32> to vector<16x1xi32>
          %parallel_loop3A_692 = vector.shape_cast %parallel_loop3A_691 : vector<16x1xi32> to vector<16xi32>
          %parallel_loop3A_693 = tpu.dynamic_gather %parallel_loop3A_95[%parallel_loop3A_692] in [0] : vector<16xi32>, vector<16xi32> -> vector<16xi32>
          %parallel_loop3A_694 = arith.constant 65535 : i32
          %parallel_loop3A_695 = vector.broadcast %parallel_loop3A_694 : i32 to vector<16xi32>
          %parallel_loop3A_696 = arith.andi %parallel_loop3A_683, %parallel_loop3A_695 : vector<16xi32>
          %parallel_loop3A_697 = arith.constant -65536 : i32
          %parallel_loop3A_698 = vector.broadcast %parallel_loop3A_697 : i32 to vector<16xi32>
          %parallel_loop3A_699 = arith.andi %parallel_loop3A_683, %parallel_loop3A_698 : vector<16xi32>
          %parallel_loop3A_700 = vector.bitcast %parallel_loop3A_699 : vector<16xi32> to vector<16xf32>
          %parallel_loop3A_701 = arith.constant 2047 : i32
          %parallel_loop3A_702 = vector.broadcast %parallel_loop3A_701 : i32 to vector<16xi32>
          %parallel_loop3A_703 = arith.andi %parallel_loop3A_693, %parallel_loop3A_702 : vector<16xi32>
          %parallel_loop3A_704 = tpu.vector_load_idx %arg8[%parallel_loop3A_703, %iota3A] : memref<2048x16xi32, #tpu.memory_space<vmem>>[vector<16xi32>, vector<16xi32>], vector<16xi32>,
          %parallel_loop3A_705 = arith.constant 11 : i32
          %parallel_loop3A_706 = vector.broadcast %parallel_loop3A_705 : i32 to vector<16xi32>
          %parallel_loop3A_707 = arith.shrsi %parallel_loop3A_693, %parallel_loop3A_706 : vector<16xi32>
          %parallel_loop3A_708 = arith.constant 4 : i32
          %parallel_loop3A_709 = vector.broadcast %parallel_loop3A_708 : i32 to vector<16xi32>
          %parallel_loop3A_710 = arith.shli %parallel_loop3A_707, %parallel_loop3A_709 : vector<16xi32>
          %parallel_loop3A_711 = arith.constant 16 : i32
          %parallel_loop3A_712 = vector.broadcast %parallel_loop3A_711 : i32 to vector<16xi32>
          %parallel_loop3A_713 = arith.subi %parallel_loop3A_712, %parallel_loop3A_710 : vector<16xi32>
          %parallel_loop3A_714 = arith.shli %parallel_loop3A_704, %parallel_loop3A_713 : vector<16xi32>
          %parallel_loop3A_715 = arith.constant -65536 : i32
          %parallel_loop3A_716 = vector.broadcast %parallel_loop3A_715 : i32 to vector<16xi32>
          %parallel_loop3A_717 = arith.andi %parallel_loop3A_714, %parallel_loop3A_716 : vector<16xi32>
          %parallel_loop3A_718 = vector.bitcast %parallel_loop3A_717 : vector<16xi32> to vector<16xf32>
          %parallel_loop3A_719 = arith.mulf %parallel_loop3A_718, %parallel_loop3A_700 : vector<16xf32>
          tpu.vector_store_idx %arg9[%parallel_loop3A_696, %iota3A], %parallel_loop3A_719 {add = true} : memref<4096x16xf32, #tpu.memory_space<vmem>>[vector<16xi32>, vector<16xi32>], vector<16xf32>,
          %parallel_loop3A_720 = arith.constant 13 : i32
          %parallel_loop3A_721 = vector.broadcast %parallel_loop3A_720 : i32 to vector<16xi32>
          %parallel_loop3A_722 = arith.constant 0 : i32
          %parallel_loop3A_723 = vector.broadcast %parallel_loop3A_722 : i32 to vector<16xi32>
          %parallel_loop3A_724 = arith.cmpi slt, %parallel_loop3A_721, %parallel_loop3A_723 : vector<16xi32>
          %parallel_loop3A_725 = arith.constant 16 : i32
          %parallel_loop3A_726 = vector.broadcast %parallel_loop3A_725 : i32 to vector<16xi32>
          %parallel_loop3A_727 = arith.addi %parallel_loop3A_721, %parallel_loop3A_726 : vector<16xi32>
          %parallel_loop3A_728 = arith.select %parallel_loop3A_724, %parallel_loop3A_727, %parallel_loop3A_721 : vector<16xi1>, vector<16xi32>
          %parallel_loop3A_729 = vector.shape_cast %parallel_loop3A_728 : vector<16xi32> to vector<16x1xi32>
          %parallel_loop3A_730 = vector.shape_cast %parallel_loop3A_729 : vector<16x1xi32> to vector<16xi32>
          %parallel_loop3A_731 = tpu.dynamic_gather %parallel_loop3A_89[%parallel_loop3A_730] in [0] : vector<16xi32>, vector<16xi32> -> vector<16xi32>
          %parallel_loop3A_732 = arith.constant 0 : i32
          %parallel_loop3A_733 = vector.broadcast %parallel_loop3A_732 : i32 to vector<16xi32>
          %parallel_loop3A_734 = arith.cmpi slt, %parallel_loop3A_721, %parallel_loop3A_733 : vector<16xi32>
          %parallel_loop3A_735 = arith.constant 16 : i32
          %parallel_loop3A_736 = vector.broadcast %parallel_loop3A_735 : i32 to vector<16xi32>
          %parallel_loop3A_737 = arith.addi %parallel_loop3A_721, %parallel_loop3A_736 : vector<16xi32>
          %parallel_loop3A_738 = arith.select %parallel_loop3A_734, %parallel_loop3A_737, %parallel_loop3A_721 : vector<16xi1>, vector<16xi32>
          %parallel_loop3A_739 = vector.shape_cast %parallel_loop3A_738 : vector<16xi32> to vector<16x1xi32>
          %parallel_loop3A_740 = vector.shape_cast %parallel_loop3A_739 : vector<16x1xi32> to vector<16xi32>
          %parallel_loop3A_741 = tpu.dynamic_gather %parallel_loop3A_95[%parallel_loop3A_740] in [0] : vector<16xi32>, vector<16xi32> -> vector<16xi32>
          %parallel_loop3A_742 = arith.constant 65535 : i32
          %parallel_loop3A_743 = vector.broadcast %parallel_loop3A_742 : i32 to vector<16xi32>
          %parallel_loop3A_744 = arith.andi %parallel_loop3A_731, %parallel_loop3A_743 : vector<16xi32>
          %parallel_loop3A_745 = arith.constant -65536 : i32
          %parallel_loop3A_746 = vector.broadcast %parallel_loop3A_745 : i32 to vector<16xi32>
          %parallel_loop3A_747 = arith.andi %parallel_loop3A_731, %parallel_loop3A_746 : vector<16xi32>
          %parallel_loop3A_748 = vector.bitcast %parallel_loop3A_747 : vector<16xi32> to vector<16xf32>
          %parallel_loop3A_749 = arith.constant 2047 : i32
          %parallel_loop3A_750 = vector.broadcast %parallel_loop3A_749 : i32 to vector<16xi32>
          %parallel_loop3A_751 = arith.andi %parallel_loop3A_741, %parallel_loop3A_750 : vector<16xi32>
          %parallel_loop3A_752 = tpu.vector_load_idx %arg8[%parallel_loop3A_751, %iota3A] : memref<2048x16xi32, #tpu.memory_space<vmem>>[vector<16xi32>, vector<16xi32>], vector<16xi32>,
          %parallel_loop3A_753 = arith.constant 11 : i32
          %parallel_loop3A_754 = vector.broadcast %parallel_loop3A_753 : i32 to vector<16xi32>
          %parallel_loop3A_755 = arith.shrsi %parallel_loop3A_741, %parallel_loop3A_754 : vector<16xi32>
          %parallel_loop3A_756 = arith.constant 4 : i32
          %parallel_loop3A_757 = vector.broadcast %parallel_loop3A_756 : i32 to vector<16xi32>
          %parallel_loop3A_758 = arith.shli %parallel_loop3A_755, %parallel_loop3A_757 : vector<16xi32>
          %parallel_loop3A_759 = arith.constant 16 : i32
          %parallel_loop3A_760 = vector.broadcast %parallel_loop3A_759 : i32 to vector<16xi32>
          %parallel_loop3A_761 = arith.subi %parallel_loop3A_760, %parallel_loop3A_758 : vector<16xi32>
          %parallel_loop3A_762 = arith.shli %parallel_loop3A_752, %parallel_loop3A_761 : vector<16xi32>
          %parallel_loop3A_763 = arith.constant -65536 : i32
          %parallel_loop3A_764 = vector.broadcast %parallel_loop3A_763 : i32 to vector<16xi32>
          %parallel_loop3A_765 = arith.andi %parallel_loop3A_762, %parallel_loop3A_764 : vector<16xi32>
          %parallel_loop3A_766 = vector.bitcast %parallel_loop3A_765 : vector<16xi32> to vector<16xf32>
          %parallel_loop3A_767 = arith.mulf %parallel_loop3A_766, %parallel_loop3A_748 : vector<16xf32>
          tpu.vector_store_idx %arg9[%parallel_loop3A_744, %iota3A], %parallel_loop3A_767 {add = true} : memref<4096x16xf32, #tpu.memory_space<vmem>>[vector<16xi32>, vector<16xi32>], vector<16xf32>,
          %parallel_loop3A_768 = arith.constant 14 : i32
          %parallel_loop3A_769 = vector.broadcast %parallel_loop3A_768 : i32 to vector<16xi32>
          %parallel_loop3A_770 = arith.constant 0 : i32
          %parallel_loop3A_771 = vector.broadcast %parallel_loop3A_770 : i32 to vector<16xi32>
          %parallel_loop3A_772 = arith.cmpi slt, %parallel_loop3A_769, %parallel_loop3A_771 : vector<16xi32>
          %parallel_loop3A_773 = arith.constant 16 : i32
          %parallel_loop3A_774 = vector.broadcast %parallel_loop3A_773 : i32 to vector<16xi32>
          %parallel_loop3A_775 = arith.addi %parallel_loop3A_769, %parallel_loop3A_774 : vector<16xi32>
          %parallel_loop3A_776 = arith.select %parallel_loop3A_772, %parallel_loop3A_775, %parallel_loop3A_769 : vector<16xi1>, vector<16xi32>
          %parallel_loop3A_777 = vector.shape_cast %parallel_loop3A_776 : vector<16xi32> to vector<16x1xi32>
          %parallel_loop3A_778 = vector.shape_cast %parallel_loop3A_777 : vector<16x1xi32> to vector<16xi32>
          %parallel_loop3A_779 = tpu.dynamic_gather %parallel_loop3A_89[%parallel_loop3A_778] in [0] : vector<16xi32>, vector<16xi32> -> vector<16xi32>
          %parallel_loop3A_780 = arith.constant 0 : i32
          %parallel_loop3A_781 = vector.broadcast %parallel_loop3A_780 : i32 to vector<16xi32>
          %parallel_loop3A_782 = arith.cmpi slt, %parallel_loop3A_769, %parallel_loop3A_781 : vector<16xi32>
          %parallel_loop3A_783 = arith.constant 16 : i32
          %parallel_loop3A_784 = vector.broadcast %parallel_loop3A_783 : i32 to vector<16xi32>
          %parallel_loop3A_785 = arith.addi %parallel_loop3A_769, %parallel_loop3A_784 : vector<16xi32>
          %parallel_loop3A_786 = arith.select %parallel_loop3A_782, %parallel_loop3A_785, %parallel_loop3A_769 : vector<16xi1>, vector<16xi32>
          %parallel_loop3A_787 = vector.shape_cast %parallel_loop3A_786 : vector<16xi32> to vector<16x1xi32>
          %parallel_loop3A_788 = vector.shape_cast %parallel_loop3A_787 : vector<16x1xi32> to vector<16xi32>
          %parallel_loop3A_789 = tpu.dynamic_gather %parallel_loop3A_95[%parallel_loop3A_788] in [0] : vector<16xi32>, vector<16xi32> -> vector<16xi32>
          %parallel_loop3A_790 = arith.constant 65535 : i32
          %parallel_loop3A_791 = vector.broadcast %parallel_loop3A_790 : i32 to vector<16xi32>
          %parallel_loop3A_792 = arith.andi %parallel_loop3A_779, %parallel_loop3A_791 : vector<16xi32>
          %parallel_loop3A_793 = arith.constant -65536 : i32
          %parallel_loop3A_794 = vector.broadcast %parallel_loop3A_793 : i32 to vector<16xi32>
          %parallel_loop3A_795 = arith.andi %parallel_loop3A_779, %parallel_loop3A_794 : vector<16xi32>
          %parallel_loop3A_796 = vector.bitcast %parallel_loop3A_795 : vector<16xi32> to vector<16xf32>
          %parallel_loop3A_797 = arith.constant 2047 : i32
          %parallel_loop3A_798 = vector.broadcast %parallel_loop3A_797 : i32 to vector<16xi32>
          %parallel_loop3A_799 = arith.andi %parallel_loop3A_789, %parallel_loop3A_798 : vector<16xi32>
          %parallel_loop3A_800 = tpu.vector_load_idx %arg8[%parallel_loop3A_799, %iota3A] : memref<2048x16xi32, #tpu.memory_space<vmem>>[vector<16xi32>, vector<16xi32>], vector<16xi32>,
          %parallel_loop3A_801 = arith.constant 11 : i32
          %parallel_loop3A_802 = vector.broadcast %parallel_loop3A_801 : i32 to vector<16xi32>
          %parallel_loop3A_803 = arith.shrsi %parallel_loop3A_789, %parallel_loop3A_802 : vector<16xi32>
          %parallel_loop3A_804 = arith.constant 4 : i32
          %parallel_loop3A_805 = vector.broadcast %parallel_loop3A_804 : i32 to vector<16xi32>
          %parallel_loop3A_806 = arith.shli %parallel_loop3A_803, %parallel_loop3A_805 : vector<16xi32>
          %parallel_loop3A_807 = arith.constant 16 : i32
          %parallel_loop3A_808 = vector.broadcast %parallel_loop3A_807 : i32 to vector<16xi32>
          %parallel_loop3A_809 = arith.subi %parallel_loop3A_808, %parallel_loop3A_806 : vector<16xi32>
          %parallel_loop3A_810 = arith.shli %parallel_loop3A_800, %parallel_loop3A_809 : vector<16xi32>
          %parallel_loop3A_811 = arith.constant -65536 : i32
          %parallel_loop3A_812 = vector.broadcast %parallel_loop3A_811 : i32 to vector<16xi32>
          %parallel_loop3A_813 = arith.andi %parallel_loop3A_810, %parallel_loop3A_812 : vector<16xi32>
          %parallel_loop3A_814 = vector.bitcast %parallel_loop3A_813 : vector<16xi32> to vector<16xf32>
          %parallel_loop3A_815 = arith.mulf %parallel_loop3A_814, %parallel_loop3A_796 : vector<16xf32>
          tpu.vector_store_idx %arg9[%parallel_loop3A_792, %iota3A], %parallel_loop3A_815 {add = true} : memref<4096x16xf32, #tpu.memory_space<vmem>>[vector<16xi32>, vector<16xi32>], vector<16xf32>,
          %parallel_loop3A_816 = arith.constant 15 : i32
          %parallel_loop3A_817 = vector.broadcast %parallel_loop3A_816 : i32 to vector<16xi32>
          %parallel_loop3A_818 = arith.constant 0 : i32
          %parallel_loop3A_819 = vector.broadcast %parallel_loop3A_818 : i32 to vector<16xi32>
          %parallel_loop3A_820 = arith.cmpi slt, %parallel_loop3A_817, %parallel_loop3A_819 : vector<16xi32>
          %parallel_loop3A_821 = arith.constant 16 : i32
          %parallel_loop3A_822 = vector.broadcast %parallel_loop3A_821 : i32 to vector<16xi32>
          %parallel_loop3A_823 = arith.addi %parallel_loop3A_817, %parallel_loop3A_822 : vector<16xi32>
          %parallel_loop3A_824 = arith.select %parallel_loop3A_820, %parallel_loop3A_823, %parallel_loop3A_817 : vector<16xi1>, vector<16xi32>
          %parallel_loop3A_825 = vector.shape_cast %parallel_loop3A_824 : vector<16xi32> to vector<16x1xi32>
          %parallel_loop3A_826 = vector.shape_cast %parallel_loop3A_825 : vector<16x1xi32> to vector<16xi32>
          %parallel_loop3A_827 = tpu.dynamic_gather %parallel_loop3A_89[%parallel_loop3A_826] in [0] : vector<16xi32>, vector<16xi32> -> vector<16xi32>
          %parallel_loop3A_828 = arith.constant 0 : i32
          %parallel_loop3A_829 = vector.broadcast %parallel_loop3A_828 : i32 to vector<16xi32>
          %parallel_loop3A_830 = arith.cmpi slt, %parallel_loop3A_817, %parallel_loop3A_829 : vector<16xi32>
          %parallel_loop3A_831 = arith.constant 16 : i32
          %parallel_loop3A_832 = vector.broadcast %parallel_loop3A_831 : i32 to vector<16xi32>
          %parallel_loop3A_833 = arith.addi %parallel_loop3A_817, %parallel_loop3A_832 : vector<16xi32>
          %parallel_loop3A_834 = arith.select %parallel_loop3A_830, %parallel_loop3A_833, %parallel_loop3A_817 : vector<16xi1>, vector<16xi32>
          %parallel_loop3A_835 = vector.shape_cast %parallel_loop3A_834 : vector<16xi32> to vector<16x1xi32>
          %parallel_loop3A_836 = vector.shape_cast %parallel_loop3A_835 : vector<16x1xi32> to vector<16xi32>
          %parallel_loop3A_837 = tpu.dynamic_gather %parallel_loop3A_95[%parallel_loop3A_836] in [0] : vector<16xi32>, vector<16xi32> -> vector<16xi32>
          %parallel_loop3A_838 = arith.constant 65535 : i32
          %parallel_loop3A_839 = vector.broadcast %parallel_loop3A_838 : i32 to vector<16xi32>
          %parallel_loop3A_840 = arith.andi %parallel_loop3A_827, %parallel_loop3A_839 : vector<16xi32>
          %parallel_loop3A_841 = arith.constant -65536 : i32
          %parallel_loop3A_842 = vector.broadcast %parallel_loop3A_841 : i32 to vector<16xi32>
          %parallel_loop3A_843 = arith.andi %parallel_loop3A_827, %parallel_loop3A_842 : vector<16xi32>
          %parallel_loop3A_844 = vector.bitcast %parallel_loop3A_843 : vector<16xi32> to vector<16xf32>
          %parallel_loop3A_845 = arith.constant 2047 : i32
          %parallel_loop3A_846 = vector.broadcast %parallel_loop3A_845 : i32 to vector<16xi32>
          %parallel_loop3A_847 = arith.andi %parallel_loop3A_837, %parallel_loop3A_846 : vector<16xi32>
          %parallel_loop3A_848 = tpu.vector_load_idx %arg8[%parallel_loop3A_847, %iota3A] : memref<2048x16xi32, #tpu.memory_space<vmem>>[vector<16xi32>, vector<16xi32>], vector<16xi32>,
          %parallel_loop3A_849 = arith.constant 11 : i32
          %parallel_loop3A_850 = vector.broadcast %parallel_loop3A_849 : i32 to vector<16xi32>
          %parallel_loop3A_851 = arith.shrsi %parallel_loop3A_837, %parallel_loop3A_850 : vector<16xi32>
          %parallel_loop3A_852 = arith.constant 4 : i32
          %parallel_loop3A_853 = vector.broadcast %parallel_loop3A_852 : i32 to vector<16xi32>
          %parallel_loop3A_854 = arith.shli %parallel_loop3A_851, %parallel_loop3A_853 : vector<16xi32>
          %parallel_loop3A_855 = arith.constant 16 : i32
          %parallel_loop3A_856 = vector.broadcast %parallel_loop3A_855 : i32 to vector<16xi32>
          %parallel_loop3A_857 = arith.subi %parallel_loop3A_856, %parallel_loop3A_854 : vector<16xi32>
          %parallel_loop3A_858 = arith.shli %parallel_loop3A_848, %parallel_loop3A_857 : vector<16xi32>
          %parallel_loop3A_859 = arith.constant -65536 : i32
          %parallel_loop3A_860 = vector.broadcast %parallel_loop3A_859 : i32 to vector<16xi32>
          %parallel_loop3A_861 = arith.andi %parallel_loop3A_858, %parallel_loop3A_860 : vector<16xi32>
          %parallel_loop3A_862 = vector.bitcast %parallel_loop3A_861 : vector<16xi32> to vector<16xf32>
          %parallel_loop3A_863 = arith.mulf %parallel_loop3A_862, %parallel_loop3A_844 : vector<16xf32>
          tpu.vector_store_idx %arg9[%parallel_loop3A_840, %iota3A], %parallel_loop3A_863 {add = true} : memref<4096x16xf32, #tpu.memory_space<vmem>>[vector<16xi32>, vector<16xi32>], vector<16xf32>,
        } {sc.loop_unroll_factor = 2 : i64, sc.parallel_access}
      }
      %scan3A_79 = arith.constant 16 : i32
    }
    %scan3A_41 = arith.constant 16 : i32
    %mul3A_42 = arith.constant 16 : i32
    %mul3A_43 = arith.muli %select_n3A_7, %mul3A_42 : i32
    "tpu.region"() ({
      %run_scoped3A = tpu.sem_alloc : memref<!tpu.dma_semaphore, #tpu.memory_space<semaphore_mem>>
      %dma_start3A = arith.constant 0 : i32
      %dma_start3A_44 = tpu.memref_slice %arg5[%add3A_30, %dma_start3A, %mul3A_43] : memref<2x4096x256xf32, #tpu.memory_space<hbm>> -> memref<1x4096x16xf32, #tpu.memory_space<hbm>>
      %dma_start3A_45 = tpu.memref_squeeze %dma_start3A_44 : memref<1x4096x16xf32, #tpu.memory_space<hbm>> -> memref<4096x16xf32, #tpu.memory_space<hbm>>
      %dma_start3A_46 = arith.constant 0 : i32
      %dma_start3A_47 = tpu.memref_slice %arg5[%add3A_30, %dma_start3A_46, %mul3A_43] : memref<2x4096x256xf32, #tpu.memory_space<hbm>> -> memref<1x4096x16xf32, #tpu.memory_space<hbm>>
      %dma_start3A_48 = tpu.memref_squeeze %dma_start3A_47 : memref<1x4096x16xf32, #tpu.memory_space<hbm>> -> memref<4096x16xf32, #tpu.memory_space<hbm>>
      tpu.enqueue_dma source(%arg9 : memref<4096x16xf32, #tpu.memory_space<vmem>>) target(%dma_start3A_48 : memref<4096x16xf32, #tpu.memory_space<hbm>>) target_semaphore(%run_scoped3A : memref<!tpu.dma_semaphore, #tpu.memory_space<semaphore_mem>>)
      %dma_wait3A = arith.constant 0 : i32
      %dma_wait3A_49 = tpu.memref_slice %arg5[%add3A_30, %dma_wait3A, %mul3A_43] : memref<2x4096x256xf32, #tpu.memory_space<hbm>> -> memref<1x4096x16xf32, #tpu.memory_space<hbm>>
      %dma_wait3A_50 = tpu.memref_squeeze %dma_wait3A_49 : memref<1x4096x16xf32, #tpu.memory_space<hbm>> -> memref<4096x16xf32, #tpu.memory_space<hbm>>
      %dma_wait3A_51 = arith.constant 0 : i32
      %dma_wait3A_52 = tpu.memref_slice %arg5[%add3A_30, %dma_wait3A_51, %mul3A_43] : memref<2x4096x256xf32, #tpu.memory_space<hbm>> -> memref<1x4096x16xf32, #tpu.memory_space<hbm>>
      %dma_wait3A_53 = tpu.memref_squeeze %dma_wait3A_52 : memref<1x4096x16xf32, #tpu.memory_space<hbm>> -> memref<4096x16xf32, #tpu.memory_space<hbm>>
      tpu.wait_dma2 semaphore(%run_scoped3A : memref<!tpu.dma_semaphore, #tpu.memory_space<semaphore_mem>>) src(%arg9 : memref<4096x16xf32, #tpu.memory_space<vmem>>) dst(%dma_wait3A_53 : memref<4096x16xf32, #tpu.memory_space<hbm>>)
      tpu.yield
    }) : () -> ()
    return
  }
}

#map = affine_map<(d0, d1) -> (0, 0)>
module attributes {stable_mosaic.version = 14 : i64} {
  func.func @_deg_body(%arg0: i32, %arg1: i32, %arg2: memref<32x2048xi32, #tpu.memory_space<hbm>>, %arg3: memref<32x2048xf32, #tpu.memory_space<hbm>>, %arg4: memref<32x4096xf32, #tpu.memory_space<hbm>>, %arg5: memref<32x2048xi32, #tpu.memory_space<hbm>>, %arg6: memref<2048xi32, #tpu.memory_space<vmem>>, %arg7: memref<2048xf32, #tpu.memory_space<vmem>>, %arg8: memref<4096xf32, #tpu.memory_space<vmem>>, %arg9: memref<2048xi32, #tpu.memory_space<vmem>>) attributes {dimension_semantics = [#tpu.dimension_semantics<core_parallel>, #tpu.dimension_semantics<subcore_parallel>], iteration_bounds = array<i64: 2, 16>, scalar_prefetch = 0 : i64, scratch_operands = 4 : i64, tpu.core_type = #tpu.core_type<sc_vector_subcore>, window_params = [{transform_indices = #map}, {transform_indices = #map}, {transform_indices = #map}, {transform_indices = #map}]} {
    %mul3A = arith.constant 2 : i32
    %mul3A_0 = arith.muli %arg1, %mul3A : i32
    %add3A = arith.addi %mul3A_0, %arg0 : i32
    "tpu.region"() ({
      %run_scoped3A = tpu.sem_alloc : memref<!tpu.dma_semaphore, #tpu.memory_space<semaphore_mem>>
      %dma_start3A = arith.constant 0 : i32
      %dma_start3A_12 = tpu.memref_slice %arg2[%add3A, %dma_start3A] : memref<32x2048xi32, #tpu.memory_space<hbm>> -> memref<1x2048xi32, #tpu.memory_space<hbm>>
      %dma_start3A_13 = tpu.memref_squeeze %dma_start3A_12 : memref<1x2048xi32, #tpu.memory_space<hbm>> -> memref<2048xi32, #tpu.memory_space<hbm>>
      %dma_start3A_14 = arith.constant 0 : i32
      %dma_start3A_15 = tpu.memref_slice %arg2[%add3A, %dma_start3A_14] : memref<32x2048xi32, #tpu.memory_space<hbm>> -> memref<1x2048xi32, #tpu.memory_space<hbm>>
      %dma_start3A_16 = tpu.memref_squeeze %dma_start3A_15 : memref<1x2048xi32, #tpu.memory_space<hbm>> -> memref<2048xi32, #tpu.memory_space<hbm>>
      tpu.enqueue_dma source(%dma_start3A_16 : memref<2048xi32, #tpu.memory_space<hbm>>) target(%arg6 : memref<2048xi32, #tpu.memory_space<vmem>>) target_semaphore(%run_scoped3A : memref<!tpu.dma_semaphore, #tpu.memory_space<semaphore_mem>>)
      %dma_wait3A = arith.constant 0 : i32
      %dma_wait3A_17 = tpu.memref_slice %arg2[%add3A, %dma_wait3A] : memref<32x2048xi32, #tpu.memory_space<hbm>> -> memref<1x2048xi32, #tpu.memory_space<hbm>>
      %dma_wait3A_18 = tpu.memref_squeeze %dma_wait3A_17 : memref<1x2048xi32, #tpu.memory_space<hbm>> -> memref<2048xi32, #tpu.memory_space<hbm>>
      %dma_wait3A_19 = arith.constant 0 : i32
      %dma_wait3A_20 = tpu.memref_slice %arg2[%add3A, %dma_wait3A_19] : memref<32x2048xi32, #tpu.memory_space<hbm>> -> memref<1x2048xi32, #tpu.memory_space<hbm>>
      %dma_wait3A_21 = tpu.memref_squeeze %dma_wait3A_20 : memref<1x2048xi32, #tpu.memory_space<hbm>> -> memref<2048xi32, #tpu.memory_space<hbm>>
      tpu.wait_dma2 semaphore(%run_scoped3A : memref<!tpu.dma_semaphore, #tpu.memory_space<semaphore_mem>>) src(%dma_wait3A_21 : memref<2048xi32, #tpu.memory_space<hbm>>) dst(%arg6 : memref<2048xi32, #tpu.memory_space<vmem>>)
      tpu.yield
    }) : () -> ()
    "tpu.region"() ({
      %run_scoped3A = tpu.sem_alloc : memref<!tpu.dma_semaphore, #tpu.memory_space<semaphore_mem>>
      %dma_start3A = arith.constant 0 : i32
      %dma_start3A_12 = tpu.memref_slice %arg3[%add3A, %dma_start3A] : memref<32x2048xf32, #tpu.memory_space<hbm>> -> memref<1x2048xf32, #tpu.memory_space<hbm>>
      %dma_start3A_13 = tpu.memref_squeeze %dma_start3A_12 : memref<1x2048xf32, #tpu.memory_space<hbm>> -> memref<2048xf32, #tpu.memory_space<hbm>>
      %dma_start3A_14 = arith.constant 0 : i32
      %dma_start3A_15 = tpu.memref_slice %arg3[%add3A, %dma_start3A_14] : memref<32x2048xf32, #tpu.memory_space<hbm>> -> memref<1x2048xf32, #tpu.memory_space<hbm>>
      %dma_start3A_16 = tpu.memref_squeeze %dma_start3A_15 : memref<1x2048xf32, #tpu.memory_space<hbm>> -> memref<2048xf32, #tpu.memory_space<hbm>>
      tpu.enqueue_dma source(%dma_start3A_16 : memref<2048xf32, #tpu.memory_space<hbm>>) target(%arg7 : memref<2048xf32, #tpu.memory_space<vmem>>) target_semaphore(%run_scoped3A : memref<!tpu.dma_semaphore, #tpu.memory_space<semaphore_mem>>)
      %dma_wait3A = arith.constant 0 : i32
      %dma_wait3A_17 = tpu.memref_slice %arg3[%add3A, %dma_wait3A] : memref<32x2048xf32, #tpu.memory_space<hbm>> -> memref<1x2048xf32, #tpu.memory_space<hbm>>
      %dma_wait3A_18 = tpu.memref_squeeze %dma_wait3A_17 : memref<1x2048xf32, #tpu.memory_space<hbm>> -> memref<2048xf32, #tpu.memory_space<hbm>>
      %dma_wait3A_19 = arith.constant 0 : i32
      %dma_wait3A_20 = tpu.memref_slice %arg3[%add3A, %dma_wait3A_19] : memref<32x2048xf32, #tpu.memory_space<hbm>> -> memref<1x2048xf32, #tpu.memory_space<hbm>>
      %dma_wait3A_21 = tpu.memref_squeeze %dma_wait3A_20 : memref<1x2048xf32, #tpu.memory_space<hbm>> -> memref<2048xf32, #tpu.memory_space<hbm>>
      tpu.wait_dma2 semaphore(%run_scoped3A : memref<!tpu.dma_semaphore, #tpu.memory_space<semaphore_mem>>) src(%dma_wait3A_21 : memref<2048xf32, #tpu.memory_space<hbm>>) dst(%arg7 : memref<2048xf32, #tpu.memory_space<vmem>>)
      tpu.yield
    }) : () -> ()
    %scan3A = arith.constant 0 : i32
    %scan3A_1 = arith.constant 0 : i32
    %scan3A_2 = arith.constant 256 : i32
    %scan3A_3 = arith.addi %scan3A_1, %scan3A_2 : i32
    %scan3A_4 = arith.constant 1 : i32
    scf.for %scan3A_12 = %scan3A_1 to %scan3A_3 step %scan3A_4  : i32 {
      %broadcast_in_dim3A = arith.constant 0.000000e+00 : f32
      %broadcast_in_dim3A_13 = vector.broadcast %broadcast_in_dim3A : f32 to vector<16xf32>
      %mul3A_14 = arith.constant 16 : i32
      %mul3A_15 = arith.muli %scan3A_12, %mul3A_14 : i32
      %multiple_of3A = tpu.assume_multiple %mul3A_15, 16 : i32
      %swap3A = arith.index_cast %multiple_of3A : i32 to index
      %swap3A_16 = tpu.vector_load %arg8[%swap3A] {strides = array<i32>} : memref<4096xf32, #tpu.memory_space<vmem>>, vector<16xf32>,
      tpu.vector_store %arg8[%swap3A], %broadcast_in_dim3A_13 {strides = array<i32>} : memref<4096xf32, #tpu.memory_space<vmem>>, vector<16xf32>,
    }
    %scan3A_5 = arith.constant 256 : i32
    %scan3A_6 = arith.constant 0 : i32
    %scan3A_7 = arith.constant 0 : i32
    %scan3A_8 = arith.constant 128 : i32
    %scan3A_9 = arith.addi %scan3A_7, %scan3A_8 : i32
    %scan3A_10 = arith.constant 1 : i32
    scf.for %scan3A_12 = %scan3A_7 to %scan3A_9 step %scan3A_10  : i32 {
      %mul3A_13 = arith.constant 16 : i32
      %mul3A_14 = arith.muli %scan3A_12, %mul3A_13 : i32
      %multiple_of3A = tpu.assume_multiple %mul3A_14, 16 : i32
      %get3A = arith.index_cast %multiple_of3A : i32 to index
      %get3A_15 = tpu.vector_load %arg6[%get3A] {strides = array<i32>} : memref<2048xi32, #tpu.memory_space<vmem>>, vector<16xi32>,
      %get3A_16 = arith.index_cast %multiple_of3A : i32 to index
      %get3A_17 = tpu.vector_load %arg7[%get3A_16] {strides = array<i32>} : memref<2048xf32, #tpu.memory_space<vmem>>, vector<16xf32>,
      tpu.vector_store_idx %arg8[%get3A_15], %get3A_17 {add = true} : memref<4096xf32, #tpu.memory_space<vmem>>[vector<16xi32>], vector<16xf32>,
      %bitcast3A = vector.bitcast %get3A_17 : vector<16xf32> to vector<16xi32>
      %add3A_18 = arith.constant 32768 : i32
      %add3A_19 = vector.broadcast %add3A_18 : i32 to vector<16xi32>
      %add3A_20 = arith.addi %bitcast3A, %add3A_19 : vector<16xi32>
      %and3A = arith.constant -65536 : i32
      %and3A_21 = vector.broadcast %and3A : i32 to vector<16xi32>
      %and3A_22 = arith.andi %add3A_20, %and3A_21 : vector<16xi32>
      %or3A = arith.ori %get3A_15, %and3A_22 : vector<16xi32>
      %swap3A = arith.index_cast %multiple_of3A : i32 to index
      %swap3A_23 = tpu.vector_load %arg9[%swap3A] {strides = array<i32>} : memref<2048xi32, #tpu.memory_space<vmem>>, vector<16xi32>,
      tpu.vector_store %arg9[%swap3A], %or3A {strides = array<i32>} : memref<2048xi32, #tpu.memory_space<vmem>>, vector<16xi32>,
    }
    %scan3A_11 = arith.constant 128 : i32
    "tpu.region"() ({
      %run_scoped3A = tpu.sem_alloc : memref<!tpu.dma_semaphore, #tpu.memory_space<semaphore_mem>>
      %dma_start3A = arith.constant 0 : i32
      %dma_start3A_12 = tpu.memref_slice %arg4[%add3A, %dma_start3A] : memref<32x4096xf32, #tpu.memory_space<hbm>> -> memref<1x4096xf32, #tpu.memory_space<hbm>>
      %dma_start3A_13 = tpu.memref_squeeze %dma_start3A_12 : memref<1x4096xf32, #tpu.memory_space<hbm>> -> memref<4096xf32, #tpu.memory_space<hbm>>
      %dma_start3A_14 = arith.constant 0 : i32
      %dma_start3A_15 = tpu.memref_slice %arg4[%add3A, %dma_start3A_14] : memref<32x4096xf32, #tpu.memory_space<hbm>> -> memref<1x4096xf32, #tpu.memory_space<hbm>>
      %dma_start3A_16 = tpu.memref_squeeze %dma_start3A_15 : memref<1x4096xf32, #tpu.memory_space<hbm>> -> memref<4096xf32, #tpu.memory_space<hbm>>
      tpu.enqueue_dma source(%arg8 : memref<4096xf32, #tpu.memory_space<vmem>>) target(%dma_start3A_16 : memref<4096xf32, #tpu.memory_space<hbm>>) target_semaphore(%run_scoped3A : memref<!tpu.dma_semaphore, #tpu.memory_space<semaphore_mem>>)
      %dma_wait3A = arith.constant 0 : i32
      %dma_wait3A_17 = tpu.memref_slice %arg4[%add3A, %dma_wait3A] : memref<32x4096xf32, #tpu.memory_space<hbm>> -> memref<1x4096xf32, #tpu.memory_space<hbm>>
      %dma_wait3A_18 = tpu.memref_squeeze %dma_wait3A_17 : memref<1x4096xf32, #tpu.memory_space<hbm>> -> memref<4096xf32, #tpu.memory_space<hbm>>
      %dma_wait3A_19 = arith.constant 0 : i32
      %dma_wait3A_20 = tpu.memref_slice %arg4[%add3A, %dma_wait3A_19] : memref<32x4096xf32, #tpu.memory_space<hbm>> -> memref<1x4096xf32, #tpu.memory_space<hbm>>
      %dma_wait3A_21 = tpu.memref_squeeze %dma_wait3A_20 : memref<1x4096xf32, #tpu.memory_space<hbm>> -> memref<4096xf32, #tpu.memory_space<hbm>>
      tpu.wait_dma2 semaphore(%run_scoped3A : memref<!tpu.dma_semaphore, #tpu.memory_space<semaphore_mem>>) src(%arg8 : memref<4096xf32, #tpu.memory_space<vmem>>) dst(%dma_wait3A_21 : memref<4096xf32, #tpu.memory_space<hbm>>)
      tpu.yield
    }) : () -> ()
    "tpu.region"() ({
      %run_scoped3A = tpu.sem_alloc : memref<!tpu.dma_semaphore, #tpu.memory_space<semaphore_mem>>
      %dma_start3A = arith.constant 0 : i32
      %dma_start3A_12 = tpu.memref_slice %arg5[%add3A, %dma_start3A] : memref<32x2048xi32, #tpu.memory_space<hbm>> -> memref<1x2048xi32, #tpu.memory_space<hbm>>
      %dma_start3A_13 = tpu.memref_squeeze %dma_start3A_12 : memref<1x2048xi32, #tpu.memory_space<hbm>> -> memref<2048xi32, #tpu.memory_space<hbm>>
      %dma_start3A_14 = arith.constant 0 : i32
      %dma_start3A_15 = tpu.memref_slice %arg5[%add3A, %dma_start3A_14] : memref<32x2048xi32, #tpu.memory_space<hbm>> -> memref<1x2048xi32, #tpu.memory_space<hbm>>
      %dma_start3A_16 = tpu.memref_squeeze %dma_start3A_15 : memref<1x2048xi32, #tpu.memory_space<hbm>> -> memref<2048xi32, #tpu.memory_space<hbm>>
      tpu.enqueue_dma source(%arg9 : memref<2048xi32, #tpu.memory_space<vmem>>) target(%dma_start3A_16 : memref<2048xi32, #tpu.memory_space<hbm>>) target_semaphore(%run_scoped3A : memref<!tpu.dma_semaphore, #tpu.memory_space<semaphore_mem>>)
      %dma_wait3A = arith.constant 0 : i32
      %dma_wait3A_17 = tpu.memref_slice %arg5[%add3A, %dma_wait3A] : memref<32x2048xi32, #tpu.memory_space<hbm>> -> memref<1x2048xi32, #tpu.memory_space<hbm>>
      %dma_wait3A_18 = tpu.memref_squeeze %dma_wait3A_17 : memref<1x2048xi32, #tpu.memory_space<hbm>> -> memref<2048xi32, #tpu.memory_space<hbm>>
      %dma_wait3A_19 = arith.constant 0 : i32
      %dma_wait3A_20 = tpu.memref_slice %arg5[%add3A, %dma_wait3A_19] : memref<32x2048xi32, #tpu.memory_space<hbm>> -> memref<1x2048xi32, #tpu.memory_space<hbm>>
      %dma_wait3A_21 = tpu.memref_squeeze %dma_wait3A_20 : memref<1x2048xi32, #tpu.memory_space<hbm>> -> memref<2048xi32, #tpu.memory_space<hbm>>
      tpu.wait_dma2 semaphore(%run_scoped3A : memref<!tpu.dma_semaphore, #tpu.memory_space<semaphore_mem>>) src(%arg9 : memref<2048xi32, #tpu.memory_space<vmem>>) dst(%dma_wait3A_21 : memref<2048xi32, #tpu.memory_space<hbm>>)
      tpu.yield
    }) : () -> ()
    return
  }
}

#map = affine_map<(d0, d1) -> (0, 0, 0)>
#map1 = affine_map<(d0, d1) -> (0)>
#map2 = affine_map<(d0, d1) -> (0, 0)>
module attributes {stable_mosaic.version = 14 : i64} {
  func.func @_agg_body(%arg0: i32, %arg1: i32, %arg2: memref<8x2048x16xi32, #tpu.memory_space<hbm>>, %arg3: memref<65536xi32, #tpu.memory_space<hbm>>, %arg4: memref<512x128xi32, #tpu.memory_space<hbm>>, %arg5: memref<4x4096x128xf32, #tpu.memory_space<hbm>>, %arg6: memref<2048xi32, #tpu.memory_space<vmem>>, %arg7: memref<16x128xi32, #tpu.memory_space<vmem>>, %arg8: memref<2048x16xi32, #tpu.memory_space<vmem>>, %arg9: memref<4096x16xf32, #tpu.memory_space<vmem>>) attributes {dimension_semantics = [#tpu.dimension_semantics<core_parallel>, #tpu.dimension_semantics<subcore_parallel>], iteration_bounds = array<i64: 2, 16>, scalar_prefetch = 0 : i64, scratch_operands = 4 : i64, tpu.core_type = #tpu.core_type<sc_vector_subcore>, window_params = [{transform_indices = #map}, {transform_indices = #map1}, {transform_indices = #map2}, {transform_indices = #map}]} {
    %jit3A = arith.constant 8 : i32
    %eq3A = arith.constant 0 : i32
    %eq3A_0 = arith.cmpi eq, %jit3A, %eq3A : i32
    %jit3A_1 = arith.constant 1 : i32
    %select_n3A = arith.select %eq3A_0, %jit3A_1, %jit3A : i32
    %rem3A = arith.remsi %arg1, %select_n3A : i32
    %ne3A = arith.constant 0 : i32
    %ne3A_2 = arith.cmpi ne, %rem3A, %ne3A : i32
    %lt3A = arith.constant 0 : i32
    %lt3A_3 = arith.cmpi slt, %rem3A, %lt3A : i32
    %lt3A_4 = arith.constant 0 : i32
    %lt3A_5 = arith.cmpi slt, %select_n3A, %lt3A_4 : i32
    %ne3A_6 = arith.xori %lt3A_3, %lt3A_5 : i1
    %and3A = arith.andi %ne3A_6, %ne3A_2 : i1
    %add3A = arith.addi %rem3A, %select_n3A : i32
    %select_n3A_7 = arith.select %and3A, %add3A, %rem3A : i32
    %mul3A = arith.constant 2 : i32
    %mul3A_8 = arith.muli %arg0, %mul3A : i32
    %jit3A_9 = arith.constant 8 : i32
    %div3A = arith.divsi %arg1, %jit3A_9 : i32
    %sign3A = arith.constant 0 : i32
    %sign3A_10 = arith.cmpi sgt, %arg1, %sign3A : i32
    %sign3A_11 = arith.extui %sign3A_10 : i1 to i32
    %sign3A_12 = arith.constant 0 : i32
    %sign3A_13 = arith.cmpi slt, %arg1, %sign3A_12 : i32
    %sign3A_14 = arith.extui %sign3A_13 : i1 to i32
    %sign3A_15 = arith.subi %sign3A_11, %sign3A_14 : i32
    %sign3A_16 = arith.constant 0 : i32
    %sign3A_17 = arith.cmpi sgt, %jit3A_9, %sign3A_16 : i32
    %sign3A_18 = arith.extui %sign3A_17 : i1 to i32
    %sign3A_19 = arith.constant 0 : i32
    %sign3A_20 = arith.cmpi slt, %jit3A_9, %sign3A_19 : i32
    %sign3A_21 = arith.extui %sign3A_20 : i1 to i32
    %sign3A_22 = arith.subi %sign3A_18, %sign3A_21 : i32
    %ne3A_23 = arith.cmpi ne, %sign3A_15, %sign3A_22 : i32
    %rem3A_24 = arith.remsi %arg1, %jit3A_9 : i32
    %ne3A_25 = arith.constant 0 : i32
    %ne3A_26 = arith.cmpi ne, %rem3A_24, %ne3A_25 : i32
    %and3A_27 = arith.andi %ne3A_23, %ne3A_26 : i1
    %sub3A = arith.constant 1 : i32
    %sub3A_28 = arith.subi %div3A, %sub3A : i32
    %select_n3A_29 = arith.select %and3A_27, %sub3A_28, %div3A : i32
    %add3A_30 = arith.addi %mul3A_8, %select_n3A_29 : i32
    "tpu.region"() ({
      %run_scoped3A = tpu.sem_alloc : memref<!tpu.dma_semaphore, #tpu.memory_space<semaphore_mem>>
      %dma_start3A = arith.constant 0 : i32
      %dma_start3A_44 = arith.constant 0 : i32
      %dma_start3A_45 = tpu.memref_slice %arg2[%select_n3A_7, %dma_start3A, %dma_start3A_44] : memref<8x2048x16xi32, #tpu.memory_space<hbm>> -> memref<1x2048x16xi32, #tpu.memory_space<hbm>>
      %dma_start3A_46 = tpu.memref_squeeze %dma_start3A_45 : memref<1x2048x16xi32, #tpu.memory_space<hbm>> -> memref<2048x16xi32, #tpu.memory_space<hbm>>
      %dma_start3A_47 = arith.constant 0 : i32
      %dma_start3A_48 = arith.constant 0 : i32
      %dma_start3A_49 = tpu.memref_slice %arg2[%select_n3A_7, %dma_start3A_47, %dma_start3A_48] : memref<8x2048x16xi32, #tpu.memory_space<hbm>> -> memref<1x2048x16xi32, #tpu.memory_space<hbm>>
      %dma_start3A_50 = tpu.memref_squeeze %dma_start3A_49 : memref<1x2048x16xi32, #tpu.memory_space<hbm>> -> memref<2048x16xi32, #tpu.memory_space<hbm>>
      tpu.enqueue_dma source(%dma_start3A_50 : memref<2048x16xi32, #tpu.memory_space<hbm>>) target(%arg8 : memref<2048x16xi32, #tpu.memory_space<vmem>>) target_semaphore(%run_scoped3A : memref<!tpu.dma_semaphore, #tpu.memory_space<semaphore_mem>>)
      %dma_wait3A = arith.constant 0 : i32
      %dma_wait3A_51 = arith.constant 0 : i32
      %dma_wait3A_52 = tpu.memref_slice %arg2[%select_n3A_7, %dma_wait3A, %dma_wait3A_51] : memref<8x2048x16xi32, #tpu.memory_space<hbm>> -> memref<1x2048x16xi32, #tpu.memory_space<hbm>>
      %dma_wait3A_53 = tpu.memref_squeeze %dma_wait3A_52 : memref<1x2048x16xi32, #tpu.memory_space<hbm>> -> memref<2048x16xi32, #tpu.memory_space<hbm>>
      %dma_wait3A_54 = arith.constant 0 : i32
      %dma_wait3A_55 = arith.constant 0 : i32
      %dma_wait3A_56 = tpu.memref_slice %arg2[%select_n3A_7, %dma_wait3A_54, %dma_wait3A_55] : memref<8x2048x16xi32, #tpu.memory_space<hbm>> -> memref<1x2048x16xi32, #tpu.memory_space<hbm>>
      %dma_wait3A_57 = tpu.memref_squeeze %dma_wait3A_56 : memref<1x2048x16xi32, #tpu.memory_space<hbm>> -> memref<2048x16xi32, #tpu.memory_space<hbm>>
      tpu.wait_dma2 semaphore(%run_scoped3A : memref<!tpu.dma_semaphore, #tpu.memory_space<semaphore_mem>>) src(%dma_wait3A_57 : memref<2048x16xi32, #tpu.memory_space<hbm>>) dst(%arg8 : memref<2048x16xi32, #tpu.memory_space<vmem>>)
      tpu.yield
    }) : () -> ()
    %scan3A = arith.constant 0 : i32
    %scan3A_31 = arith.constant 0 : i32
    %scan3A_32 = arith.constant 512 : i32
    %scan3A_33 = arith.addi %scan3A_31, %scan3A_32 : i32
    %scan3A_34 = arith.constant 1 : i32
    scf.for %scan3A_44 = %scan3A_31 to %scan3A_33 step %scan3A_34  : i32 {
      %broadcast_in_dim3A = arith.constant 0.000000e+00 : f32
      %broadcast_in_dim3A_45 = vector.broadcast %broadcast_in_dim3A : f32 to vector<16xf32>
      %mul3A_46 = arith.constant 8 : i32
      %mul3A_47 = arith.muli %scan3A_44, %mul3A_46 : i32
      %add3A_48 = arith.constant 0 : i32
      %add3A_49 = arith.addi %mul3A_47, %add3A_48 : i32
      %swap3A = arith.index_cast %add3A_49 : i32 to index
      %swap3A_50 = arith.constant 0 : index
      %swap3A_51 = tpu.vector_load %arg9[%swap3A, %swap3A_50] {strides = array<i32>} : memref<4096x16xf32, #tpu.memory_space<vmem>>, vector<16xf32>,
      tpu.vector_store %arg9[%swap3A, %swap3A_50], %broadcast_in_dim3A_45 {strides = array<i32>} : memref<4096x16xf32, #tpu.memory_space<vmem>>, vector<16xf32>,
      %broadcast_in_dim3A_52 = arith.constant 0.000000e+00 : f32
      %broadcast_in_dim3A_53 = vector.broadcast %broadcast_in_dim3A_52 : f32 to vector<16xf32>
      %mul3A_54 = arith.constant 8 : i32
      %mul3A_55 = arith.muli %scan3A_44, %mul3A_54 : i32
      %add3A_56 = arith.constant 1 : i32
      %add3A_57 = arith.addi %mul3A_55, %add3A_56 : i32
      %swap3A_58 = arith.index_cast %add3A_57 : i32 to index
      %swap3A_59 = arith.constant 0 : index
      %swap3A_60 = tpu.vector_load %arg9[%swap3A_58, %swap3A_59] {strides = array<i32>} : memref<4096x16xf32, #tpu.memory_space<vmem>>, vector<16xf32>,
      tpu.vector_store %arg9[%swap3A_58, %swap3A_59], %broadcast_in_dim3A_53 {strides = array<i32>} : memref<4096x16xf32, #tpu.memory_space<vmem>>, vector<16xf32>,
      %broadcast_in_dim3A_61 = arith.constant 0.000000e+00 : f32
      %broadcast_in_dim3A_62 = vector.broadcast %broadcast_in_dim3A_61 : f32 to vector<16xf32>
      %mul3A_63 = arith.constant 8 : i32
      %mul3A_64 = arith.muli %scan3A_44, %mul3A_63 : i32
      %add3A_65 = arith.constant 2 : i32
      %add3A_66 = arith.addi %mul3A_64, %add3A_65 : i32
      %swap3A_67 = arith.index_cast %add3A_66 : i32 to index
      %swap3A_68 = arith.constant 0 : index
      %swap3A_69 = tpu.vector_load %arg9[%swap3A_67, %swap3A_68] {strides = array<i32>} : memref<4096x16xf32, #tpu.memory_space<vmem>>, vector<16xf32>,
      tpu.vector_store %arg9[%swap3A_67, %swap3A_68], %broadcast_in_dim3A_62 {strides = array<i32>} : memref<4096x16xf32, #tpu.memory_space<vmem>>, vector<16xf32>,
      %broadcast_in_dim3A_70 = arith.constant 0.000000e+00 : f32
      %broadcast_in_dim3A_71 = vector.broadcast %broadcast_in_dim3A_70 : f32 to vector<16xf32>
      %mul3A_72 = arith.constant 8 : i32
      %mul3A_73 = arith.muli %scan3A_44, %mul3A_72 : i32
      %add3A_74 = arith.constant 3 : i32
      %add3A_75 = arith.addi %mul3A_73, %add3A_74 : i32
      %swap3A_76 = arith.index_cast %add3A_75 : i32 to index
      %swap3A_77 = arith.constant 0 : index
      %swap3A_78 = tpu.vector_load %arg9[%swap3A_76, %swap3A_77] {strides = array<i32>} : memref<4096x16xf32, #tpu.memory_space<vmem>>, vector<16xf32>,
      tpu.vector_store %arg9[%swap3A_76, %swap3A_77], %broadcast_in_dim3A_71 {strides = array<i32>} : memref<4096x16xf32, #tpu.memory_space<vmem>>, vector<16xf32>,
      %broadcast_in_dim3A_79 = arith.constant 0.000000e+00 : f32
      %broadcast_in_dim3A_80 = vector.broadcast %broadcast_in_dim3A_79 : f32 to vector<16xf32>
      %mul3A_81 = arith.constant 8 : i32
      %mul3A_82 = arith.muli %scan3A_44, %mul3A_81 : i32
      %add3A_83 = arith.constant 4 : i32
      %add3A_84 = arith.addi %mul3A_82, %add3A_83 : i32
      %swap3A_85 = arith.index_cast %add3A_84 : i32 to index
      %swap3A_86 = arith.constant 0 : index
      %swap3A_87 = tpu.vector_load %arg9[%swap3A_85, %swap3A_86] {strides = array<i32>} : memref<4096x16xf32, #tpu.memory_space<vmem>>, vector<16xf32>,
      tpu.vector_store %arg9[%swap3A_85, %swap3A_86], %broadcast_in_dim3A_80 {strides = array<i32>} : memref<4096x16xf32, #tpu.memory_space<vmem>>, vector<16xf32>,
      %broadcast_in_dim3A_88 = arith.constant 0.000000e+00 : f32
      %broadcast_in_dim3A_89 = vector.broadcast %broadcast_in_dim3A_88 : f32 to vector<16xf32>
      %mul3A_90 = arith.constant 8 : i32
      %mul3A_91 = arith.muli %scan3A_44, %mul3A_90 : i32
      %add3A_92 = arith.constant 5 : i32
      %add3A_93 = arith.addi %mul3A_91, %add3A_92 : i32
      %swap3A_94 = arith.index_cast %add3A_93 : i32 to index
      %swap3A_95 = arith.constant 0 : index
      %swap3A_96 = tpu.vector_load %arg9[%swap3A_94, %swap3A_95] {strides = array<i32>} : memref<4096x16xf32, #tpu.memory_space<vmem>>, vector<16xf32>,
      tpu.vector_store %arg9[%swap3A_94, %swap3A_95], %broadcast_in_dim3A_89 {strides = array<i32>} : memref<4096x16xf32, #tpu.memory_space<vmem>>, vector<16xf32>,
      %broadcast_in_dim3A_97 = arith.constant 0.000000e+00 : f32
      %broadcast_in_dim3A_98 = vector.broadcast %broadcast_in_dim3A_97 : f32 to vector<16xf32>
      %mul3A_99 = arith.constant 8 : i32
      %mul3A_100 = arith.muli %scan3A_44, %mul3A_99 : i32
      %add3A_101 = arith.constant 6 : i32
      %add3A_102 = arith.addi %mul3A_100, %add3A_101 : i32
      %swap3A_103 = arith.index_cast %add3A_102 : i32 to index
      %swap3A_104 = arith.constant 0 : index
      %swap3A_105 = tpu.vector_load %arg9[%swap3A_103, %swap3A_104] {strides = array<i32>} : memref<4096x16xf32, #tpu.memory_space<vmem>>, vector<16xf32>,
      tpu.vector_store %arg9[%swap3A_103, %swap3A_104], %broadcast_in_dim3A_98 {strides = array<i32>} : memref<4096x16xf32, #tpu.memory_space<vmem>>, vector<16xf32>,
      %broadcast_in_dim3A_106 = arith.constant 0.000000e+00 : f32
      %broadcast_in_dim3A_107 = vector.broadcast %broadcast_in_dim3A_106 : f32 to vector<16xf32>
      %mul3A_108 = arith.constant 8 : i32
      %mul3A_109 = arith.muli %scan3A_44, %mul3A_108 : i32
      %add3A_110 = arith.constant 7 : i32
      %add3A_111 = arith.addi %mul3A_109, %add3A_110 : i32
      %swap3A_112 = arith.index_cast %add3A_111 : i32 to index
      %swap3A_113 = arith.constant 0 : index
      %swap3A_114 = tpu.vector_load %arg9[%swap3A_112, %swap3A_113] {strides = array<i32>} : memref<4096x16xf32, #tpu.memory_space<vmem>>, vector<16xf32>,
      tpu.vector_store %arg9[%swap3A_112, %swap3A_113], %broadcast_in_dim3A_107 {strides = array<i32>} : memref<4096x16xf32, #tpu.memory_space<vmem>>, vector<16xf32>,
    }
    %scan3A_35 = arith.constant 512 : i32
    %iota3A = tpu.iota {dimensions = array<i32: 0>} : vector<16xi32>
    %scan3A_36 = arith.constant 0 : i32
    %scan3A_37 = arith.constant 0 : i32
    %scan3A_38 = arith.constant 8 : i32
    %scan3A_39 = arith.addi %scan3A_37, %scan3A_38 : i32
    %scan3A_40 = arith.constant 1 : i32
    scf.for %scan3A_44 = %scan3A_37 to %scan3A_39 step %scan3A_40  : i32 {
      %mul3A_45 = arith.constant 16384 : i32
      %mul3A_46 = arith.muli %add3A_30, %mul3A_45 : i32
      %mul3A_47 = arith.constant 2048 : i32
      %mul3A_48 = arith.muli %scan3A_44, %mul3A_47 : i32
      %add3A_49 = arith.addi %mul3A_46, %mul3A_48 : i32
      "tpu.region"() ({
        %run_scoped3A = tpu.sem_alloc : memref<!tpu.dma_semaphore, #tpu.memory_space<semaphore_mem>>
        %dma_start3A = tpu.memref_slice %arg3[%add3A_49] : memref<65536xi32, #tpu.memory_space<hbm>> -> memref<2048xi32, #tpu.memory_space<hbm>>
        %dma_start3A_80 = tpu.memref_slice %arg3[%add3A_49] : memref<65536xi32, #tpu.memory_space<hbm>> -> memref<2048xi32, #tpu.memory_space<hbm>>
        tpu.enqueue_dma source(%dma_start3A_80 : memref<2048xi32, #tpu.memory_space<hbm>>) target(%arg6 : memref<2048xi32, #tpu.memory_space<vmem>>) target_semaphore(%run_scoped3A : memref<!tpu.dma_semaphore, #tpu.memory_space<semaphore_mem>>)
        %dma_wait3A = tpu.memref_slice %arg3[%add3A_49] : memref<65536xi32, #tpu.memory_space<hbm>> -> memref<2048xi32, #tpu.memory_space<hbm>>
        %dma_wait3A_81 = tpu.memref_slice %arg3[%add3A_49] : memref<65536xi32, #tpu.memory_space<hbm>> -> memref<2048xi32, #tpu.memory_space<hbm>>
        tpu.wait_dma2 semaphore(%run_scoped3A : memref<!tpu.dma_semaphore, #tpu.memory_space<semaphore_mem>>) src(%dma_wait3A_81 : memref<2048xi32, #tpu.memory_space<hbm>>) dst(%arg6 : memref<2048xi32, #tpu.memory_space<vmem>>)
        tpu.yield
      }) : () -> ()
      %jit3A_50 = arith.constant 128 : i32
      %div3A_51 = arith.divsi %add3A_49, %jit3A_50 : i32
      %sign3A_52 = arith.constant 0 : i32
      %sign3A_53 = arith.cmpi sgt, %add3A_49, %sign3A_52 : i32
      %sign3A_54 = arith.extui %sign3A_53 : i1 to i32
      %sign3A_55 = arith.constant 0 : i32
      %sign3A_56 = arith.cmpi slt, %add3A_49, %sign3A_55 : i32
      %sign3A_57 = arith.extui %sign3A_56 : i1 to i32
      %sign3A_58 = arith.subi %sign3A_54, %sign3A_57 : i32
      %sign3A_59 = arith.constant 0 : i32
      %sign3A_60 = arith.cmpi sgt, %jit3A_50, %sign3A_59 : i32
      %sign3A_61 = arith.extui %sign3A_60 : i1 to i32
      %sign3A_62 = arith.constant 0 : i32
      %sign3A_63 = arith.cmpi slt, %jit3A_50, %sign3A_62 : i32
      %sign3A_64 = arith.extui %sign3A_63 : i1 to i32
      %sign3A_65 = arith.subi %sign3A_61, %sign3A_64 : i32
      %ne3A_66 = arith.cmpi ne, %sign3A_58, %sign3A_65 : i32
      %rem3A_67 = arith.remsi %add3A_49, %jit3A_50 : i32
      %ne3A_68 = arith.constant 0 : i32
      %ne3A_69 = arith.cmpi ne, %rem3A_67, %ne3A_68 : i32
      %and3A_70 = arith.andi %ne3A_66, %ne3A_69 : i1
      %sub3A_71 = arith.constant 1 : i32
      %sub3A_72 = arith.subi %div3A_51, %sub3A_71 : i32
      %select_n3A_73 = arith.select %and3A_70, %sub3A_72, %div3A_51 : i32
      "tpu.region"() ({
        %run_scoped3A = tpu.sem_alloc : memref<!tpu.dma_semaphore, #tpu.memory_space<semaphore_mem>>
        %dma_start3A = arith.constant 0 : i32
        %dma_start3A_80 = tpu.memref_slice %arg4[%select_n3A_73, %dma_start3A] : memref<512x128xi32, #tpu.memory_space<hbm>> -> memref<16x128xi32, #tpu.memory_space<hbm>>
        %dma_start3A_81 = arith.constant 0 : i32
        %dma_start3A_82 = tpu.memref_slice %arg4[%select_n3A_73, %dma_start3A_81] : memref<512x128xi32, #tpu.memory_space<hbm>> -> memref<16x128xi32, #tpu.memory_space<hbm>>
        tpu.enqueue_dma source(%dma_start3A_82 : memref<16x128xi32, #tpu.memory_space<hbm>>) target(%arg7 : memref<16x128xi32, #tpu.memory_space<vmem>>) target_semaphore(%run_scoped3A : memref<!tpu.dma_semaphore, #tpu.memory_space<semaphore_mem>>)
        %dma_wait3A = arith.constant 0 : i32
        %dma_wait3A_83 = tpu.memref_slice %arg4[%select_n3A_73, %dma_wait3A] : memref<512x128xi32, #tpu.memory_space<hbm>> -> memref<16x128xi32, #tpu.memory_space<hbm>>
        %dma_wait3A_84 = arith.constant 0 : i32
        %dma_wait3A_85 = tpu.memref_slice %arg4[%select_n3A_73, %dma_wait3A_84] : memref<512x128xi32, #tpu.memory_space<hbm>> -> memref<16x128xi32, #tpu.memory_space<hbm>>
        tpu.wait_dma2 semaphore(%run_scoped3A : memref<!tpu.dma_semaphore, #tpu.memory_space<semaphore_mem>>) src(%dma_wait3A_85 : memref<16x128xi32, #tpu.memory_space<hbm>>) dst(%arg7 : memref<16x128xi32, #tpu.memory_space<vmem>>)
        tpu.yield
      }) : () -> ()
      %scan3A_74 = arith.constant 0 : i32
      %scan3A_75 = arith.constant 0 : i32
      %scan3A_76 = arith.constant 16 : i32
      %scan3A_77 = arith.addi %scan3A_75, %scan3A_76 : i32
      %scan3A_78 = arith.constant 1 : i32
      scf.for %scan3A_80 = %scan3A_75 to %scan3A_77 step %scan3A_78  : i32 {
        %parallel_loop3A = arith.constant 0 : i32
        %parallel_loop3A_81 = arith.constant 8 : i32
        %parallel_loop3A_82 = arith.constant 1 : i32
        scf.for %parallel_loop3A_83 = %parallel_loop3A to %parallel_loop3A_81 step %parallel_loop3A_82  : i32 {
          %parallel_loop3A_84 = arith.constant 16 : i32
          %parallel_loop3A_85 = arith.muli %parallel_loop3A_83, %parallel_loop3A_84 : i32
          %parallel_loop3A_86 = tpu.assume_multiple %parallel_loop3A_85, 16 : i32
          %parallel_loop3A_87 = arith.index_cast %scan3A_80 : i32 to index
          %parallel_loop3A_88 = arith.index_cast %parallel_loop3A_86 : i32 to index
          %parallel_loop3A_89 = tpu.vector_load %arg7[%parallel_loop3A_87, %parallel_loop3A_88] {strides = array<i32>} : memref<16x128xi32, #tpu.memory_space<vmem>>, vector<16xi32>,
          %parallel_loop3A_90 = arith.constant 128 : i32
          %parallel_loop3A_91 = arith.muli %scan3A_80, %parallel_loop3A_90 : i32
          %parallel_loop3A_92 = tpu.assume_multiple %parallel_loop3A_91, 16 : i32
          %parallel_loop3A_93 = arith.addi %parallel_loop3A_92, %parallel_loop3A_86 : i32
          %parallel_loop3A_94 = arith.index_cast %parallel_loop3A_93 : i32 to index
          %parallel_loop3A_95 = tpu.vector_load %arg6[%parallel_loop3A_94] {strides = array<i32>} : memref<2048xi32, #tpu.memory_space<vmem>>, vector<16xi32>,
          %parallel_loop3A_96 = arith.constant 0 : i32
          %parallel_loop3A_97 = vector.broadcast %parallel_loop3A_96 : i32 to vector<16xi32>
          %parallel_loop3A_98 = arith.constant 0 : i32
          %parallel_loop3A_99 = vector.broadcast %parallel_loop3A_98 : i32 to vector<16xi32>
          %parallel_loop3A_100 = arith.cmpi slt, %parallel_loop3A_97, %parallel_loop3A_99 : vector<16xi32>
          %parallel_loop3A_101 = arith.constant 16 : i32
          %parallel_loop3A_102 = vector.broadcast %parallel_loop3A_101 : i32 to vector<16xi32>
          %parallel_loop3A_103 = arith.addi %parallel_loop3A_97, %parallel_loop3A_102 : vector<16xi32>
          %parallel_loop3A_104 = arith.select %parallel_loop3A_100, %parallel_loop3A_103, %parallel_loop3A_97 : vector<16xi1>, vector<16xi32>
          %parallel_loop3A_105 = vector.shape_cast %parallel_loop3A_104 : vector<16xi32> to vector<16x1xi32>
          %parallel_loop3A_106 = vector.shape_cast %parallel_loop3A_105 : vector<16x1xi32> to vector<16xi32>
          %parallel_loop3A_107 = tpu.dynamic_gather %parallel_loop3A_89[%parallel_loop3A_106] in [0] : vector<16xi32>, vector<16xi32> -> vector<16xi32>
          %parallel_loop3A_108 = arith.constant 0 : i32
          %parallel_loop3A_109 = vector.broadcast %parallel_loop3A_108 : i32 to vector<16xi32>
          %parallel_loop3A_110 = arith.cmpi slt, %parallel_loop3A_97, %parallel_loop3A_109 : vector<16xi32>
          %parallel_loop3A_111 = arith.constant 16 : i32
          %parallel_loop3A_112 = vector.broadcast %parallel_loop3A_111 : i32 to vector<16xi32>
          %parallel_loop3A_113 = arith.addi %parallel_loop3A_97, %parallel_loop3A_112 : vector<16xi32>
          %parallel_loop3A_114 = arith.select %parallel_loop3A_110, %parallel_loop3A_113, %parallel_loop3A_97 : vector<16xi1>, vector<16xi32>
          %parallel_loop3A_115 = vector.shape_cast %parallel_loop3A_114 : vector<16xi32> to vector<16x1xi32>
          %parallel_loop3A_116 = vector.shape_cast %parallel_loop3A_115 : vector<16x1xi32> to vector<16xi32>
          %parallel_loop3A_117 = tpu.dynamic_gather %parallel_loop3A_95[%parallel_loop3A_116] in [0] : vector<16xi32>, vector<16xi32> -> vector<16xi32>
          %parallel_loop3A_118 = arith.constant 65535 : i32
          %parallel_loop3A_119 = vector.broadcast %parallel_loop3A_118 : i32 to vector<16xi32>
          %parallel_loop3A_120 = arith.andi %parallel_loop3A_107, %parallel_loop3A_119 : vector<16xi32>
          %parallel_loop3A_121 = arith.constant -65536 : i32
          %parallel_loop3A_122 = vector.broadcast %parallel_loop3A_121 : i32 to vector<16xi32>
          %parallel_loop3A_123 = arith.andi %parallel_loop3A_107, %parallel_loop3A_122 : vector<16xi32>
          %parallel_loop3A_124 = vector.bitcast %parallel_loop3A_123 : vector<16xi32> to vector<16xf32>
          %parallel_loop3A_125 = arith.constant 2047 : i32
          %parallel_loop3A_126 = vector.broadcast %parallel_loop3A_125 : i32 to vector<16xi32>
          %parallel_loop3A_127 = arith.andi %parallel_loop3A_117, %parallel_loop3A_126 : vector<16xi32>
          %parallel_loop3A_128 = tpu.vector_load_idx %arg8[%parallel_loop3A_127, %iota3A] : memref<2048x16xi32, #tpu.memory_space<vmem>>[vector<16xi32>, vector<16xi32>], vector<16xi32>,
          %parallel_loop3A_129 = arith.constant 11 : i32
          %parallel_loop3A_130 = vector.broadcast %parallel_loop3A_129 : i32 to vector<16xi32>
          %parallel_loop3A_131 = arith.shrsi %parallel_loop3A_117, %parallel_loop3A_130 : vector<16xi32>
          %parallel_loop3A_132 = arith.constant 4 : i32
          %parallel_loop3A_133 = vector.broadcast %parallel_loop3A_132 : i32 to vector<16xi32>
          %parallel_loop3A_134 = arith.shli %parallel_loop3A_131, %parallel_loop3A_133 : vector<16xi32>
          %parallel_loop3A_135 = arith.constant 16 : i32
          %parallel_loop3A_136 = vector.broadcast %parallel_loop3A_135 : i32 to vector<16xi32>
          %parallel_loop3A_137 = arith.subi %parallel_loop3A_136, %parallel_loop3A_134 : vector<16xi32>
          %parallel_loop3A_138 = arith.shli %parallel_loop3A_128, %parallel_loop3A_137 : vector<16xi32>
          %parallel_loop3A_139 = arith.constant -65536 : i32
          %parallel_loop3A_140 = vector.broadcast %parallel_loop3A_139 : i32 to vector<16xi32>
          %parallel_loop3A_141 = arith.andi %parallel_loop3A_138, %parallel_loop3A_140 : vector<16xi32>
          %parallel_loop3A_142 = vector.bitcast %parallel_loop3A_141 : vector<16xi32> to vector<16xf32>
          %parallel_loop3A_143 = arith.mulf %parallel_loop3A_142, %parallel_loop3A_124 : vector<16xf32>
          tpu.vector_store_idx %arg9[%parallel_loop3A_120, %iota3A], %parallel_loop3A_143 {add = true} : memref<4096x16xf32, #tpu.memory_space<vmem>>[vector<16xi32>, vector<16xi32>], vector<16xf32>,
          %parallel_loop3A_144 = arith.constant 1 : i32
          %parallel_loop3A_145 = vector.broadcast %parallel_loop3A_144 : i32 to vector<16xi32>
          %parallel_loop3A_146 = arith.constant 0 : i32
          %parallel_loop3A_147 = vector.broadcast %parallel_loop3A_146 : i32 to vector<16xi32>
          %parallel_loop3A_148 = arith.cmpi slt, %parallel_loop3A_145, %parallel_loop3A_147 : vector<16xi32>
          %parallel_loop3A_149 = arith.constant 16 : i32
          %parallel_loop3A_150 = vector.broadcast %parallel_loop3A_149 : i32 to vector<16xi32>
          %parallel_loop3A_151 = arith.addi %parallel_loop3A_145, %parallel_loop3A_150 : vector<16xi32>
          %parallel_loop3A_152 = arith.select %parallel_loop3A_148, %parallel_loop3A_151, %parallel_loop3A_145 : vector<16xi1>, vector<16xi32>
          %parallel_loop3A_153 = vector.shape_cast %parallel_loop3A_152 : vector<16xi32> to vector<16x1xi32>
          %parallel_loop3A_154 = vector.shape_cast %parallel_loop3A_153 : vector<16x1xi32> to vector<16xi32>
          %parallel_loop3A_155 = tpu.dynamic_gather %parallel_loop3A_89[%parallel_loop3A_154] in [0] : vector<16xi32>, vector<16xi32> -> vector<16xi32>
          %parallel_loop3A_156 = arith.constant 0 : i32
          %parallel_loop3A_157 = vector.broadcast %parallel_loop3A_156 : i32 to vector<16xi32>
          %parallel_loop3A_158 = arith.cmpi slt, %parallel_loop3A_145, %parallel_loop3A_157 : vector<16xi32>
          %parallel_loop3A_159 = arith.constant 16 : i32
          %parallel_loop3A_160 = vector.broadcast %parallel_loop3A_159 : i32 to vector<16xi32>
          %parallel_loop3A_161 = arith.addi %parallel_loop3A_145, %parallel_loop3A_160 : vector<16xi32>
          %parallel_loop3A_162 = arith.select %parallel_loop3A_158, %parallel_loop3A_161, %parallel_loop3A_145 : vector<16xi1>, vector<16xi32>
          %parallel_loop3A_163 = vector.shape_cast %parallel_loop3A_162 : vector<16xi32> to vector<16x1xi32>
          %parallel_loop3A_164 = vector.shape_cast %parallel_loop3A_163 : vector<16x1xi32> to vector<16xi32>
          %parallel_loop3A_165 = tpu.dynamic_gather %parallel_loop3A_95[%parallel_loop3A_164] in [0] : vector<16xi32>, vector<16xi32> -> vector<16xi32>
          %parallel_loop3A_166 = arith.constant 65535 : i32
          %parallel_loop3A_167 = vector.broadcast %parallel_loop3A_166 : i32 to vector<16xi32>
          %parallel_loop3A_168 = arith.andi %parallel_loop3A_155, %parallel_loop3A_167 : vector<16xi32>
          %parallel_loop3A_169 = arith.constant -65536 : i32
          %parallel_loop3A_170 = vector.broadcast %parallel_loop3A_169 : i32 to vector<16xi32>
          %parallel_loop3A_171 = arith.andi %parallel_loop3A_155, %parallel_loop3A_170 : vector<16xi32>
          %parallel_loop3A_172 = vector.bitcast %parallel_loop3A_171 : vector<16xi32> to vector<16xf32>
          %parallel_loop3A_173 = arith.constant 2047 : i32
          %parallel_loop3A_174 = vector.broadcast %parallel_loop3A_173 : i32 to vector<16xi32>
          %parallel_loop3A_175 = arith.andi %parallel_loop3A_165, %parallel_loop3A_174 : vector<16xi32>
          %parallel_loop3A_176 = tpu.vector_load_idx %arg8[%parallel_loop3A_175, %iota3A] : memref<2048x16xi32, #tpu.memory_space<vmem>>[vector<16xi32>, vector<16xi32>], vector<16xi32>,
          %parallel_loop3A_177 = arith.constant 11 : i32
          %parallel_loop3A_178 = vector.broadcast %parallel_loop3A_177 : i32 to vector<16xi32>
          %parallel_loop3A_179 = arith.shrsi %parallel_loop3A_165, %parallel_loop3A_178 : vector<16xi32>
          %parallel_loop3A_180 = arith.constant 4 : i32
          %parallel_loop3A_181 = vector.broadcast %parallel_loop3A_180 : i32 to vector<16xi32>
          %parallel_loop3A_182 = arith.shli %parallel_loop3A_179, %parallel_loop3A_181 : vector<16xi32>
          %parallel_loop3A_183 = arith.constant 16 : i32
          %parallel_loop3A_184 = vector.broadcast %parallel_loop3A_183 : i32 to vector<16xi32>
          %parallel_loop3A_185 = arith.subi %parallel_loop3A_184, %parallel_loop3A_182 : vector<16xi32>
          %parallel_loop3A_186 = arith.shli %parallel_loop3A_176, %parallel_loop3A_185 : vector<16xi32>
          %parallel_loop3A_187 = arith.constant -65536 : i32
          %parallel_loop3A_188 = vector.broadcast %parallel_loop3A_187 : i32 to vector<16xi32>
          %parallel_loop3A_189 = arith.andi %parallel_loop3A_186, %parallel_loop3A_188 : vector<16xi32>
          %parallel_loop3A_190 = vector.bitcast %parallel_loop3A_189 : vector<16xi32> to vector<16xf32>
          %parallel_loop3A_191 = arith.mulf %parallel_loop3A_190, %parallel_loop3A_172 : vector<16xf32>
          tpu.vector_store_idx %arg9[%parallel_loop3A_168, %iota3A], %parallel_loop3A_191 {add = true} : memref<4096x16xf32, #tpu.memory_space<vmem>>[vector<16xi32>, vector<16xi32>], vector<16xf32>,
          %parallel_loop3A_192 = arith.constant 2 : i32
          %parallel_loop3A_193 = vector.broadcast %parallel_loop3A_192 : i32 to vector<16xi32>
          %parallel_loop3A_194 = arith.constant 0 : i32
          %parallel_loop3A_195 = vector.broadcast %parallel_loop3A_194 : i32 to vector<16xi32>
          %parallel_loop3A_196 = arith.cmpi slt, %parallel_loop3A_193, %parallel_loop3A_195 : vector<16xi32>
          %parallel_loop3A_197 = arith.constant 16 : i32
          %parallel_loop3A_198 = vector.broadcast %parallel_loop3A_197 : i32 to vector<16xi32>
          %parallel_loop3A_199 = arith.addi %parallel_loop3A_193, %parallel_loop3A_198 : vector<16xi32>
          %parallel_loop3A_200 = arith.select %parallel_loop3A_196, %parallel_loop3A_199, %parallel_loop3A_193 : vector<16xi1>, vector<16xi32>
          %parallel_loop3A_201 = vector.shape_cast %parallel_loop3A_200 : vector<16xi32> to vector<16x1xi32>
          %parallel_loop3A_202 = vector.shape_cast %parallel_loop3A_201 : vector<16x1xi32> to vector<16xi32>
          %parallel_loop3A_203 = tpu.dynamic_gather %parallel_loop3A_89[%parallel_loop3A_202] in [0] : vector<16xi32>, vector<16xi32> -> vector<16xi32>
          %parallel_loop3A_204 = arith.constant 0 : i32
          %parallel_loop3A_205 = vector.broadcast %parallel_loop3A_204 : i32 to vector<16xi32>
          %parallel_loop3A_206 = arith.cmpi slt, %parallel_loop3A_193, %parallel_loop3A_205 : vector<16xi32>
          %parallel_loop3A_207 = arith.constant 16 : i32
          %parallel_loop3A_208 = vector.broadcast %parallel_loop3A_207 : i32 to vector<16xi32>
          %parallel_loop3A_209 = arith.addi %parallel_loop3A_193, %parallel_loop3A_208 : vector<16xi32>
          %parallel_loop3A_210 = arith.select %parallel_loop3A_206, %parallel_loop3A_209, %parallel_loop3A_193 : vector<16xi1>, vector<16xi32>
          %parallel_loop3A_211 = vector.shape_cast %parallel_loop3A_210 : vector<16xi32> to vector<16x1xi32>
          %parallel_loop3A_212 = vector.shape_cast %parallel_loop3A_211 : vector<16x1xi32> to vector<16xi32>
          %parallel_loop3A_213 = tpu.dynamic_gather %parallel_loop3A_95[%parallel_loop3A_212] in [0] : vector<16xi32>, vector<16xi32> -> vector<16xi32>
          %parallel_loop3A_214 = arith.constant 65535 : i32
          %parallel_loop3A_215 = vector.broadcast %parallel_loop3A_214 : i32 to vector<16xi32>
          %parallel_loop3A_216 = arith.andi %parallel_loop3A_203, %parallel_loop3A_215 : vector<16xi32>
          %parallel_loop3A_217 = arith.constant -65536 : i32
          %parallel_loop3A_218 = vector.broadcast %parallel_loop3A_217 : i32 to vector<16xi32>
          %parallel_loop3A_219 = arith.andi %parallel_loop3A_203, %parallel_loop3A_218 : vector<16xi32>
          %parallel_loop3A_220 = vector.bitcast %parallel_loop3A_219 : vector<16xi32> to vector<16xf32>
          %parallel_loop3A_221 = arith.constant 2047 : i32
          %parallel_loop3A_222 = vector.broadcast %parallel_loop3A_221 : i32 to vector<16xi32>
          %parallel_loop3A_223 = arith.andi %parallel_loop3A_213, %parallel_loop3A_222 : vector<16xi32>
          %parallel_loop3A_224 = tpu.vector_load_idx %arg8[%parallel_loop3A_223, %iota3A] : memref<2048x16xi32, #tpu.memory_space<vmem>>[vector<16xi32>, vector<16xi32>], vector<16xi32>,
          %parallel_loop3A_225 = arith.constant 11 : i32
          %parallel_loop3A_226 = vector.broadcast %parallel_loop3A_225 : i32 to vector<16xi32>
          %parallel_loop3A_227 = arith.shrsi %parallel_loop3A_213, %parallel_loop3A_226 : vector<16xi32>
          %parallel_loop3A_228 = arith.constant 4 : i32
          %parallel_loop3A_229 = vector.broadcast %parallel_loop3A_228 : i32 to vector<16xi32>
          %parallel_loop3A_230 = arith.shli %parallel_loop3A_227, %parallel_loop3A_229 : vector<16xi32>
          %parallel_loop3A_231 = arith.constant 16 : i32
          %parallel_loop3A_232 = vector.broadcast %parallel_loop3A_231 : i32 to vector<16xi32>
          %parallel_loop3A_233 = arith.subi %parallel_loop3A_232, %parallel_loop3A_230 : vector<16xi32>
          %parallel_loop3A_234 = arith.shli %parallel_loop3A_224, %parallel_loop3A_233 : vector<16xi32>
          %parallel_loop3A_235 = arith.constant -65536 : i32
          %parallel_loop3A_236 = vector.broadcast %parallel_loop3A_235 : i32 to vector<16xi32>
          %parallel_loop3A_237 = arith.andi %parallel_loop3A_234, %parallel_loop3A_236 : vector<16xi32>
          %parallel_loop3A_238 = vector.bitcast %parallel_loop3A_237 : vector<16xi32> to vector<16xf32>
          %parallel_loop3A_239 = arith.mulf %parallel_loop3A_238, %parallel_loop3A_220 : vector<16xf32>
          tpu.vector_store_idx %arg9[%parallel_loop3A_216, %iota3A], %parallel_loop3A_239 {add = true} : memref<4096x16xf32, #tpu.memory_space<vmem>>[vector<16xi32>, vector<16xi32>], vector<16xf32>,
          %parallel_loop3A_240 = arith.constant 3 : i32
          %parallel_loop3A_241 = vector.broadcast %parallel_loop3A_240 : i32 to vector<16xi32>
          %parallel_loop3A_242 = arith.constant 0 : i32
          %parallel_loop3A_243 = vector.broadcast %parallel_loop3A_242 : i32 to vector<16xi32>
          %parallel_loop3A_244 = arith.cmpi slt, %parallel_loop3A_241, %parallel_loop3A_243 : vector<16xi32>
          %parallel_loop3A_245 = arith.constant 16 : i32
          %parallel_loop3A_246 = vector.broadcast %parallel_loop3A_245 : i32 to vector<16xi32>
          %parallel_loop3A_247 = arith.addi %parallel_loop3A_241, %parallel_loop3A_246 : vector<16xi32>
          %parallel_loop3A_248 = arith.select %parallel_loop3A_244, %parallel_loop3A_247, %parallel_loop3A_241 : vector<16xi1>, vector<16xi32>
          %parallel_loop3A_249 = vector.shape_cast %parallel_loop3A_248 : vector<16xi32> to vector<16x1xi32>
          %parallel_loop3A_250 = vector.shape_cast %parallel_loop3A_249 : vector<16x1xi32> to vector<16xi32>
          %parallel_loop3A_251 = tpu.dynamic_gather %parallel_loop3A_89[%parallel_loop3A_250] in [0] : vector<16xi32>, vector<16xi32> -> vector<16xi32>
          %parallel_loop3A_252 = arith.constant 0 : i32
          %parallel_loop3A_253 = vector.broadcast %parallel_loop3A_252 : i32 to vector<16xi32>
          %parallel_loop3A_254 = arith.cmpi slt, %parallel_loop3A_241, %parallel_loop3A_253 : vector<16xi32>
          %parallel_loop3A_255 = arith.constant 16 : i32
          %parallel_loop3A_256 = vector.broadcast %parallel_loop3A_255 : i32 to vector<16xi32>
          %parallel_loop3A_257 = arith.addi %parallel_loop3A_241, %parallel_loop3A_256 : vector<16xi32>
          %parallel_loop3A_258 = arith.select %parallel_loop3A_254, %parallel_loop3A_257, %parallel_loop3A_241 : vector<16xi1>, vector<16xi32>
          %parallel_loop3A_259 = vector.shape_cast %parallel_loop3A_258 : vector<16xi32> to vector<16x1xi32>
          %parallel_loop3A_260 = vector.shape_cast %parallel_loop3A_259 : vector<16x1xi32> to vector<16xi32>
          %parallel_loop3A_261 = tpu.dynamic_gather %parallel_loop3A_95[%parallel_loop3A_260] in [0] : vector<16xi32>, vector<16xi32> -> vector<16xi32>
          %parallel_loop3A_262 = arith.constant 65535 : i32
          %parallel_loop3A_263 = vector.broadcast %parallel_loop3A_262 : i32 to vector<16xi32>
          %parallel_loop3A_264 = arith.andi %parallel_loop3A_251, %parallel_loop3A_263 : vector<16xi32>
          %parallel_loop3A_265 = arith.constant -65536 : i32
          %parallel_loop3A_266 = vector.broadcast %parallel_loop3A_265 : i32 to vector<16xi32>
          %parallel_loop3A_267 = arith.andi %parallel_loop3A_251, %parallel_loop3A_266 : vector<16xi32>
          %parallel_loop3A_268 = vector.bitcast %parallel_loop3A_267 : vector<16xi32> to vector<16xf32>
          %parallel_loop3A_269 = arith.constant 2047 : i32
          %parallel_loop3A_270 = vector.broadcast %parallel_loop3A_269 : i32 to vector<16xi32>
          %parallel_loop3A_271 = arith.andi %parallel_loop3A_261, %parallel_loop3A_270 : vector<16xi32>
          %parallel_loop3A_272 = tpu.vector_load_idx %arg8[%parallel_loop3A_271, %iota3A] : memref<2048x16xi32, #tpu.memory_space<vmem>>[vector<16xi32>, vector<16xi32>], vector<16xi32>,
          %parallel_loop3A_273 = arith.constant 11 : i32
          %parallel_loop3A_274 = vector.broadcast %parallel_loop3A_273 : i32 to vector<16xi32>
          %parallel_loop3A_275 = arith.shrsi %parallel_loop3A_261, %parallel_loop3A_274 : vector<16xi32>
          %parallel_loop3A_276 = arith.constant 4 : i32
          %parallel_loop3A_277 = vector.broadcast %parallel_loop3A_276 : i32 to vector<16xi32>
          %parallel_loop3A_278 = arith.shli %parallel_loop3A_275, %parallel_loop3A_277 : vector<16xi32>
          %parallel_loop3A_279 = arith.constant 16 : i32
          %parallel_loop3A_280 = vector.broadcast %parallel_loop3A_279 : i32 to vector<16xi32>
          %parallel_loop3A_281 = arith.subi %parallel_loop3A_280, %parallel_loop3A_278 : vector<16xi32>
          %parallel_loop3A_282 = arith.shli %parallel_loop3A_272, %parallel_loop3A_281 : vector<16xi32>
          %parallel_loop3A_283 = arith.constant -65536 : i32
          %parallel_loop3A_284 = vector.broadcast %parallel_loop3A_283 : i32 to vector<16xi32>
          %parallel_loop3A_285 = arith.andi %parallel_loop3A_282, %parallel_loop3A_284 : vector<16xi32>
          %parallel_loop3A_286 = vector.bitcast %parallel_loop3A_285 : vector<16xi32> to vector<16xf32>
          %parallel_loop3A_287 = arith.mulf %parallel_loop3A_286, %parallel_loop3A_268 : vector<16xf32>
          tpu.vector_store_idx %arg9[%parallel_loop3A_264, %iota3A], %parallel_loop3A_287 {add = true} : memref<4096x16xf32, #tpu.memory_space<vmem>>[vector<16xi32>, vector<16xi32>], vector<16xf32>,
          %parallel_loop3A_288 = arith.constant 4 : i32
          %parallel_loop3A_289 = vector.broadcast %parallel_loop3A_288 : i32 to vector<16xi32>
          %parallel_loop3A_290 = arith.constant 0 : i32
          %parallel_loop3A_291 = vector.broadcast %parallel_loop3A_290 : i32 to vector<16xi32>
          %parallel_loop3A_292 = arith.cmpi slt, %parallel_loop3A_289, %parallel_loop3A_291 : vector<16xi32>
          %parallel_loop3A_293 = arith.constant 16 : i32
          %parallel_loop3A_294 = vector.broadcast %parallel_loop3A_293 : i32 to vector<16xi32>
          %parallel_loop3A_295 = arith.addi %parallel_loop3A_289, %parallel_loop3A_294 : vector<16xi32>
          %parallel_loop3A_296 = arith.select %parallel_loop3A_292, %parallel_loop3A_295, %parallel_loop3A_289 : vector<16xi1>, vector<16xi32>
          %parallel_loop3A_297 = vector.shape_cast %parallel_loop3A_296 : vector<16xi32> to vector<16x1xi32>
          %parallel_loop3A_298 = vector.shape_cast %parallel_loop3A_297 : vector<16x1xi32> to vector<16xi32>
          %parallel_loop3A_299 = tpu.dynamic_gather %parallel_loop3A_89[%parallel_loop3A_298] in [0] : vector<16xi32>, vector<16xi32> -> vector<16xi32>
          %parallel_loop3A_300 = arith.constant 0 : i32
          %parallel_loop3A_301 = vector.broadcast %parallel_loop3A_300 : i32 to vector<16xi32>
          %parallel_loop3A_302 = arith.cmpi slt, %parallel_loop3A_289, %parallel_loop3A_301 : vector<16xi32>
          %parallel_loop3A_303 = arith.constant 16 : i32
          %parallel_loop3A_304 = vector.broadcast %parallel_loop3A_303 : i32 to vector<16xi32>
          %parallel_loop3A_305 = arith.addi %parallel_loop3A_289, %parallel_loop3A_304 : vector<16xi32>
          %parallel_loop3A_306 = arith.select %parallel_loop3A_302, %parallel_loop3A_305, %parallel_loop3A_289 : vector<16xi1>, vector<16xi32>
          %parallel_loop3A_307 = vector.shape_cast %parallel_loop3A_306 : vector<16xi32> to vector<16x1xi32>
          %parallel_loop3A_308 = vector.shape_cast %parallel_loop3A_307 : vector<16x1xi32> to vector<16xi32>
          %parallel_loop3A_309 = tpu.dynamic_gather %parallel_loop3A_95[%parallel_loop3A_308] in [0] : vector<16xi32>, vector<16xi32> -> vector<16xi32>
          %parallel_loop3A_310 = arith.constant 65535 : i32
          %parallel_loop3A_311 = vector.broadcast %parallel_loop3A_310 : i32 to vector<16xi32>
          %parallel_loop3A_312 = arith.andi %parallel_loop3A_299, %parallel_loop3A_311 : vector<16xi32>
          %parallel_loop3A_313 = arith.constant -65536 : i32
          %parallel_loop3A_314 = vector.broadcast %parallel_loop3A_313 : i32 to vector<16xi32>
          %parallel_loop3A_315 = arith.andi %parallel_loop3A_299, %parallel_loop3A_314 : vector<16xi32>
          %parallel_loop3A_316 = vector.bitcast %parallel_loop3A_315 : vector<16xi32> to vector<16xf32>
          %parallel_loop3A_317 = arith.constant 2047 : i32
          %parallel_loop3A_318 = vector.broadcast %parallel_loop3A_317 : i32 to vector<16xi32>
          %parallel_loop3A_319 = arith.andi %parallel_loop3A_309, %parallel_loop3A_318 : vector<16xi32>
          %parallel_loop3A_320 = tpu.vector_load_idx %arg8[%parallel_loop3A_319, %iota3A] : memref<2048x16xi32, #tpu.memory_space<vmem>>[vector<16xi32>, vector<16xi32>], vector<16xi32>,
          %parallel_loop3A_321 = arith.constant 11 : i32
          %parallel_loop3A_322 = vector.broadcast %parallel_loop3A_321 : i32 to vector<16xi32>
          %parallel_loop3A_323 = arith.shrsi %parallel_loop3A_309, %parallel_loop3A_322 : vector<16xi32>
          %parallel_loop3A_324 = arith.constant 4 : i32
          %parallel_loop3A_325 = vector.broadcast %parallel_loop3A_324 : i32 to vector<16xi32>
          %parallel_loop3A_326 = arith.shli %parallel_loop3A_323, %parallel_loop3A_325 : vector<16xi32>
          %parallel_loop3A_327 = arith.constant 16 : i32
          %parallel_loop3A_328 = vector.broadcast %parallel_loop3A_327 : i32 to vector<16xi32>
          %parallel_loop3A_329 = arith.subi %parallel_loop3A_328, %parallel_loop3A_326 : vector<16xi32>
          %parallel_loop3A_330 = arith.shli %parallel_loop3A_320, %parallel_loop3A_329 : vector<16xi32>
          %parallel_loop3A_331 = arith.constant -65536 : i32
          %parallel_loop3A_332 = vector.broadcast %parallel_loop3A_331 : i32 to vector<16xi32>
          %parallel_loop3A_333 = arith.andi %parallel_loop3A_330, %parallel_loop3A_332 : vector<16xi32>
          %parallel_loop3A_334 = vector.bitcast %parallel_loop3A_333 : vector<16xi32> to vector<16xf32>
          %parallel_loop3A_335 = arith.mulf %parallel_loop3A_334, %parallel_loop3A_316 : vector<16xf32>
          tpu.vector_store_idx %arg9[%parallel_loop3A_312, %iota3A], %parallel_loop3A_335 {add = true} : memref<4096x16xf32, #tpu.memory_space<vmem>>[vector<16xi32>, vector<16xi32>], vector<16xf32>,
          %parallel_loop3A_336 = arith.constant 5 : i32
          %parallel_loop3A_337 = vector.broadcast %parallel_loop3A_336 : i32 to vector<16xi32>
          %parallel_loop3A_338 = arith.constant 0 : i32
          %parallel_loop3A_339 = vector.broadcast %parallel_loop3A_338 : i32 to vector<16xi32>
          %parallel_loop3A_340 = arith.cmpi slt, %parallel_loop3A_337, %parallel_loop3A_339 : vector<16xi32>
          %parallel_loop3A_341 = arith.constant 16 : i32
          %parallel_loop3A_342 = vector.broadcast %parallel_loop3A_341 : i32 to vector<16xi32>
          %parallel_loop3A_343 = arith.addi %parallel_loop3A_337, %parallel_loop3A_342 : vector<16xi32>
          %parallel_loop3A_344 = arith.select %parallel_loop3A_340, %parallel_loop3A_343, %parallel_loop3A_337 : vector<16xi1>, vector<16xi32>
          %parallel_loop3A_345 = vector.shape_cast %parallel_loop3A_344 : vector<16xi32> to vector<16x1xi32>
          %parallel_loop3A_346 = vector.shape_cast %parallel_loop3A_345 : vector<16x1xi32> to vector<16xi32>
          %parallel_loop3A_347 = tpu.dynamic_gather %parallel_loop3A_89[%parallel_loop3A_346] in [0] : vector<16xi32>, vector<16xi32> -> vector<16xi32>
          %parallel_loop3A_348 = arith.constant 0 : i32
          %parallel_loop3A_349 = vector.broadcast %parallel_loop3A_348 : i32 to vector<16xi32>
          %parallel_loop3A_350 = arith.cmpi slt, %parallel_loop3A_337, %parallel_loop3A_349 : vector<16xi32>
          %parallel_loop3A_351 = arith.constant 16 : i32
          %parallel_loop3A_352 = vector.broadcast %parallel_loop3A_351 : i32 to vector<16xi32>
          %parallel_loop3A_353 = arith.addi %parallel_loop3A_337, %parallel_loop3A_352 : vector<16xi32>
          %parallel_loop3A_354 = arith.select %parallel_loop3A_350, %parallel_loop3A_353, %parallel_loop3A_337 : vector<16xi1>, vector<16xi32>
          %parallel_loop3A_355 = vector.shape_cast %parallel_loop3A_354 : vector<16xi32> to vector<16x1xi32>
          %parallel_loop3A_356 = vector.shape_cast %parallel_loop3A_355 : vector<16x1xi32> to vector<16xi32>
          %parallel_loop3A_357 = tpu.dynamic_gather %parallel_loop3A_95[%parallel_loop3A_356] in [0] : vector<16xi32>, vector<16xi32> -> vector<16xi32>
          %parallel_loop3A_358 = arith.constant 65535 : i32
          %parallel_loop3A_359 = vector.broadcast %parallel_loop3A_358 : i32 to vector<16xi32>
          %parallel_loop3A_360 = arith.andi %parallel_loop3A_347, %parallel_loop3A_359 : vector<16xi32>
          %parallel_loop3A_361 = arith.constant -65536 : i32
          %parallel_loop3A_362 = vector.broadcast %parallel_loop3A_361 : i32 to vector<16xi32>
          %parallel_loop3A_363 = arith.andi %parallel_loop3A_347, %parallel_loop3A_362 : vector<16xi32>
          %parallel_loop3A_364 = vector.bitcast %parallel_loop3A_363 : vector<16xi32> to vector<16xf32>
          %parallel_loop3A_365 = arith.constant 2047 : i32
          %parallel_loop3A_366 = vector.broadcast %parallel_loop3A_365 : i32 to vector<16xi32>
          %parallel_loop3A_367 = arith.andi %parallel_loop3A_357, %parallel_loop3A_366 : vector<16xi32>
          %parallel_loop3A_368 = tpu.vector_load_idx %arg8[%parallel_loop3A_367, %iota3A] : memref<2048x16xi32, #tpu.memory_space<vmem>>[vector<16xi32>, vector<16xi32>], vector<16xi32>,
          %parallel_loop3A_369 = arith.constant 11 : i32
          %parallel_loop3A_370 = vector.broadcast %parallel_loop3A_369 : i32 to vector<16xi32>
          %parallel_loop3A_371 = arith.shrsi %parallel_loop3A_357, %parallel_loop3A_370 : vector<16xi32>
          %parallel_loop3A_372 = arith.constant 4 : i32
          %parallel_loop3A_373 = vector.broadcast %parallel_loop3A_372 : i32 to vector<16xi32>
          %parallel_loop3A_374 = arith.shli %parallel_loop3A_371, %parallel_loop3A_373 : vector<16xi32>
          %parallel_loop3A_375 = arith.constant 16 : i32
          %parallel_loop3A_376 = vector.broadcast %parallel_loop3A_375 : i32 to vector<16xi32>
          %parallel_loop3A_377 = arith.subi %parallel_loop3A_376, %parallel_loop3A_374 : vector<16xi32>
          %parallel_loop3A_378 = arith.shli %parallel_loop3A_368, %parallel_loop3A_377 : vector<16xi32>
          %parallel_loop3A_379 = arith.constant -65536 : i32
          %parallel_loop3A_380 = vector.broadcast %parallel_loop3A_379 : i32 to vector<16xi32>
          %parallel_loop3A_381 = arith.andi %parallel_loop3A_378, %parallel_loop3A_380 : vector<16xi32>
          %parallel_loop3A_382 = vector.bitcast %parallel_loop3A_381 : vector<16xi32> to vector<16xf32>
          %parallel_loop3A_383 = arith.mulf %parallel_loop3A_382, %parallel_loop3A_364 : vector<16xf32>
          tpu.vector_store_idx %arg9[%parallel_loop3A_360, %iota3A], %parallel_loop3A_383 {add = true} : memref<4096x16xf32, #tpu.memory_space<vmem>>[vector<16xi32>, vector<16xi32>], vector<16xf32>,
          %parallel_loop3A_384 = arith.constant 6 : i32
          %parallel_loop3A_385 = vector.broadcast %parallel_loop3A_384 : i32 to vector<16xi32>
          %parallel_loop3A_386 = arith.constant 0 : i32
          %parallel_loop3A_387 = vector.broadcast %parallel_loop3A_386 : i32 to vector<16xi32>
          %parallel_loop3A_388 = arith.cmpi slt, %parallel_loop3A_385, %parallel_loop3A_387 : vector<16xi32>
          %parallel_loop3A_389 = arith.constant 16 : i32
          %parallel_loop3A_390 = vector.broadcast %parallel_loop3A_389 : i32 to vector<16xi32>
          %parallel_loop3A_391 = arith.addi %parallel_loop3A_385, %parallel_loop3A_390 : vector<16xi32>
          %parallel_loop3A_392 = arith.select %parallel_loop3A_388, %parallel_loop3A_391, %parallel_loop3A_385 : vector<16xi1>, vector<16xi32>
          %parallel_loop3A_393 = vector.shape_cast %parallel_loop3A_392 : vector<16xi32> to vector<16x1xi32>
          %parallel_loop3A_394 = vector.shape_cast %parallel_loop3A_393 : vector<16x1xi32> to vector<16xi32>
          %parallel_loop3A_395 = tpu.dynamic_gather %parallel_loop3A_89[%parallel_loop3A_394] in [0] : vector<16xi32>, vector<16xi32> -> vector<16xi32>
          %parallel_loop3A_396 = arith.constant 0 : i32
          %parallel_loop3A_397 = vector.broadcast %parallel_loop3A_396 : i32 to vector<16xi32>
          %parallel_loop3A_398 = arith.cmpi slt, %parallel_loop3A_385, %parallel_loop3A_397 : vector<16xi32>
          %parallel_loop3A_399 = arith.constant 16 : i32
          %parallel_loop3A_400 = vector.broadcast %parallel_loop3A_399 : i32 to vector<16xi32>
          %parallel_loop3A_401 = arith.addi %parallel_loop3A_385, %parallel_loop3A_400 : vector<16xi32>
          %parallel_loop3A_402 = arith.select %parallel_loop3A_398, %parallel_loop3A_401, %parallel_loop3A_385 : vector<16xi1>, vector<16xi32>
          %parallel_loop3A_403 = vector.shape_cast %parallel_loop3A_402 : vector<16xi32> to vector<16x1xi32>
          %parallel_loop3A_404 = vector.shape_cast %parallel_loop3A_403 : vector<16x1xi32> to vector<16xi32>
          %parallel_loop3A_405 = tpu.dynamic_gather %parallel_loop3A_95[%parallel_loop3A_404] in [0] : vector<16xi32>, vector<16xi32> -> vector<16xi32>
          %parallel_loop3A_406 = arith.constant 65535 : i32
          %parallel_loop3A_407 = vector.broadcast %parallel_loop3A_406 : i32 to vector<16xi32>
          %parallel_loop3A_408 = arith.andi %parallel_loop3A_395, %parallel_loop3A_407 : vector<16xi32>
          %parallel_loop3A_409 = arith.constant -65536 : i32
          %parallel_loop3A_410 = vector.broadcast %parallel_loop3A_409 : i32 to vector<16xi32>
          %parallel_loop3A_411 = arith.andi %parallel_loop3A_395, %parallel_loop3A_410 : vector<16xi32>
          %parallel_loop3A_412 = vector.bitcast %parallel_loop3A_411 : vector<16xi32> to vector<16xf32>
          %parallel_loop3A_413 = arith.constant 2047 : i32
          %parallel_loop3A_414 = vector.broadcast %parallel_loop3A_413 : i32 to vector<16xi32>
          %parallel_loop3A_415 = arith.andi %parallel_loop3A_405, %parallel_loop3A_414 : vector<16xi32>
          %parallel_loop3A_416 = tpu.vector_load_idx %arg8[%parallel_loop3A_415, %iota3A] : memref<2048x16xi32, #tpu.memory_space<vmem>>[vector<16xi32>, vector<16xi32>], vector<16xi32>,
          %parallel_loop3A_417 = arith.constant 11 : i32
          %parallel_loop3A_418 = vector.broadcast %parallel_loop3A_417 : i32 to vector<16xi32>
          %parallel_loop3A_419 = arith.shrsi %parallel_loop3A_405, %parallel_loop3A_418 : vector<16xi32>
          %parallel_loop3A_420 = arith.constant 4 : i32
          %parallel_loop3A_421 = vector.broadcast %parallel_loop3A_420 : i32 to vector<16xi32>
          %parallel_loop3A_422 = arith.shli %parallel_loop3A_419, %parallel_loop3A_421 : vector<16xi32>
          %parallel_loop3A_423 = arith.constant 16 : i32
          %parallel_loop3A_424 = vector.broadcast %parallel_loop3A_423 : i32 to vector<16xi32>
          %parallel_loop3A_425 = arith.subi %parallel_loop3A_424, %parallel_loop3A_422 : vector<16xi32>
          %parallel_loop3A_426 = arith.shli %parallel_loop3A_416, %parallel_loop3A_425 : vector<16xi32>
          %parallel_loop3A_427 = arith.constant -65536 : i32
          %parallel_loop3A_428 = vector.broadcast %parallel_loop3A_427 : i32 to vector<16xi32>
          %parallel_loop3A_429 = arith.andi %parallel_loop3A_426, %parallel_loop3A_428 : vector<16xi32>
          %parallel_loop3A_430 = vector.bitcast %parallel_loop3A_429 : vector<16xi32> to vector<16xf32>
          %parallel_loop3A_431 = arith.mulf %parallel_loop3A_430, %parallel_loop3A_412 : vector<16xf32>
          tpu.vector_store_idx %arg9[%parallel_loop3A_408, %iota3A], %parallel_loop3A_431 {add = true} : memref<4096x16xf32, #tpu.memory_space<vmem>>[vector<16xi32>, vector<16xi32>], vector<16xf32>,
          %parallel_loop3A_432 = arith.constant 7 : i32
          %parallel_loop3A_433 = vector.broadcast %parallel_loop3A_432 : i32 to vector<16xi32>
          %parallel_loop3A_434 = arith.constant 0 : i32
          %parallel_loop3A_435 = vector.broadcast %parallel_loop3A_434 : i32 to vector<16xi32>
          %parallel_loop3A_436 = arith.cmpi slt, %parallel_loop3A_433, %parallel_loop3A_435 : vector<16xi32>
          %parallel_loop3A_437 = arith.constant 16 : i32
          %parallel_loop3A_438 = vector.broadcast %parallel_loop3A_437 : i32 to vector<16xi32>
          %parallel_loop3A_439 = arith.addi %parallel_loop3A_433, %parallel_loop3A_438 : vector<16xi32>
          %parallel_loop3A_440 = arith.select %parallel_loop3A_436, %parallel_loop3A_439, %parallel_loop3A_433 : vector<16xi1>, vector<16xi32>
          %parallel_loop3A_441 = vector.shape_cast %parallel_loop3A_440 : vector<16xi32> to vector<16x1xi32>
          %parallel_loop3A_442 = vector.shape_cast %parallel_loop3A_441 : vector<16x1xi32> to vector<16xi32>
          %parallel_loop3A_443 = tpu.dynamic_gather %parallel_loop3A_89[%parallel_loop3A_442] in [0] : vector<16xi32>, vector<16xi32> -> vector<16xi32>
          %parallel_loop3A_444 = arith.constant 0 : i32
          %parallel_loop3A_445 = vector.broadcast %parallel_loop3A_444 : i32 to vector<16xi32>
          %parallel_loop3A_446 = arith.cmpi slt, %parallel_loop3A_433, %parallel_loop3A_445 : vector<16xi32>
          %parallel_loop3A_447 = arith.constant 16 : i32
          %parallel_loop3A_448 = vector.broadcast %parallel_loop3A_447 : i32 to vector<16xi32>
          %parallel_loop3A_449 = arith.addi %parallel_loop3A_433, %parallel_loop3A_448 : vector<16xi32>
          %parallel_loop3A_450 = arith.select %parallel_loop3A_446, %parallel_loop3A_449, %parallel_loop3A_433 : vector<16xi1>, vector<16xi32>
          %parallel_loop3A_451 = vector.shape_cast %parallel_loop3A_450 : vector<16xi32> to vector<16x1xi32>
          %parallel_loop3A_452 = vector.shape_cast %parallel_loop3A_451 : vector<16x1xi32> to vector<16xi32>
          %parallel_loop3A_453 = tpu.dynamic_gather %parallel_loop3A_95[%parallel_loop3A_452] in [0] : vector<16xi32>, vector<16xi32> -> vector<16xi32>
          %parallel_loop3A_454 = arith.constant 65535 : i32
          %parallel_loop3A_455 = vector.broadcast %parallel_loop3A_454 : i32 to vector<16xi32>
          %parallel_loop3A_456 = arith.andi %parallel_loop3A_443, %parallel_loop3A_455 : vector<16xi32>
          %parallel_loop3A_457 = arith.constant -65536 : i32
          %parallel_loop3A_458 = vector.broadcast %parallel_loop3A_457 : i32 to vector<16xi32>
          %parallel_loop3A_459 = arith.andi %parallel_loop3A_443, %parallel_loop3A_458 : vector<16xi32>
          %parallel_loop3A_460 = vector.bitcast %parallel_loop3A_459 : vector<16xi32> to vector<16xf32>
          %parallel_loop3A_461 = arith.constant 2047 : i32
          %parallel_loop3A_462 = vector.broadcast %parallel_loop3A_461 : i32 to vector<16xi32>
          %parallel_loop3A_463 = arith.andi %parallel_loop3A_453, %parallel_loop3A_462 : vector<16xi32>
          %parallel_loop3A_464 = tpu.vector_load_idx %arg8[%parallel_loop3A_463, %iota3A] : memref<2048x16xi32, #tpu.memory_space<vmem>>[vector<16xi32>, vector<16xi32>], vector<16xi32>,
          %parallel_loop3A_465 = arith.constant 11 : i32
          %parallel_loop3A_466 = vector.broadcast %parallel_loop3A_465 : i32 to vector<16xi32>
          %parallel_loop3A_467 = arith.shrsi %parallel_loop3A_453, %parallel_loop3A_466 : vector<16xi32>
          %parallel_loop3A_468 = arith.constant 4 : i32
          %parallel_loop3A_469 = vector.broadcast %parallel_loop3A_468 : i32 to vector<16xi32>
          %parallel_loop3A_470 = arith.shli %parallel_loop3A_467, %parallel_loop3A_469 : vector<16xi32>
          %parallel_loop3A_471 = arith.constant 16 : i32
          %parallel_loop3A_472 = vector.broadcast %parallel_loop3A_471 : i32 to vector<16xi32>
          %parallel_loop3A_473 = arith.subi %parallel_loop3A_472, %parallel_loop3A_470 : vector<16xi32>
          %parallel_loop3A_474 = arith.shli %parallel_loop3A_464, %parallel_loop3A_473 : vector<16xi32>
          %parallel_loop3A_475 = arith.constant -65536 : i32
          %parallel_loop3A_476 = vector.broadcast %parallel_loop3A_475 : i32 to vector<16xi32>
          %parallel_loop3A_477 = arith.andi %parallel_loop3A_474, %parallel_loop3A_476 : vector<16xi32>
          %parallel_loop3A_478 = vector.bitcast %parallel_loop3A_477 : vector<16xi32> to vector<16xf32>
          %parallel_loop3A_479 = arith.mulf %parallel_loop3A_478, %parallel_loop3A_460 : vector<16xf32>
          tpu.vector_store_idx %arg9[%parallel_loop3A_456, %iota3A], %parallel_loop3A_479 {add = true} : memref<4096x16xf32, #tpu.memory_space<vmem>>[vector<16xi32>, vector<16xi32>], vector<16xf32>,
          %parallel_loop3A_480 = arith.constant 8 : i32
          %parallel_loop3A_481 = vector.broadcast %parallel_loop3A_480 : i32 to vector<16xi32>
          %parallel_loop3A_482 = arith.constant 0 : i32
          %parallel_loop3A_483 = vector.broadcast %parallel_loop3A_482 : i32 to vector<16xi32>
          %parallel_loop3A_484 = arith.cmpi slt, %parallel_loop3A_481, %parallel_loop3A_483 : vector<16xi32>
          %parallel_loop3A_485 = arith.constant 16 : i32
          %parallel_loop3A_486 = vector.broadcast %parallel_loop3A_485 : i32 to vector<16xi32>
          %parallel_loop3A_487 = arith.addi %parallel_loop3A_481, %parallel_loop3A_486 : vector<16xi32>
          %parallel_loop3A_488 = arith.select %parallel_loop3A_484, %parallel_loop3A_487, %parallel_loop3A_481 : vector<16xi1>, vector<16xi32>
          %parallel_loop3A_489 = vector.shape_cast %parallel_loop3A_488 : vector<16xi32> to vector<16x1xi32>
          %parallel_loop3A_490 = vector.shape_cast %parallel_loop3A_489 : vector<16x1xi32> to vector<16xi32>
          %parallel_loop3A_491 = tpu.dynamic_gather %parallel_loop3A_89[%parallel_loop3A_490] in [0] : vector<16xi32>, vector<16xi32> -> vector<16xi32>
          %parallel_loop3A_492 = arith.constant 0 : i32
          %parallel_loop3A_493 = vector.broadcast %parallel_loop3A_492 : i32 to vector<16xi32>
          %parallel_loop3A_494 = arith.cmpi slt, %parallel_loop3A_481, %parallel_loop3A_493 : vector<16xi32>
          %parallel_loop3A_495 = arith.constant 16 : i32
          %parallel_loop3A_496 = vector.broadcast %parallel_loop3A_495 : i32 to vector<16xi32>
          %parallel_loop3A_497 = arith.addi %parallel_loop3A_481, %parallel_loop3A_496 : vector<16xi32>
          %parallel_loop3A_498 = arith.select %parallel_loop3A_494, %parallel_loop3A_497, %parallel_loop3A_481 : vector<16xi1>, vector<16xi32>
          %parallel_loop3A_499 = vector.shape_cast %parallel_loop3A_498 : vector<16xi32> to vector<16x1xi32>
          %parallel_loop3A_500 = vector.shape_cast %parallel_loop3A_499 : vector<16x1xi32> to vector<16xi32>
          %parallel_loop3A_501 = tpu.dynamic_gather %parallel_loop3A_95[%parallel_loop3A_500] in [0] : vector<16xi32>, vector<16xi32> -> vector<16xi32>
          %parallel_loop3A_502 = arith.constant 65535 : i32
          %parallel_loop3A_503 = vector.broadcast %parallel_loop3A_502 : i32 to vector<16xi32>
          %parallel_loop3A_504 = arith.andi %parallel_loop3A_491, %parallel_loop3A_503 : vector<16xi32>
          %parallel_loop3A_505 = arith.constant -65536 : i32
          %parallel_loop3A_506 = vector.broadcast %parallel_loop3A_505 : i32 to vector<16xi32>
          %parallel_loop3A_507 = arith.andi %parallel_loop3A_491, %parallel_loop3A_506 : vector<16xi32>
          %parallel_loop3A_508 = vector.bitcast %parallel_loop3A_507 : vector<16xi32> to vector<16xf32>
          %parallel_loop3A_509 = arith.constant 2047 : i32
          %parallel_loop3A_510 = vector.broadcast %parallel_loop3A_509 : i32 to vector<16xi32>
          %parallel_loop3A_511 = arith.andi %parallel_loop3A_501, %parallel_loop3A_510 : vector<16xi32>
          %parallel_loop3A_512 = tpu.vector_load_idx %arg8[%parallel_loop3A_511, %iota3A] : memref<2048x16xi32, #tpu.memory_space<vmem>>[vector<16xi32>, vector<16xi32>], vector<16xi32>,
          %parallel_loop3A_513 = arith.constant 11 : i32
          %parallel_loop3A_514 = vector.broadcast %parallel_loop3A_513 : i32 to vector<16xi32>
          %parallel_loop3A_515 = arith.shrsi %parallel_loop3A_501, %parallel_loop3A_514 : vector<16xi32>
          %parallel_loop3A_516 = arith.constant 4 : i32
          %parallel_loop3A_517 = vector.broadcast %parallel_loop3A_516 : i32 to vector<16xi32>
          %parallel_loop3A_518 = arith.shli %parallel_loop3A_515, %parallel_loop3A_517 : vector<16xi32>
          %parallel_loop3A_519 = arith.constant 16 : i32
          %parallel_loop3A_520 = vector.broadcast %parallel_loop3A_519 : i32 to vector<16xi32>
          %parallel_loop3A_521 = arith.subi %parallel_loop3A_520, %parallel_loop3A_518 : vector<16xi32>
          %parallel_loop3A_522 = arith.shli %parallel_loop3A_512, %parallel_loop3A_521 : vector<16xi32>
          %parallel_loop3A_523 = arith.constant -65536 : i32
          %parallel_loop3A_524 = vector.broadcast %parallel_loop3A_523 : i32 to vector<16xi32>
          %parallel_loop3A_525 = arith.andi %parallel_loop3A_522, %parallel_loop3A_524 : vector<16xi32>
          %parallel_loop3A_526 = vector.bitcast %parallel_loop3A_525 : vector<16xi32> to vector<16xf32>
          %parallel_loop3A_527 = arith.mulf %parallel_loop3A_526, %parallel_loop3A_508 : vector<16xf32>
          tpu.vector_store_idx %arg9[%parallel_loop3A_504, %iota3A], %parallel_loop3A_527 {add = true} : memref<4096x16xf32, #tpu.memory_space<vmem>>[vector<16xi32>, vector<16xi32>], vector<16xf32>,
          %parallel_loop3A_528 = arith.constant 9 : i32
          %parallel_loop3A_529 = vector.broadcast %parallel_loop3A_528 : i32 to vector<16xi32>
          %parallel_loop3A_530 = arith.constant 0 : i32
          %parallel_loop3A_531 = vector.broadcast %parallel_loop3A_530 : i32 to vector<16xi32>
          %parallel_loop3A_532 = arith.cmpi slt, %parallel_loop3A_529, %parallel_loop3A_531 : vector<16xi32>
          %parallel_loop3A_533 = arith.constant 16 : i32
          %parallel_loop3A_534 = vector.broadcast %parallel_loop3A_533 : i32 to vector<16xi32>
          %parallel_loop3A_535 = arith.addi %parallel_loop3A_529, %parallel_loop3A_534 : vector<16xi32>
          %parallel_loop3A_536 = arith.select %parallel_loop3A_532, %parallel_loop3A_535, %parallel_loop3A_529 : vector<16xi1>, vector<16xi32>
          %parallel_loop3A_537 = vector.shape_cast %parallel_loop3A_536 : vector<16xi32> to vector<16x1xi32>
          %parallel_loop3A_538 = vector.shape_cast %parallel_loop3A_537 : vector<16x1xi32> to vector<16xi32>
          %parallel_loop3A_539 = tpu.dynamic_gather %parallel_loop3A_89[%parallel_loop3A_538] in [0] : vector<16xi32>, vector<16xi32> -> vector<16xi32>
          %parallel_loop3A_540 = arith.constant 0 : i32
          %parallel_loop3A_541 = vector.broadcast %parallel_loop3A_540 : i32 to vector<16xi32>
          %parallel_loop3A_542 = arith.cmpi slt, %parallel_loop3A_529, %parallel_loop3A_541 : vector<16xi32>
          %parallel_loop3A_543 = arith.constant 16 : i32
          %parallel_loop3A_544 = vector.broadcast %parallel_loop3A_543 : i32 to vector<16xi32>
          %parallel_loop3A_545 = arith.addi %parallel_loop3A_529, %parallel_loop3A_544 : vector<16xi32>
          %parallel_loop3A_546 = arith.select %parallel_loop3A_542, %parallel_loop3A_545, %parallel_loop3A_529 : vector<16xi1>, vector<16xi32>
          %parallel_loop3A_547 = vector.shape_cast %parallel_loop3A_546 : vector<16xi32> to vector<16x1xi32>
          %parallel_loop3A_548 = vector.shape_cast %parallel_loop3A_547 : vector<16x1xi32> to vector<16xi32>
          %parallel_loop3A_549 = tpu.dynamic_gather %parallel_loop3A_95[%parallel_loop3A_548] in [0] : vector<16xi32>, vector<16xi32> -> vector<16xi32>
          %parallel_loop3A_550 = arith.constant 65535 : i32
          %parallel_loop3A_551 = vector.broadcast %parallel_loop3A_550 : i32 to vector<16xi32>
          %parallel_loop3A_552 = arith.andi %parallel_loop3A_539, %parallel_loop3A_551 : vector<16xi32>
          %parallel_loop3A_553 = arith.constant -65536 : i32
          %parallel_loop3A_554 = vector.broadcast %parallel_loop3A_553 : i32 to vector<16xi32>
          %parallel_loop3A_555 = arith.andi %parallel_loop3A_539, %parallel_loop3A_554 : vector<16xi32>
          %parallel_loop3A_556 = vector.bitcast %parallel_loop3A_555 : vector<16xi32> to vector<16xf32>
          %parallel_loop3A_557 = arith.constant 2047 : i32
          %parallel_loop3A_558 = vector.broadcast %parallel_loop3A_557 : i32 to vector<16xi32>
          %parallel_loop3A_559 = arith.andi %parallel_loop3A_549, %parallel_loop3A_558 : vector<16xi32>
          %parallel_loop3A_560 = tpu.vector_load_idx %arg8[%parallel_loop3A_559, %iota3A] : memref<2048x16xi32, #tpu.memory_space<vmem>>[vector<16xi32>, vector<16xi32>], vector<16xi32>,
          %parallel_loop3A_561 = arith.constant 11 : i32
          %parallel_loop3A_562 = vector.broadcast %parallel_loop3A_561 : i32 to vector<16xi32>
          %parallel_loop3A_563 = arith.shrsi %parallel_loop3A_549, %parallel_loop3A_562 : vector<16xi32>
          %parallel_loop3A_564 = arith.constant 4 : i32
          %parallel_loop3A_565 = vector.broadcast %parallel_loop3A_564 : i32 to vector<16xi32>
          %parallel_loop3A_566 = arith.shli %parallel_loop3A_563, %parallel_loop3A_565 : vector<16xi32>
          %parallel_loop3A_567 = arith.constant 16 : i32
          %parallel_loop3A_568 = vector.broadcast %parallel_loop3A_567 : i32 to vector<16xi32>
          %parallel_loop3A_569 = arith.subi %parallel_loop3A_568, %parallel_loop3A_566 : vector<16xi32>
          %parallel_loop3A_570 = arith.shli %parallel_loop3A_560, %parallel_loop3A_569 : vector<16xi32>
          %parallel_loop3A_571 = arith.constant -65536 : i32
          %parallel_loop3A_572 = vector.broadcast %parallel_loop3A_571 : i32 to vector<16xi32>
          %parallel_loop3A_573 = arith.andi %parallel_loop3A_570, %parallel_loop3A_572 : vector<16xi32>
          %parallel_loop3A_574 = vector.bitcast %parallel_loop3A_573 : vector<16xi32> to vector<16xf32>
          %parallel_loop3A_575 = arith.mulf %parallel_loop3A_574, %parallel_loop3A_556 : vector<16xf32>
          tpu.vector_store_idx %arg9[%parallel_loop3A_552, %iota3A], %parallel_loop3A_575 {add = true} : memref<4096x16xf32, #tpu.memory_space<vmem>>[vector<16xi32>, vector<16xi32>], vector<16xf32>,
          %parallel_loop3A_576 = arith.constant 10 : i32
          %parallel_loop3A_577 = vector.broadcast %parallel_loop3A_576 : i32 to vector<16xi32>
          %parallel_loop3A_578 = arith.constant 0 : i32
          %parallel_loop3A_579 = vector.broadcast %parallel_loop3A_578 : i32 to vector<16xi32>
          %parallel_loop3A_580 = arith.cmpi slt, %parallel_loop3A_577, %parallel_loop3A_579 : vector<16xi32>
          %parallel_loop3A_581 = arith.constant 16 : i32
          %parallel_loop3A_582 = vector.broadcast %parallel_loop3A_581 : i32 to vector<16xi32>
          %parallel_loop3A_583 = arith.addi %parallel_loop3A_577, %parallel_loop3A_582 : vector<16xi32>
          %parallel_loop3A_584 = arith.select %parallel_loop3A_580, %parallel_loop3A_583, %parallel_loop3A_577 : vector<16xi1>, vector<16xi32>
          %parallel_loop3A_585 = vector.shape_cast %parallel_loop3A_584 : vector<16xi32> to vector<16x1xi32>
          %parallel_loop3A_586 = vector.shape_cast %parallel_loop3A_585 : vector<16x1xi32> to vector<16xi32>
          %parallel_loop3A_587 = tpu.dynamic_gather %parallel_loop3A_89[%parallel_loop3A_586] in [0] : vector<16xi32>, vector<16xi32> -> vector<16xi32>
          %parallel_loop3A_588 = arith.constant 0 : i32
          %parallel_loop3A_589 = vector.broadcast %parallel_loop3A_588 : i32 to vector<16xi32>
          %parallel_loop3A_590 = arith.cmpi slt, %parallel_loop3A_577, %parallel_loop3A_589 : vector<16xi32>
          %parallel_loop3A_591 = arith.constant 16 : i32
          %parallel_loop3A_592 = vector.broadcast %parallel_loop3A_591 : i32 to vector<16xi32>
          %parallel_loop3A_593 = arith.addi %parallel_loop3A_577, %parallel_loop3A_592 : vector<16xi32>
          %parallel_loop3A_594 = arith.select %parallel_loop3A_590, %parallel_loop3A_593, %parallel_loop3A_577 : vector<16xi1>, vector<16xi32>
          %parallel_loop3A_595 = vector.shape_cast %parallel_loop3A_594 : vector<16xi32> to vector<16x1xi32>
          %parallel_loop3A_596 = vector.shape_cast %parallel_loop3A_595 : vector<16x1xi32> to vector<16xi32>
          %parallel_loop3A_597 = tpu.dynamic_gather %parallel_loop3A_95[%parallel_loop3A_596] in [0] : vector<16xi32>, vector<16xi32> -> vector<16xi32>
          %parallel_loop3A_598 = arith.constant 65535 : i32
          %parallel_loop3A_599 = vector.broadcast %parallel_loop3A_598 : i32 to vector<16xi32>
          %parallel_loop3A_600 = arith.andi %parallel_loop3A_587, %parallel_loop3A_599 : vector<16xi32>
          %parallel_loop3A_601 = arith.constant -65536 : i32
          %parallel_loop3A_602 = vector.broadcast %parallel_loop3A_601 : i32 to vector<16xi32>
          %parallel_loop3A_603 = arith.andi %parallel_loop3A_587, %parallel_loop3A_602 : vector<16xi32>
          %parallel_loop3A_604 = vector.bitcast %parallel_loop3A_603 : vector<16xi32> to vector<16xf32>
          %parallel_loop3A_605 = arith.constant 2047 : i32
          %parallel_loop3A_606 = vector.broadcast %parallel_loop3A_605 : i32 to vector<16xi32>
          %parallel_loop3A_607 = arith.andi %parallel_loop3A_597, %parallel_loop3A_606 : vector<16xi32>
          %parallel_loop3A_608 = tpu.vector_load_idx %arg8[%parallel_loop3A_607, %iota3A] : memref<2048x16xi32, #tpu.memory_space<vmem>>[vector<16xi32>, vector<16xi32>], vector<16xi32>,
          %parallel_loop3A_609 = arith.constant 11 : i32
          %parallel_loop3A_610 = vector.broadcast %parallel_loop3A_609 : i32 to vector<16xi32>
          %parallel_loop3A_611 = arith.shrsi %parallel_loop3A_597, %parallel_loop3A_610 : vector<16xi32>
          %parallel_loop3A_612 = arith.constant 4 : i32
          %parallel_loop3A_613 = vector.broadcast %parallel_loop3A_612 : i32 to vector<16xi32>
          %parallel_loop3A_614 = arith.shli %parallel_loop3A_611, %parallel_loop3A_613 : vector<16xi32>
          %parallel_loop3A_615 = arith.constant 16 : i32
          %parallel_loop3A_616 = vector.broadcast %parallel_loop3A_615 : i32 to vector<16xi32>
          %parallel_loop3A_617 = arith.subi %parallel_loop3A_616, %parallel_loop3A_614 : vector<16xi32>
          %parallel_loop3A_618 = arith.shli %parallel_loop3A_608, %parallel_loop3A_617 : vector<16xi32>
          %parallel_loop3A_619 = arith.constant -65536 : i32
          %parallel_loop3A_620 = vector.broadcast %parallel_loop3A_619 : i32 to vector<16xi32>
          %parallel_loop3A_621 = arith.andi %parallel_loop3A_618, %parallel_loop3A_620 : vector<16xi32>
          %parallel_loop3A_622 = vector.bitcast %parallel_loop3A_621 : vector<16xi32> to vector<16xf32>
          %parallel_loop3A_623 = arith.mulf %parallel_loop3A_622, %parallel_loop3A_604 : vector<16xf32>
          tpu.vector_store_idx %arg9[%parallel_loop3A_600, %iota3A], %parallel_loop3A_623 {add = true} : memref<4096x16xf32, #tpu.memory_space<vmem>>[vector<16xi32>, vector<16xi32>], vector<16xf32>,
          %parallel_loop3A_624 = arith.constant 11 : i32
          %parallel_loop3A_625 = vector.broadcast %parallel_loop3A_624 : i32 to vector<16xi32>
          %parallel_loop3A_626 = arith.constant 0 : i32
          %parallel_loop3A_627 = vector.broadcast %parallel_loop3A_626 : i32 to vector<16xi32>
          %parallel_loop3A_628 = arith.cmpi slt, %parallel_loop3A_625, %parallel_loop3A_627 : vector<16xi32>
          %parallel_loop3A_629 = arith.constant 16 : i32
          %parallel_loop3A_630 = vector.broadcast %parallel_loop3A_629 : i32 to vector<16xi32>
          %parallel_loop3A_631 = arith.addi %parallel_loop3A_625, %parallel_loop3A_630 : vector<16xi32>
          %parallel_loop3A_632 = arith.select %parallel_loop3A_628, %parallel_loop3A_631, %parallel_loop3A_625 : vector<16xi1>, vector<16xi32>
          %parallel_loop3A_633 = vector.shape_cast %parallel_loop3A_632 : vector<16xi32> to vector<16x1xi32>
          %parallel_loop3A_634 = vector.shape_cast %parallel_loop3A_633 : vector<16x1xi32> to vector<16xi32>
          %parallel_loop3A_635 = tpu.dynamic_gather %parallel_loop3A_89[%parallel_loop3A_634] in [0] : vector<16xi32>, vector<16xi32> -> vector<16xi32>
          %parallel_loop3A_636 = arith.constant 0 : i32
          %parallel_loop3A_637 = vector.broadcast %parallel_loop3A_636 : i32 to vector<16xi32>
          %parallel_loop3A_638 = arith.cmpi slt, %parallel_loop3A_625, %parallel_loop3A_637 : vector<16xi32>
          %parallel_loop3A_639 = arith.constant 16 : i32
          %parallel_loop3A_640 = vector.broadcast %parallel_loop3A_639 : i32 to vector<16xi32>
          %parallel_loop3A_641 = arith.addi %parallel_loop3A_625, %parallel_loop3A_640 : vector<16xi32>
          %parallel_loop3A_642 = arith.select %parallel_loop3A_638, %parallel_loop3A_641, %parallel_loop3A_625 : vector<16xi1>, vector<16xi32>
          %parallel_loop3A_643 = vector.shape_cast %parallel_loop3A_642 : vector<16xi32> to vector<16x1xi32>
          %parallel_loop3A_644 = vector.shape_cast %parallel_loop3A_643 : vector<16x1xi32> to vector<16xi32>
          %parallel_loop3A_645 = tpu.dynamic_gather %parallel_loop3A_95[%parallel_loop3A_644] in [0] : vector<16xi32>, vector<16xi32> -> vector<16xi32>
          %parallel_loop3A_646 = arith.constant 65535 : i32
          %parallel_loop3A_647 = vector.broadcast %parallel_loop3A_646 : i32 to vector<16xi32>
          %parallel_loop3A_648 = arith.andi %parallel_loop3A_635, %parallel_loop3A_647 : vector<16xi32>
          %parallel_loop3A_649 = arith.constant -65536 : i32
          %parallel_loop3A_650 = vector.broadcast %parallel_loop3A_649 : i32 to vector<16xi32>
          %parallel_loop3A_651 = arith.andi %parallel_loop3A_635, %parallel_loop3A_650 : vector<16xi32>
          %parallel_loop3A_652 = vector.bitcast %parallel_loop3A_651 : vector<16xi32> to vector<16xf32>
          %parallel_loop3A_653 = arith.constant 2047 : i32
          %parallel_loop3A_654 = vector.broadcast %parallel_loop3A_653 : i32 to vector<16xi32>
          %parallel_loop3A_655 = arith.andi %parallel_loop3A_645, %parallel_loop3A_654 : vector<16xi32>
          %parallel_loop3A_656 = tpu.vector_load_idx %arg8[%parallel_loop3A_655, %iota3A] : memref<2048x16xi32, #tpu.memory_space<vmem>>[vector<16xi32>, vector<16xi32>], vector<16xi32>,
          %parallel_loop3A_657 = arith.constant 11 : i32
          %parallel_loop3A_658 = vector.broadcast %parallel_loop3A_657 : i32 to vector<16xi32>
          %parallel_loop3A_659 = arith.shrsi %parallel_loop3A_645, %parallel_loop3A_658 : vector<16xi32>
          %parallel_loop3A_660 = arith.constant 4 : i32
          %parallel_loop3A_661 = vector.broadcast %parallel_loop3A_660 : i32 to vector<16xi32>
          %parallel_loop3A_662 = arith.shli %parallel_loop3A_659, %parallel_loop3A_661 : vector<16xi32>
          %parallel_loop3A_663 = arith.constant 16 : i32
          %parallel_loop3A_664 = vector.broadcast %parallel_loop3A_663 : i32 to vector<16xi32>
          %parallel_loop3A_665 = arith.subi %parallel_loop3A_664, %parallel_loop3A_662 : vector<16xi32>
          %parallel_loop3A_666 = arith.shli %parallel_loop3A_656, %parallel_loop3A_665 : vector<16xi32>
          %parallel_loop3A_667 = arith.constant -65536 : i32
          %parallel_loop3A_668 = vector.broadcast %parallel_loop3A_667 : i32 to vector<16xi32>
          %parallel_loop3A_669 = arith.andi %parallel_loop3A_666, %parallel_loop3A_668 : vector<16xi32>
          %parallel_loop3A_670 = vector.bitcast %parallel_loop3A_669 : vector<16xi32> to vector<16xf32>
          %parallel_loop3A_671 = arith.mulf %parallel_loop3A_670, %parallel_loop3A_652 : vector<16xf32>
          tpu.vector_store_idx %arg9[%parallel_loop3A_648, %iota3A], %parallel_loop3A_671 {add = true} : memref<4096x16xf32, #tpu.memory_space<vmem>>[vector<16xi32>, vector<16xi32>], vector<16xf32>,
          %parallel_loop3A_672 = arith.constant 12 : i32
          %parallel_loop3A_673 = vector.broadcast %parallel_loop3A_672 : i32 to vector<16xi32>
          %parallel_loop3A_674 = arith.constant 0 : i32
          %parallel_loop3A_675 = vector.broadcast %parallel_loop3A_674 : i32 to vector<16xi32>
          %parallel_loop3A_676 = arith.cmpi slt, %parallel_loop3A_673, %parallel_loop3A_675 : vector<16xi32>
          %parallel_loop3A_677 = arith.constant 16 : i32
          %parallel_loop3A_678 = vector.broadcast %parallel_loop3A_677 : i32 to vector<16xi32>
          %parallel_loop3A_679 = arith.addi %parallel_loop3A_673, %parallel_loop3A_678 : vector<16xi32>
          %parallel_loop3A_680 = arith.select %parallel_loop3A_676, %parallel_loop3A_679, %parallel_loop3A_673 : vector<16xi1>, vector<16xi32>
          %parallel_loop3A_681 = vector.shape_cast %parallel_loop3A_680 : vector<16xi32> to vector<16x1xi32>
          %parallel_loop3A_682 = vector.shape_cast %parallel_loop3A_681 : vector<16x1xi32> to vector<16xi32>
          %parallel_loop3A_683 = tpu.dynamic_gather %parallel_loop3A_89[%parallel_loop3A_682] in [0] : vector<16xi32>, vector<16xi32> -> vector<16xi32>
          %parallel_loop3A_684 = arith.constant 0 : i32
          %parallel_loop3A_685 = vector.broadcast %parallel_loop3A_684 : i32 to vector<16xi32>
          %parallel_loop3A_686 = arith.cmpi slt, %parallel_loop3A_673, %parallel_loop3A_685 : vector<16xi32>
          %parallel_loop3A_687 = arith.constant 16 : i32
          %parallel_loop3A_688 = vector.broadcast %parallel_loop3A_687 : i32 to vector<16xi32>
          %parallel_loop3A_689 = arith.addi %parallel_loop3A_673, %parallel_loop3A_688 : vector<16xi32>
          %parallel_loop3A_690 = arith.select %parallel_loop3A_686, %parallel_loop3A_689, %parallel_loop3A_673 : vector<16xi1>, vector<16xi32>
          %parallel_loop3A_691 = vector.shape_cast %parallel_loop3A_690 : vector<16xi32> to vector<16x1xi32>
          %parallel_loop3A_692 = vector.shape_cast %parallel_loop3A_691 : vector<16x1xi32> to vector<16xi32>
          %parallel_loop3A_693 = tpu.dynamic_gather %parallel_loop3A_95[%parallel_loop3A_692] in [0] : vector<16xi32>, vector<16xi32> -> vector<16xi32>
          %parallel_loop3A_694 = arith.constant 65535 : i32
          %parallel_loop3A_695 = vector.broadcast %parallel_loop3A_694 : i32 to vector<16xi32>
          %parallel_loop3A_696 = arith.andi %parallel_loop3A_683, %parallel_loop3A_695 : vector<16xi32>
          %parallel_loop3A_697 = arith.constant -65536 : i32
          %parallel_loop3A_698 = vector.broadcast %parallel_loop3A_697 : i32 to vector<16xi32>
          %parallel_loop3A_699 = arith.andi %parallel_loop3A_683, %parallel_loop3A_698 : vector<16xi32>
          %parallel_loop3A_700 = vector.bitcast %parallel_loop3A_699 : vector<16xi32> to vector<16xf32>
          %parallel_loop3A_701 = arith.constant 2047 : i32
          %parallel_loop3A_702 = vector.broadcast %parallel_loop3A_701 : i32 to vector<16xi32>
          %parallel_loop3A_703 = arith.andi %parallel_loop3A_693, %parallel_loop3A_702 : vector<16xi32>
          %parallel_loop3A_704 = tpu.vector_load_idx %arg8[%parallel_loop3A_703, %iota3A] : memref<2048x16xi32, #tpu.memory_space<vmem>>[vector<16xi32>, vector<16xi32>], vector<16xi32>,
          %parallel_loop3A_705 = arith.constant 11 : i32
          %parallel_loop3A_706 = vector.broadcast %parallel_loop3A_705 : i32 to vector<16xi32>
          %parallel_loop3A_707 = arith.shrsi %parallel_loop3A_693, %parallel_loop3A_706 : vector<16xi32>
          %parallel_loop3A_708 = arith.constant 4 : i32
          %parallel_loop3A_709 = vector.broadcast %parallel_loop3A_708 : i32 to vector<16xi32>
          %parallel_loop3A_710 = arith.shli %parallel_loop3A_707, %parallel_loop3A_709 : vector<16xi32>
          %parallel_loop3A_711 = arith.constant 16 : i32
          %parallel_loop3A_712 = vector.broadcast %parallel_loop3A_711 : i32 to vector<16xi32>
          %parallel_loop3A_713 = arith.subi %parallel_loop3A_712, %parallel_loop3A_710 : vector<16xi32>
          %parallel_loop3A_714 = arith.shli %parallel_loop3A_704, %parallel_loop3A_713 : vector<16xi32>
          %parallel_loop3A_715 = arith.constant -65536 : i32
          %parallel_loop3A_716 = vector.broadcast %parallel_loop3A_715 : i32 to vector<16xi32>
          %parallel_loop3A_717 = arith.andi %parallel_loop3A_714, %parallel_loop3A_716 : vector<16xi32>
          %parallel_loop3A_718 = vector.bitcast %parallel_loop3A_717 : vector<16xi32> to vector<16xf32>
          %parallel_loop3A_719 = arith.mulf %parallel_loop3A_718, %parallel_loop3A_700 : vector<16xf32>
          tpu.vector_store_idx %arg9[%parallel_loop3A_696, %iota3A], %parallel_loop3A_719 {add = true} : memref<4096x16xf32, #tpu.memory_space<vmem>>[vector<16xi32>, vector<16xi32>], vector<16xf32>,
          %parallel_loop3A_720 = arith.constant 13 : i32
          %parallel_loop3A_721 = vector.broadcast %parallel_loop3A_720 : i32 to vector<16xi32>
          %parallel_loop3A_722 = arith.constant 0 : i32
          %parallel_loop3A_723 = vector.broadcast %parallel_loop3A_722 : i32 to vector<16xi32>
          %parallel_loop3A_724 = arith.cmpi slt, %parallel_loop3A_721, %parallel_loop3A_723 : vector<16xi32>
          %parallel_loop3A_725 = arith.constant 16 : i32
          %parallel_loop3A_726 = vector.broadcast %parallel_loop3A_725 : i32 to vector<16xi32>
          %parallel_loop3A_727 = arith.addi %parallel_loop3A_721, %parallel_loop3A_726 : vector<16xi32>
          %parallel_loop3A_728 = arith.select %parallel_loop3A_724, %parallel_loop3A_727, %parallel_loop3A_721 : vector<16xi1>, vector<16xi32>
          %parallel_loop3A_729 = vector.shape_cast %parallel_loop3A_728 : vector<16xi32> to vector<16x1xi32>
          %parallel_loop3A_730 = vector.shape_cast %parallel_loop3A_729 : vector<16x1xi32> to vector<16xi32>
          %parallel_loop3A_731 = tpu.dynamic_gather %parallel_loop3A_89[%parallel_loop3A_730] in [0] : vector<16xi32>, vector<16xi32> -> vector<16xi32>
          %parallel_loop3A_732 = arith.constant 0 : i32
          %parallel_loop3A_733 = vector.broadcast %parallel_loop3A_732 : i32 to vector<16xi32>
          %parallel_loop3A_734 = arith.cmpi slt, %parallel_loop3A_721, %parallel_loop3A_733 : vector<16xi32>
          %parallel_loop3A_735 = arith.constant 16 : i32
          %parallel_loop3A_736 = vector.broadcast %parallel_loop3A_735 : i32 to vector<16xi32>
          %parallel_loop3A_737 = arith.addi %parallel_loop3A_721, %parallel_loop3A_736 : vector<16xi32>
          %parallel_loop3A_738 = arith.select %parallel_loop3A_734, %parallel_loop3A_737, %parallel_loop3A_721 : vector<16xi1>, vector<16xi32>
          %parallel_loop3A_739 = vector.shape_cast %parallel_loop3A_738 : vector<16xi32> to vector<16x1xi32>
          %parallel_loop3A_740 = vector.shape_cast %parallel_loop3A_739 : vector<16x1xi32> to vector<16xi32>
          %parallel_loop3A_741 = tpu.dynamic_gather %parallel_loop3A_95[%parallel_loop3A_740] in [0] : vector<16xi32>, vector<16xi32> -> vector<16xi32>
          %parallel_loop3A_742 = arith.constant 65535 : i32
          %parallel_loop3A_743 = vector.broadcast %parallel_loop3A_742 : i32 to vector<16xi32>
          %parallel_loop3A_744 = arith.andi %parallel_loop3A_731, %parallel_loop3A_743 : vector<16xi32>
          %parallel_loop3A_745 = arith.constant -65536 : i32
          %parallel_loop3A_746 = vector.broadcast %parallel_loop3A_745 : i32 to vector<16xi32>
          %parallel_loop3A_747 = arith.andi %parallel_loop3A_731, %parallel_loop3A_746 : vector<16xi32>
          %parallel_loop3A_748 = vector.bitcast %parallel_loop3A_747 : vector<16xi32> to vector<16xf32>
          %parallel_loop3A_749 = arith.constant 2047 : i32
          %parallel_loop3A_750 = vector.broadcast %parallel_loop3A_749 : i32 to vector<16xi32>
          %parallel_loop3A_751 = arith.andi %parallel_loop3A_741, %parallel_loop3A_750 : vector<16xi32>
          %parallel_loop3A_752 = tpu.vector_load_idx %arg8[%parallel_loop3A_751, %iota3A] : memref<2048x16xi32, #tpu.memory_space<vmem>>[vector<16xi32>, vector<16xi32>], vector<16xi32>,
          %parallel_loop3A_753 = arith.constant 11 : i32
          %parallel_loop3A_754 = vector.broadcast %parallel_loop3A_753 : i32 to vector<16xi32>
          %parallel_loop3A_755 = arith.shrsi %parallel_loop3A_741, %parallel_loop3A_754 : vector<16xi32>
          %parallel_loop3A_756 = arith.constant 4 : i32
          %parallel_loop3A_757 = vector.broadcast %parallel_loop3A_756 : i32 to vector<16xi32>
          %parallel_loop3A_758 = arith.shli %parallel_loop3A_755, %parallel_loop3A_757 : vector<16xi32>
          %parallel_loop3A_759 = arith.constant 16 : i32
          %parallel_loop3A_760 = vector.broadcast %parallel_loop3A_759 : i32 to vector<16xi32>
          %parallel_loop3A_761 = arith.subi %parallel_loop3A_760, %parallel_loop3A_758 : vector<16xi32>
          %parallel_loop3A_762 = arith.shli %parallel_loop3A_752, %parallel_loop3A_761 : vector<16xi32>
          %parallel_loop3A_763 = arith.constant -65536 : i32
          %parallel_loop3A_764 = vector.broadcast %parallel_loop3A_763 : i32 to vector<16xi32>
          %parallel_loop3A_765 = arith.andi %parallel_loop3A_762, %parallel_loop3A_764 : vector<16xi32>
          %parallel_loop3A_766 = vector.bitcast %parallel_loop3A_765 : vector<16xi32> to vector<16xf32>
          %parallel_loop3A_767 = arith.mulf %parallel_loop3A_766, %parallel_loop3A_748 : vector<16xf32>
          tpu.vector_store_idx %arg9[%parallel_loop3A_744, %iota3A], %parallel_loop3A_767 {add = true} : memref<4096x16xf32, #tpu.memory_space<vmem>>[vector<16xi32>, vector<16xi32>], vector<16xf32>,
          %parallel_loop3A_768 = arith.constant 14 : i32
          %parallel_loop3A_769 = vector.broadcast %parallel_loop3A_768 : i32 to vector<16xi32>
          %parallel_loop3A_770 = arith.constant 0 : i32
          %parallel_loop3A_771 = vector.broadcast %parallel_loop3A_770 : i32 to vector<16xi32>
          %parallel_loop3A_772 = arith.cmpi slt, %parallel_loop3A_769, %parallel_loop3A_771 : vector<16xi32>
          %parallel_loop3A_773 = arith.constant 16 : i32
          %parallel_loop3A_774 = vector.broadcast %parallel_loop3A_773 : i32 to vector<16xi32>
          %parallel_loop3A_775 = arith.addi %parallel_loop3A_769, %parallel_loop3A_774 : vector<16xi32>
          %parallel_loop3A_776 = arith.select %parallel_loop3A_772, %parallel_loop3A_775, %parallel_loop3A_769 : vector<16xi1>, vector<16xi32>
          %parallel_loop3A_777 = vector.shape_cast %parallel_loop3A_776 : vector<16xi32> to vector<16x1xi32>
          %parallel_loop3A_778 = vector.shape_cast %parallel_loop3A_777 : vector<16x1xi32> to vector<16xi32>
          %parallel_loop3A_779 = tpu.dynamic_gather %parallel_loop3A_89[%parallel_loop3A_778] in [0] : vector<16xi32>, vector<16xi32> -> vector<16xi32>
          %parallel_loop3A_780 = arith.constant 0 : i32
          %parallel_loop3A_781 = vector.broadcast %parallel_loop3A_780 : i32 to vector<16xi32>
          %parallel_loop3A_782 = arith.cmpi slt, %parallel_loop3A_769, %parallel_loop3A_781 : vector<16xi32>
          %parallel_loop3A_783 = arith.constant 16 : i32
          %parallel_loop3A_784 = vector.broadcast %parallel_loop3A_783 : i32 to vector<16xi32>
          %parallel_loop3A_785 = arith.addi %parallel_loop3A_769, %parallel_loop3A_784 : vector<16xi32>
          %parallel_loop3A_786 = arith.select %parallel_loop3A_782, %parallel_loop3A_785, %parallel_loop3A_769 : vector<16xi1>, vector<16xi32>
          %parallel_loop3A_787 = vector.shape_cast %parallel_loop3A_786 : vector<16xi32> to vector<16x1xi32>
          %parallel_loop3A_788 = vector.shape_cast %parallel_loop3A_787 : vector<16x1xi32> to vector<16xi32>
          %parallel_loop3A_789 = tpu.dynamic_gather %parallel_loop3A_95[%parallel_loop3A_788] in [0] : vector<16xi32>, vector<16xi32> -> vector<16xi32>
          %parallel_loop3A_790 = arith.constant 65535 : i32
          %parallel_loop3A_791 = vector.broadcast %parallel_loop3A_790 : i32 to vector<16xi32>
          %parallel_loop3A_792 = arith.andi %parallel_loop3A_779, %parallel_loop3A_791 : vector<16xi32>
          %parallel_loop3A_793 = arith.constant -65536 : i32
          %parallel_loop3A_794 = vector.broadcast %parallel_loop3A_793 : i32 to vector<16xi32>
          %parallel_loop3A_795 = arith.andi %parallel_loop3A_779, %parallel_loop3A_794 : vector<16xi32>
          %parallel_loop3A_796 = vector.bitcast %parallel_loop3A_795 : vector<16xi32> to vector<16xf32>
          %parallel_loop3A_797 = arith.constant 2047 : i32
          %parallel_loop3A_798 = vector.broadcast %parallel_loop3A_797 : i32 to vector<16xi32>
          %parallel_loop3A_799 = arith.andi %parallel_loop3A_789, %parallel_loop3A_798 : vector<16xi32>
          %parallel_loop3A_800 = tpu.vector_load_idx %arg8[%parallel_loop3A_799, %iota3A] : memref<2048x16xi32, #tpu.memory_space<vmem>>[vector<16xi32>, vector<16xi32>], vector<16xi32>,
          %parallel_loop3A_801 = arith.constant 11 : i32
          %parallel_loop3A_802 = vector.broadcast %parallel_loop3A_801 : i32 to vector<16xi32>
          %parallel_loop3A_803 = arith.shrsi %parallel_loop3A_789, %parallel_loop3A_802 : vector<16xi32>
          %parallel_loop3A_804 = arith.constant 4 : i32
          %parallel_loop3A_805 = vector.broadcast %parallel_loop3A_804 : i32 to vector<16xi32>
          %parallel_loop3A_806 = arith.shli %parallel_loop3A_803, %parallel_loop3A_805 : vector<16xi32>
          %parallel_loop3A_807 = arith.constant 16 : i32
          %parallel_loop3A_808 = vector.broadcast %parallel_loop3A_807 : i32 to vector<16xi32>
          %parallel_loop3A_809 = arith.subi %parallel_loop3A_808, %parallel_loop3A_806 : vector<16xi32>
          %parallel_loop3A_810 = arith.shli %parallel_loop3A_800, %parallel_loop3A_809 : vector<16xi32>
          %parallel_loop3A_811 = arith.constant -65536 : i32
          %parallel_loop3A_812 = vector.broadcast %parallel_loop3A_811 : i32 to vector<16xi32>
          %parallel_loop3A_813 = arith.andi %parallel_loop3A_810, %parallel_loop3A_812 : vector<16xi32>
          %parallel_loop3A_814 = vector.bitcast %parallel_loop3A_813 : vector<16xi32> to vector<16xf32>
          %parallel_loop3A_815 = arith.mulf %parallel_loop3A_814, %parallel_loop3A_796 : vector<16xf32>
          tpu.vector_store_idx %arg9[%parallel_loop3A_792, %iota3A], %parallel_loop3A_815 {add = true} : memref<4096x16xf32, #tpu.memory_space<vmem>>[vector<16xi32>, vector<16xi32>], vector<16xf32>,
          %parallel_loop3A_816 = arith.constant 15 : i32
          %parallel_loop3A_817 = vector.broadcast %parallel_loop3A_816 : i32 to vector<16xi32>
          %parallel_loop3A_818 = arith.constant 0 : i32
          %parallel_loop3A_819 = vector.broadcast %parallel_loop3A_818 : i32 to vector<16xi32>
          %parallel_loop3A_820 = arith.cmpi slt, %parallel_loop3A_817, %parallel_loop3A_819 : vector<16xi32>
          %parallel_loop3A_821 = arith.constant 16 : i32
          %parallel_loop3A_822 = vector.broadcast %parallel_loop3A_821 : i32 to vector<16xi32>
          %parallel_loop3A_823 = arith.addi %parallel_loop3A_817, %parallel_loop3A_822 : vector<16xi32>
          %parallel_loop3A_824 = arith.select %parallel_loop3A_820, %parallel_loop3A_823, %parallel_loop3A_817 : vector<16xi1>, vector<16xi32>
          %parallel_loop3A_825 = vector.shape_cast %parallel_loop3A_824 : vector<16xi32> to vector<16x1xi32>
          %parallel_loop3A_826 = vector.shape_cast %parallel_loop3A_825 : vector<16x1xi32> to vector<16xi32>
          %parallel_loop3A_827 = tpu.dynamic_gather %parallel_loop3A_89[%parallel_loop3A_826] in [0] : vector<16xi32>, vector<16xi32> -> vector<16xi32>
          %parallel_loop3A_828 = arith.constant 0 : i32
          %parallel_loop3A_829 = vector.broadcast %parallel_loop3A_828 : i32 to vector<16xi32>
          %parallel_loop3A_830 = arith.cmpi slt, %parallel_loop3A_817, %parallel_loop3A_829 : vector<16xi32>
          %parallel_loop3A_831 = arith.constant 16 : i32
          %parallel_loop3A_832 = vector.broadcast %parallel_loop3A_831 : i32 to vector<16xi32>
          %parallel_loop3A_833 = arith.addi %parallel_loop3A_817, %parallel_loop3A_832 : vector<16xi32>
          %parallel_loop3A_834 = arith.select %parallel_loop3A_830, %parallel_loop3A_833, %parallel_loop3A_817 : vector<16xi1>, vector<16xi32>
          %parallel_loop3A_835 = vector.shape_cast %parallel_loop3A_834 : vector<16xi32> to vector<16x1xi32>
          %parallel_loop3A_836 = vector.shape_cast %parallel_loop3A_835 : vector<16x1xi32> to vector<16xi32>
          %parallel_loop3A_837 = tpu.dynamic_gather %parallel_loop3A_95[%parallel_loop3A_836] in [0] : vector<16xi32>, vector<16xi32> -> vector<16xi32>
          %parallel_loop3A_838 = arith.constant 65535 : i32
          %parallel_loop3A_839 = vector.broadcast %parallel_loop3A_838 : i32 to vector<16xi32>
          %parallel_loop3A_840 = arith.andi %parallel_loop3A_827, %parallel_loop3A_839 : vector<16xi32>
          %parallel_loop3A_841 = arith.constant -65536 : i32
          %parallel_loop3A_842 = vector.broadcast %parallel_loop3A_841 : i32 to vector<16xi32>
          %parallel_loop3A_843 = arith.andi %parallel_loop3A_827, %parallel_loop3A_842 : vector<16xi32>
          %parallel_loop3A_844 = vector.bitcast %parallel_loop3A_843 : vector<16xi32> to vector<16xf32>
          %parallel_loop3A_845 = arith.constant 2047 : i32
          %parallel_loop3A_846 = vector.broadcast %parallel_loop3A_845 : i32 to vector<16xi32>
          %parallel_loop3A_847 = arith.andi %parallel_loop3A_837, %parallel_loop3A_846 : vector<16xi32>
          %parallel_loop3A_848 = tpu.vector_load_idx %arg8[%parallel_loop3A_847, %iota3A] : memref<2048x16xi32, #tpu.memory_space<vmem>>[vector<16xi32>, vector<16xi32>], vector<16xi32>,
          %parallel_loop3A_849 = arith.constant 11 : i32
          %parallel_loop3A_850 = vector.broadcast %parallel_loop3A_849 : i32 to vector<16xi32>
          %parallel_loop3A_851 = arith.shrsi %parallel_loop3A_837, %parallel_loop3A_850 : vector<16xi32>
          %parallel_loop3A_852 = arith.constant 4 : i32
          %parallel_loop3A_853 = vector.broadcast %parallel_loop3A_852 : i32 to vector<16xi32>
          %parallel_loop3A_854 = arith.shli %parallel_loop3A_851, %parallel_loop3A_853 : vector<16xi32>
          %parallel_loop3A_855 = arith.constant 16 : i32
          %parallel_loop3A_856 = vector.broadcast %parallel_loop3A_855 : i32 to vector<16xi32>
          %parallel_loop3A_857 = arith.subi %parallel_loop3A_856, %parallel_loop3A_854 : vector<16xi32>
          %parallel_loop3A_858 = arith.shli %parallel_loop3A_848, %parallel_loop3A_857 : vector<16xi32>
          %parallel_loop3A_859 = arith.constant -65536 : i32
          %parallel_loop3A_860 = vector.broadcast %parallel_loop3A_859 : i32 to vector<16xi32>
          %parallel_loop3A_861 = arith.andi %parallel_loop3A_858, %parallel_loop3A_860 : vector<16xi32>
          %parallel_loop3A_862 = vector.bitcast %parallel_loop3A_861 : vector<16xi32> to vector<16xf32>
          %parallel_loop3A_863 = arith.mulf %parallel_loop3A_862, %parallel_loop3A_844 : vector<16xf32>
          tpu.vector_store_idx %arg9[%parallel_loop3A_840, %iota3A], %parallel_loop3A_863 {add = true} : memref<4096x16xf32, #tpu.memory_space<vmem>>[vector<16xi32>, vector<16xi32>], vector<16xf32>,
        } {sc.loop_unroll_factor = 2 : i64, sc.parallel_access}
      }
      %scan3A_79 = arith.constant 16 : i32
    }
    %scan3A_41 = arith.constant 8 : i32
    %mul3A_42 = arith.constant 16 : i32
    %mul3A_43 = arith.muli %select_n3A_7, %mul3A_42 : i32
    "tpu.region"() ({
      %run_scoped3A = tpu.sem_alloc : memref<!tpu.dma_semaphore, #tpu.memory_space<semaphore_mem>>
      %dma_start3A = arith.constant 0 : i32
      %dma_start3A_44 = tpu.memref_slice %arg5[%add3A_30, %dma_start3A, %mul3A_43] : memref<4x4096x128xf32, #tpu.memory_space<hbm>> -> memref<1x4096x16xf32, #tpu.memory_space<hbm>>
      %dma_start3A_45 = tpu.memref_squeeze %dma_start3A_44 : memref<1x4096x16xf32, #tpu.memory_space<hbm>> -> memref<4096x16xf32, #tpu.memory_space<hbm>>
      %dma_start3A_46 = arith.constant 0 : i32
      %dma_start3A_47 = tpu.memref_slice %arg5[%add3A_30, %dma_start3A_46, %mul3A_43] : memref<4x4096x128xf32, #tpu.memory_space<hbm>> -> memref<1x4096x16xf32, #tpu.memory_space<hbm>>
      %dma_start3A_48 = tpu.memref_squeeze %dma_start3A_47 : memref<1x4096x16xf32, #tpu.memory_space<hbm>> -> memref<4096x16xf32, #tpu.memory_space<hbm>>
      tpu.enqueue_dma source(%arg9 : memref<4096x16xf32, #tpu.memory_space<vmem>>) target(%dma_start3A_48 : memref<4096x16xf32, #tpu.memory_space<hbm>>) target_semaphore(%run_scoped3A : memref<!tpu.dma_semaphore, #tpu.memory_space<semaphore_mem>>)
      %dma_wait3A = arith.constant 0 : i32
      %dma_wait3A_49 = tpu.memref_slice %arg5[%add3A_30, %dma_wait3A, %mul3A_43] : memref<4x4096x128xf32, #tpu.memory_space<hbm>> -> memref<1x4096x16xf32, #tpu.memory_space<hbm>>
      %dma_wait3A_50 = tpu.memref_squeeze %dma_wait3A_49 : memref<1x4096x16xf32, #tpu.memory_space<hbm>> -> memref<4096x16xf32, #tpu.memory_space<hbm>>
      %dma_wait3A_51 = arith.constant 0 : i32
      %dma_wait3A_52 = tpu.memref_slice %arg5[%add3A_30, %dma_wait3A_51, %mul3A_43] : memref<4x4096x128xf32, #tpu.memory_space<hbm>> -> memref<1x4096x16xf32, #tpu.memory_space<hbm>>
      %dma_wait3A_53 = tpu.memref_squeeze %dma_wait3A_52 : memref<1x4096x16xf32, #tpu.memory_space<hbm>> -> memref<4096x16xf32, #tpu.memory_space<hbm>>
      tpu.wait_dma2 semaphore(%run_scoped3A : memref<!tpu.dma_semaphore, #tpu.memory_space<semaphore_mem>>) src(%arg9 : memref<4096x16xf32, #tpu.memory_space<vmem>>) dst(%dma_wait3A_53 : memref<4096x16xf32, #tpu.memory_space<hbm>>)
      tpu.yield
    }) : () -> ()
    return
  }
}

module attributes {stable_mosaic.version = 14 : i64} {
  func.func @_dinv_body(%arg0: i32, %arg1: memref<32x512xf32, #tpu.memory_space<vmem>>, %arg2: memref<512xf32, #tpu.memory_space<vmem>>) attributes {dimension_semantics = [#tpu.dimension_semantics<arbitrary>], iteration_bounds = array<i64: 8>, scalar_prefetch = 0 : i64, scratch_operands = 0 : i64, tpu.core_type = #tpu.core_type<tc>, window_params = [{transform_indices = @transform_0, window_bounds = array<i64: 32, 512>}, {transform_indices = @transform_1, window_bounds = array<i64: 512>}]} {
    %get3A = arith.constant 0 : index
    %get3A_0 = arith.constant 0 : index
    %get3A_1 = vector.load %arg1[%get3A, %get3A_0] : memref<32x512xf32, #tpu.memory_space<vmem>>, vector<32x512xf32>
    %reduce_sum3A = arith.constant dense<0.000000e+00> : vector<512xf32>
    %reduce_sum3A_2 = vector.multi_reduction <add>, %get3A_1, %reduce_sum3A [0] : vector<32x512xf32> to vector<512xf32>
    %add3A = arith.constant 1.000000e+00 : f32
    %add3A_3 = vector.broadcast %add3A : f32 to vector<512xf32>
    %add3A_4 = arith.addf %reduce_sum3A_2, %add3A_3 : vector<512xf32>
    %rsqrt3A = math.rsqrt %add3A_4 : vector<512xf32>
    %swap3A = arith.constant 0 : index
    %swap3A_5 = vector.load %arg2[%swap3A] : memref<512xf32, #tpu.memory_space<vmem>>, vector<512xf32>
    tpu.vector_store %arg2[%swap3A], %rsqrt3A {strides = array<i32>} : memref<512xf32, #tpu.memory_space<vmem>>, vector<512xf32>,
    return
  }
  func.func @transform_0(%arg0: i32) -> (i32, i32) {
    %c0_i32 = arith.constant 0 : i32
    %c0_i32_0 = arith.constant 0 : i32
    return %c0_i32, %arg0 : i32, i32
  }
  func.func @transform_1(%arg0: i32) -> i32 {
    %c0_i32 = arith.constant 0 : i32
    return %arg0 : i32
  }
}

module attributes {stable_mosaic.version = 14 : i64} {
  func.func @_pack_rows_body(%arg0: i32, %arg1: memref<8x512x16xf32, #tpu.memory_space<vmem>>, %arg2: memref<8x512x16xf32, #tpu.memory_space<vmem>>, %arg3: memref<8x512x16xi32, #tpu.memory_space<vmem>>) attributes {dimension_semantics = [#tpu.dimension_semantics<arbitrary>], iteration_bounds = array<i64: 4>, scalar_prefetch = 0 : i64, scratch_operands = 0 : i64, tpu.core_type = #tpu.core_type<tc>, window_params = [{transform_indices = @transform_0, window_bounds = array<i64: 8, 512, 16>}, {transform_indices = @transform_1, window_bounds = array<i64: 8, 512, 16>}, {transform_indices = @transform_2, window_bounds = array<i64: 8, 512, 16>}]} {
    %get3A = arith.constant 0 : index
    %get3A_0 = arith.constant 0 : index
    %get3A_1 = arith.constant 0 : index
    %get3A_2 = vector.load %arg1[%get3A, %get3A_0, %get3A_1] : memref<8x512x16xf32, #tpu.memory_space<vmem>>, vector<8x512x16xf32>
    %bitcast_convert_type3A = tpu.bitcast %get3A_2 : vector<8x512x16xf32> -> vector<8x512x16xi32>
    %add3A = arith.constant 32768 : i32
    %add3A_3 = vector.broadcast %add3A : i32 to vector<8x512x16xi32>
    %add3A_4 = arith.addi %bitcast_convert_type3A, %add3A_3 : vector<8x512x16xi32>
    %get3A_5 = arith.constant 0 : index
    %get3A_6 = arith.constant 0 : index
    %get3A_7 = arith.constant 0 : index
    %get3A_8 = vector.load %arg2[%get3A_5, %get3A_6, %get3A_7] : memref<8x512x16xf32, #tpu.memory_space<vmem>>, vector<8x512x16xf32>
    %bitcast_convert_type3A_9 = tpu.bitcast %get3A_8 : vector<8x512x16xf32> -> vector<8x512x16xi32>
    %add3A_10 = arith.constant 32768 : i32
    %add3A_11 = vector.broadcast %add3A_10 : i32 to vector<8x512x16xi32>
    %add3A_12 = arith.addi %bitcast_convert_type3A_9, %add3A_11 : vector<8x512x16xi32>
    %shift_right_logical3A = arith.constant 16 : i32
    %shift_right_logical3A_13 = vector.broadcast %shift_right_logical3A : i32 to vector<8x512x16xi32>
    %shift_right_logical3A_14 = arith.shrui %add3A_4, %shift_right_logical3A_13 : vector<8x512x16xi32>
    %and3A = arith.constant -65536 : i32
    %and3A_15 = vector.broadcast %and3A : i32 to vector<8x512x16xi32>
    %and3A_16 = arith.andi %add3A_12, %and3A_15 : vector<8x512x16xi32>
    %or3A = arith.ori %shift_right_logical3A_14, %and3A_16 : vector<8x512x16xi32>
    %swap3A = arith.constant 0 : index
    %swap3A_17 = arith.constant 0 : index
    %swap3A_18 = arith.constant 0 : index
    %swap3A_19 = vector.load %arg3[%swap3A, %swap3A_17, %swap3A_18] : memref<8x512x16xi32, #tpu.memory_space<vmem>>, vector<8x512x16xi32>
    tpu.vector_store %arg3[%swap3A, %swap3A_17, %swap3A_18], %or3A {strides = array<i32>} : memref<8x512x16xi32, #tpu.memory_space<vmem>>, vector<8x512x16xi32>,
    return
  }
  func.func @transform_0(%arg0: i32) -> (i32, i32, i32) {
    %c0_i32 = arith.constant 0 : i32
    %c0_i32_0 = arith.constant 0 : i32
    %c0_i32_1 = arith.constant 0 : i32
    return %c0_i32, %arg0, %c0_i32_0 : i32, i32, i32
  }
  func.func @transform_1(%arg0: i32) -> (i32, i32, i32) {
    %add3A = arith.constant 4 : i32
    %add3A_0 = arith.addi %arg0, %add3A : i32
    %c0_i32 = arith.constant 0 : i32
    %c0_i32_1 = arith.constant 0 : i32
    %c0_i32_2 = arith.constant 0 : i32
    return %c0_i32, %add3A_0, %c0_i32_1 : i32, i32, i32
  }
  func.func @transform_2(%arg0: i32) -> (i32, i32, i32) {
    %c0_i32 = arith.constant 0 : i32
    %c0_i32_0 = arith.constant 0 : i32
    %c0_i32_1 = arith.constant 0 : i32
    return %c0_i32, %arg0, %c0_i32_0 : i32, i32, i32
  }
}

module attributes {stable_mosaic.version = 14 : i64} {
  func.func @_scale_body(%arg0: i32, %arg1: memref<512x128xf32, #tpu.memory_space<vmem>>, %arg2: memref<512x1xf32, #tpu.memory_space<vmem>>, %arg3: memref<8x512x16xf32, #tpu.memory_space<vmem>>) attributes {dimension_semantics = [#tpu.dimension_semantics<arbitrary>], iteration_bounds = array<i64: 8>, scalar_prefetch = 0 : i64, scratch_operands = 0 : i64, tpu.core_type = #tpu.core_type<tc>, window_params = [{transform_indices = @transform_0, window_bounds = array<i64: 512, 128>}, {transform_indices = @transform_1, window_bounds = array<i64: 512, 1>}, {transform_indices = @transform_2, window_bounds = array<i64: 8, 512, 16>}]} {
    %get3A = arith.constant 0 : index
    %get3A_0 = arith.constant 0 : index
    %get3A_1 = vector.load %arg1[%get3A, %get3A_0] : memref<512x128xf32, #tpu.memory_space<vmem>>, vector<512x128xf32>
    %get3A_2 = arith.constant 0 : index
    %get3A_3 = arith.constant 0 : index
    %get3A_4 = vector.load %arg2[%get3A_2, %get3A_3] : memref<512x1xf32, #tpu.memory_space<vmem>>, vector<512x1xf32>
    %mul3A = vector.broadcast %get3A_4 : vector<512x1xf32> to vector<512x128xf32>
    %mul3A_5 = arith.mulf %get3A_1, %mul3A : vector<512x128xf32>
    %slice3A = vector.extract_strided_slice %mul3A_5 {offsets = [0, 0], sizes = [512, 16], strides = [1, 1]} : vector<512x128xf32> to vector<512x16xf32>
    %swap3A = arith.constant 0 : index
    %swap3A_6 = arith.constant 0 : index
    %swap3A_7 = arith.constant 0 : index
    %swap3A_8 = vector.load %arg3[%swap3A, %swap3A_6, %swap3A_7] : memref<8x512x16xf32, #tpu.memory_space<vmem>>, vector<1x512x16xf32>
    %swap3A_9 = vector.shape_cast %swap3A_8 : vector<1x512x16xf32> to vector<512x16xf32>
    %swap3A_10 = vector.shape_cast %slice3A : vector<512x16xf32> to vector<1x512x16xf32>
    tpu.vector_store %arg3[%swap3A, %swap3A_6, %swap3A_7], %swap3A_10 {strides = array<i32>} : memref<8x512x16xf32, #tpu.memory_space<vmem>>, vector<1x512x16xf32>,
    %slice3A_11 = vector.extract_strided_slice %mul3A_5 {offsets = [0, 16], sizes = [512, 16], strides = [1, 1]} : vector<512x128xf32> to vector<512x16xf32>
    %swap3A_12 = arith.constant 1 : index
    %swap3A_13 = arith.constant 0 : index
    %swap3A_14 = arith.constant 0 : index
    %swap3A_15 = vector.load %arg3[%swap3A_12, %swap3A_13, %swap3A_14] : memref<8x512x16xf32, #tpu.memory_space<vmem>>, vector<1x512x16xf32>
    %swap3A_16 = vector.shape_cast %swap3A_15 : vector<1x512x16xf32> to vector<512x16xf32>
    %swap3A_17 = vector.shape_cast %slice3A_11 : vector<512x16xf32> to vector<1x512x16xf32>
    tpu.vector_store %arg3[%swap3A_12, %swap3A_13, %swap3A_14], %swap3A_17 {strides = array<i32>} : memref<8x512x16xf32, #tpu.memory_space<vmem>>, vector<1x512x16xf32>,
    %slice3A_18 = vector.extract_strided_slice %mul3A_5 {offsets = [0, 32], sizes = [512, 16], strides = [1, 1]} : vector<512x128xf32> to vector<512x16xf32>
    %swap3A_19 = arith.constant 2 : index
    %swap3A_20 = arith.constant 0 : index
    %swap3A_21 = arith.constant 0 : index
    %swap3A_22 = vector.load %arg3[%swap3A_19, %swap3A_20, %swap3A_21] : memref<8x512x16xf32, #tpu.memory_space<vmem>>, vector<1x512x16xf32>
    %swap3A_23 = vector.shape_cast %swap3A_22 : vector<1x512x16xf32> to vector<512x16xf32>
    %swap3A_24 = vector.shape_cast %slice3A_18 : vector<512x16xf32> to vector<1x512x16xf32>
    tpu.vector_store %arg3[%swap3A_19, %swap3A_20, %swap3A_21], %swap3A_24 {strides = array<i32>} : memref<8x512x16xf32, #tpu.memory_space<vmem>>, vector<1x512x16xf32>,
    %slice3A_25 = vector.extract_strided_slice %mul3A_5 {offsets = [0, 48], sizes = [512, 16], strides = [1, 1]} : vector<512x128xf32> to vector<512x16xf32>
    %swap3A_26 = arith.constant 3 : index
    %swap3A_27 = arith.constant 0 : index
    %swap3A_28 = arith.constant 0 : index
    %swap3A_29 = vector.load %arg3[%swap3A_26, %swap3A_27, %swap3A_28] : memref<8x512x16xf32, #tpu.memory_space<vmem>>, vector<1x512x16xf32>
    %swap3A_30 = vector.shape_cast %swap3A_29 : vector<1x512x16xf32> to vector<512x16xf32>
    %swap3A_31 = vector.shape_cast %slice3A_25 : vector<512x16xf32> to vector<1x512x16xf32>
    tpu.vector_store %arg3[%swap3A_26, %swap3A_27, %swap3A_28], %swap3A_31 {strides = array<i32>} : memref<8x512x16xf32, #tpu.memory_space<vmem>>, vector<1x512x16xf32>,
    %slice3A_32 = vector.extract_strided_slice %mul3A_5 {offsets = [0, 64], sizes = [512, 16], strides = [1, 1]} : vector<512x128xf32> to vector<512x16xf32>
    %swap3A_33 = arith.constant 4 : index
    %swap3A_34 = arith.constant 0 : index
    %swap3A_35 = arith.constant 0 : index
    %swap3A_36 = vector.load %arg3[%swap3A_33, %swap3A_34, %swap3A_35] : memref<8x512x16xf32, #tpu.memory_space<vmem>>, vector<1x512x16xf32>
    %swap3A_37 = vector.shape_cast %swap3A_36 : vector<1x512x16xf32> to vector<512x16xf32>
    %swap3A_38 = vector.shape_cast %slice3A_32 : vector<512x16xf32> to vector<1x512x16xf32>
    tpu.vector_store %arg3[%swap3A_33, %swap3A_34, %swap3A_35], %swap3A_38 {strides = array<i32>} : memref<8x512x16xf32, #tpu.memory_space<vmem>>, vector<1x512x16xf32>,
    %slice3A_39 = vector.extract_strided_slice %mul3A_5 {offsets = [0, 80], sizes = [512, 16], strides = [1, 1]} : vector<512x128xf32> to vector<512x16xf32>
    %swap3A_40 = arith.constant 5 : index
    %swap3A_41 = arith.constant 0 : index
    %swap3A_42 = arith.constant 0 : index
    %swap3A_43 = vector.load %arg3[%swap3A_40, %swap3A_41, %swap3A_42] : memref<8x512x16xf32, #tpu.memory_space<vmem>>, vector<1x512x16xf32>
    %swap3A_44 = vector.shape_cast %swap3A_43 : vector<1x512x16xf32> to vector<512x16xf32>
    %swap3A_45 = vector.shape_cast %slice3A_39 : vector<512x16xf32> to vector<1x512x16xf32>
    tpu.vector_store %arg3[%swap3A_40, %swap3A_41, %swap3A_42], %swap3A_45 {strides = array<i32>} : memref<8x512x16xf32, #tpu.memory_space<vmem>>, vector<1x512x16xf32>,
    %slice3A_46 = vector.extract_strided_slice %mul3A_5 {offsets = [0, 96], sizes = [512, 16], strides = [1, 1]} : vector<512x128xf32> to vector<512x16xf32>
    %swap3A_47 = arith.constant 6 : index
    %swap3A_48 = arith.constant 0 : index
    %swap3A_49 = arith.constant 0 : index
    %swap3A_50 = vector.load %arg3[%swap3A_47, %swap3A_48, %swap3A_49] : memref<8x512x16xf32, #tpu.memory_space<vmem>>, vector<1x512x16xf32>
    %swap3A_51 = vector.shape_cast %swap3A_50 : vector<1x512x16xf32> to vector<512x16xf32>
    %swap3A_52 = vector.shape_cast %slice3A_46 : vector<512x16xf32> to vector<1x512x16xf32>
    tpu.vector_store %arg3[%swap3A_47, %swap3A_48, %swap3A_49], %swap3A_52 {strides = array<i32>} : memref<8x512x16xf32, #tpu.memory_space<vmem>>, vector<1x512x16xf32>,
    %slice3A_53 = vector.extract_strided_slice %mul3A_5 {offsets = [0, 112], sizes = [512, 16], strides = [1, 1]} : vector<512x128xf32> to vector<512x16xf32>
    %swap3A_54 = arith.constant 7 : index
    %swap3A_55 = arith.constant 0 : index
    %swap3A_56 = arith.constant 0 : index
    %swap3A_57 = vector.load %arg3[%swap3A_54, %swap3A_55, %swap3A_56] : memref<8x512x16xf32, #tpu.memory_space<vmem>>, vector<1x512x16xf32>
    %swap3A_58 = vector.shape_cast %swap3A_57 : vector<1x512x16xf32> to vector<512x16xf32>
    %swap3A_59 = vector.shape_cast %slice3A_53 : vector<512x16xf32> to vector<1x512x16xf32>
    tpu.vector_store %arg3[%swap3A_54, %swap3A_55, %swap3A_56], %swap3A_59 {strides = array<i32>} : memref<8x512x16xf32, #tpu.memory_space<vmem>>, vector<1x512x16xf32>,
    return
  }
  func.func @transform_0(%arg0: i32) -> (i32, i32) {
    %c0_i32 = arith.constant 0 : i32
    %c0_i32_0 = arith.constant 0 : i32
    return %arg0, %c0_i32 : i32, i32
  }
  func.func @transform_1(%arg0: i32) -> (i32, i32) {
    %c0_i32 = arith.constant 0 : i32
    %c0_i32_0 = arith.constant 0 : i32
    return %arg0, %c0_i32 : i32, i32
  }
  func.func @transform_2(%arg0: i32) -> (i32, i32, i32) {
    %c0_i32 = arith.constant 0 : i32
    %c0_i32_0 = arith.constant 0 : i32
    %c0_i32_1 = arith.constant 0 : i32
    return %c0_i32, %arg0, %c0_i32_0 : i32, i32, i32
  }
}

module attributes {stable_mosaic.version = 14 : i64} {
  func.func @_layer_body(%arg0: i32, %arg1: memref<4x512x128xf32, #tpu.memory_space<vmem>>, %arg2: memref<8x512x16xf32, #tpu.memory_space<vmem>>, %arg3: memref<512x1xf32, #tpu.memory_space<vmem>>, %arg4: memref<128x256xf32, #tpu.memory_space<vmem>>, %arg5: memref<1x256xf32, #tpu.memory_space<vmem>>, %arg6: memref<16x512x16xf32, #tpu.memory_space<vmem>>) attributes {dimension_semantics = [#tpu.dimension_semantics<arbitrary>], iteration_bounds = array<i64: 8>, scalar_prefetch = 0 : i64, scratch_operands = 0 : i64, tpu.core_type = #tpu.core_type<tc>, window_params = [{transform_indices = @transform_0, window_bounds = array<i64: 4, 512, 128>}, {transform_indices = @transform_1, window_bounds = array<i64: 8, 512, 16>}, {transform_indices = @transform_2, window_bounds = array<i64: 512, 1>}, {pipeline_mode = #tpu.pipeline_mode<synchronous>, transform_indices = @transform_3, window_bounds = array<i64: 128, 256>}, {pipeline_mode = #tpu.pipeline_mode<synchronous>, transform_indices = @transform_4, window_bounds = array<i64: 1, 256>}, {transform_indices = @transform_5, window_bounds = array<i64: 16, 512, 16>}]} {
    %get3A = arith.constant 0 : index
    %get3A_0 = arith.constant 0 : index
    %get3A_1 = vector.load %arg3[%get3A, %get3A_0] : memref<512x1xf32, #tpu.memory_space<vmem>>, vector<512x1xf32>
    %get3A_2 = arith.constant 0 : index
    %get3A_3 = arith.constant 0 : index
    %get3A_4 = arith.constant 0 : index
    %get3A_5 = vector.load %arg2[%get3A_2, %get3A_3, %get3A_4] : memref<8x512x16xf32, #tpu.memory_space<vmem>>, vector<1x512x16xf32>
    %get3A_6 = vector.shape_cast %get3A_5 : vector<1x512x16xf32> to vector<512x16xf32>
    %get3A_7 = arith.constant 1 : index
    %get3A_8 = arith.constant 0 : index
    %get3A_9 = arith.constant 0 : index
    %get3A_10 = vector.load %arg2[%get3A_7, %get3A_8, %get3A_9] : memref<8x512x16xf32, #tpu.memory_space<vmem>>, vector<1x512x16xf32>
    %get3A_11 = vector.shape_cast %get3A_10 : vector<1x512x16xf32> to vector<512x16xf32>
    %get3A_12 = arith.constant 2 : index
    %get3A_13 = arith.constant 0 : index
    %get3A_14 = arith.constant 0 : index
    %get3A_15 = vector.load %arg2[%get3A_12, %get3A_13, %get3A_14] : memref<8x512x16xf32, #tpu.memory_space<vmem>>, vector<1x512x16xf32>
    %get3A_16 = vector.shape_cast %get3A_15 : vector<1x512x16xf32> to vector<512x16xf32>
    %get3A_17 = arith.constant 3 : index
    %get3A_18 = arith.constant 0 : index
    %get3A_19 = arith.constant 0 : index
    %get3A_20 = vector.load %arg2[%get3A_17, %get3A_18, %get3A_19] : memref<8x512x16xf32, #tpu.memory_space<vmem>>, vector<1x512x16xf32>
    %get3A_21 = vector.shape_cast %get3A_20 : vector<1x512x16xf32> to vector<512x16xf32>
    %get3A_22 = arith.constant 4 : index
    %get3A_23 = arith.constant 0 : index
    %get3A_24 = arith.constant 0 : index
    %get3A_25 = vector.load %arg2[%get3A_22, %get3A_23, %get3A_24] : memref<8x512x16xf32, #tpu.memory_space<vmem>>, vector<1x512x16xf32>
    %get3A_26 = vector.shape_cast %get3A_25 : vector<1x512x16xf32> to vector<512x16xf32>
    %get3A_27 = arith.constant 5 : index
    %get3A_28 = arith.constant 0 : index
    %get3A_29 = arith.constant 0 : index
    %get3A_30 = vector.load %arg2[%get3A_27, %get3A_28, %get3A_29] : memref<8x512x16xf32, #tpu.memory_space<vmem>>, vector<1x512x16xf32>
    %get3A_31 = vector.shape_cast %get3A_30 : vector<1x512x16xf32> to vector<512x16xf32>
    %get3A_32 = arith.constant 6 : index
    %get3A_33 = arith.constant 0 : index
    %get3A_34 = arith.constant 0 : index
    %get3A_35 = vector.load %arg2[%get3A_32, %get3A_33, %get3A_34] : memref<8x512x16xf32, #tpu.memory_space<vmem>>, vector<1x512x16xf32>
    %get3A_36 = vector.shape_cast %get3A_35 : vector<1x512x16xf32> to vector<512x16xf32>
    %get3A_37 = arith.constant 7 : index
    %get3A_38 = arith.constant 0 : index
    %get3A_39 = arith.constant 0 : index
    %get3A_40 = vector.load %arg2[%get3A_37, %get3A_38, %get3A_39] : memref<8x512x16xf32, #tpu.memory_space<vmem>>, vector<1x512x16xf32>
    %get3A_41 = vector.shape_cast %get3A_40 : vector<1x512x16xf32> to vector<512x16xf32>
    %concatenate3A = tpu.concatenate %get3A_6, %get3A_11, %get3A_16, %get3A_21, %get3A_26, %get3A_31, %get3A_36, %get3A_41 in 1 : vector<512x16xf32>, vector<512x16xf32>, vector<512x16xf32>, vector<512x16xf32>, vector<512x16xf32>, vector<512x16xf32>, vector<512x16xf32>, vector<512x16xf32> -> vector<512x128xf32>
    %get3A_42 = arith.constant 0 : index
    %get3A_43 = arith.constant 0 : index
    %get3A_44 = arith.constant 0 : index
    %get3A_45 = vector.load %arg1[%get3A_42, %get3A_43, %get3A_44] : memref<4x512x128xf32, #tpu.memory_space<vmem>>, vector<4x512x128xf32>
    %reduce_sum3A = arith.constant dense<0.000000e+00> : vector<512x128xf32>
    %reduce_sum3A_46 = vector.multi_reduction <add>, %get3A_45, %reduce_sum3A [0] : vector<4x512x128xf32> to vector<512x128xf32>
    %add3A = arith.addf %reduce_sum3A_46, %concatenate3A : vector<512x128xf32>
    %mul3A = vector.broadcast %get3A_1 : vector<512x1xf32> to vector<512x128xf32>
    %mul3A_47 = arith.mulf %mul3A, %add3A : vector<512x128xf32>
    %get3A_48 = arith.constant 0 : index
    %get3A_49 = arith.constant 0 : index
    %get3A_50 = vector.load %arg4[%get3A_48, %get3A_49] : memref<128x256xf32, #tpu.memory_space<vmem>>, vector<128x256xf32>
    %dot_general3A = arith.constant dense<0.000000e+00> : vector<512x256xf32>
    %dot_general3A_51 = tpu.matmul %mul3A_47, %get3A_50, %dot_general3A {dimension_numbers = #tpu.dot_dimension_numbers<[1], [0], [0], [1], [0, 0, 1, 1], [], []>, precision = #tpu.contract_precision<fp32>, transpose_lhs_hint = false} : vector<512x128xf32>, vector<128x256xf32>, vector<512x256xf32> -> vector<512x256xf32>
    %get3A_52 = arith.constant 0 : index
    %get3A_53 = arith.constant 0 : index
    %get3A_54 = vector.load %arg5[%get3A_52, %get3A_53] : memref<1x256xf32, #tpu.memory_space<vmem>>, vector<1x256xf32>
    %add3A_55 = vector.broadcast %get3A_54 : vector<1x256xf32> to vector<512x256xf32>
    %add3A_56 = arith.addf %dot_general3A_51, %add3A_55 : vector<512x256xf32>
    %max3A = arith.constant 0.000000e+00 : f32
    %max3A_57 = vector.broadcast %max3A : f32 to vector<512x256xf32>
    %max3A_58 = arith.maximumf %add3A_56, %max3A_57 : vector<512x256xf32>
    %mul3A_59 = vector.broadcast %get3A_1 : vector<512x1xf32> to vector<512x256xf32>
    %mul3A_60 = arith.mulf %max3A_58, %mul3A_59 : vector<512x256xf32>
    %slice3A = vector.extract_strided_slice %mul3A_60 {offsets = [0, 0], sizes = [512, 16], strides = [1, 1]} : vector<512x256xf32> to vector<512x16xf32>
    %swap3A = arith.constant 0 : index
    %swap3A_61 = arith.constant 0 : index
    %swap3A_62 = arith.constant 0 : index
    %swap3A_63 = vector.load %arg6[%swap3A, %swap3A_61, %swap3A_62] : memref<16x512x16xf32, #tpu.memory_space<vmem>>, vector<1x512x16xf32>
    %swap3A_64 = vector.shape_cast %swap3A_63 : vector<1x512x16xf32> to vector<512x16xf32>
    %swap3A_65 = vector.shape_cast %slice3A : vector<512x16xf32> to vector<1x512x16xf32>
    tpu.vector_store %arg6[%swap3A, %swap3A_61, %swap3A_62], %swap3A_65 {strides = array<i32>} : memref<16x512x16xf32, #tpu.memory_space<vmem>>, vector<1x512x16xf32>,
    %slice3A_66 = vector.extract_strided_slice %mul3A_60 {offsets = [0, 16], sizes = [512, 16], strides = [1, 1]} : vector<512x256xf32> to vector<512x16xf32>
    %swap3A_67 = arith.constant 1 : index
    %swap3A_68 = arith.constant 0 : index
    %swap3A_69 = arith.constant 0 : index
    %swap3A_70 = vector.load %arg6[%swap3A_67, %swap3A_68, %swap3A_69] : memref<16x512x16xf32, #tpu.memory_space<vmem>>, vector<1x512x16xf32>
    %swap3A_71 = vector.shape_cast %swap3A_70 : vector<1x512x16xf32> to vector<512x16xf32>
    %swap3A_72 = vector.shape_cast %slice3A_66 : vector<512x16xf32> to vector<1x512x16xf32>
    tpu.vector_store %arg6[%swap3A_67, %swap3A_68, %swap3A_69], %swap3A_72 {strides = array<i32>} : memref<16x512x16xf32, #tpu.memory_space<vmem>>, vector<1x512x16xf32>,
    %slice3A_73 = vector.extract_strided_slice %mul3A_60 {offsets = [0, 32], sizes = [512, 16], strides = [1, 1]} : vector<512x256xf32> to vector<512x16xf32>
    %swap3A_74 = arith.constant 2 : index
    %swap3A_75 = arith.constant 0 : index
    %swap3A_76 = arith.constant 0 : index
    %swap3A_77 = vector.load %arg6[%swap3A_74, %swap3A_75, %swap3A_76] : memref<16x512x16xf32, #tpu.memory_space<vmem>>, vector<1x512x16xf32>
    %swap3A_78 = vector.shape_cast %swap3A_77 : vector<1x512x16xf32> to vector<512x16xf32>
    %swap3A_79 = vector.shape_cast %slice3A_73 : vector<512x16xf32> to vector<1x512x16xf32>
    tpu.vector_store %arg6[%swap3A_74, %swap3A_75, %swap3A_76], %swap3A_79 {strides = array<i32>} : memref<16x512x16xf32, #tpu.memory_space<vmem>>, vector<1x512x16xf32>,
    %slice3A_80 = vector.extract_strided_slice %mul3A_60 {offsets = [0, 48], sizes = [512, 16], strides = [1, 1]} : vector<512x256xf32> to vector<512x16xf32>
    %swap3A_81 = arith.constant 3 : index
    %swap3A_82 = arith.constant 0 : index
    %swap3A_83 = arith.constant 0 : index
    %swap3A_84 = vector.load %arg6[%swap3A_81, %swap3A_82, %swap3A_83] : memref<16x512x16xf32, #tpu.memory_space<vmem>>, vector<1x512x16xf32>
    %swap3A_85 = vector.shape_cast %swap3A_84 : vector<1x512x16xf32> to vector<512x16xf32>
    %swap3A_86 = vector.shape_cast %slice3A_80 : vector<512x16xf32> to vector<1x512x16xf32>
    tpu.vector_store %arg6[%swap3A_81, %swap3A_82, %swap3A_83], %swap3A_86 {strides = array<i32>} : memref<16x512x16xf32, #tpu.memory_space<vmem>>, vector<1x512x16xf32>,
    %slice3A_87 = vector.extract_strided_slice %mul3A_60 {offsets = [0, 64], sizes = [512, 16], strides = [1, 1]} : vector<512x256xf32> to vector<512x16xf32>
    %swap3A_88 = arith.constant 4 : index
    %swap3A_89 = arith.constant 0 : index
    %swap3A_90 = arith.constant 0 : index
    %swap3A_91 = vector.load %arg6[%swap3A_88, %swap3A_89, %swap3A_90] : memref<16x512x16xf32, #tpu.memory_space<vmem>>, vector<1x512x16xf32>
    %swap3A_92 = vector.shape_cast %swap3A_91 : vector<1x512x16xf32> to vector<512x16xf32>
    %swap3A_93 = vector.shape_cast %slice3A_87 : vector<512x16xf32> to vector<1x512x16xf32>
    tpu.vector_store %arg6[%swap3A_88, %swap3A_89, %swap3A_90], %swap3A_93 {strides = array<i32>} : memref<16x512x16xf32, #tpu.memory_space<vmem>>, vector<1x512x16xf32>,
    %slice3A_94 = vector.extract_strided_slice %mul3A_60 {offsets = [0, 80], sizes = [512, 16], strides = [1, 1]} : vector<512x256xf32> to vector<512x16xf32>
    %swap3A_95 = arith.constant 5 : index
    %swap3A_96 = arith.constant 0 : index
    %swap3A_97 = arith.constant 0 : index
    %swap3A_98 = vector.load %arg6[%swap3A_95, %swap3A_96, %swap3A_97] : memref<16x512x16xf32, #tpu.memory_space<vmem>>, vector<1x512x16xf32>
    %swap3A_99 = vector.shape_cast %swap3A_98 : vector<1x512x16xf32> to vector<512x16xf32>
    %swap3A_100 = vector.shape_cast %slice3A_94 : vector<512x16xf32> to vector<1x512x16xf32>
    tpu.vector_store %arg6[%swap3A_95, %swap3A_96, %swap3A_97], %swap3A_100 {strides = array<i32>} : memref<16x512x16xf32, #tpu.memory_space<vmem>>, vector<1x512x16xf32>,
    %slice3A_101 = vector.extract_strided_slice %mul3A_60 {offsets = [0, 96], sizes = [512, 16], strides = [1, 1]} : vector<512x256xf32> to vector<512x16xf32>
    %swap3A_102 = arith.constant 6 : index
    %swap3A_103 = arith.constant 0 : index
    %swap3A_104 = arith.constant 0 : index
    %swap3A_105 = vector.load %arg6[%swap3A_102, %swap3A_103, %swap3A_104] : memref<16x512x16xf32, #tpu.memory_space<vmem>>, vector<1x512x16xf32>
    %swap3A_106 = vector.shape_cast %swap3A_105 : vector<1x512x16xf32> to vector<512x16xf32>
    %swap3A_107 = vector.shape_cast %slice3A_101 : vector<512x16xf32> to vector<1x512x16xf32>
    tpu.vector_store %arg6[%swap3A_102, %swap3A_103, %swap3A_104], %swap3A_107 {strides = array<i32>} : memref<16x512x16xf32, #tpu.memory_space<vmem>>, vector<1x512x16xf32>,
    %slice3A_108 = vector.extract_strided_slice %mul3A_60 {offsets = [0, 112], sizes = [512, 16], strides = [1, 1]} : vector<512x256xf32> to vector<512x16xf32>
    %swap3A_109 = arith.constant 7 : index
    %swap3A_110 = arith.constant 0 : index
    %swap3A_111 = arith.constant 0 : index
    %swap3A_112 = vector.load %arg6[%swap3A_109, %swap3A_110, %swap3A_111] : memref<16x512x16xf32, #tpu.memory_space<vmem>>, vector<1x512x16xf32>
    %swap3A_113 = vector.shape_cast %swap3A_112 : vector<1x512x16xf32> to vector<512x16xf32>
    %swap3A_114 = vector.shape_cast %slice3A_108 : vector<512x16xf32> to vector<1x512x16xf32>
    tpu.vector_store %arg6[%swap3A_109, %swap3A_110, %swap3A_111], %swap3A_114 {strides = array<i32>} : memref<16x512x16xf32, #tpu.memory_space<vmem>>, vector<1x512x16xf32>,
    %slice3A_115 = vector.extract_strided_slice %mul3A_60 {offsets = [0, 128], sizes = [512, 16], strides = [1, 1]} : vector<512x256xf32> to vector<512x16xf32>
    %swap3A_116 = arith.constant 8 : index
    %swap3A_117 = arith.constant 0 : index
    %swap3A_118 = arith.constant 0 : index
    %swap3A_119 = vector.load %arg6[%swap3A_116, %swap3A_117, %swap3A_118] : memref<16x512x16xf32, #tpu.memory_space<vmem>>, vector<1x512x16xf32>
    %swap3A_120 = vector.shape_cast %swap3A_119 : vector<1x512x16xf32> to vector<512x16xf32>
    %swap3A_121 = vector.shape_cast %slice3A_115 : vector<512x16xf32> to vector<1x512x16xf32>
    tpu.vector_store %arg6[%swap3A_116, %swap3A_117, %swap3A_118], %swap3A_121 {strides = array<i32>} : memref<16x512x16xf32, #tpu.memory_space<vmem>>, vector<1x512x16xf32>,
    %slice3A_122 = vector.extract_strided_slice %mul3A_60 {offsets = [0, 144], sizes = [512, 16], strides = [1, 1]} : vector<512x256xf32> to vector<512x16xf32>
    %swap3A_123 = arith.constant 9 : index
    %swap3A_124 = arith.constant 0 : index
    %swap3A_125 = arith.constant 0 : index
    %swap3A_126 = vector.load %arg6[%swap3A_123, %swap3A_124, %swap3A_125] : memref<16x512x16xf32, #tpu.memory_space<vmem>>, vector<1x512x16xf32>
    %swap3A_127 = vector.shape_cast %swap3A_126 : vector<1x512x16xf32> to vector<512x16xf32>
    %swap3A_128 = vector.shape_cast %slice3A_122 : vector<512x16xf32> to vector<1x512x16xf32>
    tpu.vector_store %arg6[%swap3A_123, %swap3A_124, %swap3A_125], %swap3A_128 {strides = array<i32>} : memref<16x512x16xf32, #tpu.memory_space<vmem>>, vector<1x512x16xf32>,
    %slice3A_129 = vector.extract_strided_slice %mul3A_60 {offsets = [0, 160], sizes = [512, 16], strides = [1, 1]} : vector<512x256xf32> to vector<512x16xf32>
    %swap3A_130 = arith.constant 10 : index
    %swap3A_131 = arith.constant 0 : index
    %swap3A_132 = arith.constant 0 : index
    %swap3A_133 = vector.load %arg6[%swap3A_130, %swap3A_131, %swap3A_132] : memref<16x512x16xf32, #tpu.memory_space<vmem>>, vector<1x512x16xf32>
    %swap3A_134 = vector.shape_cast %swap3A_133 : vector<1x512x16xf32> to vector<512x16xf32>
    %swap3A_135 = vector.shape_cast %slice3A_129 : vector<512x16xf32> to vector<1x512x16xf32>
    tpu.vector_store %arg6[%swap3A_130, %swap3A_131, %swap3A_132], %swap3A_135 {strides = array<i32>} : memref<16x512x16xf32, #tpu.memory_space<vmem>>, vector<1x512x16xf32>,
    %slice3A_136 = vector.extract_strided_slice %mul3A_60 {offsets = [0, 176], sizes = [512, 16], strides = [1, 1]} : vector<512x256xf32> to vector<512x16xf32>
    %swap3A_137 = arith.constant 11 : index
    %swap3A_138 = arith.constant 0 : index
    %swap3A_139 = arith.constant 0 : index
    %swap3A_140 = vector.load %arg6[%swap3A_137, %swap3A_138, %swap3A_139] : memref<16x512x16xf32, #tpu.memory_space<vmem>>, vector<1x512x16xf32>
    %swap3A_141 = vector.shape_cast %swap3A_140 : vector<1x512x16xf32> to vector<512x16xf32>
    %swap3A_142 = vector.shape_cast %slice3A_136 : vector<512x16xf32> to vector<1x512x16xf32>
    tpu.vector_store %arg6[%swap3A_137, %swap3A_138, %swap3A_139], %swap3A_142 {strides = array<i32>} : memref<16x512x16xf32, #tpu.memory_space<vmem>>, vector<1x512x16xf32>,
    %slice3A_143 = vector.extract_strided_slice %mul3A_60 {offsets = [0, 192], sizes = [512, 16], strides = [1, 1]} : vector<512x256xf32> to vector<512x16xf32>
    %swap3A_144 = arith.constant 12 : index
    %swap3A_145 = arith.constant 0 : index
    %swap3A_146 = arith.constant 0 : index
    %swap3A_147 = vector.load %arg6[%swap3A_144, %swap3A_145, %swap3A_146] : memref<16x512x16xf32, #tpu.memory_space<vmem>>, vector<1x512x16xf32>
    %swap3A_148 = vector.shape_cast %swap3A_147 : vector<1x512x16xf32> to vector<512x16xf32>
    %swap3A_149 = vector.shape_cast %slice3A_143 : vector<512x16xf32> to vector<1x512x16xf32>
    tpu.vector_store %arg6[%swap3A_144, %swap3A_145, %swap3A_146], %swap3A_149 {strides = array<i32>} : memref<16x512x16xf32, #tpu.memory_space<vmem>>, vector<1x512x16xf32>,
    %slice3A_150 = vector.extract_strided_slice %mul3A_60 {offsets = [0, 208], sizes = [512, 16], strides = [1, 1]} : vector<512x256xf32> to vector<512x16xf32>
    %swap3A_151 = arith.constant 13 : index
    %swap3A_152 = arith.constant 0 : index
    %swap3A_153 = arith.constant 0 : index
    %swap3A_154 = vector.load %arg6[%swap3A_151, %swap3A_152, %swap3A_153] : memref<16x512x16xf32, #tpu.memory_space<vmem>>, vector<1x512x16xf32>
    %swap3A_155 = vector.shape_cast %swap3A_154 : vector<1x512x16xf32> to vector<512x16xf32>
    %swap3A_156 = vector.shape_cast %slice3A_150 : vector<512x16xf32> to vector<1x512x16xf32>
    tpu.vector_store %arg6[%swap3A_151, %swap3A_152, %swap3A_153], %swap3A_156 {strides = array<i32>} : memref<16x512x16xf32, #tpu.memory_space<vmem>>, vector<1x512x16xf32>,
    %slice3A_157 = vector.extract_strided_slice %mul3A_60 {offsets = [0, 224], sizes = [512, 16], strides = [1, 1]} : vector<512x256xf32> to vector<512x16xf32>
    %swap3A_158 = arith.constant 14 : index
    %swap3A_159 = arith.constant 0 : index
    %swap3A_160 = arith.constant 0 : index
    %swap3A_161 = vector.load %arg6[%swap3A_158, %swap3A_159, %swap3A_160] : memref<16x512x16xf32, #tpu.memory_space<vmem>>, vector<1x512x16xf32>
    %swap3A_162 = vector.shape_cast %swap3A_161 : vector<1x512x16xf32> to vector<512x16xf32>
    %swap3A_163 = vector.shape_cast %slice3A_157 : vector<512x16xf32> to vector<1x512x16xf32>
    tpu.vector_store %arg6[%swap3A_158, %swap3A_159, %swap3A_160], %swap3A_163 {strides = array<i32>} : memref<16x512x16xf32, #tpu.memory_space<vmem>>, vector<1x512x16xf32>,
    %slice3A_164 = vector.extract_strided_slice %mul3A_60 {offsets = [0, 240], sizes = [512, 16], strides = [1, 1]} : vector<512x256xf32> to vector<512x16xf32>
    %swap3A_165 = arith.constant 15 : index
    %swap3A_166 = arith.constant 0 : index
    %swap3A_167 = arith.constant 0 : index
    %swap3A_168 = vector.load %arg6[%swap3A_165, %swap3A_166, %swap3A_167] : memref<16x512x16xf32, #tpu.memory_space<vmem>>, vector<1x512x16xf32>
    %swap3A_169 = vector.shape_cast %swap3A_168 : vector<1x512x16xf32> to vector<512x16xf32>
    %swap3A_170 = vector.shape_cast %slice3A_164 : vector<512x16xf32> to vector<1x512x16xf32>
    tpu.vector_store %arg6[%swap3A_165, %swap3A_166, %swap3A_167], %swap3A_170 {strides = array<i32>} : memref<16x512x16xf32, #tpu.memory_space<vmem>>, vector<1x512x16xf32>,
    return
  }
  func.func @transform_0(%arg0: i32) -> (i32, i32, i32) {
    %c0_i32 = arith.constant 0 : i32
    %c0_i32_0 = arith.constant 0 : i32
    %c0_i32_1 = arith.constant 0 : i32
    return %c0_i32, %arg0, %c0_i32_0 : i32, i32, i32
  }
  func.func @transform_1(%arg0: i32) -> (i32, i32, i32) {
    %c0_i32 = arith.constant 0 : i32
    %c0_i32_0 = arith.constant 0 : i32
    %c0_i32_1 = arith.constant 0 : i32
    return %c0_i32, %arg0, %c0_i32_0 : i32, i32, i32
  }
  func.func @transform_2(%arg0: i32) -> (i32, i32) {
    %c0_i32 = arith.constant 0 : i32
    %c0_i32_0 = arith.constant 0 : i32
    return %arg0, %c0_i32 : i32, i32
  }
  func.func @transform_3(%arg0: i32) -> (i32, i32) {
    %c0_i32 = arith.constant 0 : i32
    %c0_i32_0 = arith.constant 0 : i32
    %c0_i32_1 = arith.constant 0 : i32
    return %c0_i32, %c0_i32_0 : i32, i32
  }
  func.func @transform_4(%arg0: i32) -> (i32, i32) {
    %c0_i32 = arith.constant 0 : i32
    %c0_i32_0 = arith.constant 0 : i32
    %c0_i32_1 = arith.constant 0 : i32
    return %c0_i32, %c0_i32_0 : i32, i32
  }
  func.func @transform_5(%arg0: i32) -> (i32, i32, i32) {
    %c0_i32 = arith.constant 0 : i32
    %c0_i32_0 = arith.constant 0 : i32
    %c0_i32_1 = arith.constant 0 : i32
    return %c0_i32, %arg0, %c0_i32_0 : i32, i32, i32
  }
}

module attributes {stable_mosaic.version = 14 : i64} {
  func.func @_pack_rows_body(%arg0: i32, %arg1: memref<16x512x16xf32, #tpu.memory_space<vmem>>, %arg2: memref<16x512x16xf32, #tpu.memory_space<vmem>>, %arg3: memref<16x512x16xi32, #tpu.memory_space<vmem>>) attributes {dimension_semantics = [#tpu.dimension_semantics<arbitrary>], iteration_bounds = array<i64: 4>, scalar_prefetch = 0 : i64, scratch_operands = 0 : i64, tpu.core_type = #tpu.core_type<tc>, window_params = [{transform_indices = @transform_0, window_bounds = array<i64: 16, 512, 16>}, {transform_indices = @transform_1, window_bounds = array<i64: 16, 512, 16>}, {transform_indices = @transform_2, window_bounds = array<i64: 16, 512, 16>}]} {
    %get3A = arith.constant 0 : index
    %get3A_0 = arith.constant 0 : index
    %get3A_1 = arith.constant 0 : index
    %get3A_2 = vector.load %arg1[%get3A, %get3A_0, %get3A_1] : memref<16x512x16xf32, #tpu.memory_space<vmem>>, vector<16x512x16xf32>
    %bitcast_convert_type3A = tpu.bitcast %get3A_2 : vector<16x512x16xf32> -> vector<16x512x16xi32>
    %add3A = arith.constant 32768 : i32
    %add3A_3 = vector.broadcast %add3A : i32 to vector<16x512x16xi32>
    %add3A_4 = arith.addi %bitcast_convert_type3A, %add3A_3 : vector<16x512x16xi32>
    %get3A_5 = arith.constant 0 : index
    %get3A_6 = arith.constant 0 : index
    %get3A_7 = arith.constant 0 : index
    %get3A_8 = vector.load %arg2[%get3A_5, %get3A_6, %get3A_7] : memref<16x512x16xf32, #tpu.memory_space<vmem>>, vector<16x512x16xf32>
    %bitcast_convert_type3A_9 = tpu.bitcast %get3A_8 : vector<16x512x16xf32> -> vector<16x512x16xi32>
    %add3A_10 = arith.constant 32768 : i32
    %add3A_11 = vector.broadcast %add3A_10 : i32 to vector<16x512x16xi32>
    %add3A_12 = arith.addi %bitcast_convert_type3A_9, %add3A_11 : vector<16x512x16xi32>
    %shift_right_logical3A = arith.constant 16 : i32
    %shift_right_logical3A_13 = vector.broadcast %shift_right_logical3A : i32 to vector<16x512x16xi32>
    %shift_right_logical3A_14 = arith.shrui %add3A_4, %shift_right_logical3A_13 : vector<16x512x16xi32>
    %and3A = arith.constant -65536 : i32
    %and3A_15 = vector.broadcast %and3A : i32 to vector<16x512x16xi32>
    %and3A_16 = arith.andi %add3A_12, %and3A_15 : vector<16x512x16xi32>
    %or3A = arith.ori %shift_right_logical3A_14, %and3A_16 : vector<16x512x16xi32>
    %swap3A = arith.constant 0 : index
    %swap3A_17 = arith.constant 0 : index
    %swap3A_18 = arith.constant 0 : index
    %swap3A_19 = vector.load %arg3[%swap3A, %swap3A_17, %swap3A_18] : memref<16x512x16xi32, #tpu.memory_space<vmem>>, vector<16x512x16xi32>
    tpu.vector_store %arg3[%swap3A, %swap3A_17, %swap3A_18], %or3A {strides = array<i32>} : memref<16x512x16xi32, #tpu.memory_space<vmem>>, vector<16x512x16xi32>,
    return
  }
  func.func @transform_0(%arg0: i32) -> (i32, i32, i32) {
    %c0_i32 = arith.constant 0 : i32
    %c0_i32_0 = arith.constant 0 : i32
    %c0_i32_1 = arith.constant 0 : i32
    return %c0_i32, %arg0, %c0_i32_0 : i32, i32, i32
  }
  func.func @transform_1(%arg0: i32) -> (i32, i32, i32) {
    %add3A = arith.constant 4 : i32
    %add3A_0 = arith.addi %arg0, %add3A : i32
    %c0_i32 = arith.constant 0 : i32
    %c0_i32_1 = arith.constant 0 : i32
    %c0_i32_2 = arith.constant 0 : i32
    return %c0_i32, %add3A_0, %c0_i32_1 : i32, i32, i32
  }
  func.func @transform_2(%arg0: i32) -> (i32, i32, i32) {
    %c0_i32 = arith.constant 0 : i32
    %c0_i32_0 = arith.constant 0 : i32
    %c0_i32_1 = arith.constant 0 : i32
    return %c0_i32, %arg0, %c0_i32_0 : i32, i32, i32
  }
}

module attributes {stable_mosaic.version = 14 : i64} {
  func.func @_iota_body(%arg0: i32, %arg1: memref<2x1048576xi32, #tpu.memory_space<vmem>>) attributes {dimension_semantics = [#tpu.dimension_semantics<arbitrary>], iteration_bounds = array<i64: 16>, scalar_prefetch = 0 : i64, scratch_operands = 0 : i64, tpu.core_type = #tpu.core_type<tc>, window_params = [{transform_indices = @transform_0, window_bounds = array<i64: 2, 1048576>}]} {
    %iota3A = tpu.iota {dimensions = array<i32: 1>} : vector<2x1048576xi32>
    %mul3A = arith.constant 1048576 : i32
    %mul3A_0 = arith.muli %arg0, %mul3A : i32
    %add3A = vector.broadcast %mul3A_0 : i32 to vector<2x1048576xi32>
    %add3A_1 = arith.addi %iota3A, %add3A : vector<2x1048576xi32>
    %iota3A_2 = tpu.iota {dimensions = array<i32: 0>} : vector<2x1048576xi32>
    %eq3A = arith.constant 0 : i32
    %eq3A_3 = vector.broadcast %eq3A : i32 to vector<2x1048576xi32>
    %eq3A_4 = arith.cmpi eq, %iota3A_2, %eq3A_3 : vector<2x1048576xi32>
    %shift_right_arithmetic3A = arith.constant 12 : i32
    %shift_right_arithmetic3A_5 = vector.broadcast %shift_right_arithmetic3A : i32 to vector<2x1048576xi32>
    %shift_right_arithmetic3A_6 = arith.shrsi %add3A_1, %shift_right_arithmetic3A_5 : vector<2x1048576xi32>
    %and3A = arith.constant 4095 : i32
    %and3A_7 = vector.broadcast %and3A : i32 to vector<2x1048576xi32>
    %and3A_8 = arith.andi %add3A_1, %and3A_7 : vector<2x1048576xi32>
    %select_n3A = arith.select %eq3A_4, %shift_right_arithmetic3A_6, %and3A_8 : vector<2x1048576xi1>, vector<2x1048576xi32>
    %swap3A = arith.constant 0 : index
    %swap3A_9 = arith.constant 0 : index
    %swap3A_10 = vector.load %arg1[%swap3A, %swap3A_9] : memref<2x1048576xi32, #tpu.memory_space<vmem>>, vector<2x1048576xi32>
    tpu.vector_store %arg1[%swap3A, %swap3A_9], %select_n3A {strides = array<i32>} : memref<2x1048576xi32, #tpu.memory_space<vmem>>, vector<2x1048576xi32>,
    return
  }
  func.func @transform_0(%arg0: i32) -> (i32, i32) {
    %c0_i32 = arith.constant 0 : i32
    %c0_i32_0 = arith.constant 0 : i32
    return %c0_i32, %arg0 : i32, i32
  }
}

module attributes {stable_mosaic.version = 14 : i64} {
  func.func @_head_body(%arg0: i32, %arg1: memref<2x512x256xf32, #tpu.memory_space<vmem>>, %arg2: memref<16x512x16xf32, #tpu.memory_space<vmem>>, %arg3: memref<512x1xf32, #tpu.memory_space<vmem>>, %arg4: memref<256x256xf32, #tpu.memory_space<vmem>>, %arg5: memref<1x256xf32, #tpu.memory_space<vmem>>, %arg6: memref<256x128xf32, #tpu.memory_space<vmem>>, %arg7: memref<1x128xf32, #tpu.memory_space<vmem>>, %arg8: memref<512x128xf32, #tpu.memory_space<vmem>>) attributes {dimension_semantics = [#tpu.dimension_semantics<arbitrary>], iteration_bounds = array<i64: 8>, scalar_prefetch = 0 : i64, scratch_operands = 0 : i64, tpu.core_type = #tpu.core_type<tc>, window_params = [{transform_indices = @transform_0, window_bounds = array<i64: 2, 512, 256>}, {transform_indices = @transform_1, window_bounds = array<i64: 16, 512, 16>}, {transform_indices = @transform_2, window_bounds = array<i64: 512, 1>}, {pipeline_mode = #tpu.pipeline_mode<synchronous>, transform_indices = @transform_3, window_bounds = array<i64: 256, 256>}, {pipeline_mode = #tpu.pipeline_mode<synchronous>, transform_indices = @transform_4, window_bounds = array<i64: 1, 256>}, {pipeline_mode = #tpu.pipeline_mode<synchronous>, transform_indices = @transform_5, window_bounds = array<i64: 256, 128>}, {pipeline_mode = #tpu.pipeline_mode<synchronous>, transform_indices = @transform_6, window_bounds = array<i64: 1, 128>}, {transform_indices = @transform_7, window_bounds = array<i64: 512, 128>}]} {
    %get3A = arith.constant 0 : index
    %get3A_0 = arith.constant 0 : index
    %get3A_1 = arith.constant 0 : index
    %get3A_2 = vector.load %arg2[%get3A, %get3A_0, %get3A_1] : memref<16x512x16xf32, #tpu.memory_space<vmem>>, vector<1x512x16xf32>
    %get3A_3 = vector.shape_cast %get3A_2 : vector<1x512x16xf32> to vector<512x16xf32>
    %get3A_4 = arith.constant 1 : index
    %get3A_5 = arith.constant 0 : index
    %get3A_6 = arith.constant 0 : index
    %get3A_7 = vector.load %arg2[%get3A_4, %get3A_5, %get3A_6] : memref<16x512x16xf32, #tpu.memory_space<vmem>>, vector<1x512x16xf32>
    %get3A_8 = vector.shape_cast %get3A_7 : vector<1x512x16xf32> to vector<512x16xf32>
    %get3A_9 = arith.constant 2 : index
    %get3A_10 = arith.constant 0 : index
    %get3A_11 = arith.constant 0 : index
    %get3A_12 = vector.load %arg2[%get3A_9, %get3A_10, %get3A_11] : memref<16x512x16xf32, #tpu.memory_space<vmem>>, vector<1x512x16xf32>
    %get3A_13 = vector.shape_cast %get3A_12 : vector<1x512x16xf32> to vector<512x16xf32>
    %get3A_14 = arith.constant 3 : index
    %get3A_15 = arith.constant 0 : index
    %get3A_16 = arith.constant 0 : index
    %get3A_17 = vector.load %arg2[%get3A_14, %get3A_15, %get3A_16] : memref<16x512x16xf32, #tpu.memory_space<vmem>>, vector<1x512x16xf32>
    %get3A_18 = vector.shape_cast %get3A_17 : vector<1x512x16xf32> to vector<512x16xf32>
    %get3A_19 = arith.constant 4 : index
    %get3A_20 = arith.constant 0 : index
    %get3A_21 = arith.constant 0 : index
    %get3A_22 = vector.load %arg2[%get3A_19, %get3A_20, %get3A_21] : memref<16x512x16xf32, #tpu.memory_space<vmem>>, vector<1x512x16xf32>
    %get3A_23 = vector.shape_cast %get3A_22 : vector<1x512x16xf32> to vector<512x16xf32>
    %get3A_24 = arith.constant 5 : index
    %get3A_25 = arith.constant 0 : index
    %get3A_26 = arith.constant 0 : index
    %get3A_27 = vector.load %arg2[%get3A_24, %get3A_25, %get3A_26] : memref<16x512x16xf32, #tpu.memory_space<vmem>>, vector<1x512x16xf32>
    %get3A_28 = vector.shape_cast %get3A_27 : vector<1x512x16xf32> to vector<512x16xf32>
    %get3A_29 = arith.constant 6 : index
    %get3A_30 = arith.constant 0 : index
    %get3A_31 = arith.constant 0 : index
    %get3A_32 = vector.load %arg2[%get3A_29, %get3A_30, %get3A_31] : memref<16x512x16xf32, #tpu.memory_space<vmem>>, vector<1x512x16xf32>
    %get3A_33 = vector.shape_cast %get3A_32 : vector<1x512x16xf32> to vector<512x16xf32>
    %get3A_34 = arith.constant 7 : index
    %get3A_35 = arith.constant 0 : index
    %get3A_36 = arith.constant 0 : index
    %get3A_37 = vector.load %arg2[%get3A_34, %get3A_35, %get3A_36] : memref<16x512x16xf32, #tpu.memory_space<vmem>>, vector<1x512x16xf32>
    %get3A_38 = vector.shape_cast %get3A_37 : vector<1x512x16xf32> to vector<512x16xf32>
    %get3A_39 = arith.constant 8 : index
    %get3A_40 = arith.constant 0 : index
    %get3A_41 = arith.constant 0 : index
    %get3A_42 = vector.load %arg2[%get3A_39, %get3A_40, %get3A_41] : memref<16x512x16xf32, #tpu.memory_space<vmem>>, vector<1x512x16xf32>
    %get3A_43 = vector.shape_cast %get3A_42 : vector<1x512x16xf32> to vector<512x16xf32>
    %get3A_44 = arith.constant 9 : index
    %get3A_45 = arith.constant 0 : index
    %get3A_46 = arith.constant 0 : index
    %get3A_47 = vector.load %arg2[%get3A_44, %get3A_45, %get3A_46] : memref<16x512x16xf32, #tpu.memory_space<vmem>>, vector<1x512x16xf32>
    %get3A_48 = vector.shape_cast %get3A_47 : vector<1x512x16xf32> to vector<512x16xf32>
    %get3A_49 = arith.constant 10 : index
    %get3A_50 = arith.constant 0 : index
    %get3A_51 = arith.constant 0 : index
    %get3A_52 = vector.load %arg2[%get3A_49, %get3A_50, %get3A_51] : memref<16x512x16xf32, #tpu.memory_space<vmem>>, vector<1x512x16xf32>
    %get3A_53 = vector.shape_cast %get3A_52 : vector<1x512x16xf32> to vector<512x16xf32>
    %get3A_54 = arith.constant 11 : index
    %get3A_55 = arith.constant 0 : index
    %get3A_56 = arith.constant 0 : index
    %get3A_57 = vector.load %arg2[%get3A_54, %get3A_55, %get3A_56] : memref<16x512x16xf32, #tpu.memory_space<vmem>>, vector<1x512x16xf32>
    %get3A_58 = vector.shape_cast %get3A_57 : vector<1x512x16xf32> to vector<512x16xf32>
    %get3A_59 = arith.constant 12 : index
    %get3A_60 = arith.constant 0 : index
    %get3A_61 = arith.constant 0 : index
    %get3A_62 = vector.load %arg2[%get3A_59, %get3A_60, %get3A_61] : memref<16x512x16xf32, #tpu.memory_space<vmem>>, vector<1x512x16xf32>
    %get3A_63 = vector.shape_cast %get3A_62 : vector<1x512x16xf32> to vector<512x16xf32>
    %get3A_64 = arith.constant 13 : index
    %get3A_65 = arith.constant 0 : index
    %get3A_66 = arith.constant 0 : index
    %get3A_67 = vector.load %arg2[%get3A_64, %get3A_65, %get3A_66] : memref<16x512x16xf32, #tpu.memory_space<vmem>>, vector<1x512x16xf32>
    %get3A_68 = vector.shape_cast %get3A_67 : vector<1x512x16xf32> to vector<512x16xf32>
    %get3A_69 = arith.constant 14 : index
    %get3A_70 = arith.constant 0 : index
    %get3A_71 = arith.constant 0 : index
    %get3A_72 = vector.load %arg2[%get3A_69, %get3A_70, %get3A_71] : memref<16x512x16xf32, #tpu.memory_space<vmem>>, vector<1x512x16xf32>
    %get3A_73 = vector.shape_cast %get3A_72 : vector<1x512x16xf32> to vector<512x16xf32>
    %get3A_74 = arith.constant 15 : index
    %get3A_75 = arith.constant 0 : index
    %get3A_76 = arith.constant 0 : index
    %get3A_77 = vector.load %arg2[%get3A_74, %get3A_75, %get3A_76] : memref<16x512x16xf32, #tpu.memory_space<vmem>>, vector<1x512x16xf32>
    %get3A_78 = vector.shape_cast %get3A_77 : vector<1x512x16xf32> to vector<512x16xf32>
    %concatenate3A = tpu.concatenate %get3A_3, %get3A_8, %get3A_13, %get3A_18, %get3A_23, %get3A_28, %get3A_33, %get3A_38, %get3A_43, %get3A_48, %get3A_53, %get3A_58, %get3A_63, %get3A_68, %get3A_73, %get3A_78 in 1 : vector<512x16xf32>, vector<512x16xf32>, vector<512x16xf32>, vector<512x16xf32>, vector<512x16xf32>, vector<512x16xf32>, vector<512x16xf32>, vector<512x16xf32>, vector<512x16xf32>, vector<512x16xf32>, vector<512x16xf32>, vector<512x16xf32>, vector<512x16xf32>, vector<512x16xf32>, vector<512x16xf32>, vector<512x16xf32> -> vector<512x256xf32>
    %get3A_79 = arith.constant 0 : index
    %get3A_80 = arith.constant 0 : index
    %get3A_81 = vector.load %arg3[%get3A_79, %get3A_80] : memref<512x1xf32, #tpu.memory_space<vmem>>, vector<512x1xf32>
    %get3A_82 = arith.constant 0 : index
    %get3A_83 = arith.constant 0 : index
    %get3A_84 = arith.constant 0 : index
    %get3A_85 = vector.load %arg1[%get3A_82, %get3A_83, %get3A_84] : memref<2x512x256xf32, #tpu.memory_space<vmem>>, vector<2x512x256xf32>
    %reduce_sum3A = arith.constant dense<0.000000e+00> : vector<512x256xf32>
    %reduce_sum3A_86 = vector.multi_reduction <add>, %get3A_85, %reduce_sum3A [0] : vector<2x512x256xf32> to vector<512x256xf32>
    %add3A = arith.addf %reduce_sum3A_86, %concatenate3A : vector<512x256xf32>
    %mul3A = vector.broadcast %get3A_81 : vector<512x1xf32> to vector<512x256xf32>
    %mul3A_87 = arith.mulf %mul3A, %add3A : vector<512x256xf32>
    %get3A_88 = arith.constant 0 : index
    %get3A_89 = arith.constant 0 : index
    %get3A_90 = vector.load %arg4[%get3A_88, %get3A_89] : memref<256x256xf32, #tpu.memory_space<vmem>>, vector<256x256xf32>
    %dot_general3A = arith.constant dense<0.000000e+00> : vector<512x256xf32>
    %dot_general3A_91 = tpu.matmul %mul3A_87, %get3A_90, %dot_general3A {dimension_numbers = #tpu.dot_dimension_numbers<[1], [0], [0], [1], [0, 0, 1, 1], [], []>, precision = #tpu.contract_precision<fp32>, transpose_lhs_hint = false} : vector<512x256xf32>, vector<256x256xf32>, vector<512x256xf32> -> vector<512x256xf32>
    %get3A_92 = arith.constant 0 : index
    %get3A_93 = arith.constant 0 : index
    %get3A_94 = vector.load %arg5[%get3A_92, %get3A_93] : memref<1x256xf32, #tpu.memory_space<vmem>>, vector<1x256xf32>
    %add3A_95 = vector.broadcast %get3A_94 : vector<1x256xf32> to vector<512x256xf32>
    %add3A_96 = arith.addf %dot_general3A_91, %add3A_95 : vector<512x256xf32>
    %max3A = arith.constant 0.000000e+00 : f32
    %max3A_97 = vector.broadcast %max3A : f32 to vector<512x256xf32>
    %max3A_98 = arith.maximumf %add3A_96, %max3A_97 : vector<512x256xf32>
    %get3A_99 = arith.constant 0 : index
    %get3A_100 = arith.constant 0 : index
    %get3A_101 = vector.load %arg6[%get3A_99, %get3A_100] : memref<256x128xf32, #tpu.memory_space<vmem>>, vector<256x128xf32>
    %dot_general3A_102 = arith.constant dense<0.000000e+00> : vector<512x128xf32>
    %dot_general3A_103 = tpu.matmul %max3A_98, %get3A_101, %dot_general3A_102 {dimension_numbers = #tpu.dot_dimension_numbers<[1], [0], [0], [1], [0, 0, 1, 1], [], []>, precision = #tpu.contract_precision<fp32>, transpose_lhs_hint = false} : vector<512x256xf32>, vector<256x128xf32>, vector<512x128xf32> -> vector<512x128xf32>
    %get3A_104 = arith.constant 0 : index
    %get3A_105 = arith.constant 0 : index
    %get3A_106 = vector.load %arg7[%get3A_104, %get3A_105] : memref<1x128xf32, #tpu.memory_space<vmem>>, vector<1x128xf32>
    %add3A_107 = vector.broadcast %get3A_106 : vector<1x128xf32> to vector<512x128xf32>
    %add3A_108 = arith.addf %dot_general3A_103, %add3A_107 : vector<512x128xf32>
    %swap3A = arith.constant 0 : index
    %swap3A_109 = arith.constant 0 : index
    %swap3A_110 = vector.load %arg8[%swap3A, %swap3A_109] : memref<512x128xf32, #tpu.memory_space<vmem>>, vector<512x128xf32>
    tpu.vector_store %arg8[%swap3A, %swap3A_109], %add3A_108 {strides = array<i32>} : memref<512x128xf32, #tpu.memory_space<vmem>>, vector<512x128xf32>,
    return
  }
  func.func @transform_0(%arg0: i32) -> (i32, i32, i32) {
    %c0_i32 = arith.constant 0 : i32
    %c0_i32_0 = arith.constant 0 : i32
    %c0_i32_1 = arith.constant 0 : i32
    return %c0_i32, %arg0, %c0_i32_0 : i32, i32, i32
  }
  func.func @transform_1(%arg0: i32) -> (i32, i32, i32) {
    %c0_i32 = arith.constant 0 : i32
    %c0_i32_0 = arith.constant 0 : i32
    %c0_i32_1 = arith.constant 0 : i32
    return %c0_i32, %arg0, %c0_i32_0 : i32, i32, i32
  }
  func.func @transform_2(%arg0: i32) -> (i32, i32) {
    %c0_i32 = arith.constant 0 : i32
    %c0_i32_0 = arith.constant 0 : i32
    return %arg0, %c0_i32 : i32, i32
  }
  func.func @transform_3(%arg0: i32) -> (i32, i32) {
    %c0_i32 = arith.constant 0 : i32
    %c0_i32_0 = arith.constant 0 : i32
    %c0_i32_1 = arith.constant 0 : i32
    return %c0_i32, %c0_i32_0 : i32, i32
  }
  func.func @transform_4(%arg0: i32) -> (i32, i32) {
    %c0_i32 = arith.constant 0 : i32
    %c0_i32_0 = arith.constant 0 : i32
    %c0_i32_1 = arith.constant 0 : i32
    return %c0_i32, %c0_i32_0 : i32, i32
  }
  func.func @transform_5(%arg0: i32) -> (i32, i32) {
    %c0_i32 = arith.constant 0 : i32
    %c0_i32_0 = arith.constant 0 : i32
    %c0_i32_1 = arith.constant 0 : i32
    return %c0_i32, %c0_i32_0 : i32, i32
  }
  func.func @transform_6(%arg0: i32) -> (i32, i32) {
    %c0_i32 = arith.constant 0 : i32
    %c0_i32_0 = arith.constant 0 : i32
    %c0_i32_1 = arith.constant 0 : i32
    return %c0_i32, %c0_i32_0 : i32, i32
  }
  func.func @transform_7(%arg0: i32) -> (i32, i32) {
    %c0_i32 = arith.constant 0 : i32
    %c0_i32_0 = arith.constant 0 : i32
    return %arg0, %c0_i32 : i32, i32
  }
}

</mosaic_0001>

<sc_bundles>
// kernel: kernel.12.cloned.1.call-start
scs
__scs_entry_jumppad:
0x0: {  	(pc) =	sbr.rel $0x88, $3  }
0x1: {  	(tag) =	ssettag $0x0;
	lr =	simm.s32 $0x1  }
0x2: {  	[smem:$0x3F98] =	sst lr;
	_ =	strace $0xD0000000  }
0x3: {  	_ = 	snop  }
0x4: {  	_ = 	snop  }
0x5: {  	_ = 	snop  }
0x6: {  	_ = 	snop  }
0x7: {  	_ = 	snop  }
__scs_overlays_trampoline_lowered:
0x8: {  	[smem:$0x3FA7] =	sst s0  }
0x9: {  	[smem:$0x3FA8] =	sst s1  }
0xa: {  	[smem:$0x3FA9] =	sst s2  }
0xb: {  	[smem:$0x3FAA] =	sst s3  }
0xc: {  	[smem:$0x3FAB] =	sst s4  }
0xd: {  	[smem:$0x3FAC] =	sst s5  }
0xe: {  	[smem:$0x3FAD] =	sst s6  }
0xf: {  	[smem:$0x3FAE] =	sst s7  }
0x10: {  	[smem:$0x3FAF] =	sst s8  }
0x11: {  	[smem:$0x3FB0] =	sst s9;
	s0 =	simm.s32 @!p0 $0x0  }
0x12: {  	s1 =	sld [smem:$0x3F96];
	s0 =	simm.s32 @p0 $0x1  }
0x13: {  	[smem:$0x3FB1] =	sst s0;
	s0 =	simm.s32 @!p1 $0x0  }
0x14: {  	s2 =	sld [smem:$0x3F95];
	s0 =	simm.s32 @p1 $0x1  }
0x15: {  	[smem:$0x3FB2] =	sst s0;
	s0 =	simm.s32 @!p2 $0x0  }
0x16: {  	s3 =	sld [smem:$0x3FDB];
	s0 =	simm.s32 @p2 $0x1  }
0x17: {  	s4 =	simm.s32 $0x1BF5;
	[smem:$0x3FB4] =	sst s0  }
0x18: {  	s0 =	sld [smem:$0x3F97];
	_ =	swait.ge [sflag:s4], $0x0  }
0x19: {  	s7 =	sld [smem:$0x3F98]  }
0x1a: {  	s8 =	sadd.s32 $0xFFFFE003, lr  }
0x1b: {  	s9 =	sadd.s32 $0xFFFFFEF7, lr;
	s5 =	simm.s32 $0xFFFFFFFF;
	p2 =	slt.u32 s8, $0xFFFFF086  }
0x1c: {  	p1 =	slt.u32 s9, $0xF7A;
	s5 =	simm.s32 @!p2 $0x0  }
0x1d: {  	s5 =	simm.s32 @p1 $0x1;
	p0 =	seq.s32 s7, s2  }
0x1e: {  	s7 =	smul.u32 @!p0 $0xF7A, s2;
	p2 =	seq.s32 @!p0 s5, $0x0  }
0x1f: {  	s9 =	smul.u32 $0xF7A, s1;
	s8 =	simm.s32 @!p0 $0x1BF5;
	p2 =	por !p2, p0  }
0x20: {  	[sflag:s8] =	ssyncset.s32 @!p0 $0xFFFFF086;
	s6 =	sadd.s32 @!p0 s3, s7;
	s7 =	simm.s32 @!p0 $0x108  }
0x21: {  	s3 =	sadd.s32 s3, s9;
	s6 =	sadd.s32 @!p0 $0x88, s6;
	s7 =	simm.s32 @p2 $0x1082  }
0x22: {  	[simem:s7], [sflag:s8] =	dma.local @!p0 [hbm:s6], $0xF7A  }
0x23: {  	s9 =	sor.u32 $0xD0000000, s2;
	s6 =	simm.s32 $0x108;
	_ =	swait.ge @!p0 [sflag:s8], $0x0  }
0x24: {  	s3 =	sadd.s32 $0x88, s3;
	s6 =	simm.s32 @!p1 $0x1082;
	[sflag:s4] =	ssyncset.s32 $0xFFFFF086  }
0x25: {  	[simem:s6], [sflag:s4] =	dma.local [hbm:s3], $0xF7A  }
0x26: {  	[smem:$0x3F98] =	sst s1;
	(tag) =	ssettag s2;
	_ =	strace s9  }
0x27: {  	s1 =	sld [smem:$0x3FA8]  }
0x28: {  	s2 =	sld [smem:$0x3FA9]  }
0x29: {  	s4 =	sld [smem:$0x3FAB]  }
0x2a: {  	p0 =	seq.s32 s5, $0x0;
	s5 =	sld [smem:$0x3FAC]  }
0x2b: {  	s6 =	sld [smem:$0x3FAD]  }
0x2c: {  	s7 =	sld [smem:$0x3FAE]  }
0x2d: {  	s3 =	simm.s32 $0x108;
	s8 =	sld [smem:$0x3FAF]  }
0x2e: {  	s3 =	simm.s32 @!p0 $0x1082;
	s9 =	sld [smem:$0x3FB0]  }
0x2f: {  	lr =	sadd.s32 s0, s3;
	s0 =	sld [smem:$0x3FA7]  }
0x30: {  	s3 =	sld [smem:$0x3FAA]  }
0x31: {  	[smem:$0x3FB3] =	sst s10  }
0x32: {  	s10 =	sld [smem:$0x3FB1];
	_ =	sdelay $0x3  }
0x33: {  	p0 =	seq.s32 s10, $0x1;
	s10 =	sld [smem:$0x3FB3];
	_ =	sdelay $0x3  }
0x34: {  	[smem:$0x3FB3] =	sst s10  }
0x35: {  	s10 =	sld [smem:$0x3FB2];
	_ =	sdelay $0x3  }
0x36: {  	p1 =	seq.s32 s10, $0x1;
	s10 =	sld [smem:$0x3FB3];
	_ =	sdelay $0x3  }
0x37: {  	[smem:$0x3FB3] =	sst s10  }
0x38: {  	s10 =	sld [smem:$0x3FB4]  }
0x39: {  	_ = 	snop;
	(pc) =	sbr.ind lr, $3  }
0x3a: {  	_ = 	snop  }
0x3b: {  	_ = 	snop  }
0x3c: {  	p2 =	seq.s32 s10, $0x1;
	s10 =	sld [smem:$0x3FB3]  }
0x3d: {  	_ =	shalt  }
0x3e: {  	_ =	shalt  }
0x3f: {  	_ =	shalt  }
0x40: {  	_ =	shalt  }
0x41: {  	_ =	shalt  }
0x42: {  	_ =	shalt  }
0x43: {  	_ =	shalt  }
0x44: {  	_ =	shalt  }
0x45: {  	_ =	shalt  }
0x46: {  	_ =	shalt  }
0x47: {  	_ =	shalt  }
0x48: {  	_ =	shalt  }
0x49: {  	_ =	shalt  }
0x4a: {  	_ =	shalt  }
0x4b: {  	_ =	shalt  }
0x4c: {  	_ =	shalt  }
0x4d: {  	_ =	shalt  }
0x4e: {  	_ =	shalt  }
0x4f: {  	_ =	shalt  }
0x50: {  	_ =	shalt  }
0x51: {  	_ =	shalt  }
0x52: {  	_ =	shalt  }
0x53: {  	_ =	shalt  }
0x54: {  	_ =	shalt  }
0x55: {  	_ =	shalt  }
0x56: {  	_ =	shalt  }
0x57: {  	_ =	shalt  }
0x58: {  	_ =	shalt  }
0x59: {  	_ =	shalt  }
0x5a: {  	_ =	shalt  }
0x5b: {  	_ =	shalt  }
0x5c: {  	_ =	shalt  }
0x5d: {  	_ =	shalt  }
0x5e: {  	_ =	shalt  }
0x5f: {  	_ =	shalt  }
0x60: {  	_ =	shalt  }
0x61: {  	_ =	shalt  }
0x62: {  	_ =	shalt  }
0x63: {  	_ =	shalt  }
0x64: {  	_ =	shalt  }
0x65: {  	_ =	shalt  }
0x66: {  	_ =	shalt  }
0x67: {  	_ =	shalt  }
0x68: {  	_ =	shalt  }
0x69: {  	_ =	shalt  }
0x6a: {  	_ =	shalt  }
0x6b: {  	_ =	shalt  }
0x6c: {  	_ =	shalt  }
0x6d: {  	_ =	shalt  }
0x6e: {  	_ =	shalt  }
0x6f: {  	_ =	shalt  }
0x70: {  	_ =	shalt  }
0x71: {  	_ =	shalt  }
0x72: {  	_ =	shalt  }
0x73: {  	_ =	shalt  }
0x74: {  	_ =	shalt  }
0x75: {  	_ =	shalt  }
0x76: {  	_ =	shalt  }
0x77: {  	_ =	shalt  }
0x78: {  	_ =	shalt  }
0x79: {  	_ =	shalt  }
0x7a: {  	_ =	shalt  }
0x7b: {  	_ =	shalt  }
0x7c: {  	_ =	shalt  }
0x7d: {  	_ =	shalt  }
0x7e: {  	_ =	shalt  }
0x7f: {  	_ =	shalt  }
0x80: {  	_ =	shalt  }
0x81: {  	_ =	shalt  }
0x82: {  	_ =	shalt  }
0x83: {  	_ =	shalt  }
0x84: {  	_ =	shalt  }
0x85: {  	_ =	shalt  }
0x86: {  	_ =	shalt  }
0x87: {  	_ =	shalt  }
.Lfunc_end0:
.L_simem_size_0:
called_computation_lowered:
.L_overlay_start_0:
0x88: {  	s2 =	sld [smem:$0x3FD9]  }
0x89: {  	s3 =	sld [smem:$0x3FFE];
	_ =	sdelay $0x1  }
0x8a: {  	s1 =	srdreg.scid  }
0x8b: {  	s0 =	sand.u32 $0x1, s1  }
0x8c: {  	s14 =	sshll.u32 s0, $0xA;
	s2 =	sadd.s32 s3, s2  }
0x8d: {  	s2 =	sadd.s32 s2, s14  }
0x8e: {  	[smem:$0x3FBF] =	sst s2  }
0x8f: {  	_ = 	snop  }
0x90: {  	s2 =	sld [smem:$0x3FD0];
	_ =	sdelay $0x2  }
0x91: {  	s4 =	simm.s32 $0xA;
	s5 =	simm.s32 $0x10;
	s15 =	sld [smem:$0x3FC7]  }
0x92: {  	[smem:s5], [sflag:s4] =	dma.local [hbm:s2], $0x1  }
0x93: {  	_ =	swait.eq [sflag:s4], $0x1  }
0x94: {  	[sflag:s4] =	ssyncset.done $0x0  }
0x95: {  	s16 =	sld [smem:$0x10];
	[sflag:s4] =	ssyncadd.s32 $0xFFFFFFFF  }
0x96: {  	s17 =	sld [smem:$0x11];
	(tm) =	ssettm $0x1  }
0x97: {  	s18 =	sld [smem:$0x3FFB];
	_ =	sdelay $0x3  }
0x98: {  	_ =	strace s18  }
0x99: {  	s5 =	sld [smem:$0x3FFC];
	_ =	sdelay $0x3  }
0x9a: {  	_ =	strace s5  }
0x9b: {  	s5 =	sld [smem:$0x3FFD];
	_ =	sdelay $0x3  }
0x9c: {  	_ =	strace s5  }
0x9d: {  	_ =	strace $0x8FFFFFFF  }
0x9e: {  	s19 =	sld [smem:$0x3FDB];
	_ =	sdelay $0x1  }
0x9f: {  	s6 =	simm.s32 $_scs_section_size  }
0xa0: {  	s7 =	simm.s32 $_size__tile_overlayer_lowered;
	s8 =	simm.s32 $_tile_overlayer_lowered  }
0xa1: {  	s22 =	simm.s32 $0x1BFF;
	s21 =	sshll.u32 s8, $0x1;
	s5 =	sadd.s32 s6, s19  }
0xa2: {  	s9 =	simm.s32 $0x0;
	s20 =	sshll.u32 s7, $0x1;
	s7 =	sadd.s32 s21, s5  }
0xa3: {  	[timem:s9], [sflag:s22] =	dma.local [hbm:s7], s20  }
0xa4: {  	_ =	swait.ge [sflag:s22], s20  }
0xa5: {  	s6 =	ssub.s32 $0x0, s20;
	[sflag:s22] =	ssyncset.done $0x0  }
0xa6: {  	[sflag:s22] =	ssyncadd.s32 s6;
	_ =	sdelay $0x1  }
0xa7: {  	s23 =	simm.s32 $0x1B8B  }
0xa8: {  	_ =	swait.ge [sflag:s23], $0x1  }
0xa9: {  	[sflag:s23] =	ssyncset.done $0x0  }
0xaa: {  	s25 =	simm.s32 $0x1B8E;
	s24 =	sld [smem:$0x3FFE];
	[sflag:s23] =	ssyncadd.s32 $0xFFFFFFFF  }
0xab: {  	s26 =	simm.s32 $execute0_lowered;
	[smem:$0x3FD2] =	sst s25  }
0xac: {  	s7 =	sshll.u32 s26, $0x1;
	_ =	strace $0x80000046;
	[dreg:$0x1] =	wrdreg $0xFFFFFFFF  }
0xad: {  	s28 =	simm.s32 $_size_execute0_lowered;
	s5 =	sadd.s32 s5, s7;
	[dreg:$0x0] =	wrdreg $0x0  }
0xae: {  	s7 =	sshll.u32 s28, $0x1;
	[dreg:$0x2] =	wrdreg s5  }
0xaf: {  	[dreg:$0x3] =	wrdreg s7  }
0xb0: {  	[dreg:$0x4] =	wrdreg $0xC0  }
0xb1: {  	_ =	task [dreg:s9], $0x5FFFF  }
0xb2: {  	[dreg:$0x1] =	wrdreg $0xFFFFFFFF  }
0xb3: {  	[dreg:$0x0] =	wrdreg $0x60  }
0xb4: {  	[dreg:$0x2] =	wrdreg s17  }
0xb5: {  	[dreg:$0x3] =	wrdreg s15  }
0xb6: {  	[dreg:$0x4] =	wrdreg s16  }
0xb7: {  	[dreg:$0x5] =	wrdreg s24  }
0xb8: {  	[dreg:$0x6] =	wrdreg $0x9  }
0xb9: {  	_ =	task.clear_ibuf [dreg:s9], $0x7FFFF;
	_ =	strace $0x90000046  }
0xba: {  	s29 =	simm.s32 $0x9;
	_ =	strace $0x80000048  }
0xbb: {  	_ =	swait.ge [sflag:s29], $0x1  }
0xbc: {  	[sflag:s29] =	ssyncadd.s32 $0xFFFFFFFF  }
0xbd: {  	_ =	strace $0x90000048  }
0xbe: {  	_ =	sfence  }
0xbf: {  	s30 =	sld [smem:$0x0];
	_ =	sdelay $0x2  }
0xc0: {  	s31 =	sshll.u32 s1, $0xD;
	s1 =	sshrl.u32 s1, $0x2  }
0xc1: {  	s3 =	sand.u32 $0x4000, s31;
	s1 =	sadd.s32 s1, s30  }
0xc2: {  	s0 =	sor.u32 s3, s0;
	s1 =	sshll.u32 s1, $0x11  }
0xc3: {  	s0 =	sor.u32 s1, s0  }
0xc4: {  	s0 =	sadd.s32 $0x8F2B, s0  }
0xc5: {  	[sflag:s0] =	ssyncadd.remote.s32 $0x1  }
0xc6: {  	_ =	sfence.sel $0xFFFF  }
0xc7: {  	[dreg:$0x0] =	wrdreg $0xFFFFFFFF;
	(pc) =	sbr.abs _section_cstart, $3  }
0xc8: {  	[dreg:$0x1] =	wrdreg $0xFFFFFFFF  }
0xc9: {  	_ =	task.clear_ibuf [dreg:s9], $0x2FFFF;
	_ =	strace $0x9FFFFFFF  }
0xca: {  	(tm) =	ssettm $0x7FFFFFFF  }
0xcb: {  	_ =	shalt  }
tec
execute0_lowered:
.L_overlay_start_1:
0x0: {  	(tag) =	ssettag $0x1  }
0x1: {  	s3 =	rddreg [dreg:$0x0]  }
0x2: {  	s4 =	rddreg [dreg:$0x1]  }
0x3: {  	s5 =	rddreg [dreg:$0x2]  }
0x4: {  	s1 =	srdreg.scid;
	s0 =	stileid.u32  }
0x5: {  	s6 =	rddreg [dreg:$0x3];
	s2 =	simm.s32 $0x0;
	s11 =	simm.s32 $0x2000  }
0x6: {  	s7 =	sand.u32 $0x1, s1;
	s8 =	sshll.u32 s0, $0x1;
	s1 =	rddreg [dreg:$0x4]  }
0x7: {  	s12 =	simm.s32 $0x0;
	[smem:$0x7FF] =	sst s2;
	s8 =	sor.u32 s7, s8  }
0x8: {  	s7 =	ssub.s32 $0x2, s7;
	_ =	strace $0x80000047;
	s9 =	sshll.u32 s8, $0x8  }
0x9: {  	s10 =	sshrl.u32 s7, $0x1;
	s8 =	sshll.u32 s8, $0x9;
	s6 =	sadd.s32 s9, s6  }
0xa: {  	s7 =	ssub.s32 s7, s10;
	s3 =	sadd.s32 s3, s9;
	s4 =	sadd.s32 s4, s9  }
0xb: {  	s5 =	sadd.s32 s5, s8;
	s8 =	simm.s32 $0x1;
	s9 =	simm.s32 $0x800  }
0xc: {  	v0 =	vimm.f32 $0.0e+00;
	s10 =	simm.s32 $0x1000;
	s6 =	sadd.s32 $0x4400, s6;
	s7 =	smax.u32 s7, $0x1  }
.LBB2_1:
0xd: {  	[tilespmem:s2], [sflag:$0x1] =	stream.linear.gather [hbm4b:s3+s2], $0x800, $0x38;
	[tilespmem:$0x2800] =	vst v63  }
0xe: {  	_ =	swait.ge [sflag:s8], $0x800  }
0xf: {  	[sflag:s8] =	ssyncset.done $0x0  }
0x10: {  	[sflag:s8] =	ssyncadd.s32 $0xFFFFF800  }
0x11: {  	[tilespmem:s9], [sflag:$0x1] =	stream.linear.gather [hbm4b:s4+s2], $0x800, $0x38;
	[tilespmem:$0x2800] =	vst v63  }
0x12: {  	_ =	swait.ge [sflag:s8], $0x800  }
0x13: {  	[sflag:s8] =	ssyncset.done $0x0  }
0x14: {  	s13 =	simm.s32 $0x0;
	[sflag:s8] =	ssyncadd.s32 $0xFFFFF800  }
.LBB2_2:
0x15: {  	p0 =	sne.s32 s13, $0x3FC0  }
.Ltmp0:
0x16: {  	_ = 	snop;
	(pc) =	sbr.rel @p0 .LBB2_2-.Ltmp0, $3  }
0x17: {  	_ =	sdelay $0x1  }
0x18: {  	s14 =	sshra.s32 s13, $0x2  }
0x19: {  	s13 =	sadd.s32 $0x40, s13;
	[tilespmem:s14+$0x1000] =	vst v0  }
0x1a: {  	s13 =	simm.s32 $0x0  }
0x1b: {  	s14 =	simm.s32 $0x40;
	v1 =	vld [tilespmem:s13+$0x0]  }
.LBB2_4:
0x1c: {  	p0 =	sne.s32 s14, $0x1FC0;
	v2 =	vld [tilespmem:s13+$0x800];
	_ =	sdelay $0x3  }
.Ltmp1:
0x1d: {  	(pc) =	sbr.rel @p0 .LBB2_4-.Ltmp1, $4  }
0x1e: {  	v3 =	vadd.s32 $0x8000, v2  }
0x1f: {  	v3 =	vand.u32 $0xFFFF0000, v3  }
0x20: {  	s15 =	sshra.s32 s14, $0x2;
	[tilespmem:v1+s10+$0x0] =	vst.idx.add.f32.msk $0xffff, v2;
	v2 =	vor.u32 v1, v3  }
0x21: {  	s14 =	sadd.s32 $0x40, s14;
	v1 =	vld [tilespmem:s15+$0x0];
	[tilespmem:s13+$0x2000] =	vst v2;
	s13 =	smov.u32 s15  }
0x22: {  	_ = 	snop  }
0x23: {  	v2 =	vld [tilespmem:s13+$0x800];
	_ =	sdelay $0x4  }
0x24: {  	v3 =	vadd.s32 $0x8000, v2  }
0x25: {  	v3 =	vand.u32 $0xFFFF0000, v3  }
0x26: {  	[tilespmem:v1+s10+$0x0] =	vst.idx.add.f32.msk $0xffff, v2;
	v1 =	vor.u32 v1, v3  }
0x27: {  	[tilespmem:s13+$0x2000] =	vst v1  }
0x28: {  	[hbm4b:s5+s2] =	stream.linear.scatter [tilespmem:s10], [sflag:$0x1], $0x1000, $0x38;
	[tilespmem:$0x2800] =	vst v63  }
0x29: {  	s12 =	sadd.s32 $0x1, s12;
	_ =	swait.ge [sflag:s8], $0x1000  }
0x2a: {  	p0 =	sne.s32 s12, s7;
	[sflag:s8] =	ssyncset.done $0x0  }
.Ltmp2:
0x2b: {  	[sflag:s8] =	ssyncadd.s32 $0xFFFFF000;
	(pc) =	sbr.rel @p0 .LBB2_1-.Ltmp2, $4  }
0x2c: {  	[hbm4b:s6+s2] =	stream.linear.scatter [tilespmem:s11], [sflag:$0x1], $0x800, $0x38;
	[tilespmem:$0x2800] =	vst v63  }
0x2d: {  	_ =	swait.ge [sflag:s8], $0x800  }
0x2e: {  	[sflag:s8] =	ssyncset.done $0x0  }
0x2f: {  	[sflag:s8] =	ssyncadd.s32 $0xFFFFF800  }
0x30: {  	_ =	sfence.sel $0x180000  }
0x31: {  	[bflag:$0x0] =	sbarrier.arrive $0xFFFF  }
0x32: {  	p0 =	sne.s32 s0, $0x0;
	_ =	strace $0x90000047  }
0x33: {  	s0 =	sadd.s32 @!p0 $0x100000, s1;
	[bflag:$0x2] =	sbarrier.arrive $0xFFFF  }
0x34: {  	[sflag:s0] =	ssyncadd.tile.s32 @!p0 $0x1;
	_ =	shalt  }
.Lfunc_end2:
_tile_overlayer_lowered:
.L_overlay_start_2:
0x35: {  	(tag) =	ssettag $0x2  }
0x36: {  	s0 =	rddreg [dreg:$0x0];
	s2 =	stileid.u32  }
0x37: {  	s1 =	rddreg [dreg:$0x1];
	p0 =	sne.s32 s2, $0x0  }
0x38: {  	s3 =	rddreg [dreg:$0x2];
	[bflag:$0x3] =	sbarrier.arrive $0xFFFF;
	s2 =	simm.s32 @!p0 $0x1C01  }
0x39: {  	[timem:s3], [sflag:s2] =	dma.local @!p0 [hbm:s0], s1  }
0x3a: {  	s0 =	simm.s32 @!p0 $0x1  }
0x3b: {  	_ =	swait.ge @!p0 [sflag:s0], s1  }
0x3c: {  	s1 =	ssub.s32 @!p0 $0x0, s1;
	[sflag:s0] =	ssyncset.done @!p0 $0x0  }
0x3d: {  	[sflag:s0] =	ssyncadd.s32 @!p0 s1  }
0x3e: {  	[bflag:$0x3] =	sbarrier.arrive $0xFFFF  }
0x3f: {  	_ =	shalt  }

// kernel: kernel.15.cloned.1.call-start
scs
__scs_entry_jumppad:
0x0: {  	(pc) =	sbr.rel $0x88, $3  }
0x1: {  	(tag) =	ssettag $0x0;
	lr =	simm.s32 $0x1  }
0x2: {  	[smem:$0x3F98] =	sst lr;
	_ =	strace $0xD0000000  }
0x3: {  	_ = 	snop  }
0x4: {  	_ = 	snop  }
0x5: {  	_ = 	snop  }
0x6: {  	_ = 	snop  }
0x7: {  	_ = 	snop  }
__scs_overlays_trampoline_lowered:
0x8: {  	[smem:$0x3FA7] =	sst s0  }
0x9: {  	[smem:$0x3FA8] =	sst s1  }
0xa: {  	[smem:$0x3FA9] =	sst s2  }
0xb: {  	[smem:$0x3FAA] =	sst s3  }
0xc: {  	[smem:$0x3FAB] =	sst s4  }
0xd: {  	[smem:$0x3FAC] =	sst s5  }
0xe: {  	[smem:$0x3FAD] =	sst s6  }
0xf: {  	[smem:$0x3FAE] =	sst s7  }
0x10: {  	[smem:$0x3FAF] =	sst s8  }
0x11: {  	[smem:$0x3FB0] =	sst s9;
	s0 =	simm.s32 @!p0 $0x0  }
0x12: {  	s1 =	sld [smem:$0x3F96];
	s0 =	simm.s32 @p0 $0x1  }
0x13: {  	[smem:$0x3FB1] =	sst s0;
	s0 =	simm.s32 @!p1 $0x0  }
0x14: {  	s2 =	sld [smem:$0x3F95];
	s0 =	simm.s32 @p1 $0x1  }
0x15: {  	[smem:$0x3FB2] =	sst s0;
	s0 =	simm.s32 @!p2 $0x0  }
0x16: {  	s3 =	sld [smem:$0x3FDB];
	s0 =	simm.s32 @p2 $0x1  }
0x17: {  	s4 =	simm.s32 $0x1BF5;
	[smem:$0x3FB4] =	sst s0  }
0x18: {  	s0 =	sld [smem:$0x3F97];
	_ =	swait.ge [sflag:s4], $0x0  }
0x19: {  	s7 =	sld [smem:$0x3F98]  }
0x1a: {  	s8 =	sadd.s32 $0xFFFFE003, lr  }
0x1b: {  	s9 =	sadd.s32 $0xFFFFFEF7, lr;
	s5 =	simm.s32 $0xFFFFFFFF;
	p2 =	slt.u32 s8, $0xFFFFF086  }
0x1c: {  	p1 =	slt.u32 s9, $0xF7A;
	s5 =	simm.s32 @!p2 $0x0  }
0x1d: {  	s5 =	simm.s32 @p1 $0x1;
	p0 =	seq.s32 s7, s2  }
0x1e: {  	s7 =	smul.u32 @!p0 $0xF7A, s2;
	p2 =	seq.s32 @!p0 s5, $0x0  }
0x1f: {  	s9 =	smul.u32 $0xF7A, s1;
	s8 =	simm.s32 @!p0 $0x1BF5;
	p2 =	por !p2, p0  }
0x20: {  	[sflag:s8] =	ssyncset.s32 @!p0 $0xFFFFF086;
	s6 =	sadd.s32 @!p0 s3, s7;
	s7 =	simm.s32 @!p0 $0x108  }
0x21: {  	s3 =	sadd.s32 s3, s9;
	s6 =	sadd.s32 @!p0 $0x88, s6;
	s7 =	simm.s32 @p2 $0x1082  }
0x22: {  	[simem:s7], [sflag:s8] =	dma.local @!p0 [hbm:s6], $0xF7A  }
0x23: {  	s9 =	sor.u32 $0xD0000000, s2;
	s6 =	simm.s32 $0x108;
	_ =	swait.ge @!p0 [sflag:s8], $0x0  }
0x24: {  	s3 =	sadd.s32 $0x88, s3;
	s6 =	simm.s32 @!p1 $0x1082;
	[sflag:s4] =	ssyncset.s32 $0xFFFFF086  }
0x25: {  	[simem:s6], [sflag:s4] =	dma.local [hbm:s3], $0xF7A  }
0x26: {  	[smem:$0x3F98] =	sst s1;
	(tag) =	ssettag s2;
	_ =	strace s9  }
0x27: {  	s1 =	sld [smem:$0x3FA8]  }
0x28: {  	s2 =	sld [smem:$0x3FA9]  }
0x29: {  	s4 =	sld [smem:$0x3FAB]  }
0x2a: {  	p0 =	seq.s32 s5, $0x0;
	s5 =	sld [smem:$0x3FAC]  }
0x2b: {  	s6 =	sld [smem:$0x3FAD]  }
0x2c: {  	s7 =	sld [smem:$0x3FAE]  }
0x2d: {  	s3 =	simm.s32 $0x108;
	s8 =	sld [smem:$0x3FAF]  }
0x2e: {  	s3 =	simm.s32 @!p0 $0x1082;
	s9 =	sld [smem:$0x3FB0]  }
0x2f: {  	lr =	sadd.s32 s0, s3;
	s0 =	sld [smem:$0x3FA7]  }
0x30: {  	s3 =	sld [smem:$0x3FAA]  }
0x31: {  	[smem:$0x3FB3] =	sst s10  }
0x32: {  	s10 =	sld [smem:$0x3FB1];
	_ =	sdelay $0x3  }
0x33: {  	p0 =	seq.s32 s10, $0x1;
	s10 =	sld [smem:$0x3FB3];
	_ =	sdelay $0x3  }
0x34: {  	[smem:$0x3FB3] =	sst s10  }
0x35: {  	s10 =	sld [smem:$0x3FB2];
	_ =	sdelay $0x3  }
0x36: {  	p1 =	seq.s32 s10, $0x1;
	s10 =	sld [smem:$0x3FB3];
	_ =	sdelay $0x3  }
0x37: {  	[smem:$0x3FB3] =	sst s10  }
0x38: {  	s10 =	sld [smem:$0x3FB4]  }
0x39: {  	_ = 	snop;
	(pc) =	sbr.ind lr, $3  }
0x3a: {  	_ = 	snop  }
0x3b: {  	_ = 	snop  }
0x3c: {  	p2 =	seq.s32 s10, $0x1;
	s10 =	sld [smem:$0x3FB3]  }
0x3d: {  	_ =	shalt  }
0x3e: {  	_ =	shalt  }
0x3f: {  	_ =	shalt  }
0x40: {  	_ =	shalt  }
0x41: {  	_ =	shalt  }
0x42: {  	_ =	shalt  }
0x43: {  	_ =	shalt  }
0x44: {  	_ =	shalt  }
0x45: {  	_ =	shalt  }
0x46: {  	_ =	shalt  }
0x47: {  	_ =	shalt  }
0x48: {  	_ =	shalt  }
0x49: {  	_ =	shalt  }
0x4a: {  	_ =	shalt  }
0x4b: {  	_ =	shalt  }
0x4c: {  	_ =	shalt  }
0x4d: {  	_ =	shalt  }
0x4e: {  	_ =	shalt  }
0x4f: {  	_ =	shalt  }
0x50: {  	_ =	shalt  }
0x51: {  	_ =	shalt  }
0x52: {  	_ =	shalt  }
0x53: {  	_ =	shalt  }
0x54: {  	_ =	shalt  }
0x55: {  	_ =	shalt  }
0x56: {  	_ =	shalt  }
0x57: {  	_ =	shalt  }
0x58: {  	_ =	shalt  }
0x59: {  	_ =	shalt  }
0x5a: {  	_ =	shalt  }
0x5b: {  	_ =	shalt  }
0x5c: {  	_ =	shalt  }
0x5d: {  	_ =	shalt  }
0x5e: {  	_ =	shalt  }
0x5f: {  	_ =	shalt  }
0x60: {  	_ =	shalt  }
0x61: {  	_ =	shalt  }
0x62: {  	_ =	shalt  }
0x63: {  	_ =	shalt  }
0x64: {  	_ =	shalt  }
0x65: {  	_ =	shalt  }
0x66: {  	_ =	shalt  }
0x67: {  	_ =	shalt  }
0x68: {  	_ =	shalt  }
0x69: {  	_ =	shalt  }
0x6a: {  	_ =	shalt  }
0x6b: {  	_ =	shalt  }
0x6c: {  	_ =	shalt  }
0x6d: {  	_ =	shalt  }
0x6e: {  	_ =	shalt  }
0x6f: {  	_ =	shalt  }
0x70: {  	_ =	shalt  }
0x71: {  	_ =	shalt  }
0x72: {  	_ =	shalt  }
0x73: {  	_ =	shalt  }
0x74: {  	_ =	shalt  }
0x75: {  	_ =	shalt  }
0x76: {  	_ =	shalt  }
0x77: {  	_ =	shalt  }
0x78: {  	_ =	shalt  }
0x79: {  	_ =	shalt  }
0x7a: {  	_ =	shalt  }
0x7b: {  	_ =	shalt  }
0x7c: {  	_ =	shalt  }
0x7d: {  	_ =	shalt  }
0x7e: {  	_ =	shalt  }
0x7f: {  	_ =	shalt  }
0x80: {  	_ =	shalt  }
0x81: {  	_ =	shalt  }
0x82: {  	_ =	shalt  }
0x83: {  	_ =	shalt  }
0x84: {  	_ =	shalt  }
0x85: {  	_ =	shalt  }
0x86: {  	_ =	shalt  }
0x87: {  	_ =	shalt  }
.Lfunc_end0:
.L_simem_size_0:
called_computation.1_lowered:
.L_overlay_start_0:
0x88: {  	s2 =	sld [smem:$0x3FD9]  }
0x89: {  	s3 =	sld [smem:$0x3FFE];
	_ =	sdelay $0x1  }
0x8a: {  	s1 =	srdreg.scid  }
0x8b: {  	s0 =	sand.u32 $0x1, s1  }
0x8c: {  	s14 =	sshll.u32 s0, $0xA;
	s2 =	sadd.s32 s3, s2  }
0x8d: {  	s2 =	sadd.s32 s2, s14  }
0x8e: {  	[smem:$0x3FBF] =	sst s2  }
0x8f: {  	_ = 	snop  }
0x90: {  	s2 =	sld [smem:$0x3FD0];
	_ =	sdelay $0x2  }
0x91: {  	s15 =	simm.s32 $0xA;
	s4 =	simm.s32 $0x10  }
0x92: {  	[smem:s4], [sflag:s15] =	dma.local [hbm:s2], $0x1  }
0x93: {  	_ =	swait.eq [sflag:s15], $0x1  }
0x94: {  	[sflag:s15] =	ssyncset.done $0x0  }
0x95: {  	[sflag:s15] =	ssyncadd.s32 $0xFFFFFFFF  }
0x96: {  	s16 =	sld [smem:$0x10];
	(tm) =	ssettm $0x1  }
0x97: {  	s17 =	sld [smem:$0x3FFB];
	_ =	sdelay $0x3  }
0x98: {  	_ =	strace s17  }
0x99: {  	s3 =	sld [smem:$0x3FFC];
	_ =	sdelay $0x3  }
0x9a: {  	_ =	strace s3  }
0x9b: {  	s3 =	sld [smem:$0x3FFD];
	_ =	sdelay $0x3  }
0x9c: {  	_ =	strace s3  }
0x9d: {  	_ =	strace $0x8FFFFFFF  }
0x9e: {  	s18 =	sld [smem:$0x3FDB];
	_ =	sdelay $0x1  }
0x9f: {  	s19 =	simm.s32 $_scs_section_size  }
0xa0: {  	s5 =	simm.s32 $_size__tile_overlayer_lowered;
	s6 =	simm.s32 $_tile_overlayer_lowered  }
0xa1: {  	s22 =	simm.s32 $0x1BFF;
	s21 =	sshll.u32 s6, $0x1;
	s3 =	sadd.s32 s19, s18  }
0xa2: {  	s7 =	simm.s32 $0x0;
	s20 =	sshll.u32 s5, $0x1;
	s5 =	sadd.s32 s21, s3  }
0xa3: {  	[timem:s7], [sflag:s22] =	dma.local [hbm:s5], s20  }
0xa4: {  	_ =	swait.ge [sflag:s22], s20  }
0xa5: {  	s4 =	ssub.s32 $0x0, s20;
	[sflag:s22] =	ssyncset.done $0x0  }
0xa6: {  	[sflag:s22] =	ssyncadd.s32 s4;
	_ =	sdelay $0x1  }
0xa7: {  	s23 =	simm.s32 $0x1B8B  }
0xa8: {  	_ =	swait.ge [sflag:s23], $0x1  }
0xa9: {  	[sflag:s23] =	ssyncset.done $0x0  }
0xaa: {  	s25 =	simm.s32 $0x1B8E;
	s24 =	sld [smem:$0x3FFE];
	[sflag:s23] =	ssyncadd.s32 $0xFFFFFFFF  }
0xab: {  	s26 =	simm.s32 $execute0_lowered;
	[smem:$0x3FD2] =	sst s25  }
0xac: {  	s5 =	sshll.u32 s26, $0x1;
	_ =	strace $0x80000049;
	[dreg:$0x1] =	wrdreg $0xFFFFFFFF  }
0xad: {  	s28 =	simm.s32 $_size_execute0_lowered;
	s3 =	sadd.s32 s3, s5;
	[dreg:$0x0] =	wrdreg $0x0  }
0xae: {  	s5 =	sshll.u32 s28, $0x1;
	[dreg:$0x2] =	wrdreg s3  }
0xaf: {  	[dreg:$0x3] =	wrdreg s5  }
0xb0: {  	[dreg:$0x4] =	wrdreg $0xC0  }
0xb1: {  	_ =	task [dreg:s7], $0x5FFFF  }
0xb2: {  	[dreg:$0x1] =	wrdreg $0xFFFFFFFF  }
0xb3: {  	[dreg:$0x0] =	wrdreg $0x60  }
0xb4: {  	[dreg:$0x2] =	wrdreg s16  }
0xb5: {  	[dreg:$0x3] =	wrdreg s24  }
0xb6: {  	[dreg:$0x4] =	wrdreg $0x9  }
0xb7: {  	_ =	task.clear_ibuf [dreg:s7], $0x5FFFF;
	_ =	strace $0x90000049  }
0xb8: {  	s29 =	simm.s32 $0x9;
	_ =	strace $0x8000004B  }
0xb9: {  	_ =	swait.ge [sflag:s29], $0x1  }
0xba: {  	[sflag:s29] =	ssyncadd.s32 $0xFFFFFFFF  }
0xbb: {  	_ =	strace $0x9000004B  }
0xbc: {  	_ =	sfence  }
0xbd: {  	s30 =	sld [smem:$0x0];
	_ =	sdelay $0x2  }
0xbe: {  	s31 =	sshll.u32 s1, $0xD;
	s1 =	sshrl.u32 s1, $0x2  }
0xbf: {  	s3 =	sand.u32 $0x4000, s31;
	s1 =	sadd.s32 s1, s30  }
0xc0: {  	s0 =	sor.u32 s3, s0;
	s1 =	sshll.u32 s1, $0x11  }
0xc1: {  	s0 =	sor.u32 s1, s0  }
0xc2: {  	s0 =	sadd.s32 $0x8F2B, s0  }
0xc3: {  	[sflag:s0] =	ssyncadd.remote.s32 $0x1  }
0xc4: {  	_ =	sfence.sel $0xFFFF  }
0xc5: {  	[dreg:$0x0] =	wrdreg $0xFFFFFFFF;
	(pc) =	sbr.abs _section_cstart, $3  }
0xc6: {  	[dreg:$0x1] =	wrdreg $0xFFFFFFFF  }
0xc7: {  	_ =	task.clear_ibuf [dreg:s7], $0x2FFFF;
	_ =	strace $0x9FFFFFFF  }
0xc8: {  	(tm) =	ssettm $0x7FFFFFFF  }
0xc9: {  	_ =	shalt  }
tec
execute0_lowered:
.L_overlay_start_1:
0x0: {  	(tag) =	ssettag $0x1  }
0x1: {  	s5 =	rddreg [dreg:$0x0]  }
0x2: {  	s6 =	rddreg [dreg:$0x1]  }
0x3: {  	s0 =	rddreg [dreg:$0x2];
	s2 =	simm.s32 $0x0  }
0x4: {  	s1 =	stileid.u32;
	s8 =	srdreg.scid;
	s12 =	simm.s32 $0x9000  }
0x5: {  	s13 =	simm.s32 $0x10;
	s14 =	simm.s32 $0x80;
	s15 =	simm.s32 $0x0  }
0x6: {  	[smem:$0x7FF] =	sst s2;
	s3 =	sadd.s32 $0x2400, s6;
	s7 =	sand.u32 $0x7, s1  }
0x7: {  	s4 =	sadd.s32 $0x4400, s6;
	s8 =	sand.u32 $0x1, s8;
	s11 =	sshrl.u32 s1, $0x3  }
0x8: {  	v0 =	vimm.f32 $0.0e+00;
	v1 =	vimm.s32 $0x0;
	v2 =	vimm.s32 $0x4;
	_ =	strace $0x8000004A;
	s9 =	sshll.u32 s7, $0x1;
	s10 =	ssub.s32 $0x2, s8  }
0x9: {  	v3 =	vlaneseq.u32;
	v4 =	vimm.s32 $0x7;
	v5 =	vimm.s32 $0x1;
	s8 =	sshll.u32 s8, $0x1;
	s30 =	sshll.u32 s7, $0xC;
	s9 =	sadd.s32 s9, s6  }
0xa: {  	v6 =	vimm.s32 $0x2;
	v7 =	vimm.s32 $0x3;
	v8 =	vimm.s32 $0x5;
	s29 =	sshrl.u32 s10, $0x1;
	s8 =	sor.u32 s11, s8;
	s5 =	sadd.s32 s5, s30  }
0xb: {  	v9 =	vimm.s32 $0x6;
	v10 =	vimm.s32 $0x8;
	v11 =	vimm.s32 $0x9;
	s11 =	simm.s32 $0x800;
	s10 =	ssub.s32 s10, s29;
	s31 =	sshll.u32 s8, $0x10  }
0xc: {  	v12 =	vimm.s32 $0xA;
	v13 =	vimm.s32 $0xB;
	v14 =	vimm.s32 $0xC;
	s6 =	sshll.u32 s8, $0xB;
	s7 =	sadd.s32 s31, s9;
	s8 =	smax.u32 s10, $0x1  }
0xd: {  	v15 =	vimm.s32 $0xD;
	v16 =	vimm.s32 $0xE;
	v17 =	vimm.s32 $0xF;
	s9 =	simm.s32 $0x1000;
	s10 =	simm.s32 $0x1;
	s7 =	sadd.s32 $0x6400, s7  }
.LBB2_1:
0xe: {  	[tilespmem:s9], [sflag:$0x1] =	stream.linear.gather [hbm4b:s5+s2], $0x8000, $0x38;
	[tilespmem:$0x19000] =	vst v63  }
0xf: {  	_ =	swait.ge [sflag:s10], $0x8000  }
0x10: {  	[sflag:s10] =	ssyncset.done $0x0  }
0x11: {  	s17 =	simm.s32 $0x0;
	s16 =	simm.s32 $0x200;
	[sflag:s10] =	ssyncadd.s32 $0xFFFF8000  }
.LBB2_2:
0x12: {  	p0 =	sne.s32 s16, $0x3FE00;
	[tilespmem:s17+$0x9070] =	vst v0  }
0x13: {  	[tilespmem:s17+$0x9000] =	vst v0  }
0x14: {  	[tilespmem:s17+$0x9010] =	vst v0  }
.Ltmp0:
0x15: {  	[tilespmem:s17+$0x9020] =	vst v0;
	(pc) =	sbr.rel @p0 .LBB2_2-.Ltmp0, $4  }
0x16: {  	[tilespmem:s17+$0x9030] =	vst v0  }
0x17: {  	[tilespmem:s17+$0x9040] =	vst v0  }
0x18: {  	[tilespmem:s17+$0x9050] =	vst v0  }
0x19: {  	[tilespmem:s17+$0x9060] =	vst v0;
	s17 =	sshra.s32 s16, $0x2;
	s16 =	sadd.s32 $0x200, s16  }
0x1a: {  	[tilespmem:s17+$0x9070] =	vst v0  }
0x1b: {  	[tilespmem:s17+$0x9000] =	vst v0  }
0x1c: {  	[tilespmem:s17+$0x9010] =	vst v0  }
0x1d: {  	[tilespmem:s17+$0x9020] =	vst v0  }
0x1e: {  	[tilespmem:s17+$0x9030] =	vst v0  }
0x1f: {  	[tilespmem:s17+$0x9040] =	vst v0  }
0x20: {  	[tilespmem:s17+$0x9050] =	vst v0  }
0x21: {  	s16 =	simm.s32 $0x0;
	[tilespmem:s17+$0x9060] =	vst v0;
	s17 =	simm.s32 $0x0  }
.LBB2_4:
0x22: {  	s18 =	sshll.u32 s17, $0x8  }
0x23: {  	s18 =	sadd.s32 s6, s18  }
0x24: {  	s19 =	sadd.s32 s3, s18  }
0x25: {  	[tilespmem:s16], [sflag:$0x1] =	stream.linear.gather [hbm4b:s19+s16], $0x800, $0x38;
	[tilespmem:$0x19000] =	vst v63  }
0x26: {  	_ =	swait.ge [sflag:s10], $0x800  }
0x27: {  	[sflag:s10] =	ssyncset.done $0x0  }
0x28: {  	s18 =	sadd.s32 s4, s18;
	[sflag:s10] =	ssyncadd.s32 $0xFFFFF800  }
0x29: {  	[tilespmem:s11], [sflag:$0x1] =	stream.linear.gather [hbm4b:s18+s16], $0x800, $0x38;
	[tilespmem:$0x19000] =	vst v63  }
0x2a: {  	_ =	swait.ge [sflag:s10], $0x800  }
0x2b: {  	s20 =	simm.s32 $0x0;
	[sflag:s10] =	ssyncset.done $0x0  }
0x2c: {  	s19 =	simm.s32 $0x810;
	s18 =	simm.s32 $0x10;
	[sflag:s10] =	ssyncadd.s32 $0xFFFFF800  }
.LBB2_5:
0x2d: {  	v30 =	vld [tilespmem:s18+$0x0]  }
0x2e: {  	v19 =	vld [tilespmem:s18+$0xFFFFFFF0]  }
0x2f: {  	v29 =	vld [tilespmem:s19+$0x0];
	_ =	sdelay $0x3  }
0x30: {  	v20 =	vperm.xlane v30, v1;
	v21 =	vperm.xlane v19, v1  }
0x31: {  	v24 =	vperm.xlane v29, v1;
	v25 =	vperm.xlane v30, v5  }
0x32: {  	v26 =	vperm.xlane v19, v5;
	v31 =	vperm.xlane v19, v7  }
0x33: {  	v60 =	vperm.xlane v29, v6;
	v34 =	vperm.xlane v30, v7  }
0x34: {  	v40 =	vperm.xlane v19, v2;
	v42 =	vperm.xlane v29, v7  }
0x35: {  	v43 =	vperm.xlane v30, v2;
	v47 =	vperm.xlane v19, v8  }
0x36: {  	v51 =	vperm.xlane v29, v2;
	v52 =	vperm.xlane v30, v8  }
0x37: {  	v39 =	vperm.xlane v19, v4;
	v18 =	vshll.u32 v20, $0x4;
	v22 =	vshll.u32 v21, $0x4  }
0x38: {  	v20 =	vshra.s32 v20, $0x7;
	v27 =	vshll.u32 v24, $0x4;
	v18 =	vand.u32 $0x7FF0, v18  }
0x39: {  	v28 =	vshll.u32 v25, $0x4;
	v21 =	vshra.s32 v21, $0x7;
	v18 =	vor.u32 v3, v18  }
0x3a: {  	v24 =	vand.u32 $0xFFFF0000, v24;
	v25 =	vshra.s32 v25, $0x7;
	v61 =	vshll.u32 v31, $0x4  }
0x3b: {  	v36 =	vshll.u32 v60, $0x4;
	v37 =	vshll.u32 v34, $0x4;
	v22 =	vand.u32 $0x7FF0, v22  }
0x3c: {  	v31 =	vshra.s32 v31, $0x7;
	v44 =	vshll.u32 v40, $0x4;
	v22 =	vor.u32 v3, v22  }
0x3d: {  	v34 =	vshra.s32 v34, $0x7;
	v45 =	vshll.u32 v42, $0x4;
	v38 =	vshll.u32 v43, $0x4  }
0x3e: {  	v50 =	vshll.u32 v47, $0x4;
	v53 =	vshll.u32 v51, $0x4;
	v54 =	vshll.u32 v52, $0x4;
	v23 =	vld.idx.msk [tilespmem:v18+s9+$0x0], $0xffff  }
0x3f: {  	v20 =	vand.u32 $0xFFFFFFF0, v20;
	v27 =	vand.u32 $0xFFFF0, v27;
	v28 =	vand.u32 $0x7FF0, v28  }
0x40: {  	v21 =	vand.u32 $0xFFFFFFF0, v21;
	v25 =	vand.u32 $0xFFFFFFF0, v25;
	v36 =	vand.u32 $0xFFFF0, v36;
	v18 =	vld [tilespmem:s19+$0xFFFFFFF0]  }
0x41: {  	v37 =	vand.u32 $0x7FF0, v37;
	v34 =	vand.u32 $0xFFFFFFF0, v34;
	v38 =	vand.u32 $0x7FF0, v38;
	v22 =	vld.idx.msk [tilespmem:v22+s9+$0x0], $0xffff  }
0x42: {  	v20 =	vsub.s32 $0x10, v20;
	v27 =	vor.u32 v3, v27;
	v21 =	vsub.s32 $0x10, v21  }
0x43: {  	v25 =	vsub.s32 $0x10, v25;
	v20 =	vshll.u32 v23, v20;
	v23 =	vor.u32 v3, v28  }
0x44: {  	v36 =	vor.u32 v3, v36;
	v34 =	vsub.s32 $0x10, v34;
	v20 =	vand.u32 $0xFFFF0000, v20  }
0x45: {  	v46 =	vor.u32 v3, v38;
	v28 =	vperm.xlane v18, v1;
	v20 =	vmul.f32 v20, v24  }
0x46: {  	v21 =	vshll.u32 v22, v21;
	v22 =	vshll.u32 v26, $0x4;
	v26 =	vshra.s32 v26, $0x7  }
0x47: {  	v59 =	vperm.xlane v18, v5;
	v21 =	vand.u32 $0xFFFF0000, v21;
	v32 =	vshll.u32 v28, $0x4;
	[tilespmem:v27+s12+$0x0] =	vst.idx.add.f32.msk $0xffff, v20  }
0x48: {  	v20 =	vand.u32 $0xFFFF0000, v28;
	v27 =	vand.u32 $0xFFFF0, v32;
	v28 =	vperm.xlane v29, v5;
	v23 =	vld.idx.msk [tilespmem:v23+s9+$0x0], $0xffff  }
0x49: {  	v20 =	vmul.f32 v21, v20;
	v21 =	vor.u32 v3, v27;
	v27 =	vperm.xlane v30, v6  }
0x4a: {  	v63 =	vperm.xlane v18, v7;
	v22 =	vand.u32 $0x7FF0, v22;
	v58 =	vshll.u32 v28, $0x4  }
0x4b: {  	v22 =	vor.u32 v3, v22;
	v32 =	vand.u32 $0xFFFF0, v58;
	v33 =	vshll.u32 v27, $0x4  }
0x4c: {  	v56 =	vperm.xlane v18, v8;
	v32 =	vor.u32 v3, v32;
	v33 =	vand.u32 $0x7FF0, v33  }
0x4d: {  	v26 =	vand.u32 $0xFFFFFFF0, v26;
	v23 =	vshll.u32 v23, v25;
	v25 =	vor.u32 v3, v33  }
0x4e: {  	v24 =	vperm.xlane v19, v6;
	v28 =	vand.u32 $0xFFFF0000, v28;
	v23 =	vand.u32 $0xFFFF0000, v23  }
0x4f: {  	v26 =	vsub.s32 $0x10, v26;
	v27 =	vshra.s32 v27, $0x7;
	[tilespmem:v21+s12+$0x0] =	vst.idx.add.f32.msk $0xffff, v20;
	v23 =	vmul.f32 v23, v28  }
0x50: {  	v41 =	vshll.u32 v63, $0x4;
	v58 =	vperm.xlane v19, v9;
	v27 =	vand.u32 $0xFFFFFFF0, v27;
	v22 =	vld.idx.msk [tilespmem:v22+s9+$0x0], $0xffff  }
0x51: {  	v57 =	vshll.u32 v56, $0x4;
	v27 =	vsub.s32 $0x10, v27;
	v20 =	vand.u32 $0xFFFF0000, v59;
	[tilespmem:v32+s12+$0x0] =	vst.idx.add.f32.msk $0xffff, v23  }
0x52: {  	v21 =	vshll.u32 v59, $0x4;
	v33 =	vshra.s32 v40, $0x7;
	v59 =	vshll.u32 v58, $0x4;
	v25 =	vld.idx.msk [tilespmem:v25+s9+$0x0], $0xffff  }
0x53: {  	v21 =	vand.u32 $0xFFFF0, v21;
	v28 =	vshll.u32 v24, $0x4;
	v24 =	vshra.s32 v24, $0x7  }
0x54: {  	v21 =	vor.u32 v3, v21;
	v28 =	vand.u32 $0x7FF0, v28;
	v24 =	vand.u32 $0xFFFFFFF0, v24  }
0x55: {  	v23 =	vor.u32 v3, v28;
	v28 =	vperm.xlane v18, v6;
	v22 =	vshll.u32 v22, v26  }
0x56: {  	v24 =	vsub.s32 $0x10, v24;
	v32 =	vshra.s32 v43, $0x7;
	v22 =	vand.u32 $0xFFFF0000, v22  }
0x57: {  	v20 =	vmul.f32 v22, v20;
	v25 =	vshll.u32 v25, v27;
	v27 =	vor.u32 v3, v37  }
0x58: {  	v32 =	vand.u32 $0xFFFFFFF0, v32;
	v26 =	vand.u32 $0xFFFF0000, v60;
	v25 =	vand.u32 $0xFFFF0000, v25  }
0x59: {  	v35 =	vshll.u32 v28, $0x4;
	v28 =	vand.u32 $0xFFFF0000, v28;
	[tilespmem:v21+s12+$0x0] =	vst.idx.add.f32.msk $0xffff, v20;
	v25 =	vmul.f32 v25, v26  }
0x5a: {  	v60 =	vshra.s32 v58, $0x7;
	v58 =	vperm.xlane v19, v11;
	v62 =	vand.u32 $0xFFFF0, v35;
	v23 =	vld.idx.msk [tilespmem:v23+s9+$0x0], $0xffff  }
0x5b: {  	v32 =	vsub.s32 $0x10, v32;
	v22 =	vor.u32 v3, v62;
	v62 =	vperm.xlane v18, v9;
	[tilespmem:v36+s12+$0x0] =	vst.idx.add.f32.msk $0xffff, v25  }
0x5c: {  	v35 =	vand.u32 $0x7FF0, v44;
	v20 =	vand.u32 $0xFFFF0000, v63;
	v21 =	vand.u32 $0xFFFF0, v41;
	v27 =	vld.idx.msk [tilespmem:v27+s9+$0x0], $0xffff  }
0x5d: {  	v37 =	vand.u32 $0xFFFF0, v45;
	v63 =	vperm.xlane v30, v9;
	v45 =	vshll.u32 v62, $0x4  }
0x5e: {  	v37 =	vor.u32 v3, v37;
	v21 =	vor.u32 v3, v21;
	v26 =	vand.u32 $0x7FF0, v61  }
0x5f: {  	v43 =	vshll.u32 v63, $0x4;
	v26 =	vor.u32 v3, v26;
	v23 =	vshll.u32 v23, v24  }
0x60: {  	v61 =	vperm.xlane v29, v8;
	v38 =	vand.u32 $0x7FF0, v43;
	v23 =	vand.u32 $0xFFFF0000, v23  }
0x61: {  	v25 =	vand.u32 $0xFFFFFFF0, v31;
	v23 =	vmul.f32 v23, v28;
	v27 =	vshll.u32 v27, v34  }
0x62: {  	v31 =	vperm.xlane v18, v2;
	v36 =	vand.u32 $0xFFFF0000, v42;
	v27 =	vand.u32 $0xFFFF0000, v27  }
0x63: {  	v42 =	vshll.u32 v61, $0x4;
	v44 =	vor.u32 v3, v38;
	[tilespmem:v22+s12+$0x0] =	vst.idx.add.f32.msk $0xffff, v23;
	v27 =	vmul.f32 v27, v36  }
0x64: {  	v24 =	vor.u32 v3, v35;
	v35 =	vand.u32 $0xFFFF0, v53;
	v53 =	vperm.xlane v30, v4;
	v26 =	vld.idx.msk [tilespmem:v26+s9+$0x0], $0xffff  }
0x65: {  	v25 =	vsub.s32 $0x10, v25;
	v48 =	vshll.u32 v31, $0x4;
	v28 =	vand.u32 $0xFFFFFFF0, v33;
	[tilespmem:v37+s12+$0x0] =	vst.idx.add.f32.msk $0xffff, v27  }
0x66: {  	v35 =	vor.u32 v3, v35;
	v40 =	vshll.u32 v53, $0x4;
	v28 =	vsub.s32 $0x10, v28;
	v49 =	vld.idx.msk [tilespmem:v46+s9+$0x0], $0xffff  }
0x67: {  	v40 =	vand.u32 $0x7FF0, v40;
	v22 =	vand.u32 $0x7FF0, v50;
	v23 =	vshra.s32 v47, $0x7  }
0x68: {  	v34 =	vshra.s32 v52, $0x7;
	v47 =	vshll.u32 v39, $0x4;
	v50 =	vshra.s32 v39, $0x7  }
0x69: {  	v52 =	vperm.xlane v29, v9;
	v22 =	vor.u32 v3, v22;
	v25 =	vshll.u32 v26, v25  }
0x6a: {  	v23 =	vand.u32 $0xFFFFFFF0, v23;
	v37 =	vand.u32 $0x7FF0, v54;
	v25 =	vand.u32 $0xFFFF0000, v25  }
0x6b: {  	v55 =	vor.u32 v3, v37;
	v20 =	vmul.f32 v25, v20;
	v32 =	vshll.u32 v49, v32  }
0x6c: {  	v34 =	vand.u32 $0xFFFFFFF0, v34;
	v36 =	vand.u32 $0xFFFF0000, v51;
	v32 =	vand.u32 $0xFFFF0000, v32  }
0x6d: {  	v23 =	vsub.s32 $0x10, v23;
	v34 =	vsub.s32 $0x10, v34;
	[tilespmem:v21+s12+$0x0] =	vst.idx.add.f32.msk $0xffff, v20;
	v26 =	vmul.f32 v32, v36  }
0x6e: {  	v51 =	vperm.xlane v19, v10;
	v38 =	vand.u32 $0xFFFF0000, v52;
	v27 =	vand.u32 $0xFFFF0000, v31;
	v24 =	vld.idx.msk [tilespmem:v24+s9+$0x0], $0xffff  }
0x6f: {  	v31 =	vand.u32 $0xFFFF0, v48;
	v48 =	vand.u32 $0x7FF0, v47;
	v54 =	vshll.u32 v52, $0x4;
	[tilespmem:v35+s12+$0x0] =	vst.idx.add.f32.msk $0xffff, v26  }
0x70: {  	v52 =	vperm.xlane v29, v11;
	v31 =	vor.u32 v3, v31;
	v37 =	vand.u32 $0xFFFF0, v42;
	v33 =	vld.idx.msk [tilespmem:v55+s9+$0x0], $0xffff  }
0x71: {  	v46 =	vand.u32 $0xFFFF0, v45;
	v39 =	vand.u32 $0xFFFF0, v54;
	v42 =	vshll.u32 v58, $0x4  }
0x72: {  	v37 =	vor.u32 v3, v37;
	v39 =	vor.u32 v3, v39;
	v25 =	vand.u32 $0xFFFF0000, v56  }
0x73: {  	v56 =	vshll.u32 v51, $0x4;
	v20 =	vand.u32 $0x7FF0, v59;
	v24 =	vshll.u32 v24, v28  }
0x74: {  	v49 =	vperm.xlane v18, v4;
	v59 =	vperm.xlane v30, v10;
	v24 =	vand.u32 $0xFFFF0000, v24  }
0x75: {  	v32 =	vand.u32 $0xFFFF0, v57;
	v24 =	vmul.f32 v24, v27;
	v33 =	vshll.u32 v33, v34  }
0x76: {  	v26 =	vor.u32 v3, v32;
	v32 =	vand.u32 $0xFFFF0000, v61;
	v33 =	vand.u32 $0xFFFF0000, v33  }
0x77: {  	v21 =	vand.u32 $0xFFFFFFF0, v60;
	v20 =	vor.u32 v3, v20;
	[tilespmem:v31+s12+$0x0] =	vst.idx.add.f32.msk $0xffff, v24;
	v32 =	vmul.f32 v33, v32  }
0x78: {  	v21 =	vsub.s32 $0x10, v21;
	v36 =	vshra.s32 v63, $0x7;
	v57 =	vand.u32 $0x7FF0, v56;
	v22 =	vld.idx.msk [tilespmem:v22+s9+$0x0], $0xffff  }
0x79: {  	v41 =	vshll.u32 v59, $0x4;
	v63 =	vperm.xlane v19, v12;
	v36 =	vand.u32 $0xFFFFFFF0, v36;
	[tilespmem:v37+s12+$0x0] =	vst.idx.add.f32.msk $0xffff, v32  }
0x7a: {  	v41 =	vand.u32 $0x7FF0, v41;
	v35 =	vand.u32 $0xFFFFFFF0, v50;
	v36 =	vsub.s32 $0x10, v36;
	v34 =	vld.idx.msk [tilespmem:v44+s9+$0x0], $0xffff  }
0x7b: {  	v61 =	vor.u32 v3, v41;
	v55 =	vor.u32 v3, v40;
	v28 =	vand.u32 $0xFFFF0000, v62  }
0x7c: {  	v62 =	vshra.s32 v58, $0x7;
	v58 =	vperm.xlane v19, v14;
	v27 =	vor.u32 v3, v46  }
0x7d: {  	v24 =	vsub.s32 $0x10, v35;
	v31 =	vshll.u32 v49, $0x4;
	v22 =	vshll.u32 v22, v23  }
0x7e: {  	v35 =	vshra.s32 v53, $0x7;
	v31 =	vand.u32 $0xFFFF0, v31;
	v22 =	vand.u32 $0xFFFF0000, v22  }
0x7f: {  	v33 =	vor.u32 v3, v48;
	v22 =	vmul.f32 v22, v25;
	v34 =	vshll.u32 v34, v36  }
0x80: {  	v48 =	vperm.xlane v18, v12;
	v44 =	vperm.xlane v30, v11;
	v34 =	vand.u32 $0xFFFF0000, v34  }
0x81: {  	v35 =	vand.u32 $0xFFFFFFF0, v35;
	v23 =	vor.u32 v3, v31;
	[tilespmem:v26+s12+$0x0] =	vst.idx.add.f32.msk $0xffff, v22;
	v31 =	vmul.f32 v34, v38  }
0x82: {  	v35 =	vsub.s32 $0x10, v35;
	v32 =	vand.u32 $0xFFFF0000, v49;
	v37 =	vshra.s32 v51, $0x7;
	v20 =	vld.idx.msk [tilespmem:v20+s9+$0x0], $0xffff  }
0x83: {  	v49 =	vperm.xlane v19, v13;
	v50 =	vshll.u32 v48, $0x4;
	v46 =	vshll.u32 v44, $0x4;
	[tilespmem:v39+s12+$0x0] =	vst.idx.add.f32.msk $0xffff, v31  }
0x84: {  	v25 =	vand.u32 $0xFFFFFFF0, v37;
	v41 =	vand.u32 $0x7FF0, v46;
	v26 =	vperm.xlane v29, v4;
	v36 =	vld.idx.msk [tilespmem:v55+s9+$0x0], $0xffff  }
0x85: {  	v51 =	vshll.u32 v49, $0x4;
	v25 =	vsub.s32 $0x10, v25;
	v47 =	vor.u32 v3, v41  }
0x86: {  	v22 =	vperm.xlane v18, v11;
	v34 =	vor.u32 v3, v57;
	v60 =	vshll.u32 v26, $0x4  }
0x87: {  	v26 =	vand.u32 $0xFFFF0000, v26;
	v57 =	vperm.xlane v18, v13;
	v40 =	vand.u32 $0xFFFF0, v60  }
0x88: {  	v31 =	vperm.xlane v18, v10;
	v40 =	vor.u32 v3, v40;
	v20 =	vshll.u32 v20, v21  }
0x89: {  	v39 =	vshra.s32 v59, $0x7;
	v20 =	vand.u32 $0xFFFF0000, v20;
	v35 =	vshll.u32 v36, v35  }
0x8a: {  	v59 =	vshll.u32 v57, $0x4;
	v20 =	vmul.f32 v20, v28;
	v35 =	vand.u32 $0xFFFF0000, v35  }
0x8b: {  	v60 =	vand.u32 $0xFFFF0000, v57;
	v57 =	vperm.xlane v29, v15;
	v26 =	vmul.f32 v35, v26  }
0x8c: {  	v39 =	vand.u32 $0xFFFFFFF0, v39;
	v55 =	vshll.u32 v52, $0x4;
	v38 =	vand.u32 $0xFFFF0000, v31;
	[tilespmem:v27+s12+$0x0] =	vst.idx.add.f32.msk $0xffff, v20  }
0x8d: {  	v31 =	vshll.u32 v31, $0x4;
	v21 =	vand.u32 $0x7FF0, v42;
	v39 =	vsub.s32 $0x10, v39;
	[tilespmem:v40+s12+$0x0] =	vst.idx.add.f32.msk $0xffff, v26  }
0x8e: {  	v31 =	vand.u32 $0xFFFF0, v31;
	v21 =	vor.u32 v3, v21;
	v27 =	vperm.xlane v29, v10;
	v36 =	vld.idx.msk [tilespmem:v61+s9+$0x0], $0xffff  }
0x8f: {  	v31 =	vor.u32 v3, v31;
	v28 =	vand.u32 $0xFFFFFFF0, v62;
	v20 =	vshll.u32 v63, $0x4  }
0x90: {  	v62 =	vperm.xlane v29, v12;
	v33 =	vld.idx.msk [tilespmem:v33+s9+$0x0], $0xffff;
	v20 =	vand.u32 $0x7FF0, v20;
	v45 =	vshll.u32 v27, $0x4  }
0x91: {  	v28 =	vsub.s32 $0x10, v28;
	v20 =	vor.u32 v3, v20;
	v40 =	vand.u32 $0xFFFF0, v45  }
0x92: {  	v35 =	vshra.s32 v63, $0x7;
	v27 =	vand.u32 $0xFFFF0000, v27;
	v40 =	vor.u32 v3, v40  }
0x93: {  	v63 =	vperm.xlane v18, v14;
	v35 =	vand.u32 $0xFFFFFFF0, v35;
	v36 =	vshll.u32 v36, v39  }
0x94: {  	v26 =	vshll.u32 v22, $0x4;
	v22 =	vand.u32 $0xFFFF0000, v22;
	v36 =	vand.u32 $0xFFFF0000, v36  }
0x95: {  	v35 =	vsub.s32 $0x10, v35;
	v24 =	vshll.u32 v33, v24;
	v27 =	vmul.f32 v36, v27  }
0x96: {  	v45 =	vshll.u32 v62, $0x4;
	v26 =	vand.u32 $0xFFFF0, v26;
	v24 =	vand.u32 $0xFFFF0000, v24  }
0x97: {  	v61 =	vand.u32 $0xFFFF0, v59;
	v59 =	vshll.u32 v57, $0x4;
	v24 =	vmul.f32 v24, v32;
	[tilespmem:v40+s12+$0x0] =	vst.idx.add.f32.msk $0xffff, v27  }
0x98: {  	v26 =	vor.u32 v3, v26;
	v33 =	vand.u32 $0xFFFF0, v45;
	v27 =	vand.u32 $0xFFFF0, v50;
	v39 =	vld.idx.msk [tilespmem:v47+s9+$0x0], $0xffff  }
0x99: {  	[tilespmem:v23+s12+$0x0] =	vst.idx.add.f32.msk $0xffff, v24;
	v24 =	vand.u32 $0x7FF0, v51;
	v23 =	vor.u32 v3, v27;
	v27 =	vperm.xlane v30, v12  }
0x9a: {  	v33 =	vor.u32 v3, v33;
	v53 =	vld.idx.msk [tilespmem:v34+s9+$0x0], $0xffff;
	v54 =	vor.u32 v3, v24;
	v24 =	vshra.s32 v44, $0x7  }
0x9b: {  	v34 =	vand.u32 $0xFFFF0, v55;
	v24 =	vand.u32 $0xFFFFFFF0, v24;
	v56 =	vshll.u32 v27, $0x4  }
0x9c: {  	v34 =	vor.u32 v3, v34;
	v24 =	vsub.s32 $0x10, v24;
	v37 =	vand.u32 $0x7FF0, v56  }
0x9d: {  	v32 =	vand.u32 $0xFFFF0000, v48;
	v37 =	vor.u32 v3, v37;
	v24 =	vshll.u32 v39, v24  }
0x9e: {  	v48 =	vshll.u32 v63, $0x4;
	v40 =	vand.u32 $0xFFFF0000, v52;
	v24 =	vand.u32 $0xFFFF0000, v24  }
0x9f: {  	v36 =	vshra.s32 v49, $0x7;
	v25 =	vshll.u32 v53, v25;
	v24 =	vmul.f32 v24, v40  }
0xa0: {  	v49 =	vperm.xlane v29, v13;
	v36 =	vand.u32 $0xFFFFFFF0, v36;
	v25 =	vand.u32 $0xFFFF0000, v25  }
0xa1: {  	v44 =	vperm.xlane v19, v16;
	v36 =	vsub.s32 $0x10, v36;
	v25 =	vmul.f32 v25, v38;
	[tilespmem:v34+s12+$0x0] =	vst.idx.add.f32.msk $0xffff, v24  }
0xa2: {  	v50 =	vshll.u32 v49, $0x4;
	v52 =	vperm.xlane v30, v15;
	v27 =	vshra.s32 v27, $0x7;
	v34 =	vld.idx.msk [tilespmem:v37+s9+$0x0], $0xffff  }
0xa3: {  	v47 =	vand.u32 $0xFFFF0000, v62;
	v27 =	vand.u32 $0xFFFFFFF0, v27;
	[tilespmem:v31+s12+$0x0] =	vst.idx.add.f32.msk $0xffff, v25;
	v25 =	vperm.xlane v30, v13  }
0xa4: {  	v62 =	vand.u32 $0xFFFF0000, v57;
	v53 =	vshll.u32 v52, $0x4;
	v27 =	vsub.s32 $0x10, v27;
	v21 =	vld.idx.msk [tilespmem:v21+s9+$0x0], $0xffff  }
0xa5: {  	v31 =	vshra.s32 v58, $0x7;
	v46 =	vshll.u32 v25, $0x4;
	v24 =	vshll.u32 v58, $0x4  }
0xa6: {  	v31 =	vand.u32 $0xFFFFFFF0, v31;
	v39 =	vand.u32 $0x7FF0, v46;
	v24 =	vand.u32 $0x7FF0, v24  }
0xa7: {  	v43 =	vor.u32 v3, v24;
	v24 =	vshll.u32 v34, v27;
	v27 =	vor.u32 v3, v39  }
0xa8: {  	v40 =	vor.u32 v3, v61;
	v31 =	vsub.s32 $0x10, v31;
	v24 =	vand.u32 $0xFFFF0000, v24  }
0xa9: {  	v25 =	vshra.s32 v25, $0x7;
	v21 =	vshll.u32 v21, v28;
	v24 =	vmul.f32 v24, v47  }
0xaa: {  	v25 =	vand.u32 $0xFFFFFFF0, v25;
	v58 =	vperm.xlane v30, v16;
	v21 =	vand.u32 $0xFFFF0000, v21  }
0xab: {  	v25 =	vsub.s32 $0x10, v25;
	v28 =	vperm.xlane v19, v15;
	v21 =	vmul.f32 v21, v22;
	[tilespmem:v33+s12+$0x0] =	vst.idx.add.f32.msk $0xffff, v24  }
0xac: {  	v37 =	vand.u32 $0xFFFF0, v48;
	v19 =	vperm.xlane v19, v17;
	v61 =	vshll.u32 v58, $0x4;
	v27 =	vld.idx.msk [tilespmem:v27+s9+$0x0], $0xffff  }
0xad: {  	v22 =	vshll.u32 v28, $0x4;
	v28 =	vshra.s32 v28, $0x7;
	[tilespmem:v26+s12+$0x0] =	vst.idx.add.f32.msk $0xffff, v21;
	v21 =	vperm.xlane v30, v14  }
0xae: {  	v22 =	vand.u32 $0x7FF0, v22;
	v34 =	vand.u32 $0xFFFF0000, v63;
	v26 =	vperm.xlane v18, v15;
	v20 =	vld.idx.msk [tilespmem:v20+s9+$0x0], $0xffff  }
0xaf: {  	v51 =	vshll.u32 v21, $0x4;
	v24 =	vor.u32 v3, v37;
	v37 =	vand.u32 $0xFFFF0, v50  }
0xb0: {  	v39 =	vor.u32 v3, v22;
	v38 =	vand.u32 $0x7FF0, v51;
	v37 =	vor.u32 v3, v37  }
0xb1: {  	v30 =	vperm.xlane v30, v17;
	v22 =	vshll.u32 v27, v25;
	v25 =	vor.u32 v3, v38  }
0xb2: {  	v27 =	vand.u32 $0xFFFFFFF0, v28;
	v28 =	vand.u32 $0xFFFF0000, v49;
	v22 =	vand.u32 $0xFFFF0000, v22  }
0xb3: {  	v21 =	vshra.s32 v21, $0x7;
	v20 =	vshll.u32 v20, v35;
	v22 =	vmul.f32 v22, v28  }
0xb4: {  	v20 =	vand.u32 $0xFFFF0000, v20;
	v33 =	vsub.s32 $0x10, v27;
	v27 =	vshll.u32 v26, $0x4  }
0xb5: {  	v47 =	vperm.xlane v29, v16;
	v32 =	vmul.f32 v20, v32;
	v27 =	vand.u32 $0xFFFF0, v27;
	[tilespmem:v37+s12+$0x0] =	vst.idx.add.f32.msk $0xffff, v22  }
0xb6: {  	v21 =	vand.u32 $0xFFFFFFF0, v21;
	v20 =	vor.u32 v3, v27;
	v27 =	vperm.xlane v29, v14;
	v25 =	vld.idx.msk [tilespmem:v25+s9+$0x0], $0xffff  }
0xb7: {  	v21 =	vsub.s32 $0x10, v21;
	v50 =	vshll.u32 v30, $0x4;
	[tilespmem:v23+s12+$0x0] =	vst.idx.add.f32.msk $0xffff, v32;
	v28 =	vshll.u32 v44, $0x4  }
0xb8: {  	v38 =	vand.u32 $0xFFFF0000, v26;
	v26 =	vld.idx.msk [tilespmem:v54+s9+$0x0], $0xffff;
	v22 =	vand.u32 $0x7FF0, v28;
	v28 =	vshll.u32 v27, $0x4  }
0xb9: {  	v30 =	vshra.s32 v30, $0x7;
	v50 =	vand.u32 $0x7FF0, v50;
	v28 =	vand.u32 $0xFFFF0, v28  }
0xba: {  	v35 =	vand.u32 $0x7FF0, v53;
	v57 =	vor.u32 v3, v50;
	v28 =	vor.u32 v3, v28  }
0xbb: {  	v23 =	vshra.s32 v44, $0x7;
	v32 =	vshra.s32 v52, $0x7;
	v21 =	vshll.u32 v25, v21  }
0xbc: {  	v49 =	vshll.u32 v47, $0x4;
	v27 =	vand.u32 $0xFFFF0000, v27;
	v21 =	vand.u32 $0xFFFF0000, v21  }
0xbd: {  	v26 =	vshll.u32 v26, v36;
	v25 =	vor.u32 v3, v35;
	v27 =	vmul.f32 v21, v27  }
0xbe: {  	v47 =	vand.u32 $0xFFFF0000, v47;
	v54 =	vperm.xlane v18, v16;
	v26 =	vand.u32 $0xFFFF0000, v26  }
0xbf: {  	v26 =	vmul.f32 v26, v60;
	[tilespmem:v28+s12+$0x0] =	vst.idx.add.f32.msk $0xffff, v27;
	v28 =	vshll.u32 v19, $0x4;
	v19 =	vshra.s32 v19, $0x7  }
0xc0: {  	v23 =	vand.u32 $0xFFFFFFF0, v23;
	v18 =	vperm.xlane v18, v17;
	v19 =	vand.u32 $0xFFFFFFF0, v19  }
0xc1: {  	v32 =	vand.u32 $0xFFFFFFF0, v32;
	v49 =	vand.u32 $0xFFFF0, v49;
	[tilespmem:v40+s12+$0x0] =	vst.idx.add.f32.msk $0xffff, v26;
	v0 =	vsub.s32 $0x10, v19  }
0xc2: {  	v23 =	vsub.s32 $0x10, v23;
	v32 =	vsub.s32 $0x10, v32;
	v49 =	vor.u32 v3, v49;
	v56 =	vld.idx.msk [tilespmem:v25+s9+$0x0], $0xffff;
	[tilespmem:$0x1FFF0] =	vst v0  }
0xc3: {  	s21 =	sadd.s32 $0x20, s18;
	v55 =	vshll.u32 v54, $0x4;
	v37 =	vshra.s32 v58, $0x7;
	v25 =	vand.u32 $0x7FF0, v28;
	v19 =	vld.idx.msk [tilespmem:v43+s9+$0x0], $0xffff  }
0xc4: {  	v22 =	vor.u32 v3, v22;
	v37 =	vand.u32 $0xFFFFFFF0, v37;
	v28 =	vor.u32 v3, v25;
	v25 =	vld [tilespmem:s21+$0x0]  }
0xc5: {  	v37 =	vsub.s32 $0x10, v37;
	v60 =	vshll.u32 v18, $0x4;
	v40 =	vand.u32 $0xFFFF0, v59;
	v41 =	vld [tilespmem:s21+$0xFFFFFFF0]  }
0xc6: {  	v35 =	vand.u32 $0xFFFF0, v55;
	v40 =	vor.u32 v3, v40;
	v43 =	vand.u32 $0x7FF0, v61  }
0xc7: {  	s22 =	sadd.s32 $0x20, s19;
	v21 =	vand.u32 $0xFFFF0000, v54;
	v43 =	vor.u32 v3, v43;
	v32 =	vshll.u32 v56, v32  }
0xc8: {  	v54 =	vperm.xlane v29, v17;
	v27 =	vor.u32 v3, v35;
	v45 =	vld [tilespmem:s22+$0xFFFFFFF0];
	v32 =	vand.u32 $0xFFFF0000, v32  }
0xc9: {  	v32 =	vmul.f32 v32, v62;
	v19 =	vshll.u32 v19, v31;
	v63 =	vperm.xlane v25, v1  }
0xca: {  	v31 =	vand.u32 $0xFFFF0, v60;
	v55 =	vperm.xlane v41, v1;
	v44 =	vperm.xlane v41, v5  }
0xcb: {  	v35 =	vand.u32 $0xFFFF0000, v19;
	v19 =	vor.u32 v3, v31;
	[tilespmem:v40+s12+$0x0] =	vst.idx.add.f32.msk $0xffff, v32;
	v31 =	vshll.u32 v63, $0x4  }
0xcc: {  	v46 =	vperm.xlane v41, v6;
	v56 =	vshll.u32 v55, $0x4;
	v43 =	vld.idx.msk [tilespmem:v43+s9+$0x0], $0xffff;
	v31 =	vand.u32 $0x7FF0, v31  }
0xcd: {  	v59 =	vperm.xlane v45, v1;
	v40 =	vand.u32 $0x7FF0, v56;
	v48 =	vor.u32 v3, v31  }
0xce: {  	v52 =	vperm.xlane v25, v5;
	v32 =	vperm.xlane v41, v7;
	v31 =	vld [tilespmem:s22+$0x0];
	v40 =	vor.u32 v3, v40  }
0xcf: {  	v42 =	vshra.s32 v55, $0x7;
	v51 =	vshll.u32 v44, $0x4;
	v36 =	vshra.s32 v63, $0x7  }
0xd0: {  	v61 =	vshll.u32 v52, $0x4;
	v63 =	vshll.u32 v54, $0x4;
	v50 =	vshll.u32 v59, $0x4  }
0xd1: {  	v55 =	vand.u32 $0xFFFF0000, v59;
	v44 =	vshra.s32 v44, $0x7;
	v37 =	vshll.u32 v43, v37  }
0xd2: {  	v42 =	vand.u32 $0xFFFFFFF0, v42;
	v29 =	vand.u32 $0xFFFFFFF0, v36;
	v37 =	vand.u32 $0xFFFF0000, v37;
	v48 =	vld.idx.msk [tilespmem:v48+s9+$0x0], $0xffff  }
0xd3: {  	v56 =	vand.u32 $0xFFFF0000, v54;
	v58 =	vperm.xlane v31, v1;
	v37 =	vmul.f32 v37, v47;
	v40 =	vld.idx.msk [tilespmem:v40+s9+$0x0], $0xffff  }
0xd4: {  	v59 =	vand.u32 $0x7FF0, v51;
	v44 =	vand.u32 $0xFFFFFFF0, v44;
	v42 =	vsub.s32 $0x10, v42  }
0xd5: {  	v29 =	vsub.s32 $0x10, v29;
	v53 =	vshll.u32 v58, $0x4;
	[tilespmem:v49+s12+$0x0] =	vst.idx.add.f32.msk $0xffff, v37;
	v37 =	vand.u32 $0x7FF0, v61  }
0xd6: {  	v62 =	vand.u32 $0xFFFF0000, v58;
	v60 =	vand.u32 $0xFFFF0, v53;
	v43 =	vld.idx.msk [tilespmem:v57+s9+$0x0], $0xffff;
	v57 =	vperm.xlane v31, v5  }
0xd7: {  	v37 =	vor.u32 v3, v37;
	v36 =	vor.u32 v3, v60;
	v29 =	vshll.u32 v48, v29  }
0xd8: {  	v40 =	vshll.u32 v40, v42;
	v58 =	vshll.u32 v57, $0x4;
	v29 =	vand.u32 $0xFFFF0000, v29  }
0xd9: {  	v47 =	vand.u32 $0xFFFF0000, v57;
	v48 =	vmul.f32 v29, v62;
	v29 =	vand.u32 $0xFFFFFFF0, v30  }
0xda: {  	v30 =	vand.u32 $0xFFFF0, v63;
	v63 =	vperm.xlane v45, v5;
	v49 =	vsub.s32 $0x10, v29  }
0xdb: {  	v29 =	vor.u32 v3, v30;
	v30 =	vand.u32 $0xFFFF0000, v40;
	v40 =	vand.u32 $0xFFFF0, v50  }
0xdc: {  	v50 =	vor.u32 v3, v59;
	v53 =	vshll.u32 v43, v49;
	v42 =	vmul.f32 v30, v55  }
0xdd: {  	[tilespmem:v36+s12+$0x0] =	vst.idx.add.f32.msk $0xffff, v48;
	v40 =	vor.u32 v3, v40;
	v48 =	vperm.xlane v25, v6;
	v30 =	vshra.s32 v52, $0x7  }
0xde: {  	v49 =	vand.u32 $0xFFFF0, v58;
	v43 =	vsub.s32 $0x10, v44;
	v55 =	vshll.u32 v46, $0x4  }
0xdf: {  	v57 =	vshll.u32 v63, $0x4;
	v52 =	vperm.xlane v25, v2;
	v36 =	vand.u32 $0xFFFF0000, v53  }
0xe0: {  	v37 =	vld.idx.msk [tilespmem:v37+s9+$0x0], $0xffff;
	v30 =	vand.u32 $0xFFFFFFF0, v30;
	v49 =	vor.u32 v3, v49;
	v58 =	vand.u32 $0xFFFF0, v57  }
0xe1: {  	v60 =	vshll.u32 v48, $0x4;
	v30 =	vsub.s32 $0x10, v30;
	v48 =	vshra.s32 v48, $0x7  }
0xe2: {  	v51 =	vand.u32 $0x7FF0, v60;
	v60 =	vperm.xlane v45, v6;
	v48 =	vand.u32 $0xFFFFFFF0, v48  }
0xe3: {  	v61 =	vor.u32 v3, v51;
	v51 =	vperm.xlane v25, v7;
	v48 =	vsub.s32 $0x10, v48  }
0xe4: {  	[tilespmem:v40+s12+$0x0] =	vst.idx.add.f32.msk $0xffff, v42;
	v40 =	vand.u32 $0x7FF0, v55;
	v55 =	vshll.u32 v52, $0x4;
	v52 =	vshra.s32 v52, $0x7  }
0xe5: {  	v30 =	vshll.u32 v37, v30;
	v40 =	vor.u32 v3, v40;
	v57 =	vshll.u32 v51, $0x4  }
0xe6: {  	v51 =	vshra.s32 v51, $0x7;
	v55 =	vand.u32 $0x7FF0, v55;
	v52 =	vand.u32 $0xFFFFFFF0, v52  }
0xe7: {  	v62 =	vand.u32 $0xFFFF0000, v30;
	v30 =	vmul.f32 v36, v56;
	v56 =	vshra.s32 v46, $0x7  }
0xe8: {  	v59 =	vld.idx.msk [tilespmem:v50+s9+$0x0], $0xffff;
	v46 =	vand.u32 $0xFFFF0000, v63;
	v36 =	vor.u32 v3, v58;
	v63 =	vshll.u32 v60, $0x4  }
0xe9: {  	v51 =	vand.u32 $0xFFFFFFF0, v51;
	v52 =	vsub.s32 $0x10, v52;
	v54 =	vmul.f32 v62, v47  }
0xea: {  	v42 =	vand.u32 $0xFFFFFFF0, v56;
	v62 =	vshll.u32 v32, $0x4;
	v47 =	vand.u32 $0xFFFF0000, v60  }
0xeb: {  	v60 =	vand.u32 $0xFFFF0, v63;
	v32 =	vshra.s32 v32, $0x7;
	v63 =	vperm.xlane v41, v2;
	[tilespmem:v49+s12+$0x0] =	vst.idx.add.f32.msk $0xffff, v54  }
0xec: {  	v51 =	vsub.s32 $0x10, v51;
	v42 =	vsub.s32 $0x10, v42;
	v37 =	vld.idx.msk [tilespmem:v61+s9+$0x0], $0xffff;
	v61 =	vperm.xlane v31, v6  }
0xed: {  	v44 =	vor.u32 v3, v60;
	v32 =	vand.u32 $0xFFFFFFF0, v32;
	v43 =	vshll.u32 v59, v43  }
0xee: {  	v54 =	vand.u32 $0x7FF0, v57;
	v43 =	vand.u32 $0xFFFF0000, v43;
	v56 =	vshll.u32 v61, $0x4  }
0xef: {  	v59 =	vand.u32 $0xFFFF0000, v61;
	v43 =	vmul.f32 v43, v46;
	v53 =	vand.u32 $0xFFFF0, v56  }
0xf0: {  	v61 =	vand.u32 $0x7FF0, v62;
	v62 =	vperm.xlane v45, v7;
	v53 =	vor.u32 v3, v53  }
0xf1: {  	v32 =	vsub.s32 $0x10, v32;
	v58 =	vor.u32 v3, v54;
	[tilespmem:v36+s12+$0x0] =	vst.idx.add.f32.msk $0xffff, v43;
	v37 =	vshll.u32 v37, v48  }
0xf2: {  	v46 =	vor.u32 v3, v61;
	v57 =	vshll.u32 v62, $0x4;
	v40 =	vld.idx.msk [tilespmem:v40+s9+$0x0], $0xffff;
	v37 =	vand.u32 $0xFFFF0000, v37  }
0xf3: {  	v49 =	vand.u32 $0xFFFF0000, v62;
	v62 =	vshra.s32 v63, $0x7;
	v37 =	vmul.f32 v37, v59  }
0xf4: {  	v61 =	vor.u32 v3, v55;
	v36 =	vand.u32 $0xFFFF0, v57;
	v55 =	vand.u32 $0xFFFFFFF0, v62  }
0xf5: {  	v36 =	vor.u32 v3, v36;
	v59 =	vshll.u32 v63, $0x4;
	v63 =	vperm.xlane v41, v8;
	[tilespmem:v53+s12+$0x0] =	vst.idx.add.f32.msk $0xffff, v37  }
0xf6: {  	v37 =	vperm.xlane v45, v2;
	v53 =	vand.u32 $0x7FF0, v59;
	v48 =	vld.idx.msk [tilespmem:v58+s9+$0x0], $0xffff;
	v58 =	vperm.xlane v31, v7  }
0xf7: {  	v59 =	vshll.u32 v63, $0x4;
	v50 =	vshra.s32 v63, $0x7;
	v40 =	vshll.u32 v40, v42  }
0xf8: {  	v42 =	vor.u32 v3, v53;
	v40 =	vand.u32 $0xFFFF0000, v40;
	v60 =	vshll.u32 v58, $0x4  }
0xf9: {  	v50 =	vand.u32 $0xFFFFFFF0, v50;
	v40 =	vmul.f32 v40, v47;
	v54 =	vand.u32 $0xFFFF0, v60  }
0xfa: {  	v56 =	vshll.u32 v37, $0x4;
	v37 =	vand.u32 $0xFFFF0000, v37;
	v54 =	vor.u32 v3, v54  }
0xfb: {  	v43 =	vand.u32 $0xFFFF0000, v58;
	v60 =	vperm.xlane v31, v2;
	[tilespmem:v44+s12+$0x0] =	vst.idx.add.f32.msk $0xffff, v40;
	v48 =	vshll.u32 v48, v51  }
0xfc: {  	v57 =	vand.u32 $0xFFFF0, v56;
	v56 =	vperm.xlane v41, v4;
	v46 =	vld.idx.msk [tilespmem:v46+s9+$0x0], $0xffff;
	v48 =	vand.u32 $0xFFFF0000, v48  }
0xfd: {  	v51 =	vperm.xlane v25, v8;
	v62 =	vshll.u32 v60, $0x4;
	v43 =	vmul.f32 v48, v43  }
0xfe: {  	v40 =	vor.u32 v3, v57;
	v44 =	vand.u32 $0xFFFF0000, v60;
	v53 =	vand.u32 $0xFFFF0, v62  }
0xff: {  	v63 =	vshll.u32 v51, $0x4;
	v53 =	vor.u32 v3, v53;
	v51 =	vshra.s32 v51, $0x7;
	[tilespmem:v54+s12+$0x0] =	vst.idx.add.f32.msk $0xffff, v43  }
0x100: {  	v51 =	vand.u32 $0xFFFFFFF0, v51;
	v43 =	vsub.s32 $0x10, v55;
	v54 =	vand.u32 $0x7FF0, v63;
	v58 =	vld.idx.msk [tilespmem:v61+s9+$0x0], $0xffff  }
0x101: {  	v61 =	vand.u32 $0x7FF0, v59;
	v32 =	vshll.u32 v46, v32;
	v59 =	vperm.xlane v41, v9  }
0x102: {  	v63 =	vperm.xlane v45, v9;
	v51 =	vsub.s32 $0x10, v51;
	v32 =	vand.u32 $0xFFFF0000, v32  }
0x103: {  	v57 =	vor.u32 v3, v54;
	v32 =	vmul.f32 v32, v49;
	v46 =	vshra.s32 v59, $0x7  }
0x104: {  	v47 =	vor.u32 v3, v61;
	v61 =	vshll.u32 v59, $0x4;
	v62 =	vand.u32 $0xFFFFFFF0, v46  }
0x105: {  	[tilespmem:v36+s12+$0x0] =	vst.idx.add.f32.msk $0xffff, v32;
	v36 =	vperm.xlane v31, v8;
	v32 =	vsub.s32 $0x10, v62;
	v48 =	vshll.u32 v58, v52  }
0x106: {  	v62 =	vshll.u32 v63, $0x4;
	v58 =	vperm.xlane v45, v8;
	v48 =	vand.u32 $0xFFFF0000, v48  }
0x107: {  	v42 =	vld.idx.msk [tilespmem:v42+s9+$0x0], $0xffff;
	v59 =	vshll.u32 v36, $0x4;
	v36 =	vand.u32 $0xFFFF0000, v36;
	v44 =	vmul.f32 v48, v44  }
0x108: {  	v48 =	vsub.s32 $0x10, v50;
	v60 =	vshll.u32 v58, $0x4;
	v49 =	vand.u32 $0xFFFF0000, v58  }
0x109: {  	v54 =	vand.u32 $0xFFFF0, v59;
	v58 =	vshra.s32 v56, $0x7;
	v59 =	vperm.xlane v45, v4  }
0x10a: {  	v50 =	vand.u32 $0xFFFF0, v60;
	v54 =	vor.u32 v3, v54;
	[tilespmem:v53+s12+$0x0] =	vst.idx.add.f32.msk $0xffff, v44;
	v44 =	vand.u32 $0x7FF0, v61  }
0x10b: {  	v50 =	vor.u32 v3, v50;
	v53 =	vperm.xlane v25, v9;
	v44 =	vor.u32 v3, v44  }
0x10c: {  	v52 =	vld.idx.msk [tilespmem:v57+s9+$0x0], $0xffff;
	v42 =	vshll.u32 v42, v43;
	v43 =	vand.u32 $0xFFFF0000, v63;
	v63 =	vand.u32 $0xFFFF0, v62  }
0x10d: {  	v60 =	vshll.u32 v53, $0x4;
	v42 =	vand.u32 $0xFFFF0000, v42;
	v53 =	vshra.s32 v53, $0x7  }
0x10e: {  	v55 =	vand.u32 $0x7FF0, v60;
	v37 =	vmul.f32 v42, v37;
	v42 =	vor.u32 v3, v63  }
0x10f: {  	v53 =	vand.u32 $0xFFFFFFF0, v53;
	v61 =	vor.u32 v3, v55;
	v55 =	vshll.u32 v56, $0x4  }
0x110: {  	v60 =	vshll.u32 v59, $0x4;
	v53 =	vsub.s32 $0x10, v53;
	v57 =	vand.u32 $0x7FF0, v55;
	[tilespmem:v40+s12+$0x0] =	vst.idx.add.f32.msk $0xffff, v37  }
0x111: {  	v37 =	vperm.xlane v41, v10;
	v55 =	vperm.xlane v25, v4;
	v51 =	vshll.u32 v52, v51  }
0x112: {  	v40 =	vperm.xlane v31, v9;
	v46 =	vor.u32 v3, v57;
	v47 =	vld.idx.msk [tilespmem:v47+s9+$0x0], $0xffff;
	v51 =	vand.u32 $0xFFFF0000, v51  }
0x113: {  	v57 =	vshll.u32 v55, $0x4;
	v63 =	vshll.u32 v37, $0x4;
	v36 =	vmul.f32 v51, v36  }
0x114: {  	v37 =	vshra.s32 v37, $0x7;
	v55 =	vshra.s32 v55, $0x7;
	v51 =	vand.u32 $0xFFFF0000, v59  }
0x115: {  	v57 =	vand.u32 $0x7FF0, v57;
	v59 =	vand.u32 $0x7FF0, v63;
	v37 =	vand.u32 $0xFFFFFFF0, v37;
	[tilespmem:v54+s12+$0x0] =	vst.idx.add.f32.msk $0xffff, v36  }
0x116: {  	v55 =	vand.u32 $0xFFFFFFF0, v55;
	v62 =	vor.u32 v3, v57;
	v37 =	vsub.s32 $0x10, v37;
	v52 =	vld.idx.msk [tilespmem:v61+s9+$0x0], $0xffff  }
0x117: {  	v55 =	vsub.s32 $0x10, v55;
	v36 =	vand.u32 $0xFFFFFFF0, v58;
	v47 =	vshll.u32 v47, v48  }
0x118: {  	v54 =	vand.u32 $0xFFFF0, v60;
	v61 =	vshll.u32 v40, $0x4;
	v47 =	vand.u32 $0xFFFF0000, v47  }
0x119: {  	v60 =	vperm.xlane v45, v10;
	v56 =	vand.u32 $0xFFFF0, v61;
	v47 =	vmul.f32 v47, v49  }
0x11a: {  	v36 =	vsub.s32 $0x10, v36;
	v61 =	vperm.xlane v31, v4;
	v56 =	vor.u32 v3, v56  }
0x11b: {  	v40 =	vand.u32 $0xFFFF0000, v40;
	v48 =	vor.u32 v3, v54;
	[tilespmem:v50+s12+$0x0] =	vst.idx.add.f32.msk $0xffff, v47;
	v52 =	vshll.u32 v52, v53  }
0x11c: {  	v49 =	vor.u32 v3, v59;
	v63 =	vshll.u32 v61, $0x4;
	v44 =	vld.idx.msk [tilespmem:v44+s9+$0x0], $0xffff;
	v52 =	vand.u32 $0xFFFF0000, v52  }
0x11d: {  	v57 =	vand.u32 $0xFFFF0, v63;
	v40 =	vmul.f32 v52, v40;
	v52 =	vperm.xlane v41, v11  }
0x11e: {  	v54 =	vand.u32 $0xFFFF0000, v61;
	v50 =	vand.u32 $0xFFFF0000, v60;
	v57 =	vor.u32 v3, v57  }
0x11f: {  	[tilespmem:v56+s12+$0x0] =	vst.idx.add.f32.msk $0xffff, v40;
	v40 =	vshll.u32 v60, $0x4;
	v56 =	vperm.xlane v25, v10;
	v59 =	vshll.u32 v52, $0x4  }
0x120: {  	v52 =	vshra.s32 v52, $0x7;
	v53 =	vld.idx.msk [tilespmem:v62+s9+$0x0], $0xffff;
	v62 =	vperm.xlane v45, v11;
	v40 =	vand.u32 $0xFFFF0, v40  }
0x121: {  	v32 =	vshll.u32 v44, v32;
	v60 =	vand.u32 $0x7FF0, v59;
	v52 =	vand.u32 $0xFFFFFFF0, v52  }
0x122: {  	v58 =	vshll.u32 v56, $0x4;
	v40 =	vor.u32 v3, v40;
	v32 =	vand.u32 $0xFFFF0000, v32  }
0x123: {  	v44 =	vor.u32 v3, v60;
	v52 =	vsub.s32 $0x10, v52;
	v32 =	vmul.f32 v32, v43  }
0x124: {  	v63 =	vshra.s32 v56, $0x7;
	v58 =	vand.u32 $0x7FF0, v58;
	v43 =	vperm.xlane v41, v12  }
0x125: {  	v47 =	vshll.u32 v62, $0x4;
	v58 =	vor.u32 v3, v58;
	[tilespmem:v42+s12+$0x0] =	vst.idx.add.f32.msk $0xffff, v32;
	v53 =	vshll.u32 v53, v55  }
0x126: {  	v61 =	vshll.u32 v43, $0x4;
	v43 =	vshra.s32 v43, $0x7;
	v46 =	vld.idx.msk [tilespmem:v46+s9+$0x0], $0xffff;
	v53 =	vand.u32 $0xFFFF0000, v53  }
0x127: {  	v47 =	vand.u32 $0xFFFF0, v47;
	v43 =	vand.u32 $0xFFFFFFF0, v43;
	v53 =	vmul.f32 v53, v54  }
0x128: {  	v42 =	vor.u32 v3, v47;
	v47 =	vperm.xlane v25, v11;
	v43 =	vsub.s32 $0x10, v43  }
0x129: {  	[tilespmem:v57+s12+$0x0] =	vst.idx.add.f32.msk $0xffff, v53;
	v53 =	vand.u32 $0xFFFF0000, v62;
	v57 =	vperm.xlane v31, v10;
	v62 =	vand.u32 $0x7FF0, v61  }
0x12a: {  	v61 =	vand.u32 $0xFFFFFFF0, v63;
	v63 =	vshll.u32 v47, $0x4;
	v54 =	vld.idx.msk [tilespmem:v58+s9+$0x0], $0xffff;
	v58 =	vor.u32 v3, v62  }
0x12b: {  	v32 =	vsub.s32 $0x10, v61;
	v56 =	vand.u32 $0x7FF0, v63;
	v36 =	vshll.u32 v46, v36  }
0x12c: {  	v61 =	vperm.xlane v45, v12;
	v60 =	vshll.u32 v57, $0x4;
	v36 =	vand.u32 $0xFFFF0000, v36  }
0x12d: {  	v62 =	vand.u32 $0xFFFF0, v60;
	v60 =	vand.u32 $0xFFFF0000, v57;
	v36 =	vmul.f32 v36, v51  }
0x12e: {  	v63 =	vshll.u32 v61, $0x4;
	v57 =	vand.u32 $0xFFFF0000, v61;
	v55 =	vor.u32 v3, v62  }
0x12f: {  	v51 =	vperm.xlane v45, v13;
	v32 =	vshll.u32 v54, v32;
	v54 =	vor.u32 v3, v56  }
0x130: {  	v62 =	vperm.xlane v41, v13;
	v59 =	vand.u32 $0xFFFF0, v63;
	[tilespmem:v48+s12+$0x0] =	vst.idx.add.f32.msk $0xffff, v36;
	v32 =	vand.u32 $0xFFFF0000, v32  }
0x131: {  	v63 =	vshra.s32 v47, $0x7;
	v36 =	vld.idx.msk [tilespmem:v49+s9+$0x0], $0xffff;
	v49 =	vperm.xlane v25, v12;
	v32 =	vmul.f32 v32, v60  }
0x132: {  	v48 =	vor.u32 v3, v59;
	v61 =	vshra.s32 v62, $0x7;
	v60 =	vshll.u32 v62, $0x4  }
0x133: {  	v62 =	vand.u32 $0xFFFFFFF0, v61;
	v46 =	vand.u32 $0x7FF0, v60;
	v60 =	vshll.u32 v49, $0x4;
	[tilespmem:v55+s12+$0x0] =	vst.idx.add.f32.msk $0xffff, v32  }
0x134: {  	v55 =	vperm.xlane v31, v11;
	v56 =	vor.u32 v3, v46;
	v46 =	vand.u32 $0xFFFFFFF0, v63;
	v54 =	vld.idx.msk [tilespmem:v54+s9+$0x0], $0xffff  }
0x135: {  	v63 =	vshll.u32 v51, $0x4;
	v51 =	vand.u32 $0xFFFF0000, v51;
	v46 =	vsub.s32 $0x10, v46  }
0x136: {  	v36 =	vshll.u32 v36, v37;
	v37 =	vand.u32 $0xFFFF0, v63;
	v59 =	vshll.u32 v55, $0x4  }
0x137: {  	v36 =	vand.u32 $0xFFFF0000, v36;
	v47 =	vand.u32 $0xFFFF0, v59;
	v59 =	vand.u32 $0x7FF0, v60  }
0x138: {  	v60 =	vsub.s32 $0x10, v62;
	v62 =	vperm.xlane v41, v14;
	v47 =	vor.u32 v3, v47  }
0x139: {  	v36 =	vmul.f32 v36, v50;
	v61 =	vshll.u32 v54, v46;
	v46 =	vor.u32 v3, v59  }
0x13a: {  	v55 =	vand.u32 $0xFFFF0000, v55;
	v59 =	vshll.u32 v62, $0x4;
	v32 =	vand.u32 $0xFFFF0000, v61  }
0x13b: {  	v50 =	vor.u32 v3, v37;
	[tilespmem:v40+s12+$0x0] =	vst.idx.add.f32.msk $0xffff, v36;
	v37 =	vand.u32 $0x7FF0, v59;
	v32 =	vmul.f32 v32, v55  }
0x13c: {  	v63 =	vshra.s32 v49, $0x7;
	v36 =	vperm.xlane v41, v15;
	v55 =	vor.u32 v3, v37;
	v37 =	vld.idx.msk [tilespmem:v44+s9+$0x0], $0xffff  }
0x13d: {  	v40 =	vperm.xlane v25, v13;
	v61 =	vshra.s32 v62, $0x7;
	[tilespmem:v47+s12+$0x0] =	vst.idx.add.f32.msk $0xffff, v32;
	v47 =	vperm.xlane v31, v12  }
0x13e: {  	v62 =	vand.u32 $0xFFFFFFF0, v61;
	v44 =	vand.u32 $0xFFFFFFF0, v63;
	v32 =	vperm.xlane v45, v14;
	v54 =	vld.idx.msk [tilespmem:v46+s9+$0x0], $0xffff  }
0x13f: {  	v44 =	vsub.s32 $0x10, v44;
	v46 =	vsub.s32 $0x10, v62;
	v61 =	vshll.u32 v47, $0x4  }
0x140: {  	v59 =	vshll.u32 v32, $0x4;
	v32 =	vand.u32 $0xFFFF0000, v32;
	v47 =	vand.u32 $0xFFFF0000, v47  }
0x141: {  	v49 =	vand.u32 $0xFFFF0, v61;
	v61 =	vshll.u32 v40, $0x4;
	v62 =	vshll.u32 v37, v52  }
0x142: {  	v63 =	vand.u32 $0xFFFF0, v59;
	v49 =	vor.u32 v3, v49;
	v61 =	vand.u32 $0x7FF0, v61  }
0x143: {  	v40 =	vshra.s32 v40, $0x7;
	v44 =	vshll.u32 v54, v44;
	v54 =	vor.u32 v3, v61  }
0x144: {  	v59 =	vand.u32 $0xFFFF0000, v62;
	v61 =	vmul.f32 v35, v34;
	v44 =	vand.u32 $0xFFFF0000, v44  }
0x145: {  	v62 =	vshll.u32 v36, $0x4;
	v36 =	vshra.s32 v36, $0x7;
	v52 =	vmul.f32 v44, v47  }
0x146: {  	v34 =	vor.u32 v3, v63;
	v35 =	vand.u32 $0x7FF0, v62;
	v63 =	vperm.xlane v45, v15;
	[tilespmem:v24+s12+$0x0] =	vst.idx.add.f32.msk $0xffff, v61  }
0x147: {  	v44 =	vmul.f32 v59, v53;
	v53 =	vand.u32 $0xFFFFFFF0, v36;
	v36 =	vor.u32 v3, v35;
	[tilespmem:v49+s12+$0x0] =	vst.idx.add.f32.msk $0xffff, v52  }
0x148: {  	v35 =	vand.u32 $0xFFFF0000, v63;
	v47 =	vshll.u32 v63, $0x4;
	v52 =	vperm.xlane v31, v13;
	v49 =	vld.idx.msk [tilespmem:v54+s9+$0x0], $0xffff  }
0x149: {  	v24 =	vand.u32 $0xFFFFFFF0, v40;
	v37 =	vsub.s32 $0x10, v53;
	v53 =	vperm.xlane v25, v14;
	[tilespmem:v42+s12+$0x0] =	vst.idx.add.f32.msk $0xffff, v44  }
0x14a: {  	v24 =	vsub.s32 $0x10, v24;
	v42 =	vperm.xlane v41, v16;
	v44 =	vld.idx.msk [tilespmem:v58+s9+$0x0], $0xffff;
	v58 =	vshll.u32 v52, $0x4  }
0x14b: {  	v39 =	vld.idx.msk [tilespmem:v39+s9+$0x0], $0xffff;
	v47 =	vand.u32 $0xFFFF0, v47;
	v61 =	vshll.u32 v53, $0x4;
	v59 =	vand.u32 $0xFFFF0, v58  }
0x14c: {  	v54 =	vand.u32 $0x7FF0, v61;
	v63 =	vshll.u32 v42, $0x4;
	v40 =	vor.u32 v3, v59  }
0x14d: {  	v52 =	vand.u32 $0xFFFF0000, v52;
	v62 =	vor.u32 v3, v54;
	v24 =	vshll.u32 v49, v24  }
0x14e: {  	v42 =	vshra.s32 v42, $0x7;
	v61 =	vshra.s32 v53, $0x7;
	v24 =	vand.u32 $0xFFFF0000, v24  }
0x14f: {  	v54 =	vand.u32 $0x7FF0, v63;
	v43 =	vshll.u32 v44, v43;
	v24 =	vmul.f32 v24, v52  }
0x150: {  	v33 =	vshll.u32 v39, v33;
	v59 =	vand.u32 $0xFFFFFFF0, v42;
	v52 =	vand.u32 $0xFFFF0000, v43  }
0x151: {  	v42 =	vand.u32 $0xFFFFFFF0, v61;
	v44 =	vor.u32 v3, v47;
	v58 =	vmul.f32 v52, v57;
	[tilespmem:v40+s12+$0x0] =	vst.idx.add.f32.msk $0xffff, v24  }
0x152: {  	v49 =	vperm.xlane v31, v14;
	v43 =	vor.u32 v3, v54;
	v57 =	vperm.xlane v41, v17;
	v47 =	vld.idx.msk [tilespmem:v62+s9+$0x0], $0xffff  }
0x153: {  	v24 =	vand.u32 $0xFFFF0000, v33;
	v33 =	vperm.xlane v45, v16;
	v40 =	vsub.s32 $0x10, v59;
	[tilespmem:v48+s12+$0x0] =	vst.idx.add.f32.msk $0xffff, v58  }
0x154: {  	v24 =	vmul.f32 v24, v38;
	v38 =	vperm.xlane v25, v15;
	v62 =	vshll.u32 v49, $0x4;
	v39 =	vld.idx.msk [tilespmem:v56+s9+$0x0], $0xffff  }
0x155: {  	v48 =	vand.u32 $0xFFFF0, v62;
	v41 =	vand.u32 $0xFFFF0000, v33;
	v33 =	vshll.u32 v33, $0x4  }
0x156: {  	v63 =	vshll.u32 v38, $0x4;
	[tilespmem:v20+s12+$0x0] =	vst.idx.add.f32.msk $0xffff, v24;
	v20 =	vsub.s32 $0x10, v42;
	v24 =	vor.u32 v3, v48  }
0x157: {  	v56 =	vand.u32 $0x7FF0, v63;
	v58 =	vld.idx.msk [tilespmem:v22+s9+$0x0], $0xffff;
	v22 =	vand.u32 $0xFFFF0000, v49;
	v63 =	vperm.xlane v31, v15  }
0x158: {  	v49 =	vperm.xlane v25, v16;
	v59 =	vor.u32 v3, v56;
	v20 =	vshll.u32 v47, v20  }
0x159: {  	s23 =	sadd.s32 $0x20, s21;
	v56 =	vperm.xlane v45, v17;
	v20 =	vand.u32 $0xFFFF0000, v20;
	v39 =	vshll.u32 v39, v60  }
0x15a: {  	v47 =	vld [tilespmem:s23+$0xFFFFFFF0];
	v60 =	vshll.u32 v57, $0x4;
	v20 =	vmul.f32 v20, v22;
	v22 =	vand.u32 $0xFFFF0, v33  }
0x15b: {  	v39 =	vand.u32 $0xFFFF0000, v39;
	v33 =	vand.u32 $0xFFFF0000, v63;
	v42 =	vor.u32 v3, v22  }
0x15c: {  	v22 =	vand.u32 $0x7FF0, v60;
	v61 =	vmul.f32 v39, v51;
	v23 =	vshll.u32 v58, v23  }
0x15d: {  	v58 =	vshll.u32 v56, $0x4;
	[tilespmem:v24+s12+$0x0] =	vst.idx.add.f32.msk $0xffff, v20;
	v20 =	vshra.s32 v57, $0x7;
	v23 =	vand.u32 $0xFFFF0000, v23  }
0x15e: {  	v57 =	vshll.u32 v63, $0x4;
	v45 =	vmul.f32 v23, v21;
	v21 =	vshra.s32 v38, $0x7  }
0x15f: {  	v62 =	vld.idx.msk [tilespmem:v59+s9+$0x0], $0xffff;
	v38 =	vand.u32 $0xFFFF0, v57;
	v59 =	vshll.u32 v49, $0x4;
	v63 =	vperm.xlane v47, v1  }
0x160: {  	v24 =	vld [tilespmem:s23+$0x0];
	v52 =	vperm.xlane v47, v5;
	v53 =	vperm.xlane v47, v6;
	v49 =	vshra.s32 v49, $0x7  }
0x161: {  	[tilespmem:v50+s12+$0x0] =	vst.idx.add.f32.msk $0xffff, v61;
	v21 =	vand.u32 $0xFFFFFFF0, v21;
	v38 =	vor.u32 v3, v38;
	v51 =	vand.u32 $0x7FF0, v59  }
0x162: {  	v23 =	vld.idx.msk [tilespmem:v55+s9+$0x0], $0xffff;
	v55 =	vperm.xlane v25, v17;
	v49 =	vand.u32 $0xFFFFFFF0, v49;
	v60 =	vsub.s32 $0x10, v21  }
0x163: {  	v21 =	vand.u32 $0xFFFF0000, v56;
	v61 =	vor.u32 v3, v51;
	v51 =	vshra.s32 v63, $0x7  }
0x164: {  	v59 =	vshll.u32 v63, $0x4;
	v49 =	vsub.s32 $0x10, v49;
	v51 =	vand.u32 $0xFFFFFFF0, v51  }
0x165: {  	v50 =	vperm.xlane v24, v1;
	v51 =	vsub.s32 $0x10, v51;
	v39 =	vshll.u32 v62, v60  }
0x166: {  	v62 =	vand.u32 $0xFFFF0, v58;
	v60 =	vperm.xlane v31, v16;
	v39 =	vand.u32 $0xFFFF0000, v39  }
0x167: {  	s21 =	sadd.s32 $0x20, s22;
	v23 =	vshll.u32 v23, v46;
	v46 =	vand.u32 $0x7FF0, v59;
	v39 =	vmul.f32 v39, v33  }
0x168: {  	v25 =	vld [tilespmem:s21+$0x0];
	v31 =	vperm.xlane v31, v17;
	v58 =	vshll.u32 v50, $0x4;
	v56 =	vor.u32 v3, v46  }
0x169: {  	v59 =	vshll.u32 v52, $0x4;
	v50 =	vshra.s32 v50, $0x7;
	v52 =	vshra.s32 v52, $0x7;
	[tilespmem:v38+s12+$0x0] =	vst.idx.add.f32.msk $0xffff, v39  }
0x16a: {  	v33 =	vand.u32 $0xFFFF0000, v23;
	v23 =	vor.u32 v3, v62;
	v39 =	vand.u32 $0x7FF0, v58;
	v48 =	vld.idx.msk [tilespmem:v61+s9+$0x0], $0xffff  }
0x16b: {  	v62 =	vshll.u32 v55, $0x4;
	v54 =	vand.u32 $0xFFFF0000, v60;
	v39 =	vor.u32 v3, v39  }
0x16c: {  	v46 =	vld [tilespmem:s21+$0xFFFFFFF0];
	v50 =	vand.u32 $0xFFFFFFF0, v50;
	v55 =	vshra.s32 v55, $0x7;
	v61 =	vshll.u32 v60, $0x4  }
0x16d: {  	v52 =	vand.u32 $0xFFFFFFF0, v52;
	v50 =	vsub.s32 $0x10, v50;
	v57 =	vand.u32 $0xFFFF0, v61;
	v56 =	vld.idx.msk [tilespmem:v56+s9+$0x0], $0xffff  }
0x16e: {  	v32 =	vmul.f32 v33, v32;
	v58 =	vand.u32 $0x7FF0, v62;
	v57 =	vor.u32 v3, v57  }
0x16f: {  	v48 =	vshll.u32 v48, v49;
	v49 =	vor.u32 v3, v58;
	v58 =	vperm.xlane v25, v1  }
0x170: {  	v38 =	vperm.xlane v47, v7;
	v60 =	vperm.xlane v24, v5;
	v39 =	vld.idx.msk [tilespmem:v39+s9+$0x0], $0xffff;
	v48 =	vand.u32 $0xFFFF0000, v48  }
0x171: {  	v48 =	vmul.f32 v48, v54;
	v54 =	vperm.xlane v46, v1;
	v61 =	vshll.u32 v58, $0x4  }
0x172: {  	v62 =	vand.u32 $0xFFFF0000, v58;
	v58 =	vand.u32 $0xFFFFFFF0, v55;
	v51 =	vshll.u32 v56, v51  }
0x173: {  	v55 =	vperm.xlane v25, v5;
	v56 =	vperm.xlane v24, v6;
	v63 =	vand.u32 $0xFFFF0, v61  }
0x174: {  	v51 =	vand.u32 $0xFFFF0000, v51;
	[tilespmem:v57+s12+$0x0] =	vst.idx.add.f32.msk $0xffff, v48;
	v57 =	vshll.u32 v60, $0x4;
	v61 =	vor.u32 v3, v63  }
0x175: {  	v63 =	vshll.u32 v31, $0x4;
	v49 =	vld.idx.msk [tilespmem:v49+s9+$0x0], $0xffff;
	v57 =	vand.u32 $0x7FF0, v57;
	v39 =	vshll.u32 v39, v50  }
0x176: {  	v31 =	vand.u32 $0xFFFF0000, v31;
	v50 =	vor.u32 v3, v57;
	v39 =	vand.u32 $0xFFFF0000, v39  }
0x177: {  	v57 =	vshll.u32 v54, $0x4;
	v39 =	vmul.f32 v39, v62;
	v62 =	vand.u32 $0xFFFF0, v63  }
0x178: {  	v63 =	vsub.s32 $0x10, v58;
	v48 =	vor.u32 v3, v62;
	v62 =	vand.u32 $0xFFFF0, v57  }
0x179: {  	[tilespmem:v61+s12+$0x0] =	vst.idx.add.f32.msk $0xffff, v39;
	v61 =	vand.u32 $0xFFFF0000, v54;
	v54 =	vor.u32 v3, v62;
	v62 =	vshll.u32 v56, $0x4  }
0x17a: {  	v56 =	vshra.s32 v56, $0x7;
	v58 =	vshll.u32 v49, v63;
	v51 =	vmul.f32 v51, v61  }
0x17b: {  	v63 =	vshra.s32 v60, $0x7;
	v60 =	vshll.u32 v55, $0x4;
	v61 =	vand.u32 $0x7FF0, v59  }
0x17c: {  	v59 =	vand.u32 $0x7FF0, v62;
	v55 =	vand.u32 $0xFFFF0000, v55;
	v56 =	vand.u32 $0xFFFFFFF0, v56;
	v50 =	vld.idx.msk [tilespmem:v50+s9+$0x0], $0xffff  }
0x17d: {  	v39 =	vand.u32 $0xFFFF0000, v58;
	v49 =	vand.u32 $0xFFFFFFF0, v63;
	v57 =	vand.u32 $0xFFFF0, v60  }
0x17e: {  	v58 =	vor.u32 v3, v61;
	v60 =	vperm.xlane v46, v5;
	v63 =	vshll.u32 v53, $0x4  }
0x17f: {  	v56 =	vsub.s32 $0x10, v56;
	v49 =	vsub.s32 $0x10, v49;
	v57 =	vor.u32 v3, v57  }
0x180: {  	v61 =	vshll.u32 v60, $0x4;
	[tilespmem:v54+s12+$0x0] =	vst.idx.add.f32.msk $0xffff, v51;
	v54 =	vand.u32 $0xFFFF0000, v60;
	v51 =	vand.u32 $0x7FF0, v63  }
0x181: {  	v51 =	vor.u32 v3, v51;
	v49 =	vshll.u32 v50, v49;
	v50 =	vor.u32 v3, v59  }
0x182: {  	v59 =	vand.u32 $0xFFFF0000, v49;
	v49 =	vmul.f32 v39, v31;
	v39 =	vsub.s32 $0x10, v52  }
0x183: {  	v31 =	vmul.f32 v59, v55;
	v59 =	vshra.s32 v53, $0x7;
	v55 =	vperm.xlane v46, v6  }
0x184: {  	v53 =	vld.idx.msk [tilespmem:v58+s9+$0x0], $0xffff;
	v58 =	vshll.u32 v38, $0x4;
	v38 =	vshra.s32 v38, $0x7;
	v52 =	vand.u32 $0xFFFFFFF0, v59  }
0x185: {  	v59 =	vperm.xlane v24, v7;
	v38 =	vand.u32 $0xFFFFFFF0, v38;
	[tilespmem:v57+s12+$0x0] =	vst.idx.add.f32.msk $0xffff, v31;
	v31 =	vand.u32 $0xFFFF0, v61  }
0x186: {  	v57 =	vperm.xlane v25, v6;
	v52 =	vsub.s32 $0x10, v52;
	v60 =	vshll.u32 v55, $0x4;
	v50 =	vld.idx.msk [tilespmem:v50+s9+$0x0], $0xffff  }
0x187: {  	v55 =	vand.u32 $0xFFFF0000, v55;
	v38 =	vsub.s32 $0x10, v38;
	v31 =	vor.u32 v3, v31  }
0x188: {  	v62 =	vshll.u32 v59, $0x4;
	v63 =	vand.u32 $0xFFFF0, v60;
	v61 =	vshll.u32 v57, $0x4  }
0x189: {  	v60 =	vand.u32 $0x7FF0, v58;
	v61 =	vand.u32 $0xFFFF0, v61;
	v39 =	vshll.u32 v53, v39  }
0x18a: {  	v62 =	vand.u32 $0x7FF0, v62;
	v61 =	vor.u32 v3, v61;
	v39 =	vand.u32 $0xFFFF0000, v39  }
0x18b: {  	v39 =	vmul.f32 v39, v54;
	v50 =	vshll.u32 v50, v56;
	v56 =	vor.u32 v3, v62  }
0x18c: {  	v54 =	vor.u32 v3, v60;
	v62 =	vand.u32 $0xFFFF0000, v57;
	v50 =	vand.u32 $0xFFFF0000, v50  }
0x18d: {  	v59 =	vshra.s32 v59, $0x7;
	v60 =	vperm.xlane v24, v2;
	[tilespmem:v31+s12+$0x0] =	vst.idx.add.f32.msk $0xffff, v39;
	v50 =	vmul.f32 v50, v62  }
0x18e: {  	v58 =	vperm.xlane v47, v2;
	v59 =	vand.u32 $0xFFFFFFF0, v59;
	v53 =	vor.u32 v3, v63;
	v51 =	vld.idx.msk [tilespmem:v51+s9+$0x0], $0xffff  }
0x18f: {  	v59 =	vsub.s32 $0x10, v59;
	v63 =	vshll.u32 v60, $0x4;
	v62 =	vperm.xlane v46, v7;
	[tilespmem:v61+s12+$0x0] =	vst.idx.add.f32.msk $0xffff, v50  }
0x190: {  	v39 =	vperm.xlane v25, v7;
	v60 =	vshra.s32 v60, $0x7;
	v63 =	vand.u32 $0x7FF0, v63;
	v56 =	vld.idx.msk [tilespmem:v56+s9+$0x0], $0xffff  }
0x191: {  	v60 =	vand.u32 $0xFFFFFFF0, v60;
	v50 =	vperm.xlane v46, v2;
	v31 =	vshll.u32 v62, $0x4  }
0x192: {  	v57 =	vand.u32 $0xFFFF0000, v62;
	v61 =	vshll.u32 v58, $0x4;
	v62 =	vshll.u32 v39, $0x4  }
0x193: {  	v39 =	vand.u32 $0xFFFF0000, v39;
	v62 =	vand.u32 $0xFFFF0, v62;
	v51 =	vshll.u32 v51, v52  }
0x194: {  	v31 =	vand.u32 $0xFFFF0, v31;
	v62 =	vor.u32 v3, v62;
	v51 =	vand.u32 $0xFFFF0000, v51  }
0x195: {  	v51 =	vmul.f32 v51, v55;
	v56 =	vshll.u32 v56, v59;
	v59 =	vor.u32 v3, v63  }
0x196: {  	v61 =	vand.u32 $0x7FF0, v61;
	v31 =	vor.u32 v3, v31;
	v56 =	vand.u32 $0xFFFF0000, v56  }
0x197: {  	v60 =	vsub.s32 $0x10, v60;
	v52 =	vor.u32 v3, v61;
	[tilespmem:v53+s12+$0x0] =	vst.idx.add.f32.msk $0xffff, v51;
	v39 =	vmul.f32 v56, v39  }
0x198: {  	v55 =	vperm.xlane v24, v8;
	v63 =	vshra.s32 v58, $0x7;
	v58 =	vperm.xlane v47, v8;
	v54 =	vld.idx.msk [tilespmem:v54+s9+$0x0], $0xffff  }
0x199: {  	v61 =	vand.u32 $0xFFFFFFF0, v63;
	v63 =	vshll.u32 v50, $0x4;
	[tilespmem:v62+s12+$0x0] =	vst.idx.add.f32.msk $0xffff, v39;
	v39 =	vand.u32 $0xFFFF0000, v50  }
0x19a: {  	v50 =	vsub.s32 $0x10, v61;
	v61 =	vand.u32 $0xFFFF0, v63;
	v56 =	vld.idx.msk [tilespmem:v59+s9+$0x0], $0xffff;
	v59 =	vperm.xlane v25, v2  }
0x19b: {  	v62 =	vshll.u32 v58, $0x4;
	v58 =	vshra.s32 v58, $0x7;
	v51 =	vor.u32 v3, v61  }
0x19c: {  	v53 =	vand.u32 $0x7FF0, v62;
	v62 =	vshll.u32 v55, $0x4;
	v61 =	vshll.u32 v59, $0x4  }
0x19d: {  	v58 =	vand.u32 $0xFFFFFFF0, v58;
	v38 =	vshll.u32 v54, v38;
	v61 =	vand.u32 $0xFFFF0, v61  }
0x19e: {  	v62 =	vand.u32 $0x7FF0, v62;
	v38 =	vand.u32 $0xFFFF0000, v38;
	v61 =	vor.u32 v3, v61  }
0x19f: {  	v38 =	vmul.f32 v38, v57;
	v56 =	vshll.u32 v56, v60;
	v60 =	vor.u32 v3, v62  }
0x1a0: {  	v55 =	vshra.s32 v55, $0x7;
	v59 =	vand.u32 $0xFFFF0000, v59;
	v56 =	vand.u32 $0xFFFF0000, v56  }
0x1a1: {  	v55 =	vand.u32 $0xFFFFFFF0, v55;
	v62 =	vperm.xlane v46, v8;
	[tilespmem:v31+s12+$0x0] =	vst.idx.add.f32.msk $0xffff, v38;
	v54 =	vmul.f32 v56, v59  }
0x1a2: {  	v53 =	vor.u32 v3, v53;
	v55 =	vsub.s32 $0x10, v55;
	v31 =	vperm.xlane v24, v9;
	v52 =	vld.idx.msk [tilespmem:v52+s9+$0x0], $0xffff  }
0x1a3: {  	v56 =	vsub.s32 $0x10, v58;
	v63 =	vshll.u32 v62, $0x4;
	v59 =	vperm.xlane v47, v9;
	[tilespmem:v61+s12+$0x0] =	vst.idx.add.f32.msk $0xffff, v54  }
0x1a4: {  	v57 =	vand.u32 $0xFFFF0, v63;
	v54 =	vand.u32 $0xFFFF0000, v62;
	v58 =	vld.idx.msk [tilespmem:v60+s9+$0x0], $0xffff;
	v60 =	vperm.xlane v25, v8  }
0x1a5: {  	v57 =	vor.u32 v3, v57;
	v61 =	vshll.u32 v59, $0x4;
	v38 =	vshra.s32 v59, $0x7  }
0x1a6: {  	v62 =	vshll.u32 v31, $0x4;
	v31 =	vshra.s32 v31, $0x7;
	v63 =	vshll.u32 v60, $0x4  }
0x1a7: {  	v62 =	vand.u32 $0x7FF0, v62;
	v50 =	vshll.u32 v52, v50;
	v59 =	vand.u32 $0xFFFF0, v63  }
0x1a8: {  	v61 =	vand.u32 $0x7FF0, v61;
	v50 =	vand.u32 $0xFFFF0000, v50;
	v59 =	vor.u32 v3, v59  }
0x1a9: {  	v39 =	vmul.f32 v50, v39;
	v55 =	vshll.u32 v58, v55;
	v58 =	vor.u32 v3, v62  }
0x1aa: {  	v38 =	vand.u32 $0xFFFFFFF0, v38;
	v60 =	vand.u32 $0xFFFF0000, v60;
	v55 =	vand.u32 $0xFFFF0000, v55  }
0x1ab: {  	v31 =	vand.u32 $0xFFFFFFF0, v31;
	v63 =	vperm.xlane v46, v4;
	[tilespmem:v51+s12+$0x0] =	vst.idx.add.f32.msk $0xffff, v39;
	v52 =	vmul.f32 v55, v60  }
0x1ac: {  	v38 =	vsub.s32 $0x10, v38;
	v62 =	vperm.xlane v46, v9;
	v39 =	vperm.xlane v24, v4;
	v53 =	vld.idx.msk [tilespmem:v53+s9+$0x0], $0xffff  }
0x1ad: {  	v31 =	vsub.s32 $0x10, v31;
	v55 =	vor.u32 v3, v61;
	v60 =	vperm.xlane v47, v4;
	[tilespmem:v59+s12+$0x0] =	vst.idx.add.f32.msk $0xffff, v52  }
0x1ae: {  	v61 =	vshll.u32 v62, $0x4;
	v50 =	vand.u32 $0xFFFF0000, v62;
	v59 =	vperm.xlane v25, v9;
	v58 =	vld.idx.msk [tilespmem:v58+s9+$0x0], $0xffff  }
0x1af: {  	v62 =	vshll.u32 v39, $0x4;
	v52 =	vand.u32 $0xFFFF0, v61;
	v61 =	vshll.u32 v60, $0x4  }
0x1b0: {  	v39 =	vshra.s32 v39, $0x7;
	v51 =	vand.u32 $0x7FF0, v61;
	v61 =	vshll.u32 v59, $0x4  }
0x1b1: {  	v62 =	vand.u32 $0x7FF0, v62;
	v61 =	vand.u32 $0xFFFF0, v61;
	v53 =	vshll.u32 v53, v56  }
0x1b2: {  	v60 =	vshra.s32 v60, $0x7;
	v61 =	vor.u32 v3, v61;
	v53 =	vand.u32 $0xFFFF0000, v53  }
0x1b3: {  	v53 =	vmul.f32 v53, v54;
	v31 =	vshll.u32 v58, v31;
	v58 =	vor.u32 v3, v62  }
0x1b4: {  	v39 =	vand.u32 $0xFFFFFFF0, v39;
	v59 =	vand.u32 $0xFFFF0000, v59;
	v31 =	vand.u32 $0xFFFF0000, v31  }
0x1b5: {  	v52 =	vor.u32 v3, v52;
	v60 =	vand.u32 $0xFFFFFFF0, v60;
	[tilespmem:v57+s12+$0x0] =	vst.idx.add.f32.msk $0xffff, v53;
	v31 =	vmul.f32 v31, v59  }
0x1b6: {  	v39 =	vsub.s32 $0x10, v39;
	v56 =	vsub.s32 $0x10, v60;
	v60 =	vshll.u32 v63, $0x4;
	v55 =	vld.idx.msk [tilespmem:v55+s9+$0x0], $0xffff  }
0x1b7: {  	v54 =	vand.u32 $0xFFFF0, v60;
	v53 =	vperm.xlane v24, v10;
	v59 =	vperm.xlane v47, v10;
	[tilespmem:v61+s12+$0x0] =	vst.idx.add.f32.msk $0xffff, v31  }
0x1b8: {  	v51 =	vor.u32 v3, v51;
	v60 =	vperm.xlane v25, v4;
	v54 =	vor.u32 v3, v54;
	v58 =	vld.idx.msk [tilespmem:v58+s9+$0x0], $0xffff  }
0x1b9: {  	v62 =	vshll.u32 v53, $0x4;
	v31 =	vand.u32 $0xFFFF0000, v63;
	v61 =	vshll.u32 v59, $0x4  }
0x1ba: {  	v62 =	vand.u32 $0x7FF0, v62;
	v57 =	vand.u32 $0x7FF0, v61;
	v61 =	vshll.u32 v60, $0x4  }
0x1bb: {  	v59 =	vshra.s32 v59, $0x7;
	v61 =	vand.u32 $0xFFFF0, v61;
	v38 =	vshll.u32 v55, v38  }
0x1bc: {  	v60 =	vand.u32 $0xFFFF0000, v60;
	v61 =	vor.u32 v3, v61;
	v38 =	vand.u32 $0xFFFF0000, v38  }
0x1bd: {  	v38 =	vmul.f32 v38, v50;
	v39 =	vshll.u32 v58, v39;
	v58 =	vor.u32 v3, v62  }
0x1be: {  	v59 =	vand.u32 $0xFFFFFFF0, v59;
	v57 =	vor.u32 v3, v57;
	v39 =	vand.u32 $0xFFFF0000, v39  }
0x1bf: {  	v59 =	vsub.s32 $0x10, v59;
	[tilespmem:v52+s12+$0x0] =	vst.idx.add.f32.msk $0xffff, v38;
	v52 =	vshra.s32 v53, $0x7;
	v39 =	vmul.f32 v39, v60  }
0x1c0: {  	v55 =	vperm.xlane v46, v10;
	v62 =	vperm.xlane v46, v11;
	v51 =	vld.idx.msk [tilespmem:v51+s9+$0x0], $0xffff;
	v52 =	vand.u32 $0xFFFFFFF0, v52  }
0x1c1: {  	v38 =	vperm.xlane v24, v11;
	v60 =	vperm.xlane v47, v11;
	v52 =	vsub.s32 $0x10, v52;
	[tilespmem:v61+s12+$0x0] =	vst.idx.add.f32.msk $0xffff, v39  }
0x1c2: {  	v39 =	vand.u32 $0xFFFF0000, v55;
	v61 =	vshll.u32 v55, $0x4;
	v55 =	vld.idx.msk [tilespmem:v58+s9+$0x0], $0xffff;
	v58 =	vperm.xlane v25, v10  }
0x1c3: {  	v50 =	vand.u32 $0xFFFF0, v61;
	v61 =	vshll.u32 v60, $0x4;
	v60 =	vshra.s32 v60, $0x7  }
0x1c4: {  	v50 =	vor.u32 v3, v50;
	v61 =	vand.u32 $0x7FF0, v61;
	v63 =	vshll.u32 v58, $0x4  }
0x1c5: {  	v58 =	vand.u32 $0xFFFF0000, v58;
	v51 =	vshll.u32 v51, v56;
	v56 =	vand.u32 $0xFFFFFFF0, v60  }
0x1c6: {  	v53 =	vand.u32 $0xFFFF0, v63;
	v63 =	vshll.u32 v38, $0x4;
	v51 =	vand.u32 $0xFFFF0000, v51  }
0x1c7: {  	v53 =	vor.u32 v3, v53;
	v63 =	vand.u32 $0x7FF0, v63;
	v31 =	vmul.f32 v51, v31  }
0x1c8: {  	v60 =	vand.u32 $0xFFFF0000, v62;
	v52 =	vshll.u32 v55, v52;
	v55 =	vor.u32 v3, v63  }
0x1c9: {  	v62 =	vshll.u32 v62, $0x4;
	v38 =	vshra.s32 v38, $0x7;
	v52 =	vand.u32 $0xFFFF0000, v52;
	[tilespmem:v54+s12+$0x0] =	vst.idx.add.f32.msk $0xffff, v31  }
0x1ca: {  	v51 =	vsub.s32 $0x10, v56;
	v52 =	vmul.f32 v52, v58;
	v58 =	vperm.xlane v47, v12;
	v56 =	vld.idx.msk [tilespmem:v57+s9+$0x0], $0xffff  }
0x1cb: {  	v61 =	vor.u32 v3, v61;
	v62 =	vand.u32 $0xFFFF0, v62;
	v38 =	vand.u32 $0xFFFFFFF0, v38  }
0x1cc: {  	v38 =	vsub.s32 $0x10, v38;
	v31 =	vperm.xlane v24, v12;
	[tilespmem:v53+s12+$0x0] =	vst.idx.add.f32.msk $0xffff, v52;
	v63 =	vshll.u32 v58, $0x4  }
0x1cd: {  	v52 =	vor.u32 v3, v62;
	v58 =	vshra.s32 v58, $0x7;
	v53 =	vld.idx.msk [tilespmem:v55+s9+$0x0], $0xffff;
	v55 =	vperm.xlane v25, v11  }
0x1ce: {  	v54 =	vand.u32 $0x7FF0, v63;
	v63 =	vand.u32 $0xFFFFFFF0, v58;
	v58 =	vperm.xlane v47, v13  }
0x1cf: {  	v62 =	vshll.u32 v55, $0x4;
	v55 =	vand.u32 $0xFFFF0000, v55;
	v56 =	vshll.u32 v56, v59  }
0x1d0: {  	v57 =	vand.u32 $0xFFFF0, v62;
	v62 =	vshll.u32 v31, $0x4;
	v56 =	vand.u32 $0xFFFF0000, v56  }
0x1d1: {  	v31 =	vshra.s32 v31, $0x7;
	v57 =	vor.u32 v3, v57;
	v62 =	vand.u32 $0x7FF0, v62  }
0x1d2: {  	v39 =	vmul.f32 v56, v39;
	v31 =	vand.u32 $0xFFFFFFF0, v31;
	v38 =	vshll.u32 v53, v38  }
0x1d3: {  	v53 =	vor.u32 v3, v62;
	v62 =	vperm.xlane v46, v12;
	v38 =	vand.u32 $0xFFFF0000, v38  }
0x1d4: {  	v54 =	vor.u32 v3, v54;
	v31 =	vsub.s32 $0x10, v31;
	v38 =	vmul.f32 v38, v55  }
0x1d5: {  	[tilespmem:v50+s12+$0x0] =	vst.idx.add.f32.msk $0xffff, v39;
	v55 =	vsub.s32 $0x10, v63;
	v63 =	vshll.u32 v62, $0x4;
	v56 =	vand.u32 $0xFFFF0000, v62  }
0x1d6: {  	v39 =	vld.idx.msk [tilespmem:v61+s9+$0x0], $0xffff;
	v62 =	vand.u32 $0xFFFF0, v63;
	v63 =	vshll.u32 v58, $0x4;
	v58 =	vshra.s32 v58, $0x7  }
0x1d7: {  	[tilespmem:v57+s12+$0x0] =	vst.idx.add.f32.msk $0xffff, v38;
	v59 =	vor.u32 v3, v62;
	v62 =	vand.u32 $0x7FF0, v63;
	v38 =	vperm.xlane v46, v13  }
0x1d8: {  	v63 =	vand.u32 $0xFFFFFFF0, v58;
	v58 =	vperm.xlane v25, v12;
	v57 =	vor.u32 v3, v62  }
0x1d9: {  	v53 =	vld.idx.msk [tilespmem:v53+s9+$0x0], $0xffff;
	v61 =	vsub.s32 $0x10, v63;
	v62 =	vperm.xlane v24, v13;
	v50 =	vshll.u32 v38, $0x4  }
0x1da: {  	v63 =	vshll.u32 v58, $0x4;
	v0 =	vand.u32 $0xFFFF0000, v38;
	v58 =	vand.u32 $0xFFFF0000, v58  }
0x1db: {  	v50 =	vand.u32 $0xFFFF0, v50;
	v63 =	vand.u32 $0xFFFF0, v63;
	v39 =	vshll.u32 v39, v51  }
0x1dc: {  	v51 =	vshll.u32 v62, $0x4;
	v62 =	vshra.s32 v62, $0x7;
	v63 =	vor.u32 v3, v63  }
0x1dd: {  	v26 =	vor.u32 v3, v50;
	v51 =	vand.u32 $0x7FF0, v51;
	v39 =	vand.u32 $0xFFFF0000, v39  }
0x1de: {  	v38 =	vor.u32 v3, v51;
	v31 =	vshll.u32 v53, v31;
	v53 =	vperm.xlane v47, v14  }
0x1df: {  	v39 =	vmul.f32 v39, v60;
	v51 =	vperm.xlane v46, v14;
	v31 =	vand.u32 $0xFFFF0000, v31  }
0x1e0: {  	v31 =	vmul.f32 v31, v58;
	v58 =	vshll.u32 v53, $0x4;
	v53 =	vshra.s32 v53, $0x7  }
0x1e1: {  	[tilespmem:v52+s12+$0x0] =	vst.idx.add.f32.msk $0xffff, v39;
	v50 =	vand.u32 $0x7FF0, v58;
	v53 =	vand.u32 $0xFFFFFFF0, v53;
	v58 =	vperm.xlane v47, v15  }
0x1e2: {  	[tilespmem:v63+s12+$0x0] =	vst.idx.add.f32.msk $0xffff, v31;
	v60 =	vor.u32 v3, v50;
	v50 =	vsub.s32 $0x10, v53;
	v63 =	vshll.u32 v51, $0x4  }
0x1e3: {  	v31 =	vand.u32 $0xFFFF0000, v51;
	v51 =	vld.idx.msk [tilespmem:v54+s9+$0x0], $0xffff;
	v53 =	vperm.xlane v46, v15;
	v54 =	vand.u32 $0xFFFFFFF0, v62  }
0x1e4: {  	v39 =	vand.u32 $0xFFFF0, v63;
	v63 =	vshll.u32 v58, $0x4;
	v38 =	vld.idx.msk [tilespmem:v38+s9+$0x0], $0xffff;
	v58 =	vshra.s32 v58, $0x7  }
0x1e5: {  	v33 =	vor.u32 v3, v39;
	v52 =	vand.u32 $0xFFFFFFF0, v58;
	v58 =	vperm.xlane v25, v13  }
0x1e6: {  	[tilespmem:v34+s12+$0x0] =	vst.idx.add.f32.msk $0xffff, v32;
	v63 =	vand.u32 $0x7FF0, v63;
	v32 =	vsub.s32 $0x10, v52;
	v52 =	vperm.xlane v24, v14  }
0x1e7: {  	v39 =	vsub.s32 $0x10, v54;
	v34 =	vor.u32 v3, v63;
	v54 =	vshll.u32 v58, $0x4  }
0x1e8: {  	v51 =	vshll.u32 v51, v55;
	v63 =	vshll.u32 v52, $0x4;
	v55 =	vand.u32 $0xFFFF0000, v58  }
0x1e9: {  	v62 =	vld.idx.msk [tilespmem:v36+s9+$0x0], $0xffff;
	v36 =	vshll.u32 v38, v39;
	v38 =	vand.u32 $0xFFFF0, v54;
	v63 =	vand.u32 $0x7FF0, v63  }
0x1ea: {  	v51 =	vand.u32 $0xFFFF0000, v51;
	v36 =	vand.u32 $0xFFFF0000, v36;
	v58 =	vor.u32 v3, v38  }
0x1eb: {  	v51 =	vmul.f32 v51, v56;
	v54 =	vmul.f32 v36, v55;
	v55 =	vor.u32 v3, v63  }
0x1ec: {  	v52 =	vshra.s32 v52, $0x7;
	v39 =	vperm.xlane v47, v16  }
0x1ed: {  	v56 =	vperm.xlane v25, v14;
	v36 =	vand.u32 $0xFFFF0000, v53;
	v53 =	vshll.u32 v53, $0x4;
	[tilespmem:v59+s12+$0x0] =	vst.idx.add.f32.msk $0xffff, v51  }
0x1ee: {  	v38 =	vand.u32 $0xFFFF0, v53;
	v53 =	vshll.u32 v62, v37;
	v62 =	vshll.u32 v39, $0x4;
	v57 =	vld.idx.msk [tilespmem:v57+s9+$0x0], $0xffff  }
0x1ef: {  	v63 =	vperm.xlane v46, v16;
	v51 =	vperm.xlane v24, v15;
	v62 =	vand.u32 $0x7FF0, v62;
	[tilespmem:v58+s12+$0x0] =	vst.idx.add.f32.msk $0xffff, v54  }
0x1f0: {  	v37 =	vor.u32 v3, v38;
	v53 =	vand.u32 $0xFFFF0000, v53;
	v38 =	vor.u32 v3, v62;
	v55 =	vld.idx.msk [tilespmem:v55+s9+$0x0], $0xffff  }
0x1f1: {  	v53 =	vmul.f32 v53, v35;
	v35 =	vand.u32 $0xFFFF0000, v63;
	v62 =	vshll.u32 v56, $0x4  }
0x1f2: {  	[tilespmem:v29+s12+$0x0] =	vst.idx.add.f32.msk $0xffff, v30;
	v54 =	vshll.u32 v63, $0x4;
	v63 =	vand.u32 $0xFFFFFFF0, v52;
	v59 =	vand.u32 $0xFFFF0, v62  }
0x1f3: {  	v62 =	vshll.u32 v51, $0x4;
	[tilespmem:v44+s12+$0x0] =	vst.idx.add.f32.msk $0xffff, v53;
	v44 =	vsub.s32 $0x10, v63;
	v52 =	vor.u32 v3, v59  }
0x1f4: {  	[tilespmem:v27+s12+$0x0] =	vst.idx.add.f32.msk $0xffff, v45;
	v53 =	vand.u32 $0x7FF0, v62;
	v29 =	vand.u32 $0xFFFF0, v54;
	v62 =	vshll.u32 v57, v61  }
0x1f5: {  	v59 =	vld.idx.msk [tilespmem:v28+s9+$0x0], $0xffff;
	v28 =	vor.u32 v3, v29;
	v29 =	vand.u32 $0xFFFF0000, v62;
	v30 =	vshll.u32 v55, v44  }
0x1f6: {  	[tilespmem:v48+s12+$0x0] =	vst.idx.add.f32.msk $0xffff, v49;
	v58 =	vand.u32 $0xFFFF0000, v56;
	v0 =	vmul.f32 v29, v0;
	v30 =	vand.u32 $0xFFFF0000, v30  }
0x1f7: {  	v47 =	vperm.xlane v47, v17;
	v43 =	vld.idx.msk [tilespmem:v43+s9+$0x0], $0xffff;
	v30 =	vmul.f32 v30, v58  }
0x1f8: {  	v18 =	vand.u32 $0xFFFF0000, v18;
	[tilespmem:v26+s12+$0x0] =	vst.idx.add.f32.msk $0xffff, v0  }
0x1f9: {  	v22 =	vor.u32 v3, v22;
	v27 =	vshll.u32 v47, $0x4;
	v63 =	vor.u32 v3, v53;
	[tilespmem:v52+s12+$0x0] =	vst.idx.add.f32.msk $0xffff, v30  }
0x1fa: {  	v20 =	vand.u32 $0xFFFFFFF0, v20;
	v39 =	vshra.s32 v39, $0x7;
	v27 =	vand.u32 $0x7FF0, v27;
	v26 =	vld [tilespmem:$0x1FFF0]  }
0x1fb: {  	v20 =	vsub.s32 $0x10, v20;
	v39 =	vand.u32 $0xFFFFFFF0, v39;
	v45 =	vor.u32 v3, v27  }
0x1fc: {  	v27 =	vshra.s32 v47, $0x7;
	v39 =	vsub.s32 $0x10, v39;
	v29 =	vshll.u32 v43, v40  }
0x1fd: {  	v27 =	vand.u32 $0xFFFFFFF0, v27;
	v29 =	vand.u32 $0xFFFF0000, v29;
	v30 =	vperm.xlane v46, v17  }
0x1fe: {  	v27 =	vsub.s32 $0x10, v27;
	v0 =	vmul.f32 v29, v41;
	v46 =	vperm.xlane v25, v15;
	v44 =	vld.idx.msk [tilespmem:v63+s9+$0x0], $0xffff  }
0x1ff: {  	v43 =	vperm.xlane v24, v16;
	v47 =	vld.idx.msk [tilespmem:v60+s9+$0x0], $0xffff;
	v40 =	vshll.u32 v30, $0x4;
	v63 =	vshll.u32 v59, v26  }
0x200: {  	s22 =	simm.s32 $0x4;
	s23 =	sadd.s32 $0x20, s23;
	[tilespmem:v42+s12+$0x0] =	vst.idx.add.f32.msk $0xffff, v0;
	v29 =	vshll.u32 v46, $0x4;
	v26 =	vshra.s32 v51, $0x7;
	v41 =	vand.u32 $0xFFFF0000, v63  }
.LBB2_6:
0x201: {  	v0 =	vld [tilespmem:s23+$0x0];
	s22 =	sadd.s32 $0x2, s22;
	v26 =	vand.u32 $0xFFFFFFF0, v26;
	v42 =	vand.u32 $0xFFFF0, v29;
	v48 =	vshll.u32 v43, $0x4  }
0x202: {  	v29 =	vld [tilespmem:s23+$0xFFFFFFF0];
	p0 =	slt.u32 s22, $0x6;
	v26 =	vsub.s32 $0x10, v26;
	v42 =	vor.u32 v3, v42;
	v48 =	vand.u32 $0x7FF0, v48  }
0x203: {  	v30 =	vand.u32 $0xFFFF0000, v30;
	v44 =	vshll.u32 v44, v26;
	v48 =	vor.u32 v3, v48;
	v26 =	vld.idx.msk [tilespmem:v22+s9+$0x0], $0xffff;
	v22 =	vmovc v45  }
0x204: {  	v41 =	vmul.f32 v41, v18;
	v18 =	vmovc v21;
	v21 =	vmovc v30;
	v45 =	vand.u32 $0xFFFF0000, v46;
	v44 =	vand.u32 $0xFFFF0000, v44  }
0x205: {  	v46 =	vand.u32 $0xFFFF0, v40;
	v30 =	vshll.u32 v47, v50;
	v44 =	vmul.f32 v44, v45  }
0x206: {  	v40 =	vand.u32 $0xFFFF0000, v30;
	v30 =	vor.u32 v3, v46;
	v45 =	vperm.xlane v0, v1;
	[tilespmem:v19+s12+$0x0] =	vst.idx.add.f32.msk $0xffff, v41  }
0x207: {  	v19 =	vmov v23;
	v46 =	vperm.xlane v29, v1;
	v47 =	vperm.xlane v29, v5;
	[tilespmem:v42+s12+$0x0] =	vst.idx.add.f32.msk $0xffff, v44  }
0x208: {  	v23 =	vmovc v30;
	v42 =	vperm.xlane v29, v6;
	v41 =	vperm.xlane v29, v7;
	v44 =	vshll.u32 v45, $0x4;
	v48 =	vld.idx.msk [tilespmem:v48+s9+$0x0], $0xffff  }
0x209: {  	v49 =	vperm.xlane v25, v16;
	v30 =	vshll.u32 v46, $0x4;
	v44 =	vand.u32 $0x7FF0, v44  }
0x20a: {  	s21 =	sadd.s32 $0x20, s21;
	v50 =	vperm.xlane v24, v17;
	v24 =	vmovc v0;
	v30 =	vand.u32 $0x7FF0, v30;
	v44 =	vor.u32 v3, v44  }
0x20b: {  	v43 =	vshra.s32 v43, $0x7;
	v52 =	vshll.u32 v49, $0x4;
	v0 =	vor.u32 v3, v30;
	v51 =	vld [tilespmem:s21+$0x0]  }
0x20c: {  	v43 =	vand.u32 $0xFFFFFFF0, v43;
	v52 =	vand.u32 $0xFFFF0, v52;
	v53 =	vshll.u32 v50, $0x4;
	v30 =	vld [tilespmem:s21+$0xFFFFFFF0]  }
0x20d: {  	v43 =	vsub.s32 $0x10, v43;
	v52 =	vor.u32 v3, v52;
	v53 =	vand.u32 $0x7FF0, v53  }
0x20e: {  	v46 =	vshra.s32 v46, $0x7;
	v43 =	vshll.u32 v48, v43;
	v48 =	vor.u32 v3, v53  }
0x20f: {  	v49 =	vand.u32 $0xFFFF0000, v49;
	v46 =	vand.u32 $0xFFFFFFF0, v46;
	v43 =	vand.u32 $0xFFFF0000, v43;
	v44 =	vld.idx.msk [tilespmem:v44+s9+$0x0], $0xffff  }
0x210: {  	v46 =	vsub.s32 $0x10, v46;
	v43 =	vmul.f32 v43, v49;
	v0 =	vld.idx.msk [tilespmem:v0+s9+$0x0], $0xffff;
	v53 =	vperm.xlane v51, v1  }
0x211: {  	v55 =	vperm.xlane v24, v5;
	v54 =	vshll.u32 v47, $0x4;
	v49 =	vperm.xlane v30, v1  }
0x212: {  	v45 =	vshra.s32 v45, $0x7;
	v56 =	vshll.u32 v53, $0x4;
	[tilespmem:v52+s12+$0x0] =	vst.idx.add.f32.msk $0xffff, v43;
	v43 =	vperm.xlane v25, v17;
	v25 =	vmovc v51  }
0x213: {  	v45 =	vand.u32 $0xFFFFFFF0, v45;
	v52 =	vshll.u32 v55, $0x4;
	v51 =	vand.u32 $0xFFFF0, v56;
	v48 =	vld.idx.msk [tilespmem:v48+s9+$0x0], $0xffff  }
0x214: {  	v45 =	vsub.s32 $0x10, v45;
	v52 =	vand.u32 $0x7FF0, v52;
	v51 =	vor.u32 v3, v51  }
0x215: {  	v50 =	vshra.s32 v50, $0x7;
	v44 =	vshll.u32 v44, v45;
	v45 =	vor.u32 v3, v52  }
0x216: {  	v52 =	vand.u32 $0xFFFF0000, v53;
	v53 =	vshll.u32 v43, $0x4;
	v44 =	vand.u32 $0xFFFF0000, v44  }
0x217: {  	v50 =	vand.u32 $0xFFFFFFF0, v50;
	v44 =	vmul.f32 v44, v52;
	v52 =	vand.u32 $0xFFFF0, v53  }
0x218: {  	v0 =	vshll.u32 v0, v46;
	v46 =	vsub.s32 $0x10, v50;
	v50 =	vor.u32 v3, v52  }
0x219: {  	v0 =	vand.u32 $0xFFFF0000, v0;
	v52 =	vshll.u32 v49, $0x4;
	[tilespmem:v51+s12+$0x0] =	vst.idx.add.f32.msk $0xffff, v44;
	v44 =	vshll.u32 v48, v46  }
0x21a: {  	v43 =	vand.u32 $0xFFFF0000, v43;
	v46 =	vand.u32 $0xFFFF0000, v49;
	v45 =	vld.idx.msk [tilespmem:v45+s9+$0x0], $0xffff;
	v44 =	vand.u32 $0xFFFF0000, v44  }
0x21b: {  	v48 =	vand.u32 $0xFFFF0, v52;
	v49 =	vperm.xlane v25, v5;
	v43 =	vmul.f32 v44, v43  }
0x21c: {  	v0 =	vmul.f32 v0, v46;
	v46 =	vperm.xlane v24, v6;
	v44 =	vor.u32 v3, v48  }
0x21d: {  	v51 =	vshra.s32 v55, $0x7;
	v48 =	vand.u32 $0x7FF0, v54;
	v52 =	vshll.u32 v49, $0x4;
	[tilespmem:v50+s12+$0x0] =	vst.idx.add.f32.msk $0xffff, v43  }
0x21e: {  	v43 =	vand.u32 $0xFFFFFFF0, v51;
	v50 =	vand.u32 $0xFFFF0, v52;
	v51 =	vshll.u32 v46, $0x4  }
0x21f: {  	v43 =	vsub.s32 $0x10, v43;
	v50 =	vor.u32 v3, v50;
	v51 =	vand.u32 $0x7FF0, v51  }
0x220: {  	v48 =	vor.u32 v3, v48;
	v43 =	vshll.u32 v45, v43;
	v45 =	vor.u32 v3, v51  }
0x221: {  	v43 =	vand.u32 $0xFFFF0000, v43;
	[tilespmem:v44+s12+$0x0] =	vst.idx.add.f32.msk $0xffff, v0;
	v0 =	vshra.s32 v47, $0x7;
	v44 =	vand.u32 $0xFFFF0000, v49  }
0x222: {  	v47 =	vperm.xlane v30, v5;
	v0 =	vand.u32 $0xFFFFFFF0, v0;
	v43 =	vmul.f32 v43, v44  }
0x223: {  	v44 =	vshll.u32 v42, $0x4;
	v42 =	vshra.s32 v42, $0x7;
	v0 =	vsub.s32 $0x10, v0  }
0x224: {  	v49 =	vand.u32 $0xFFFF0000, v47;
	v47 =	vshll.u32 v47, $0x4;
	v44 =	vand.u32 $0x7FF0, v44;
	[tilespmem:v50+s12+$0x0] =	vst.idx.add.f32.msk $0xffff, v43  }
0x225: {  	v42 =	vand.u32 $0xFFFFFFF0, v42;
	v43 =	vand.u32 $0xFFFF0, v47;
	v44 =	vor.u32 v3, v44;
	v45 =	vld.idx.msk [tilespmem:v45+s9+$0x0], $0xffff  }
0x226: {  	v50 =	vperm.xlane v25, v6;
	v43 =	vor.u32 v3, v43;
	v47 =	vld.idx.msk [tilespmem:v48+s9+$0x0], $0xffff;
	v48 =	vperm.xlane v30, v6  }
0x227: {  	v52 =	vperm.xlane v24, v7;
	v51 =	vshll.u32 v41, $0x4;
	v42 =	vsub.s32 $0x10, v42  }
0x228: {  	v46 =	vshra.s32 v46, $0x7;
	v54 =	vshll.u32 v50, $0x4;
	v53 =	vshll.u32 v48, $0x4  }
0x229: {  	v46 =	vand.u32 $0xFFFFFFF0, v46;
	v55 =	vshll.u32 v52, $0x4;
	v54 =	vand.u32 $0xFFFF0, v54  }
0x22a: {  	v46 =	vsub.s32 $0x10, v46;
	v55 =	vand.u32 $0x7FF0, v55;
	v54 =	vor.u32 v3, v54  }
0x22b: {  	v48 =	vand.u32 $0xFFFF0000, v48;
	v45 =	vshll.u32 v45, v46;
	v46 =	vor.u32 v3, v55  }
0x22c: {  	v0 =	vshll.u32 v47, v0;
	v47 =	vand.u32 $0xFFFF0000, v50;
	v45 =	vand.u32 $0xFFFF0000, v45  }
0x22d: {  	v50 =	vand.u32 $0xFFFF0, v53;
	v0 =	vand.u32 $0xFFFF0000, v0;
	v45 =	vmul.f32 v45, v47  }
0x22e: {  	v47 =	vor.u32 v3, v50;
	v0 =	vmul.f32 v0, v49;
	v49 =	vand.u32 $0x7FF0, v51  }
0x22f: {  	v41 =	vshra.s32 v41, $0x7;
	v50 =	vperm.xlane v30, v7;
	v49 =	vor.u32 v3, v49;
	[tilespmem:v54+s12+$0x0] =	vst.idx.add.f32.msk $0xffff, v45  }
0x230: {  	v41 =	vand.u32 $0xFFFFFFF0, v41;
	v51 =	vperm.xlane v29, v2;
	v45 =	vperm.xlane v30, v2;
	v46 =	vld.idx.msk [tilespmem:v46+s9+$0x0], $0xffff  }
0x231: {  	[tilespmem:v43+s12+$0x0] =	vst.idx.add.f32.msk $0xffff, v0;
	v0 =	vsub.s32 $0x10, v41;
	v41 =	vshll.u32 v50, $0x4;
	v43 =	vperm.xlane v25, v7  }
0x232: {  	v53 =	vperm.xlane v24, v2;
	v50 =	vand.u32 $0xFFFF0000, v50;
	v44 =	vld.idx.msk [tilespmem:v44+s9+$0x0], $0xffff;
	v41 =	vand.u32 $0xFFFF0, v41  }
0x233: {  	v52 =	vshra.s32 v52, $0x7;
	v54 =	vshll.u32 v51, $0x4;
	v55 =	vshll.u32 v43, $0x4  }
0x234: {  	v52 =	vand.u32 $0xFFFFFFF0, v52;
	v56 =	vshll.u32 v53, $0x4;
	v55 =	vand.u32 $0xFFFF0, v55  }
0x235: {  	v52 =	vsub.s32 $0x10, v52;
	v56 =	vand.u32 $0x7FF0, v56;
	v55 =	vor.u32 v3, v55  }
0x236: {  	v41 =	vor.u32 v3, v41;
	v46 =	vshll.u32 v46, v52;
	v52 =	vor.u32 v3, v56  }
0x237: {  	v54 =	vand.u32 $0x7FF0, v54;
	v43 =	vand.u32 $0xFFFF0000, v43;
	v46 =	vand.u32 $0xFFFF0000, v46  }
0x238: {  	v42 =	vshll.u32 v44, v42;
	v44 =	vor.u32 v3, v54;
	v43 =	vmul.f32 v46, v43  }
0x239: {  	v46 =	vshra.s32 v51, $0x7;
	v51 =	vperm.xlane v29, v8;
	v42 =	vand.u32 $0xFFFF0000, v42  }
0x23a: {  	v46 =	vand.u32 $0xFFFFFFF0, v46;
	v42 =	vmul.f32 v42, v48;
	v48 =	vshll.u32 v45, $0x4;
	[tilespmem:v55+s12+$0x0] =	vst.idx.add.f32.msk $0xffff, v43  }
0x23b: {  	v43 =	vand.u32 $0xFFFF0000, v45;
	v45 =	vsub.s32 $0x10, v46;
	v46 =	vand.u32 $0xFFFF0, v48;
	v48 =	vld.idx.msk [tilespmem:v52+s9+$0x0], $0xffff  }
0x23c: {  	[tilespmem:v47+s12+$0x0] =	vst.idx.add.f32.msk $0xffff, v42;
	v42 =	vor.u32 v3, v46;
	v46 =	vshll.u32 v51, $0x4;
	v47 =	vperm.xlane v25, v2  }
0x23d: {  	v52 =	vperm.xlane v24, v8;
	v51 =	vshra.s32 v51, $0x7;
	v49 =	vld.idx.msk [tilespmem:v49+s9+$0x0], $0xffff;
	v46 =	vand.u32 $0x7FF0, v46  }
0x23e: {  	v53 =	vshra.s32 v53, $0x7;
	v46 =	vor.u32 v3, v46;
	v54 =	vshll.u32 v47, $0x4  }
0x23f: {  	v53 =	vand.u32 $0xFFFFFFF0, v53;
	v55 =	vshll.u32 v52, $0x4;
	v54 =	vand.u32 $0xFFFF0, v54  }
0x240: {  	v53 =	vsub.s32 $0x10, v53;
	v55 =	vand.u32 $0x7FF0, v55;
	v54 =	vor.u32 v3, v54  }
0x241: {  	v51 =	vand.u32 $0xFFFFFFF0, v51;
	v48 =	vshll.u32 v48, v53;
	v53 =	vor.u32 v3, v55  }
0x242: {  	v47 =	vand.u32 $0xFFFF0000, v47;
	v55 =	vperm.xlane v30, v8;
	v48 =	vand.u32 $0xFFFF0000, v48  }
0x243: {  	v0 =	vshll.u32 v49, v0;
	v49 =	vsub.s32 $0x10, v51;
	v47 =	vmul.f32 v48, v47  }
0x244: {  	v48 =	vshll.u32 v55, $0x4;
	v51 =	vperm.xlane v29, v9;
	v0 =	vand.u32 $0xFFFF0000, v0  }
0x245: {  	v48 =	vand.u32 $0xFFFF0, v48;
	v0 =	vmul.f32 v0, v50;
	v50 =	vand.u32 $0xFFFF0000, v55;
	[tilespmem:v54+s12+$0x0] =	vst.idx.add.f32.msk $0xffff, v47  }
0x246: {  	v47 =	vor.u32 v3, v48;
	v48 =	vshll.u32 v51, $0x4;
	v51 =	vshra.s32 v51, $0x7;
	v53 =	vld.idx.msk [tilespmem:v53+s9+$0x0], $0xffff  }
0x247: {  	[tilespmem:v41+s12+$0x0] =	vst.idx.add.f32.msk $0xffff, v0;
	v0 =	vand.u32 $0x7FF0, v48;
	v41 =	vand.u32 $0xFFFFFFF0, v51;
	v48 =	vperm.xlane v25, v8  }
0x248: {  	v54 =	vperm.xlane v24, v9;
	v51 =	vperm.xlane v30, v9;
	v44 =	vld.idx.msk [tilespmem:v44+s9+$0x0], $0xffff;
	v0 =	vor.u32 v3, v0  }
0x249: {  	v55 =	vsub.s32 $0x10, v41;
	v41 =	vshra.s32 v52, $0x7;
	v52 =	vshll.u32 v48, $0x4  }
0x24a: {  	v56 =	vshll.u32 v54, $0x4;
	v41 =	vand.u32 $0xFFFFFFF0, v41;
	v52 =	vand.u32 $0xFFFF0, v52  }
0x24b: {  	v56 =	vand.u32 $0x7FF0, v56;
	v41 =	vsub.s32 $0x10, v41;
	v52 =	vor.u32 v3, v52  }
0x24c: {  	v57 =	vperm.xlane v29, v4;
	v41 =	vshll.u32 v53, v41;
	v53 =	vor.u32 v3, v56  }
0x24d: {  	v48 =	vand.u32 $0xFFFF0000, v48;
	v56 =	vshll.u32 v51, $0x4;
	v41 =	vand.u32 $0xFFFF0000, v41  }
0x24e: {  	v44 =	vshll.u32 v44, v45;
	v45 =	vand.u32 $0xFFFF0000, v51;
	v41 =	vmul.f32 v41, v48  }
0x24f: {  	v48 =	vand.u32 $0xFFFF0, v56;
	v51 =	vshll.u32 v57, $0x4;
	v44 =	vand.u32 $0xFFFF0000, v44  }
0x250: {  	v43 =	vmul.f32 v44, v43;
	v44 =	vor.u32 v3, v48;
	v48 =	vand.u32 $0x7FF0, v51;
	[tilespmem:v52+s12+$0x0] =	vst.idx.add.f32.msk $0xffff, v41  }
0x251: {  	v51 =	vshra.s32 v57, $0x7;
	v41 =	vperm.xlane v30, v4;
	v48 =	vor.u32 v3, v48;
	v52 =	vld.idx.msk [tilespmem:v53+s9+$0x0], $0xffff  }
0x252: {  	[tilespmem:v42+s12+$0x0] =	vst.idx.add.f32.msk $0xffff, v43;
	v42 =	vand.u32 $0xFFFFFFF0, v51;
	v43 =	vperm.xlane v29, v10;
	v51 =	vperm.xlane v25, v9  }
0x253: {  	v56 =	vperm.xlane v24, v4;
	v53 =	vshll.u32 v41, $0x4;
	v46 =	vld.idx.msk [tilespmem:v46+s9+$0x0], $0xffff;
	v42 =	vsub.s32 $0x10, v42  }
0x254: {  	v57 =	vand.u32 $0xFFFF0000, v41;
	v41 =	vshra.s32 v54, $0x7;
	v54 =	vshll.u32 v51, $0x4  }
0x255: {  	v58 =	vshll.u32 v56, $0x4;
	v41 =	vand.u32 $0xFFFFFFF0, v41;
	v54 =	vand.u32 $0xFFFF0, v54  }
0x256: {  	v58 =	vand.u32 $0x7FF0, v58;
	v41 =	vsub.s32 $0x10, v41;
	v54 =	vor.u32 v3, v54  }
0x257: {  	v53 =	vand.u32 $0xFFFF0, v53;
	v41 =	vshll.u32 v52, v41;
	v52 =	vor.u32 v3, v58  }
0x258: {  	v51 =	vand.u32 $0xFFFF0000, v51;
	v58 =	vshll.u32 v43, $0x4;
	v41 =	vand.u32 $0xFFFF0000, v41  }
0x259: {  	v59 =	vor.u32 v3, v53;
	v46 =	vshll.u32 v46, v49;
	v41 =	vmul.f32 v41, v51  }
0x25a: {  	v43 =	vshra.s32 v43, $0x7;
	v49 =	vand.u32 $0x7FF0, v58;
	v46 =	vand.u32 $0xFFFF0000, v46  }
0x25b: {  	v43 =	vand.u32 $0xFFFFFFF0, v43;
	v46 =	vmul.f32 v46, v50;
	v50 =	vor.u32 v3, v49;
	[tilespmem:v54+s12+$0x0] =	vst.idx.add.f32.msk $0xffff, v41  }
0x25c: {  	v49 =	vperm.xlane v30, v10;
	v41 =	vsub.s32 $0x10, v43;
	v43 =	vperm.xlane v29, v11;
	v51 =	vld.idx.msk [tilespmem:v52+s9+$0x0], $0xffff  }
0x25d: {  	[tilespmem:v47+s12+$0x0] =	vst.idx.add.f32.msk $0xffff, v46;
	v46 =	vperm.xlane v30, v11;
	v47 =	vperm.xlane v25, v4  }
0x25e: {  	v58 =	vperm.xlane v24, v10;
	v54 =	vand.u32 $0xFFFF0000, v49;
	v49 =	vshll.u32 v49, $0x4;
	v0 =	vld.idx.msk [tilespmem:v0+s9+$0x0], $0xffff  }
0x25f: {  	v52 =	vshra.s32 v56, $0x7;
	v49 =	vand.u32 $0xFFFF0, v49;
	v53 =	vshll.u32 v47, $0x4  }
0x260: {  	v56 =	vshll.u32 v58, $0x4;
	v52 =	vand.u32 $0xFFFFFFF0, v52;
	v53 =	vand.u32 $0xFFFF0, v53  }
0x261: {  	v56 =	vand.u32 $0x7FF0, v56;
	v52 =	vsub.s32 $0x10, v52;
	v53 =	vor.u32 v3, v53  }
0x262: {  	v60 =	vshll.u32 v43, $0x4;
	v51 =	vshll.u32 v51, v52;
	v52 =	vor.u32 v3, v56  }
0x263: {  	v47 =	vand.u32 $0xFFFF0000, v47;
	v56 =	vor.u32 v3, v49;
	v49 =	vand.u32 $0xFFFF0000, v51  }
0x264: {  	v51 =	vand.u32 $0x7FF0, v60;
	v0 =	vshll.u32 v0, v55;
	v47 =	vmul.f32 v49, v47  }
0x265: {  	v43 =	vshra.s32 v43, $0x7;
	v55 =	vor.u32 v3, v51;
	v0 =	vand.u32 $0xFFFF0000, v0  }
0x266: {  	v43 =	vand.u32 $0xFFFFFFF0, v43;
	v0 =	vmul.f32 v0, v45;
	v45 =	vperm.xlane v29, v12;
	[tilespmem:v53+s12+$0x0] =	vst.idx.add.f32.msk $0xffff, v47  }
0x267: {  	v49 =	vand.u32 $0xFFFF0000, v46;
	v53 =	vsub.s32 $0x10, v43;
	v43 =	vshll.u32 v46, $0x4;
	v46 =	vld.idx.msk [tilespmem:v52+s9+$0x0], $0xffff  }
0x268: {  	[tilespmem:v44+s12+$0x0] =	vst.idx.add.f32.msk $0xffff, v0;
	v0 =	vand.u32 $0xFFFF0, v43;
	v43 =	vshll.u32 v45, $0x4;
	v44 =	vperm.xlane v25, v10  }
0x269: {  	v47 =	vld.idx.msk [tilespmem:v48+s9+$0x0], $0xffff;
	v52 =	vor.u32 v3, v0;
	v0 =	vand.u32 $0x7FF0, v43;
	v43 =	vperm.xlane v24, v11  }
0x26a: {  	v51 =	vor.u32 v3, v0;
	v0 =	vshra.s32 v58, $0x7;
	v48 =	vshll.u32 v44, $0x4  }
0x26b: {  	v0 =	vand.u32 $0xFFFFFFF0, v0;
	v48 =	vand.u32 $0xFFFF0, v48;
	v58 =	vshll.u32 v43, $0x4  }
0x26c: {  	v0 =	vsub.s32 $0x10, v0;
	v60 =	vor.u32 v3, v48;
	v48 =	vand.u32 $0x7FF0, v58  }
0x26d: {  	v45 =	vshra.s32 v45, $0x7;
	v0 =	vshll.u32 v46, v0;
	v46 =	vor.u32 v3, v48  }
0x26e: {  	v45 =	vand.u32 $0xFFFFFFF0, v45;
	v44 =	vand.u32 $0xFFFF0000, v44;
	v0 =	vand.u32 $0xFFFF0000, v0  }
0x26f: {  	v58 =	vperm.xlane v30, v12;
	v42 =	vshll.u32 v47, v42;
	v0 =	vmul.f32 v0, v44  }
0x270: {  	v48 =	vsub.s32 $0x10, v45;
	v42 =	vand.u32 $0xFFFF0000, v42;
	v44 =	vperm.xlane v29, v13  }
0x271: {  	v47 =	vand.u32 $0xFFFF0000, v58;
	v45 =	vshll.u32 v58, $0x4;
	v42 =	vmul.f32 v42, v57;
	[tilespmem:v60+s12+$0x0] =	vst.idx.add.f32.msk $0xffff, v0  }
0x272: {  	v0 =	vand.u32 $0xFFFF0, v45;
	v57 =	vshll.u32 v44, $0x4;
	v44 =	vshra.s32 v44, $0x7;
	v58 =	vld.idx.msk [tilespmem:v46+s9+$0x0], $0xffff  }
0x273: {  	v45 =	vor.u32 v3, v0;
	v0 =	vand.u32 $0x7FF0, v57;
	v57 =	vperm.xlane v25, v11;
	[tilespmem:v59+s12+$0x0] =	vst.idx.add.f32.msk $0xffff, v42  }
0x274: {  	v46 =	vor.u32 v3, v0;
	v0 =	vand.u32 $0xFFFFFFF0, v44;
	v59 =	vperm.xlane v24, v12;
	v50 =	vld.idx.msk [tilespmem:v50+s9+$0x0], $0xffff  }
0x275: {  	v44 =	vperm.xlane v30, v13;
	v42 =	vshra.s32 v43, $0x7;
	v43 =	vshll.u32 v57, $0x4  }
0x276: {  	v42 =	vand.u32 $0xFFFFFFF0, v42;
	v43 =	vand.u32 $0xFFFF0, v43;
	v60 =	vshll.u32 v59, $0x4  }
0x277: {  	v61 =	vsub.s32 $0x10, v42;
	v43 =	vor.u32 v3, v43;
	v60 =	vand.u32 $0x7FF0, v60  }
0x278: {  	v42 =	vsub.s32 $0x10, v0;
	v0 =	vshll.u32 v58, v61;
	v58 =	vor.u32 v3, v60  }
0x279: {  	v57 =	vand.u32 $0xFFFF0000, v57;
	v60 =	vperm.xlane v29, v14;
	v0 =	vand.u32 $0xFFFF0000, v0  }
0x27a: {  	v41 =	vshll.u32 v50, v41;
	v50 =	vshll.u32 v44, $0x4;
	v0 =	vmul.f32 v0, v57  }
0x27b: {  	v44 =	vand.u32 $0xFFFF0000, v44;
	v41 =	vand.u32 $0xFFFF0000, v41;
	v50 =	vand.u32 $0xFFFF0, v50  }
0x27c: {  	v54 =	vmul.f32 v41, v54;
	v41 =	vor.u32 v3, v50;
	v50 =	vshll.u32 v60, $0x4;
	[tilespmem:v43+s12+$0x0] =	vst.idx.add.f32.msk $0xffff, v0  }
0x27d: {  	v0 =	vperm.xlane v30, v14;
	v43 =	vand.u32 $0x7FF0, v50;
	v50 =	vshra.s32 v60, $0x7;
	v57 =	vld.idx.msk [tilespmem:v58+s9+$0x0], $0xffff  }
0x27e: {  	v43 =	vor.u32 v3, v43;
	v50 =	vand.u32 $0xFFFFFFF0, v50;
	[tilespmem:v56+s12+$0x0] =	vst.idx.add.f32.msk $0xffff, v54;
	v54 =	vperm.xlane v25, v12  }
0x27f: {  	v58 =	vperm.xlane v24, v13;
	v50 =	vsub.s32 $0x10, v50;
	v56 =	vperm.xlane v29, v15;
	v55 =	vld.idx.msk [tilespmem:v55+s9+$0x0], $0xffff  }
0x280: {  	v59 =	vshra.s32 v59, $0x7;
	v60 =	vshll.u32 v0, $0x4;
	v61 =	vshll.u32 v54, $0x4  }
0x281: {  	v59 =	vand.u32 $0xFFFFFFF0, v59;
	v62 =	vshll.u32 v58, $0x4;
	v61 =	vand.u32 $0xFFFF0, v61  }
0x282: {  	v59 =	vsub.s32 $0x10, v59;
	v62 =	vand.u32 $0x7FF0, v62;
	v61 =	vor.u32 v3, v61  }
0x283: {  	v0 =	vand.u32 $0xFFFF0000, v0;
	v57 =	vshll.u32 v57, v59;
	v59 =	vor.u32 v3, v62  }
0x284: {  	v40 =	vmul.f32 v40, v31;
	v31 =	vmovc v0;
	v54 =	vand.u32 $0xFFFF0000, v54;
	v57 =	vand.u32 $0xFFFF0000, v57  }
0x285: {  	v0 =	vshll.u32 v55, v53;
	v53 =	vand.u32 $0xFFFF0, v60;
	v54 =	vmul.f32 v57, v54  }
0x286: {  	v55 =	vshll.u32 v56, $0x4;
	v0 =	vand.u32 $0xFFFF0000, v0;
	[tilespmem:v33+s12+$0x0] =	vst.idx.add.f32.msk $0xffff, v40;
	v33 =	vor.u32 v3, v53  }
0x287: {  	v0 =	vmul.f32 v0, v49;
	v40 =	vand.u32 $0x7FF0, v55;
	v49 =	vshra.s32 v56, $0x7;
	[tilespmem:v61+s12+$0x0] =	vst.idx.add.f32.msk $0xffff, v54  }
0x288: {  	v53 =	vperm.xlane v30, v15;
	v40 =	vor.u32 v3, v40;
	v49 =	vand.u32 $0xFFFFFFF0, v49;
	v54 =	vld.idx.msk [tilespmem:v59+s9+$0x0], $0xffff  }
0x289: {  	[tilespmem:v52+s12+$0x0] =	vst.idx.add.f32.msk $0xffff, v0;
	v0 =	vsub.s32 $0x10, v49;
	v49 =	vperm.xlane v29, v16;
	v52 =	vperm.xlane v25, v13  }
0x28a: {  	v56 =	vperm.xlane v24, v14;
	v55 =	vand.u32 $0xFFFF0000, v53;
	v53 =	vshll.u32 v53, $0x4;
	v51 =	vld.idx.msk [tilespmem:v51+s9+$0x0], $0xffff  }
0x28b: {  	v57 =	vshra.s32 v58, $0x7;
	v53 =	vand.u32 $0xFFFF0, v53;
	v58 =	vshll.u32 v52, $0x4;
	v59 =	vld.idx.msk [tilespmem:v34+s9+$0x0], $0xffff;
	v34 =	vmovc v40  }
0x28c: {  	v40 =	vand.u32 $0xFFFFFFF0, v57;
	v57 =	vand.u32 $0xFFFF0, v58;
	v58 =	vshll.u32 v56, $0x4  }
0x28d: {  	v40 =	vsub.s32 $0x10, v40;
	v57 =	vor.u32 v3, v57;
	v58 =	vand.u32 $0x7FF0, v58  }
0x28e: {  	v60 =	vshll.u32 v49, $0x4;
	v40 =	vshll.u32 v54, v40;
	v54 =	vor.u32 v3, v58  }
0x28f: {  	v53 =	vor.u32 v3, v53;
	v52 =	vand.u32 $0xFFFF0000, v52;
	v40 =	vand.u32 $0xFFFF0000, v40  }
0x290: {  	v48 =	vshll.u32 v51, v48;
	v51 =	vand.u32 $0x7FF0, v60;
	v40 =	vmul.f32 v40, v52  }
0x291: {  	v48 =	vand.u32 $0xFFFF0000, v48;
	v51 =	vor.u32 v3, v51;
	v52 =	vshll.u32 v59, v32;
	v32 =	vmovc v0  }
0x292: {  	v0 =	vmul.f32 v48, v47;
	v47 =	vshra.s32 v49, $0x7;
	[tilespmem:v57+s12+$0x0] =	vst.idx.add.f32.msk $0xffff, v40;
	v40 =	vand.u32 $0xFFFF0000, v52  }
0x293: {  	v48 =	vperm.xlane v30, v16;
	v47 =	vand.u32 $0xFFFFFFF0, v47;
	v49 =	vld.idx.msk [tilespmem:v54+s9+$0x0], $0xffff;
	v40 =	vmul.f32 v40, v36;
	v36 =	vmovc v55  }
0x294: {  	v29 =	vperm.xlane v29, v17;
	[tilespmem:v45+s12+$0x0] =	vst.idx.add.f32.msk $0xffff, v0;
	v0 =	vsub.s32 $0x10, v47;
	v45 =	vperm.xlane v25, v14  }
0x295: {  	v52 =	vperm.xlane v24, v15;
	v47 =	vand.u32 $0xFFFF0000, v48;
	v48 =	vshll.u32 v48, $0x4;
	v46 =	vld.idx.msk [tilespmem:v46+s9+$0x0], $0xffff  }
0x296: {  	v54 =	vshra.s32 v56, $0x7;
	v48 =	vand.u32 $0xFFFF0, v48;
	v55 =	vshll.u32 v45, $0x4;
	[tilespmem:v37+s12+$0x0] =	vst.idx.add.f32.msk $0xffff, v40;
	v37 =	vmovc v53  }
0x297: {  	v40 =	vand.u32 $0xFFFFFFF0, v54;
	v54 =	vshll.u32 v52, $0x4;
	v53 =	vand.u32 $0xFFFF0, v55;
	v55 =	vld.idx.msk [tilespmem:v38+s9+$0x0], $0xffff;
	v38 =	vmovc v51  }
0x298: {  	v40 =	vsub.s32 $0x10, v40;
	v51 =	vor.u32 v3, v53;
	v53 =	vand.u32 $0x7FF0, v54  }
0x299: {  	v54 =	vshll.u32 v29, $0x4;
	v40 =	vshll.u32 v49, v40;
	v49 =	vor.u32 v3, v53  }
0x29a: {  	v48 =	vor.u32 v3, v48;
	v45 =	vand.u32 $0xFFFF0000, v45;
	v40 =	vand.u32 $0xFFFF0000, v40  }
0x29b: {  	v42 =	vshll.u32 v46, v42;
	v46 =	vand.u32 $0x7FF0, v54;
	v40 =	vmul.f32 v40, v45  }
0x29c: {  	v29 =	vshra.s32 v29, $0x7;
	v42 =	vand.u32 $0xFFFF0000, v42;
	v45 =	vor.u32 v3, v46  }
.Ltmp1:
0x29d: {  	v29 =	vand.u32 $0xFFFFFFF0, v29;
	v42 =	vmul.f32 v42, v44;
	[tilespmem:v51+s12+$0x0] =	vst.idx.add.f32.msk $0xffff, v40;
	v40 =	vshll.u32 v55, v39;
	(pc) =	sbr.rel @p0 .LBB2_6-.Ltmp1, $4  }
0x29e: {  	v30 =	vperm.xlane v30, v17;
	v51 =	vsub.s32 $0x10, v29;
	v39 =	vmovc v0;
	v44 =	vld.idx.msk [tilespmem:v49+s9+$0x0], $0xffff;
	v29 =	vand.u32 $0xFFFF0000, v40  }
0x29f: {  	v46 =	vperm.xlane v25, v15;
	[tilespmem:v41+s12+$0x0] =	vst.idx.add.f32.msk $0xffff, v42;
	v0 =	vmul.f32 v29, v35;
	v35 =	vmov v47  }
0x2a0: {  	v40 =	vshll.u32 v30, $0x4;
	v41 =	vshll.u32 v26, v20;
	v20 =	vmovc v27;
	v47 =	vld.idx.msk [tilespmem:v43+s9+$0x0], $0xffff;
	v43 =	vperm.xlane v24, v16  }
0x2a1: {  	s23 =	sadd.s32 $0x20, s23;
	v26 =	vshra.s32 v52, $0x7;
	v29 =	vshll.u32 v46, $0x4;
	v27 =	vmovc v51;
	v41 =	vand.u32 $0xFFFF0000, v41;
	[tilespmem:v28+s12+$0x0] =	vst.idx.add.f32.msk $0xffff, v0;
	v28 =	vmovc v48  }
0x2a2: {  	_ =	sdelay $0x2  }
0x2a3: {  	v0 =	vshll.u32 v47, v50  }
0x2a4: {  	v0 =	vand.u32 $0xFFFF0000, v0  }
0x2a5: {  	v0 =	vmul.f32 v0, v31;
	_ =	sdelay $0x1  }
0x2a6: {  	[tilespmem:v33+s12+$0x0] =	vst.idx.add.f32.msk $0xffff, v0  }
0x2a7: {  	v0 =	vld.idx.msk [tilespmem:v34+s9+$0x0], $0xffff  }
0x2a8: {  	v26 =	vand.u32 $0xFFFFFFF0, v26;
	v29 =	vand.u32 $0xFFFF0, v29;
	v51 =	vshll.u32 v43, $0x4  }
0x2a9: {  	v26 =	vsub.s32 $0x10, v26;
	v29 =	vor.u32 v3, v29;
	v31 =	vand.u32 $0x7FF0, v51  }
0x2aa: {  	v26 =	vshll.u32 v44, v26;
	v31 =	vor.u32 v3, v31  }
0x2ab: {  	v52 =	vand.u32 $0xFFFF0000, v46;
	v26 =	vand.u32 $0xFFFF0000, v26  }
0x2ac: {  	v26 =	vmul.f32 v26, v52;
	v0 =	vshll.u32 v0, v32  }
0x2ad: {  	v0 =	vand.u32 $0xFFFF0000, v0  }
0x2ae: {  	[tilespmem:v29+s12+$0x0] =	vst.idx.add.f32.msk $0xffff, v26;
	v0 =	vmul.f32 v0, v36  }
0x2af: {  	v53 =	vperm.xlane v25, v16;
	v26 =	vld.idx.msk [tilespmem:v31+s9+$0x0], $0xffff  }
0x2b0: {  	v24 =	vperm.xlane v24, v17;
	[tilespmem:v37+s12+$0x0] =	vst.idx.add.f32.msk $0xffff, v0  }
0x2b1: {  	v54 =	vshll.u32 v53, $0x4;
	v0 =	vshra.s32 v43, $0x7;
	v55 =	vld.idx.msk [tilespmem:v38+s9+$0x0], $0xffff  }
0x2b2: {  	v56 =	vshll.u32 v24, $0x4;
	v31 =	vand.u32 $0xFFFF0, v54;
	v0 =	vand.u32 $0xFFFFFFF0, v0  }
0x2b3: {  	v33 =	vand.u32 $0x7FF0, v56;
	v31 =	vor.u32 v3, v31;
	v0 =	vsub.s32 $0x10, v0  }
0x2b4: {  	v57 =	vor.u32 v3, v33;
	v0 =	vshll.u32 v26, v0  }
0x2b5: {  	v29 =	vand.u32 $0xFFFF0000, v53;
	v0 =	vand.u32 $0xFFFF0000, v0  }
0x2b6: {  	v0 =	vmul.f32 v0, v29;
	v58 =	vshll.u32 v55, v39  }
0x2b7: {  	v22 =	vld.idx.msk [tilespmem:v22+s9+$0x0], $0xffff;
	v29 =	vand.u32 $0xFFFF0000, v58  }
0x2b8: {  	[tilespmem:v31+s12+$0x0] =	vst.idx.add.f32.msk $0xffff, v0;
	v0 =	vmul.f32 v29, v35  }
0x2b9: {  	v59 =	vperm.xlane v25, v17;
	v26 =	vld.idx.msk [tilespmem:v57+s9+$0x0], $0xffff  }
0x2ba: {  	[tilespmem:v28+s12+$0x0] =	vst.idx.add.f32.msk $0xffff, v0  }
0x2bb: {  	v60 =	vshll.u32 v59, $0x4;
	v0 =	vshra.s32 v24, $0x7;
	v28 =	vld.idx.msk [tilespmem:v45+s9+$0x0], $0xffff  }
0x2bc: {  	v24 =	vand.u32 $0xFFFF0, v60;
	v0 =	vand.u32 $0xFFFFFFF0, v0  }
0x2bd: {  	v61 =	vand.u32 $0xFFFF0, v40;
	v24 =	vor.u32 v3, v24;
	v0 =	vsub.s32 $0x10, v0  }
0x2be: {  	v18 =	vmul.f32 v41, v18;
	s20 =	sadd.s32 $0x1, s20;
	v25 =	vand.u32 $0xFFFF0000, v59;
	v0 =	vshll.u32 v26, v0  }
0x2bf: {  	p0 =	sne.s32 s20, $0x10;
	v20 =	vshll.u32 v22, v20;
	v29 =	vor.u32 v3, v61;
	v0 =	vand.u32 $0xFFFF0000, v0  }
.Ltmp2:
0x2c0: {  	v20 =	vand.u32 $0xFFFF0000, v20;
	v0 =	vmul.f32 v0, v25;
	v62 =	vshll.u32 v28, v27;
	(pc) =	sbr.rel @p0 .LBB2_5-.Ltmp2, $4  }
0x2c1: {  	v63 =	vand.u32 $0xFFFF0000, v30;
	[tilespmem:v19+s12+$0x0] =	vst.idx.add.f32.msk $0xffff, v18;
	v18 =	vmul.f32 v20, v21;
	v19 =	vand.u32 $0xFFFF0000, v62  }
0x2c2: {  	[tilespmem:v24+s12+$0x0] =	vst.idx.add.f32.msk $0xffff, v0;
	v0 =	vmul.f32 v19, v63  }
0x2c3: {  	[tilespmem:v23+s12+$0x0] =	vst.idx.add.f32.msk $0xffff, v18  }
0x2c4: {  	s18 =	sadd.s32 $0x80, s18;
	s19 =	sadd.s32 $0x80, s19;
	[tilespmem:v29+s12+$0x0] =	vst.idx.add.f32.msk $0xffff, v0  }
0x2c5: {  	s17 =	sadd.s32 $0x1, s17  }
0x2c6: {  	p0 =	sne.s32 s17, $0x8  }
.Ltmp3:
0x2c7: {  	_ = 	snop;
	(pc) =	sbr.rel @p0 .LBB2_4-.Ltmp3, $1  }
0x2c8: {  	_ =	sdelay $0x3  }
0x2c9: {  	s15 =	sadd.s32 $0x1, s15  }
0x2ca: {  	p0 =	sne.s32 s15, s8  }
.Ltmp4:
0x2cb: {  	_ = 	snop;
	(pc) =	sbr.rel @p0 .LBB2_1-.Ltmp4, $4  }
0x2cc: {  	[hbm4b:s7+s13] =	stream.strided.scatter [tilespmem:s12], [sflag:$0x1], $0x10000, s14, s13, $0x38;
	[tilespmem:$0x19000] =	vst v63  }
0x2cd: {  	_ =	swait.ge [sflag:s10], $0x10000  }
0x2ce: {  	[sflag:s10] =	ssyncset.done $0x0  }
0x2cf: {  	v0 =	vimm.f32 $0.0e+00;
	[sflag:s10] =	ssyncadd.s32 $0xFFFF0000  }
0x2d0: {  	_ =	sfence.sel $0x180000  }
0x2d1: {  	[bflag:$0x0] =	sbarrier.arrive $0xFFFF  }
0x2d2: {  	p0 =	sne.s32 s1, $0x0;
	_ =	strace $0x9000004A  }
0x2d3: {  	s0 =	sadd.s32 @!p0 $0x100000, s0;
	[bflag:$0x2] =	sbarrier.arrive $0xFFFF  }
0x2d4: {  	[sflag:s0] =	ssyncadd.tile.s32 @!p0 $0x1;
	_ =	shalt  }
.Lfunc_end2:
_tile_overlayer_lowered:
.L_overlay_start_2:
0x2d5: {  	(tag) =	ssettag $0x2  }
0x2d6: {  	s0 =	rddreg [dreg:$0x0];
	s2 =	stileid.u32  }
0x2d7: {  	s1 =	rddreg [dreg:$0x1];
	p0 =	sne.s32 s2, $0x0  }
0x2d8: {  	s3 =	rddreg [dreg:$0x2];
	[bflag:$0x3] =	sbarrier.arrive $0xFFFF;
	s2 =	simm.s32 @!p0 $0x1C01  }
0x2d9: {  	[timem:s3], [sflag:s2] =	dma.local @!p0 [hbm:s0], s1  }
0x2da: {  	s0 =	simm.s32 @!p0 $0x1  }
0x2db: {  	_ =	swait.ge @!p0 [sflag:s0], s1  }
0x2dc: {  	s1 =	ssub.s32 @!p0 $0x0, s1;
	[sflag:s0] =	ssyncset.done @!p0 $0x0  }
0x2dd: {  	[sflag:s0] =	ssyncadd.s32 @!p0 s1  }
0x2de: {  	[bflag:$0x3] =	sbarrier.arrive $0xFFFF  }
0x2df: {  	_ =	shalt  }

// kernel: kernel.18.cloned.1.call-start
scs
__scs_entry_jumppad:
0x0: {  	(pc) =	sbr.rel $0x88, $3  }
0x1: {  	(tag) =	ssettag $0x0;
	lr =	simm.s32 $0x1  }
0x2: {  	[smem:$0x3F98] =	sst lr;
	_ =	strace $0xD0000000  }
0x3: {  	_ = 	snop  }
0x4: {  	_ = 	snop  }
0x5: {  	_ = 	snop  }
0x6: {  	_ = 	snop  }
0x7: {  	_ = 	snop  }
__scs_overlays_trampoline_lowered:
0x8: {  	[smem:$0x3FA7] =	sst s0  }
0x9: {  	[smem:$0x3FA8] =	sst s1  }
0xa: {  	[smem:$0x3FA9] =	sst s2  }
0xb: {  	[smem:$0x3FAA] =	sst s3  }
0xc: {  	[smem:$0x3FAB] =	sst s4  }
0xd: {  	[smem:$0x3FAC] =	sst s5  }
0xe: {  	[smem:$0x3FAD] =	sst s6  }
0xf: {  	[smem:$0x3FAE] =	sst s7  }
0x10: {  	[smem:$0x3FAF] =	sst s8  }
0x11: {  	[smem:$0x3FB0] =	sst s9;
	s0 =	simm.s32 @!p0 $0x0  }
0x12: {  	s1 =	sld [smem:$0x3F96];
	s0 =	simm.s32 @p0 $0x1  }
0x13: {  	[smem:$0x3FB1] =	sst s0;
	s0 =	simm.s32 @!p1 $0x0  }
0x14: {  	s2 =	sld [smem:$0x3F95];
	s0 =	simm.s32 @p1 $0x1  }
0x15: {  	[smem:$0x3FB2] =	sst s0;
	s0 =	simm.s32 @!p2 $0x0  }
0x16: {  	s3 =	sld [smem:$0x3FDB];
	s0 =	simm.s32 @p2 $0x1  }
0x17: {  	s4 =	simm.s32 $0x1BF5;
	[smem:$0x3FB4] =	sst s0  }
0x18: {  	s0 =	sld [smem:$0x3F97];
	_ =	swait.ge [sflag:s4], $0x0  }
0x19: {  	s7 =	sld [smem:$0x3F98]  }
0x1a: {  	s8 =	sadd.s32 $0xFFFFE003, lr  }
0x1b: {  	s9 =	sadd.s32 $0xFFFFFEF7, lr;
	s5 =	simm.s32 $0xFFFFFFFF;
	p2 =	slt.u32 s8, $0xFFFFF086  }
0x1c: {  	p1 =	slt.u32 s9, $0xF7A;
	s5 =	simm.s32 @!p2 $0x0  }
0x1d: {  	s5 =	simm.s32 @p1 $0x1;
	p0 =	seq.s32 s7, s2  }
0x1e: {  	s7 =	smul.u32 @!p0 $0xF7A, s2;
	p2 =	seq.s32 @!p0 s5, $0x0  }
0x1f: {  	s9 =	smul.u32 $0xF7A, s1;
	s8 =	simm.s32 @!p0 $0x1BF5;
	p2 =	por !p2, p0  }
0x20: {  	[sflag:s8] =	ssyncset.s32 @!p0 $0xFFFFF086;
	s6 =	sadd.s32 @!p0 s3, s7;
	s7 =	simm.s32 @!p0 $0x108  }
0x21: {  	s3 =	sadd.s32 s3, s9;
	s6 =	sadd.s32 @!p0 $0x88, s6;
	s7 =	simm.s32 @p2 $0x1082  }
0x22: {  	[simem:s7], [sflag:s8] =	dma.local @!p0 [hbm:s6], $0xF7A  }
0x23: {  	s9 =	sor.u32 $0xD0000000, s2;
	s6 =	simm.s32 $0x108;
	_ =	swait.ge @!p0 [sflag:s8], $0x0  }
0x24: {  	s3 =	sadd.s32 $0x88, s3;
	s6 =	simm.s32 @!p1 $0x1082;
	[sflag:s4] =	ssyncset.s32 $0xFFFFF086  }
0x25: {  	[simem:s6], [sflag:s4] =	dma.local [hbm:s3], $0xF7A  }
0x26: {  	[smem:$0x3F98] =	sst s1;
	(tag) =	ssettag s2;
	_ =	strace s9  }
0x27: {  	s1 =	sld [smem:$0x3FA8]  }
0x28: {  	s2 =	sld [smem:$0x3FA9]  }
0x29: {  	s4 =	sld [smem:$0x3FAB]  }
0x2a: {  	p0 =	seq.s32 s5, $0x0;
	s5 =	sld [smem:$0x3FAC]  }
0x2b: {  	s6 =	sld [smem:$0x3FAD]  }
0x2c: {  	s7 =	sld [smem:$0x3FAE]  }
0x2d: {  	s3 =	simm.s32 $0x108;
	s8 =	sld [smem:$0x3FAF]  }
0x2e: {  	s3 =	simm.s32 @!p0 $0x1082;
	s9 =	sld [smem:$0x3FB0]  }
0x2f: {  	lr =	sadd.s32 s0, s3;
	s0 =	sld [smem:$0x3FA7]  }
0x30: {  	s3 =	sld [smem:$0x3FAA]  }
0x31: {  	[smem:$0x3FB3] =	sst s10  }
0x32: {  	s10 =	sld [smem:$0x3FB1];
	_ =	sdelay $0x3  }
0x33: {  	p0 =	seq.s32 s10, $0x1;
	s10 =	sld [smem:$0x3FB3];
	_ =	sdelay $0x3  }
0x34: {  	[smem:$0x3FB3] =	sst s10  }
0x35: {  	s10 =	sld [smem:$0x3FB2];
	_ =	sdelay $0x3  }
0x36: {  	p1 =	seq.s32 s10, $0x1;
	s10 =	sld [smem:$0x3FB3];
	_ =	sdelay $0x3  }
0x37: {  	[smem:$0x3FB3] =	sst s10  }
0x38: {  	s10 =	sld [smem:$0x3FB4]  }
0x39: {  	_ = 	snop;
	(pc) =	sbr.ind lr, $3  }
0x3a: {  	_ = 	snop  }
0x3b: {  	_ = 	snop  }
0x3c: {  	p2 =	seq.s32 s10, $0x1;
	s10 =	sld [smem:$0x3FB3]  }
0x3d: {  	_ =	shalt  }
0x3e: {  	_ =	shalt  }
0x3f: {  	_ =	shalt  }
0x40: {  	_ =	shalt  }
0x41: {  	_ =	shalt  }
0x42: {  	_ =	shalt  }
0x43: {  	_ =	shalt  }
0x44: {  	_ =	shalt  }
0x45: {  	_ =	shalt  }
0x46: {  	_ =	shalt  }
0x47: {  	_ =	shalt  }
0x48: {  	_ =	shalt  }
0x49: {  	_ =	shalt  }
0x4a: {  	_ =	shalt  }
0x4b: {  	_ =	shalt  }
0x4c: {  	_ =	shalt  }
0x4d: {  	_ =	shalt  }
0x4e: {  	_ =	shalt  }
0x4f: {  	_ =	shalt  }
0x50: {  	_ =	shalt  }
0x51: {  	_ =	shalt  }
0x52: {  	_ =	shalt  }
0x53: {  	_ =	shalt  }
0x54: {  	_ =	shalt  }
0x55: {  	_ =	shalt  }
0x56: {  	_ =	shalt  }
0x57: {  	_ =	shalt  }
0x58: {  	_ =	shalt  }
0x59: {  	_ =	shalt  }
0x5a: {  	_ =	shalt  }
0x5b: {  	_ =	shalt  }
0x5c: {  	_ =	shalt  }
0x5d: {  	_ =	shalt  }
0x5e: {  	_ =	shalt  }
0x5f: {  	_ =	shalt  }
0x60: {  	_ =	shalt  }
0x61: {  	_ =	shalt  }
0x62: {  	_ =	shalt  }
0x63: {  	_ =	shalt  }
0x64: {  	_ =	shalt  }
0x65: {  	_ =	shalt  }
0x66: {  	_ =	shalt  }
0x67: {  	_ =	shalt  }
0x68: {  	_ =	shalt  }
0x69: {  	_ =	shalt  }
0x6a: {  	_ =	shalt  }
0x6b: {  	_ =	shalt  }
0x6c: {  	_ =	shalt  }
0x6d: {  	_ =	shalt  }
0x6e: {  	_ =	shalt  }
0x6f: {  	_ =	shalt  }
0x70: {  	_ =	shalt  }
0x71: {  	_ =	shalt  }
0x72: {  	_ =	shalt  }
0x73: {  	_ =	shalt  }
0x74: {  	_ =	shalt  }
0x75: {  	_ =	shalt  }
0x76: {  	_ =	shalt  }
0x77: {  	_ =	shalt  }
0x78: {  	_ =	shalt  }
0x79: {  	_ =	shalt  }
0x7a: {  	_ =	shalt  }
0x7b: {  	_ =	shalt  }
0x7c: {  	_ =	shalt  }
0x7d: {  	_ =	shalt  }
0x7e: {  	_ =	shalt  }
0x7f: {  	_ =	shalt  }
0x80: {  	_ =	shalt  }
0x81: {  	_ =	shalt  }
0x82: {  	_ =	shalt  }
0x83: {  	_ =	shalt  }
0x84: {  	_ =	shalt  }
0x85: {  	_ =	shalt  }
0x86: {  	_ =	shalt  }
0x87: {  	_ =	shalt  }
.Lfunc_end0:
.L_simem_size_0:
called_computation.2_lowered:
.L_overlay_start_0:
0x88: {  	s2 =	sld [smem:$0x3FD9]  }
0x89: {  	s3 =	sld [smem:$0x3FFE];
	_ =	sdelay $0x1  }
0x8a: {  	s1 =	srdreg.scid  }
0x8b: {  	s0 =	sand.u32 $0x1, s1  }
0x8c: {  	s14 =	sshll.u32 s0, $0xA;
	s2 =	sadd.s32 s3, s2  }
0x8d: {  	s2 =	sadd.s32 s2, s14  }
0x8e: {  	[smem:$0x3FBF] =	sst s2  }
0x8f: {  	_ = 	snop  }
0x90: {  	s2 =	sld [smem:$0x3FD0];
	_ =	sdelay $0x2  }
0x91: {  	s15 =	simm.s32 $0xA;
	s4 =	simm.s32 $0x10  }
0x92: {  	[smem:s4], [sflag:s15] =	dma.local [hbm:s2], $0x1  }
0x93: {  	_ =	swait.eq [sflag:s15], $0x1  }
0x94: {  	[sflag:s15] =	ssyncset.done $0x0  }
0x95: {  	[sflag:s15] =	ssyncadd.s32 $0xFFFFFFFF  }
0x96: {  	s16 =	sld [smem:$0x10];
	(tm) =	ssettm $0x1  }
0x97: {  	s17 =	sld [smem:$0x3FFB];
	_ =	sdelay $0x3  }
0x98: {  	_ =	strace s17  }
0x99: {  	s3 =	sld [smem:$0x3FFC];
	_ =	sdelay $0x3  }
0x9a: {  	_ =	strace s3  }
0x9b: {  	s3 =	sld [smem:$0x3FFD];
	_ =	sdelay $0x3  }
0x9c: {  	_ =	strace s3  }
0x9d: {  	_ =	strace $0x8FFFFFFF  }
0x9e: {  	s18 =	sld [smem:$0x3FDB];
	_ =	sdelay $0x1  }
0x9f: {  	s19 =	simm.s32 $_scs_section_size  }
0xa0: {  	s5 =	simm.s32 $_size__tile_overlayer_lowered;
	s6 =	simm.s32 $_tile_overlayer_lowered  }
0xa1: {  	s22 =	simm.s32 $0x1BFF;
	s21 =	sshll.u32 s6, $0x1;
	s3 =	sadd.s32 s19, s18  }
0xa2: {  	s7 =	simm.s32 $0x0;
	s20 =	sshll.u32 s5, $0x1;
	s5 =	sadd.s32 s21, s3  }
0xa3: {  	[timem:s7], [sflag:s22] =	dma.local [hbm:s5], s20  }
0xa4: {  	_ =	swait.ge [sflag:s22], s20  }
0xa5: {  	s4 =	ssub.s32 $0x0, s20;
	[sflag:s22] =	ssyncset.done $0x0  }
0xa6: {  	[sflag:s22] =	ssyncadd.s32 s4;
	_ =	sdelay $0x1  }
0xa7: {  	s23 =	simm.s32 $0x1B8B  }
0xa8: {  	_ =	swait.ge [sflag:s23], $0x1  }
0xa9: {  	[sflag:s23] =	ssyncset.done $0x0  }
0xaa: {  	s25 =	simm.s32 $0x1B8E;
	s24 =	sld [smem:$0x3FFE];
	[sflag:s23] =	ssyncadd.s32 $0xFFFFFFFF  }
0xab: {  	s26 =	simm.s32 $execute0_lowered;
	[smem:$0x3FD2] =	sst s25  }
0xac: {  	s5 =	sshll.u32 s26, $0x1;
	_ =	strace $0x8000004C;
	[dreg:$0x1] =	wrdreg $0xFFFFFFFF  }
0xad: {  	s28 =	simm.s32 $_size_execute0_lowered;
	s3 =	sadd.s32 s3, s5;
	[dreg:$0x0] =	wrdreg $0x0  }
0xae: {  	s5 =	sshll.u32 s28, $0x1;
	[dreg:$0x2] =	wrdreg s3  }
0xaf: {  	[dreg:$0x3] =	wrdreg s5  }
0xb0: {  	[dreg:$0x4] =	wrdreg $0xC0  }
0xb1: {  	_ =	task [dreg:s7], $0x5FFFF  }
0xb2: {  	[dreg:$0x1] =	wrdreg $0xFFFFFFFF  }
0xb3: {  	[dreg:$0x0] =	wrdreg $0x60  }
0xb4: {  	[dreg:$0x2] =	wrdreg s16  }
0xb5: {  	[dreg:$0x3] =	wrdreg s24  }
0xb6: {  	[dreg:$0x4] =	wrdreg $0x9  }
0xb7: {  	_ =	task.clear_ibuf [dreg:s7], $0x5FFFF;
	_ =	strace $0x9000004C  }
0xb8: {  	s29 =	simm.s32 $0x9;
	_ =	strace $0x8000004E  }
0xb9: {  	_ =	swait.ge [sflag:s29], $0x1  }
0xba: {  	[sflag:s29] =	ssyncadd.s32 $0xFFFFFFFF  }
0xbb: {  	_ =	strace $0x9000004E  }
0xbc: {  	_ =	sfence  }
0xbd: {  	s30 =	sld [smem:$0x0];
	_ =	sdelay $0x2  }
0xbe: {  	s31 =	sshll.u32 s1, $0xD;
	s1 =	sshrl.u32 s1, $0x2  }
0xbf: {  	s3 =	sand.u32 $0x4000, s31;
	s1 =	sadd.s32 s1, s30  }
0xc0: {  	s0 =	sor.u32 s3, s0;
	s1 =	sshll.u32 s1, $0x11  }
0xc1: {  	s0 =	sor.u32 s1, s0  }
0xc2: {  	s0 =	sadd.s32 $0x8F2B, s0  }
0xc3: {  	[sflag:s0] =	ssyncadd.remote.s32 $0x1  }
0xc4: {  	_ =	sfence.sel $0xFFFF  }
0xc5: {  	[dreg:$0x0] =	wrdreg $0xFFFFFFFF;
	(pc) =	sbr.abs _section_cstart, $3  }
0xc6: {  	[dreg:$0x1] =	wrdreg $0xFFFFFFFF  }
0xc7: {  	_ =	task.clear_ibuf [dreg:s7], $0x2FFFF;
	_ =	strace $0x9FFFFFFF  }
0xc8: {  	(tm) =	ssettm $0x7FFFFFFF  }
0xc9: {  	_ =	shalt  }
tec
execute0_lowered:
.L_overlay_start_1:
0x0: {  	(tag) =	ssettag $0x1  }
0x1: {  	s5 =	rddreg [dreg:$0x0]  }
0x2: {  	s6 =	rddreg [dreg:$0x1]  }
0x3: {  	s0 =	rddreg [dreg:$0x2]  }
0x4: {  	s2 =	simm.s32 $0x0;
	s3 =	srdreg.scid;
	s1 =	stileid.u32  }
0x5: {  	s11 =	simm.s32 $0x800;
	s12 =	simm.s32 $0x9000;
	s13 =	simm.s32 $0x10  }
0x6: {  	s14 =	simm.s32 $0x100;
	s15 =	simm.s32 $0x0;
	[smem:$0x7FF] =	sst s2  }
0x7: {  	v0 =	vimm.f32 $0.0e+00;
	v1 =	vimm.s32 $0x0;
	v2 =	vimm.s32 $0x4;
	s7 =	sand.u32 $0x1, s3;
	s3 =	sadd.s32 $0x2400, s6;
	s8 =	sshll.u32 s1, $0x1  }
0x8: {  	v3 =	vlaneseq.u32;
	v4 =	vimm.s32 $0x7;
	v5 =	vimm.s32 $0x1;
	s4 =	sadd.s32 $0x4400, s6;
	s30 =	sshll.u32 s1, $0xC;
	_ =	strace $0x8000004D  }
0x9: {  	v6 =	vimm.s32 $0x2;
	v7 =	vimm.s32 $0x3;
	v8 =	vimm.s32 $0x5;
	s9 =	ssub.s32 $0x2, s7;
	s8 =	sadd.s32 s8, s6;
	s10 =	sshll.u32 s7, $0x11  }
0xa: {  	v9 =	vimm.s32 $0x6;
	v10 =	vimm.s32 $0x8;
	v11 =	vimm.s32 $0x9;
	s5 =	sadd.s32 s5, s30;
	s6 =	sshll.u32 s7, $0xC;
	s29 =	sshrl.u32 s9, $0x1  }
0xb: {  	v12 =	vimm.s32 $0xA;
	v13 =	vimm.s32 $0xB;
	v14 =	vimm.s32 $0xC;
	s31 =	sadd.s32 s10, s8;
	s10 =	simm.s32 $0x1;
	s9 =	ssub.s32 s9, s29  }
0xc: {  	v15 =	vimm.s32 $0xD;
	v16 =	vimm.s32 $0xE;
	v17 =	vimm.s32 $0xF;
	s7 =	sadd.s32 $0x106400, s31;
	s8 =	smax.u32 s9, $0x1;
	s9 =	simm.s32 $0x1000  }
.LBB2_1:
0xd: {  	[tilespmem:s9], [sflag:$0x1] =	stream.linear.gather [hbm4b:s5+s2], $0x8000, $0x38;
	[tilespmem:$0x19000] =	vst v63  }
0xe: {  	_ =	swait.ge [sflag:s10], $0x8000  }
0xf: {  	[sflag:s10] =	ssyncset.done $0x0  }
0x10: {  	s17 =	simm.s32 $0x0;
	s16 =	simm.s32 $0x200;
	[sflag:s10] =	ssyncadd.s32 $0xFFFF8000  }
.LBB2_2:
0x11: {  	p0 =	sne.s32 s16, $0x3FE00;
	[tilespmem:s17+$0x9070] =	vst v0  }
0x12: {  	[tilespmem:s17+$0x9000] =	vst v0  }
0x13: {  	[tilespmem:s17+$0x9010] =	vst v0  }
.Ltmp0:
0x14: {  	[tilespmem:s17+$0x9020] =	vst v0;
	(pc) =	sbr.rel @p0 .LBB2_2-.Ltmp0, $4  }
0x15: {  	[tilespmem:s17+$0x9030] =	vst v0  }
0x16: {  	[tilespmem:s17+$0x9040] =	vst v0  }
0x17: {  	[tilespmem:s17+$0x9050] =	vst v0  }
0x18: {  	[tilespmem:s17+$0x9060] =	vst v0;
	s17 =	sshra.s32 s16, $0x2;
	s16 =	sadd.s32 $0x200, s16  }
0x19: {  	[tilespmem:s17+$0x9070] =	vst v0  }
0x1a: {  	[tilespmem:s17+$0x9000] =	vst v0  }
0x1b: {  	[tilespmem:s17+$0x9010] =	vst v0  }
0x1c: {  	[tilespmem:s17+$0x9020] =	vst v0  }
0x1d: {  	[tilespmem:s17+$0x9030] =	vst v0  }
0x1e: {  	[tilespmem:s17+$0x9040] =	vst v0  }
0x1f: {  	[tilespmem:s17+$0x9050] =	vst v0  }
0x20: {  	s16 =	simm.s32 $0x0;
	[tilespmem:s17+$0x9060] =	vst v0;
	s17 =	simm.s32 $0x0  }
.LBB2_4:
0x21: {  	s18 =	sshll.u32 s17, $0x8  }
0x22: {  	s18 =	sadd.s32 s6, s18  }
0x23: {  	s19 =	sadd.s32 s3, s18  }
0x24: {  	[tilespmem:s16], [sflag:$0x1] =	stream.linear.gather [hbm4b:s19+s16], $0x800, $0x38;
	[tilespmem:$0x19000] =	vst v63  }
0x25: {  	_ =	swait.ge [sflag:s10], $0x800  }
0x26: {  	[sflag:s10] =	ssyncset.done $0x0  }
0x27: {  	s18 =	sadd.s32 s4, s18;
	[sflag:s10] =	ssyncadd.s32 $0xFFFFF800  }
0x28: {  	[tilespmem:s11], [sflag:$0x1] =	stream.linear.gather [hbm4b:s18+s16], $0x800, $0x38;
	[tilespmem:$0x19000] =	vst v63  }
0x29: {  	_ =	swait.ge [sflag:s10], $0x800  }
0x2a: {  	s20 =	simm.s32 $0x0;
	[sflag:s10] =	ssyncset.done $0x0  }
0x2b: {  	s19 =	simm.s32 $0x810;
	s18 =	simm.s32 $0x10;
	[sflag:s10] =	ssyncadd.s32 $0xFFFFF800  }
.LBB2_5:
0x2c: {  	v30 =	vld [tilespmem:s18+$0x0]  }
0x2d: {  	v19 =	vld [tilespmem:s18+$0xFFFFFFF0]  }
0x2e: {  	v29 =	vld [tilespmem:s19+$0x0];
	_ =	sdelay $0x3  }
0x2f: {  	v20 =	vperm.xlane v30, v1;
	v21 =	vperm.xlane v19, v1  }
0x30: {  	v24 =	vperm.xlane v29, v1;
	v25 =	vperm.xlane v30, v5  }
0x31: {  	v26 =	vperm.xlane v19, v5;
	v31 =	vperm.xlane v19, v7  }
0x32: {  	v60 =	vperm.xlane v29, v6;
	v34 =	vperm.xlane v30, v7  }
0x33: {  	v40 =	vperm.xlane v19, v2;
	v42 =	vperm.xlane v29, v7  }
0x34: {  	v43 =	vperm.xlane v30, v2;
	v47 =	vperm.xlane v19, v8  }
0x35: {  	v51 =	vperm.xlane v29, v2;
	v52 =	vperm.xlane v30, v8  }
0x36: {  	v39 =	vperm.xlane v19, v4;
	v18 =	vshll.u32 v20, $0x4;
	v22 =	vshll.u32 v21, $0x4  }
0x37: {  	v20 =	vshra.s32 v20, $0x7;
	v27 =	vshll.u32 v24, $0x4;
	v18 =	vand.u32 $0x7FF0, v18  }
0x38: {  	v28 =	vshll.u32 v25, $0x4;
	v21 =	vshra.s32 v21, $0x7;
	v18 =	vor.u32 v3, v18  }
0x39: {  	v24 =	vand.u32 $0xFFFF0000, v24;
	v25 =	vshra.s32 v25, $0x7;
	v61 =	vshll.u32 v31, $0x4  }
0x3a: {  	v36 =	vshll.u32 v60, $0x4;
	v37 =	vshll.u32 v34, $0x4;
	v22 =	vand.u32 $0x7FF0, v22  }
0x3b: {  	v31 =	vshra.s32 v31, $0x7;
	v44 =	vshll.u32 v40, $0x4;
	v22 =	vor.u32 v3, v22  }
0x3c: {  	v34 =	vshra.s32 v34, $0x7;
	v45 =	vshll.u32 v42, $0x4;
	v38 =	vshll.u32 v43, $0x4  }
0x3d: {  	v50 =	vshll.u32 v47, $0x4;
	v53 =	vshll.u32 v51, $0x4;
	v54 =	vshll.u32 v52, $0x4;
	v23 =	vld.idx.msk [tilespmem:v18+s9+$0x0], $0xffff  }
0x3e: {  	v20 =	vand.u32 $0xFFFFFFF0, v20;
	v27 =	vand.u32 $0xFFFF0, v27;
	v28 =	vand.u32 $0x7FF0, v28  }
0x3f: {  	v21 =	vand.u32 $0xFFFFFFF0, v21;
	v25 =	vand.u32 $0xFFFFFFF0, v25;
	v36 =	vand.u32 $0xFFFF0, v36;
	v18 =	vld [tilespmem:s19+$0xFFFFFFF0]  }
0x40: {  	v37 =	vand.u32 $0x7FF0, v37;
	v34 =	vand.u32 $0xFFFFFFF0, v34;
	v38 =	vand.u32 $0x7FF0, v38;
	v22 =	vld.idx.msk [tilespmem:v22+s9+$0x0], $0xffff  }
0x41: {  	v20 =	vsub.s32 $0x10, v20;
	v27 =	vor.u32 v3, v27;
	v21 =	vsub.s32 $0x10, v21  }
0x42: {  	v25 =	vsub.s32 $0x10, v25;
	v20 =	vshll.u32 v23, v20;
	v23 =	vor.u32 v3, v28  }
0x43: {  	v36 =	vor.u32 v3, v36;
	v34 =	vsub.s32 $0x10, v34;
	v20 =	vand.u32 $0xFFFF0000, v20  }
0x44: {  	v46 =	vor.u32 v3, v38;
	v28 =	vperm.xlane v18, v1;
	v20 =	vmul.f32 v20, v24  }
0x45: {  	v21 =	vshll.u32 v22, v21;
	v22 =	vshll.u32 v26, $0x4;
	v26 =	vshra.s32 v26, $0x7  }
0x46: {  	v59 =	vperm.xlane v18, v5;
	v21 =	vand.u32 $0xFFFF0000, v21;
	v32 =	vshll.u32 v28, $0x4;
	[tilespmem:v27+s12+$0x0] =	vst.idx.add.f32.msk $0xffff, v20  }
0x47: {  	v20 =	vand.u32 $0xFFFF0000, v28;
	v27 =	vand.u32 $0xFFFF0, v32;
	v28 =	vperm.xlane v29, v5;
	v23 =	vld.idx.msk [tilespmem:v23+s9+$0x0], $0xffff  }
0x48: {  	v20 =	vmul.f32 v21, v20;
	v21 =	vor.u32 v3, v27;
	v27 =	vperm.xlane v30, v6  }
0x49: {  	v63 =	vperm.xlane v18, v7;
	v22 =	vand.u32 $0x7FF0, v22;
	v58 =	vshll.u32 v28, $0x4  }
0x4a: {  	v22 =	vor.u32 v3, v22;
	v32 =	vand.u32 $0xFFFF0, v58;
	v33 =	vshll.u32 v27, $0x4  }
0x4b: {  	v56 =	vperm.xlane v18, v8;
	v32 =	vor.u32 v3, v32;
	v33 =	vand.u32 $0x7FF0, v33  }
0x4c: {  	v26 =	vand.u32 $0xFFFFFFF0, v26;
	v23 =	vshll.u32 v23, v25;
	v25 =	vor.u32 v3, v33  }
0x4d: {  	v24 =	vperm.xlane v19, v6;
	v28 =	vand.u32 $0xFFFF0000, v28;
	v23 =	vand.u32 $0xFFFF0000, v23  }
0x4e: {  	v26 =	vsub.s32 $0x10, v26;
	v27 =	vshra.s32 v27, $0x7;
	[tilespmem:v21+s12+$0x0] =	vst.idx.add.f32.msk $0xffff, v20;
	v23 =	vmul.f32 v23, v28  }
0x4f: {  	v41 =	vshll.u32 v63, $0x4;
	v58 =	vperm.xlane v19, v9;
	v27 =	vand.u32 $0xFFFFFFF0, v27;
	v22 =	vld.idx.msk [tilespmem:v22+s9+$0x0], $0xffff  }
0x50: {  	v57 =	vshll.u32 v56, $0x4;
	v27 =	vsub.s32 $0x10, v27;
	v20 =	vand.u32 $0xFFFF0000, v59;
	[tilespmem:v32+s12+$0x0] =	vst.idx.add.f32.msk $0xffff, v23  }
0x51: {  	v21 =	vshll.u32 v59, $0x4;
	v33 =	vshra.s32 v40, $0x7;
	v59 =	vshll.u32 v58, $0x4;
	v25 =	vld.idx.msk [tilespmem:v25+s9+$0x0], $0xffff  }
0x52: {  	v21 =	vand.u32 $0xFFFF0, v21;
	v28 =	vshll.u32 v24, $0x4;
	v24 =	vshra.s32 v24, $0x7  }
0x53: {  	v21 =	vor.u32 v3, v21;
	v28 =	vand.u32 $0x7FF0, v28;
	v24 =	vand.u32 $0xFFFFFFF0, v24  }
0x54: {  	v23 =	vor.u32 v3, v28;
	v28 =	vperm.xlane v18, v6;
	v22 =	vshll.u32 v22, v26  }
0x55: {  	v24 =	vsub.s32 $0x10, v24;
	v32 =	vshra.s32 v43, $0x7;
	v22 =	vand.u32 $0xFFFF0000, v22  }
0x56: {  	v20 =	vmul.f32 v22, v20;
	v25 =	vshll.u32 v25, v27;
	v27 =	vor.u32 v3, v37  }
0x57: {  	v32 =	vand.u32 $0xFFFFFFF0, v32;
	v26 =	vand.u32 $0xFFFF0000, v60;
	v25 =	vand.u32 $0xFFFF0000, v25  }
0x58: {  	v35 =	vshll.u32 v28, $0x4;
	v28 =	vand.u32 $0xFFFF0000, v28;
	[tilespmem:v21+s12+$0x0] =	vst.idx.add.f32.msk $0xffff, v20;
	v25 =	vmul.f32 v25, v26  }
0x59: {  	v60 =	vshra.s32 v58, $0x7;
	v58 =	vperm.xlane v19, v11;
	v62 =	vand.u32 $0xFFFF0, v35;
	v23 =	vld.idx.msk [tilespmem:v23+s9+$0x0], $0xffff  }
0x5a: {  	v32 =	vsub.s32 $0x10, v32;
	v22 =	vor.u32 v3, v62;
	v62 =	vperm.xlane v18, v9;
	[tilespmem:v36+s12+$0x0] =	vst.idx.add.f32.msk $0xffff, v25  }
0x5b: {  	v35 =	vand.u32 $0x7FF0, v44;
	v20 =	vand.u32 $0xFFFF0000, v63;
	v21 =	vand.u32 $0xFFFF0, v41;
	v27 =	vld.idx.msk [tilespmem:v27+s9+$0x0], $0xffff  }
0x5c: {  	v37 =	vand.u32 $0xFFFF0, v45;
	v63 =	vperm.xlane v30, v9;
	v45 =	vshll.u32 v62, $0x4  }
0x5d: {  	v37 =	vor.u32 v3, v37;
	v21 =	vor.u32 v3, v21;
	v26 =	vand.u32 $0x7FF0, v61  }
0x5e: {  	v43 =	vshll.u32 v63, $0x4;
	v26 =	vor.u32 v3, v26;
	v23 =	vshll.u32 v23, v24  }
0x5f: {  	v61 =	vperm.xlane v29, v8;
	v38 =	vand.u32 $0x7FF0, v43;
	v23 =	vand.u32 $0xFFFF0000, v23  }
0x60: {  	v25 =	vand.u32 $0xFFFFFFF0, v31;
	v23 =	vmul.f32 v23, v28;
	v27 =	vshll.u32 v27, v34  }
0x61: {  	v31 =	vperm.xlane v18, v2;
	v36 =	vand.u32 $0xFFFF0000, v42;
	v27 =	vand.u32 $0xFFFF0000, v27  }
0x62: {  	v42 =	vshll.u32 v61, $0x4;
	v44 =	vor.u32 v3, v38;
	[tilespmem:v22+s12+$0x0] =	vst.idx.add.f32.msk $0xffff, v23;
	v27 =	vmul.f32 v27, v36  }
0x63: {  	v24 =	vor.u32 v3, v35;
	v35 =	vand.u32 $0xFFFF0, v53;
	v53 =	vperm.xlane v30, v4;
	v26 =	vld.idx.msk [tilespmem:v26+s9+$0x0], $0xffff  }
0x64: {  	v25 =	vsub.s32 $0x10, v25;
	v48 =	vshll.u32 v31, $0x4;
	v28 =	vand.u32 $0xFFFFFFF0, v33;
	[tilespmem:v37+s12+$0x0] =	vst.idx.add.f32.msk $0xffff, v27  }
0x65: {  	v35 =	vor.u32 v3, v35;
	v40 =	vshll.u32 v53, $0x4;
	v28 =	vsub.s32 $0x10, v28;
	v49 =	vld.idx.msk [tilespmem:v46+s9+$0x0], $0xffff  }
0x66: {  	v40 =	vand.u32 $0x7FF0, v40;
	v22 =	vand.u32 $0x7FF0, v50;
	v23 =	vshra.s32 v47, $0x7  }
0x67: {  	v34 =	vshra.s32 v52, $0x7;
	v47 =	vshll.u32 v39, $0x4;
	v50 =	vshra.s32 v39, $0x7  }
0x68: {  	v52 =	vperm.xlane v29, v9;
	v22 =	vor.u32 v3, v22;
	v25 =	vshll.u32 v26, v25  }
0x69: {  	v23 =	vand.u32 $0xFFFFFFF0, v23;
	v37 =	vand.u32 $0x7FF0, v54;
	v25 =	vand.u32 $0xFFFF0000, v25  }
0x6a: {  	v55 =	vor.u32 v3, v37;
	v20 =	vmul.f32 v25, v20;
	v32 =	vshll.u32 v49, v32  }
0x6b: {  	v34 =	vand.u32 $0xFFFFFFF0, v34;
	v36 =	vand.u32 $0xFFFF0000, v51;
	v32 =	vand.u32 $0xFFFF0000, v32  }
0x6c: {  	v23 =	vsub.s32 $0x10, v23;
	v34 =	vsub.s32 $0x10, v34;
	[tilespmem:v21+s12+$0x0] =	vst.idx.add.f32.msk $0xffff, v20;
	v26 =	vmul.f32 v32, v36  }
0x6d: {  	v51 =	vperm.xlane v19, v10;
	v38 =	vand.u32 $0xFFFF0000, v52;
	v27 =	vand.u32 $0xFFFF0000, v31;
	v24 =	vld.idx.msk [tilespmem:v24+s9+$0x0], $0xffff  }
0x6e: {  	v31 =	vand.u32 $0xFFFF0, v48;
	v48 =	vand.u32 $0x7FF0, v47;
	v54 =	vshll.u32 v52, $0x4;
	[tilespmem:v35+s12+$0x0] =	vst.idx.add.f32.msk $0xffff, v26  }
0x6f: {  	v52 =	vperm.xlane v29, v11;
	v31 =	vor.u32 v3, v31;
	v37 =	vand.u32 $0xFFFF0, v42;
	v33 =	vld.idx.msk [tilespmem:v55+s9+$0x0], $0xffff  }
0x70: {  	v46 =	vand.u32 $0xFFFF0, v45;
	v39 =	vand.u32 $0xFFFF0, v54;
	v42 =	vshll.u32 v58, $0x4  }
0x71: {  	v37 =	vor.u32 v3, v37;
	v39 =	vor.u32 v3, v39;
	v25 =	vand.u32 $0xFFFF0000, v56  }
0x72: {  	v56 =	vshll.u32 v51, $0x4;
	v20 =	vand.u32 $0x7FF0, v59;
	v24 =	vshll.u32 v24, v28  }
0x73: {  	v49 =	vperm.xlane v18, v4;
	v59 =	vperm.xlane v30, v10;
	v24 =	vand.u32 $0xFFFF0000, v24  }
0x74: {  	v32 =	vand.u32 $0xFFFF0, v57;
	v24 =	vmul.f32 v24, v27;
	v33 =	vshll.u32 v33, v34  }
0x75: {  	v26 =	vor.u32 v3, v32;
	v32 =	vand.u32 $0xFFFF0000, v61;
	v33 =	vand.u32 $0xFFFF0000, v33  }
0x76: {  	v21 =	vand.u32 $0xFFFFFFF0, v60;
	v20 =	vor.u32 v3, v20;
	[tilespmem:v31+s12+$0x0] =	vst.idx.add.f32.msk $0xffff, v24;
	v32 =	vmul.f32 v33, v32  }
0x77: {  	v21 =	vsub.s32 $0x10, v21;
	v36 =	vshra.s32 v63, $0x7;
	v57 =	vand.u32 $0x7FF0, v56;
	v22 =	vld.idx.msk [tilespmem:v22+s9+$0x0], $0xffff  }
0x78: {  	v41 =	vshll.u32 v59, $0x4;
	v63 =	vperm.xlane v19, v12;
	v36 =	vand.u32 $0xFFFFFFF0, v36;
	[tilespmem:v37+s12+$0x0] =	vst.idx.add.f32.msk $0xffff, v32  }
0x79: {  	v41 =	vand.u32 $0x7FF0, v41;
	v35 =	vand.u32 $0xFFFFFFF0, v50;
	v36 =	vsub.s32 $0x10, v36;
	v34 =	vld.idx.msk [tilespmem:v44+s9+$0x0], $0xffff  }
0x7a: {  	v61 =	vor.u32 v3, v41;
	v55 =	vor.u32 v3, v40;
	v28 =	vand.u32 $0xFFFF0000, v62  }
0x7b: {  	v62 =	vshra.s32 v58, $0x7;
	v58 =	vperm.xlane v19, v14;
	v27 =	vor.u32 v3, v46  }
0x7c: {  	v24 =	vsub.s32 $0x10, v35;
	v31 =	vshll.u32 v49, $0x4;
	v22 =	vshll.u32 v22, v23  }
0x7d: {  	v35 =	vshra.s32 v53, $0x7;
	v31 =	vand.u32 $0xFFFF0, v31;
	v22 =	vand.u32 $0xFFFF0000, v22  }
0x7e: {  	v33 =	vor.u32 v3, v48;
	v22 =	vmul.f32 v22, v25;
	v34 =	vshll.u32 v34, v36  }
0x7f: {  	v48 =	vperm.xlane v18, v12;
	v44 =	vperm.xlane v30, v11;
	v34 =	vand.u32 $0xFFFF0000, v34  }
0x80: {  	v35 =	vand.u32 $0xFFFFFFF0, v35;
	v23 =	vor.u32 v3, v31;
	[tilespmem:v26+s12+$0x0] =	vst.idx.add.f32.msk $0xffff, v22;
	v31 =	vmul.f32 v34, v38  }
0x81: {  	v35 =	vsub.s32 $0x10, v35;
	v32 =	vand.u32 $0xFFFF0000, v49;
	v37 =	vshra.s32 v51, $0x7;
	v20 =	vld.idx.msk [tilespmem:v20+s9+$0x0], $0xffff  }
0x82: {  	v49 =	vperm.xlane v19, v13;
	v50 =	vshll.u32 v48, $0x4;
	v46 =	vshll.u32 v44, $0x4;
	[tilespmem:v39+s12+$0x0] =	vst.idx.add.f32.msk $0xffff, v31  }
0x83: {  	v25 =	vand.u32 $0xFFFFFFF0, v37;
	v41 =	vand.u32 $0x7FF0, v46;
	v26 =	vperm.xlane v29, v4;
	v36 =	vld.idx.msk [tilespmem:v55+s9+$0x0], $0xffff  }
0x84: {  	v51 =	vshll.u32 v49, $0x4;
	v25 =	vsub.s32 $0x10, v25;
	v47 =	vor.u32 v3, v41  }
0x85: {  	v22 =	vperm.xlane v18, v11;
	v34 =	vor.u32 v3, v57;
	v60 =	vshll.u32 v26, $0x4  }
0x86: {  	v26 =	vand.u32 $0xFFFF0000, v26;
	v57 =	vperm.xlane v18, v13;
	v40 =	vand.u32 $0xFFFF0, v60  }
0x87: {  	v31 =	vperm.xlane v18, v10;
	v40 =	vor.u32 v3, v40;
	v20 =	vshll.u32 v20, v21  }
0x88: {  	v39 =	vshra.s32 v59, $0x7;
	v20 =	vand.u32 $0xFFFF0000, v20;
	v35 =	vshll.u32 v36, v35  }
0x89: {  	v59 =	vshll.u32 v57, $0x4;
	v20 =	vmul.f32 v20, v28;
	v35 =	vand.u32 $0xFFFF0000, v35  }
0x8a: {  	v60 =	vand.u32 $0xFFFF0000, v57;
	v57 =	vperm.xlane v29, v15;
	v26 =	vmul.f32 v35, v26  }
0x8b: {  	v39 =	vand.u32 $0xFFFFFFF0, v39;
	v55 =	vshll.u32 v52, $0x4;
	v38 =	vand.u32 $0xFFFF0000, v31;
	[tilespmem:v27+s12+$0x0] =	vst.idx.add.f32.msk $0xffff, v20  }
0x8c: {  	v31 =	vshll.u32 v31, $0x4;
	v21 =	vand.u32 $0x7FF0, v42;
	v39 =	vsub.s32 $0x10, v39;
	[tilespmem:v40+s12+$0x0] =	vst.idx.add.f32.msk $0xffff, v26  }
0x8d: {  	v31 =	vand.u32 $0xFFFF0, v31;
	v21 =	vor.u32 v3, v21;
	v27 =	vperm.xlane v29, v10;
	v36 =	vld.idx.msk [tilespmem:v61+s9+$0x0], $0xffff  }
0x8e: {  	v31 =	vor.u32 v3, v31;
	v28 =	vand.u32 $0xFFFFFFF0, v62;
	v20 =	vshll.u32 v63, $0x4  }
0x8f: {  	v62 =	vperm.xlane v29, v12;
	v33 =	vld.idx.msk [tilespmem:v33+s9+$0x0], $0xffff;
	v20 =	vand.u32 $0x7FF0, v20;
	v45 =	vshll.u32 v27, $0x4  }
0x90: {  	v28 =	vsub.s32 $0x10, v28;
	v20 =	vor.u32 v3, v20;
	v40 =	vand.u32 $0xFFFF0, v45  }
0x91: {  	v35 =	vshra.s32 v63, $0x7;
	v27 =	vand.u32 $0xFFFF0000, v27;
	v40 =	vor.u32 v3, v40  }
0x92: {  	v63 =	vperm.xlane v18, v14;
	v35 =	vand.u32 $0xFFFFFFF0, v35;
	v36 =	vshll.u32 v36, v39  }
0x93: {  	v26 =	vshll.u32 v22, $0x4;
	v22 =	vand.u32 $0xFFFF0000, v22;
	v36 =	vand.u32 $0xFFFF0000, v36  }
0x94: {  	v35 =	vsub.s32 $0x10, v35;
	v24 =	vshll.u32 v33, v24;
	v27 =	vmul.f32 v36, v27  }
0x95: {  	v45 =	vshll.u32 v62, $0x4;
	v26 =	vand.u32 $0xFFFF0, v26;
	v24 =	vand.u32 $0xFFFF0000, v24  }
0x96: {  	v61 =	vand.u32 $0xFFFF0, v59;
	v59 =	vshll.u32 v57, $0x4;
	v24 =	vmul.f32 v24, v32;
	[tilespmem:v40+s12+$0x0] =	vst.idx.add.f32.msk $0xffff, v27  }
0x97: {  	v26 =	vor.u32 v3, v26;
	v33 =	vand.u32 $0xFFFF0, v45;
	v27 =	vand.u32 $0xFFFF0, v50;
	v39 =	vld.idx.msk [tilespmem:v47+s9+$0x0], $0xffff  }
0x98: {  	[tilespmem:v23+s12+$0x0] =	vst.idx.add.f32.msk $0xffff, v24;
	v24 =	vand.u32 $0x7FF0, v51;
	v23 =	vor.u32 v3, v27;
	v27 =	vperm.xlane v30, v12  }
0x99: {  	v33 =	vor.u32 v3, v33;
	v53 =	vld.idx.msk [tilespmem:v34+s9+$0x0], $0xffff;
	v54 =	vor.u32 v3, v24;
	v24 =	vshra.s32 v44, $0x7  }
0x9a: {  	v34 =	vand.u32 $0xFFFF0, v55;
	v24 =	vand.u32 $0xFFFFFFF0, v24;
	v56 =	vshll.u32 v27, $0x4  }
0x9b: {  	v34 =	vor.u32 v3, v34;
	v24 =	vsub.s32 $0x10, v24;
	v37 =	vand.u32 $0x7FF0, v56  }
0x9c: {  	v32 =	vand.u32 $0xFFFF0000, v48;
	v37 =	vor.u32 v3, v37;
	v24 =	vshll.u32 v39, v24  }
0x9d: {  	v48 =	vshll.u32 v63, $0x4;
	v40 =	vand.u32 $0xFFFF0000, v52;
	v24 =	vand.u32 $0xFFFF0000, v24  }
0x9e: {  	v36 =	vshra.s32 v49, $0x7;
	v25 =	vshll.u32 v53, v25;
	v24 =	vmul.f32 v24, v40  }
0x9f: {  	v49 =	vperm.xlane v29, v13;
	v36 =	vand.u32 $0xFFFFFFF0, v36;
	v25 =	vand.u32 $0xFFFF0000, v25  }
0xa0: {  	v44 =	vperm.xlane v19, v16;
	v36 =	vsub.s32 $0x10, v36;
	v25 =	vmul.f32 v25, v38;
	[tilespmem:v34+s12+$0x0] =	vst.idx.add.f32.msk $0xffff, v24  }
0xa1: {  	v50 =	vshll.u32 v49, $0x4;
	v52 =	vperm.xlane v30, v15;
	v27 =	vshra.s32 v27, $0x7;
	v34 =	vld.idx.msk [tilespmem:v37+s9+$0x0], $0xffff  }
0xa2: {  	v47 =	vand.u32 $0xFFFF0000, v62;
	v27 =	vand.u32 $0xFFFFFFF0, v27;
	[tilespmem:v31+s12+$0x0] =	vst.idx.add.f32.msk $0xffff, v25;
	v25 =	vperm.xlane v30, v13  }
0xa3: {  	v62 =	vand.u32 $0xFFFF0000, v57;
	v53 =	vshll.u32 v52, $0x4;
	v27 =	vsub.s32 $0x10, v27;
	v21 =	vld.idx.msk [tilespmem:v21+s9+$0x0], $0xffff  }
0xa4: {  	v31 =	vshra.s32 v58, $0x7;
	v46 =	vshll.u32 v25, $0x4;
	v24 =	vshll.u32 v58, $0x4  }
0xa5: {  	v31 =	vand.u32 $0xFFFFFFF0, v31;
	v39 =	vand.u32 $0x7FF0, v46;
	v24 =	vand.u32 $0x7FF0, v24  }
0xa6: {  	v43 =	vor.u32 v3, v24;
	v24 =	vshll.u32 v34, v27;
	v27 =	vor.u32 v3, v39  }
0xa7: {  	v40 =	vor.u32 v3, v61;
	v31 =	vsub.s32 $0x10, v31;
	v24 =	vand.u32 $0xFFFF0000, v24  }
0xa8: {  	v25 =	vshra.s32 v25, $0x7;
	v21 =	vshll.u32 v21, v28;
	v24 =	vmul.f32 v24, v47  }
0xa9: {  	v25 =	vand.u32 $0xFFFFFFF0, v25;
	v58 =	vperm.xlane v30, v16;
	v21 =	vand.u32 $0xFFFF0000, v21  }
0xaa: {  	v25 =	vsub.s32 $0x10, v25;
	v28 =	vperm.xlane v19, v15;
	v21 =	vmul.f32 v21, v22;
	[tilespmem:v33+s12+$0x0] =	vst.idx.add.f32.msk $0xffff, v24  }
0xab: {  	v37 =	vand.u32 $0xFFFF0, v48;
	v19 =	vperm.xlane v19, v17;
	v61 =	vshll.u32 v58, $0x4;
	v27 =	vld.idx.msk [tilespmem:v27+s9+$0x0], $0xffff  }
0xac: {  	v22 =	vshll.u32 v28, $0x4;
	v28 =	vshra.s32 v28, $0x7;
	[tilespmem:v26+s12+$0x0] =	vst.idx.add.f32.msk $0xffff, v21;
	v21 =	vperm.xlane v30, v14  }
0xad: {  	v22 =	vand.u32 $0x7FF0, v22;
	v34 =	vand.u32 $0xFFFF0000, v63;
	v26 =	vperm.xlane v18, v15;
	v20 =	vld.idx.msk [tilespmem:v20+s9+$0x0], $0xffff  }
0xae: {  	v51 =	vshll.u32 v21, $0x4;
	v24 =	vor.u32 v3, v37;
	v37 =	vand.u32 $0xFFFF0, v50  }
0xaf: {  	v39 =	vor.u32 v3, v22;
	v38 =	vand.u32 $0x7FF0, v51;
	v37 =	vor.u32 v3, v37  }
0xb0: {  	v30 =	vperm.xlane v30, v17;
	v22 =	vshll.u32 v27, v25;
	v25 =	vor.u32 v3, v38  }
0xb1: {  	v27 =	vand.u32 $0xFFFFFFF0, v28;
	v28 =	vand.u32 $0xFFFF0000, v49;
	v22 =	vand.u32 $0xFFFF0000, v22  }
0xb2: {  	v21 =	vshra.s32 v21, $0x7;
	v20 =	vshll.u32 v20, v35;
	v22 =	vmul.f32 v22, v28  }
0xb3: {  	v20 =	vand.u32 $0xFFFF0000, v20;
	v33 =	vsub.s32 $0x10, v27;
	v27 =	vshll.u32 v26, $0x4  }
0xb4: {  	v47 =	vperm.xlane v29, v16;
	v32 =	vmul.f32 v20, v32;
	v27 =	vand.u32 $0xFFFF0, v27;
	[tilespmem:v37+s12+$0x0] =	vst.idx.add.f32.msk $0xffff, v22  }
0xb5: {  	v21 =	vand.u32 $0xFFFFFFF0, v21;
	v20 =	vor.u32 v3, v27;
	v27 =	vperm.xlane v29, v14;
	v25 =	vld.idx.msk [tilespmem:v25+s9+$0x0], $0xffff  }
0xb6: {  	v21 =	vsub.s32 $0x10, v21;
	v50 =	vshll.u32 v30, $0x4;
	[tilespmem:v23+s12+$0x0] =	vst.idx.add.f32.msk $0xffff, v32;
	v28 =	vshll.u32 v44, $0x4  }
0xb7: {  	v38 =	vand.u32 $0xFFFF0000, v26;
	v26 =	vld.idx.msk [tilespmem:v54+s9+$0x0], $0xffff;
	v22 =	vand.u32 $0x7FF0, v28;
	v28 =	vshll.u32 v27, $0x4  }
0xb8: {  	v30 =	vshra.s32 v30, $0x7;
	v50 =	vand.u32 $0x7FF0, v50;
	v28 =	vand.u32 $0xFFFF0, v28  }
0xb9: {  	v35 =	vand.u32 $0x7FF0, v53;
	v57 =	vor.u32 v3, v50;
	v28 =	vor.u32 v3, v28  }
0xba: {  	v23 =	vshra.s32 v44, $0x7;
	v32 =	vshra.s32 v52, $0x7;
	v21 =	vshll.u32 v25, v21  }
0xbb: {  	v49 =	vshll.u32 v47, $0x4;
	v27 =	vand.u32 $0xFFFF0000, v27;
	v21 =	vand.u32 $0xFFFF0000, v21  }
0xbc: {  	v26 =	vshll.u32 v26, v36;
	v25 =	vor.u32 v3, v35;
	v27 =	vmul.f32 v21, v27  }
0xbd: {  	v47 =	vand.u32 $0xFFFF0000, v47;
	v54 =	vperm.xlane v18, v16;
	v26 =	vand.u32 $0xFFFF0000, v26  }
0xbe: {  	v26 =	vmul.f32 v26, v60;
	[tilespmem:v28+s12+$0x0] =	vst.idx.add.f32.msk $0xffff, v27;
	v28 =	vshll.u32 v19, $0x4;
	v19 =	vshra.s32 v19, $0x7  }
0xbf: {  	v23 =	vand.u32 $0xFFFFFFF0, v23;
	v18 =	vperm.xlane v18, v17;
	v19 =	vand.u32 $0xFFFFFFF0, v19  }
0xc0: {  	v32 =	vand.u32 $0xFFFFFFF0, v32;
	v49 =	vand.u32 $0xFFFF0, v49;
	[tilespmem:v40+s12+$0x0] =	vst.idx.add.f32.msk $0xffff, v26;
	v0 =	vsub.s32 $0x10, v19  }
0xc1: {  	v23 =	vsub.s32 $0x10, v23;
	v32 =	vsub.s32 $0x10, v32;
	v49 =	vor.u32 v3, v49;
	v56 =	vld.idx.msk [tilespmem:v25+s9+$0x0], $0xffff;
	[tilespmem:$0x1FFF0] =	vst v0  }
0xc2: {  	s21 =	sadd.s32 $0x20, s18;
	v55 =	vshll.u32 v54, $0x4;
	v37 =	vshra.s32 v58, $0x7;
	v25 =	vand.u32 $0x7FF0, v28;
	v19 =	vld.idx.msk [tilespmem:v43+s9+$0x0], $0xffff  }
0xc3: {  	v22 =	vor.u32 v3, v22;
	v37 =	vand.u32 $0xFFFFFFF0, v37;
	v28 =	vor.u32 v3, v25;
	v25 =	vld [tilespmem:s21+$0x0]  }
0xc4: {  	v37 =	vsub.s32 $0x10, v37;
	v60 =	vshll.u32 v18, $0x4;
	v40 =	vand.u32 $0xFFFF0, v59;
	v41 =	vld [tilespmem:s21+$0xFFFFFFF0]  }
0xc5: {  	v35 =	vand.u32 $0xFFFF0, v55;
	v40 =	vor.u32 v3, v40;
	v43 =	vand.u32 $0x7FF0, v61  }
0xc6: {  	s22 =	sadd.s32 $0x20, s19;
	v21 =	vand.u32 $0xFFFF0000, v54;
	v43 =	vor.u32 v3, v43;
	v32 =	vshll.u32 v56, v32  }
0xc7: {  	v54 =	vperm.xlane v29, v17;
	v27 =	vor.u32 v3, v35;
	v45 =	vld [tilespmem:s22+$0xFFFFFFF0];
	v32 =	vand.u32 $0xFFFF0000, v32  }
0xc8: {  	v32 =	vmul.f32 v32, v62;
	v19 =	vshll.u32 v19, v31;
	v63 =	vperm.xlane v25, v1  }
0xc9: {  	v31 =	vand.u32 $0xFFFF0, v60;
	v55 =	vperm.xlane v41, v1;
	v44 =	vperm.xlane v41, v5  }
0xca: {  	v35 =	vand.u32 $0xFFFF0000, v19;
	v19 =	vor.u32 v3, v31;
	[tilespmem:v40+s12+$0x0] =	vst.idx.add.f32.msk $0xffff, v32;
	v31 =	vshll.u32 v63, $0x4  }
0xcb: {  	v46 =	vperm.xlane v41, v6;
	v56 =	vshll.u32 v55, $0x4;
	v43 =	vld.idx.msk [tilespmem:v43+s9+$0x0], $0xffff;
	v31 =	vand.u32 $0x7FF0, v31  }
0xcc: {  	v59 =	vperm.xlane v45, v1;
	v40 =	vand.u32 $0x7FF0, v56;
	v48 =	vor.u32 v3, v31  }
0xcd: {  	v52 =	vperm.xlane v25, v5;
	v32 =	vperm.xlane v41, v7;
	v31 =	vld [tilespmem:s22+$0x0];
	v40 =	vor.u32 v3, v40  }
0xce: {  	v42 =	vshra.s32 v55, $0x7;
	v51 =	vshll.u32 v44, $0x4;
	v36 =	vshra.s32 v63, $0x7  }
0xcf: {  	v61 =	vshll.u32 v52, $0x4;
	v63 =	vshll.u32 v54, $0x4;
	v50 =	vshll.u32 v59, $0x4  }
0xd0: {  	v55 =	vand.u32 $0xFFFF0000, v59;
	v44 =	vshra.s32 v44, $0x7;
	v37 =	vshll.u32 v43, v37  }
0xd1: {  	v42 =	vand.u32 $0xFFFFFFF0, v42;
	v29 =	vand.u32 $0xFFFFFFF0, v36;
	v37 =	vand.u32 $0xFFFF0000, v37;
	v48 =	vld.idx.msk [tilespmem:v48+s9+$0x0], $0xffff  }
0xd2: {  	v56 =	vand.u32 $0xFFFF0000, v54;
	v58 =	vperm.xlane v31, v1;
	v37 =	vmul.f32 v37, v47;
	v40 =	vld.idx.msk [tilespmem:v40+s9+$0x0], $0xffff  }
0xd3: {  	v59 =	vand.u32 $0x7FF0, v51;
	v44 =	vand.u32 $0xFFFFFFF0, v44;
	v42 =	vsub.s32 $0x10, v42  }
0xd4: {  	v29 =	vsub.s32 $0x10, v29;
	v53 =	vshll.u32 v58, $0x4;
	[tilespmem:v49+s12+$0x0] =	vst.idx.add.f32.msk $0xffff, v37;
	v37 =	vand.u32 $0x7FF0, v61  }
0xd5: {  	v62 =	vand.u32 $0xFFFF0000, v58;
	v60 =	vand.u32 $0xFFFF0, v53;
	v43 =	vld.idx.msk [tilespmem:v57+s9+$0x0], $0xffff;
	v57 =	vperm.xlane v31, v5  }
0xd6: {  	v37 =	vor.u32 v3, v37;
	v36 =	vor.u32 v3, v60;
	v29 =	vshll.u32 v48, v29  }
0xd7: {  	v40 =	vshll.u32 v40, v42;
	v58 =	vshll.u32 v57, $0x4;
	v29 =	vand.u32 $0xFFFF0000, v29  }
0xd8: {  	v47 =	vand.u32 $0xFFFF0000, v57;
	v48 =	vmul.f32 v29, v62;
	v29 =	vand.u32 $0xFFFFFFF0, v30  }
0xd9: {  	v30 =	vand.u32 $0xFFFF0, v63;
	v63 =	vperm.xlane v45, v5;
	v49 =	vsub.s32 $0x10, v29  }
0xda: {  	v29 =	vor.u32 v3, v30;
	v30 =	vand.u32 $0xFFFF0000, v40;
	v40 =	vand.u32 $0xFFFF0, v50  }
0xdb: {  	v50 =	vor.u32 v3, v59;
	v53 =	vshll.u32 v43, v49;
	v42 =	vmul.f32 v30, v55  }
0xdc: {  	[tilespmem:v36+s12+$0x0] =	vst.idx.add.f32.msk $0xffff, v48;
	v40 =	vor.u32 v3, v40;
	v48 =	vperm.xlane v25, v6;
	v30 =	vshra.s32 v52, $0x7  }
0xdd: {  	v49 =	vand.u32 $0xFFFF0, v58;
	v43 =	vsub.s32 $0x10, v44;
	v55 =	vshll.u32 v46, $0x4  }
0xde: {  	v57 =	vshll.u32 v63, $0x4;
	v52 =	vperm.xlane v25, v2;
	v36 =	vand.u32 $0xFFFF0000, v53  }
0xdf: {  	v37 =	vld.idx.msk [tilespmem:v37+s9+$0x0], $0xffff;
	v30 =	vand.u32 $0xFFFFFFF0, v30;
	v49 =	vor.u32 v3, v49;
	v58 =	vand.u32 $0xFFFF0, v57  }
0xe0: {  	v60 =	vshll.u32 v48, $0x4;
	v30 =	vsub.s32 $0x10, v30;
	v48 =	vshra.s32 v48, $0x7  }
0xe1: {  	v51 =	vand.u32 $0x7FF0, v60;
	v60 =	vperm.xlane v45, v6;
	v48 =	vand.u32 $0xFFFFFFF0, v48  }
0xe2: {  	v61 =	vor.u32 v3, v51;
	v51 =	vperm.xlane v25, v7;
	v48 =	vsub.s32 $0x10, v48  }
0xe3: {  	[tilespmem:v40+s12+$0x0] =	vst.idx.add.f32.msk $0xffff, v42;
	v40 =	vand.u32 $0x7FF0, v55;
	v55 =	vshll.u32 v52, $0x4;
	v52 =	vshra.s32 v52, $0x7  }
0xe4: {  	v30 =	vshll.u32 v37, v30;
	v40 =	vor.u32 v3, v40;
	v57 =	vshll.u32 v51, $0x4  }
0xe5: {  	v51 =	vshra.s32 v51, $0x7;
	v55 =	vand.u32 $0x7FF0, v55;
	v52 =	vand.u32 $0xFFFFFFF0, v52  }
0xe6: {  	v62 =	vand.u32 $0xFFFF0000, v30;
	v30 =	vmul.f32 v36, v56;
	v56 =	vshra.s32 v46, $0x7  }
0xe7: {  	v59 =	vld.idx.msk [tilespmem:v50+s9+$0x0], $0xffff;
	v46 =	vand.u32 $0xFFFF0000, v63;
	v36 =	vor.u32 v3, v58;
	v63 =	vshll.u32 v60, $0x4  }
0xe8: {  	v51 =	vand.u32 $0xFFFFFFF0, v51;
	v52 =	vsub.s32 $0x10, v52;
	v54 =	vmul.f32 v62, v47  }
0xe9: {  	v42 =	vand.u32 $0xFFFFFFF0, v56;
	v62 =	vshll.u32 v32, $0x4;
	v47 =	vand.u32 $0xFFFF0000, v60  }
0xea: {  	v60 =	vand.u32 $0xFFFF0, v63;
	v32 =	vshra.s32 v32, $0x7;
	v63 =	vperm.xlane v41, v2;
	[tilespmem:v49+s12+$0x0] =	vst.idx.add.f32.msk $0xffff, v54  }
0xeb: {  	v51 =	vsub.s32 $0x10, v51;
	v42 =	vsub.s32 $0x10, v42;
	v37 =	vld.idx.msk [tilespmem:v61+s9+$0x0], $0xffff;
	v61 =	vperm.xlane v31, v6  }
0xec: {  	v44 =	vor.u32 v3, v60;
	v32 =	vand.u32 $0xFFFFFFF0, v32;
	v43 =	vshll.u32 v59, v43  }
0xed: {  	v54 =	vand.u32 $0x7FF0, v57;
	v43 =	vand.u32 $0xFFFF0000, v43;
	v56 =	vshll.u32 v61, $0x4  }
0xee: {  	v59 =	vand.u32 $0xFFFF0000, v61;
	v43 =	vmul.f32 v43, v46;
	v53 =	vand.u32 $0xFFFF0, v56  }
0xef: {  	v61 =	vand.u32 $0x7FF0, v62;
	v62 =	vperm.xlane v45, v7;
	v53 =	vor.u32 v3, v53  }
0xf0: {  	v32 =	vsub.s32 $0x10, v32;
	v58 =	vor.u32 v3, v54;
	[tilespmem:v36+s12+$0x0] =	vst.idx.add.f32.msk $0xffff, v43;
	v37 =	vshll.u32 v37, v48  }
0xf1: {  	v46 =	vor.u32 v3, v61;
	v57 =	vshll.u32 v62, $0x4;
	v40 =	vld.idx.msk [tilespmem:v40+s9+$0x0], $0xffff;
	v37 =	vand.u32 $0xFFFF0000, v37  }
0xf2: {  	v49 =	vand.u32 $0xFFFF0000, v62;
	v62 =	vshra.s32 v63, $0x7;
	v37 =	vmul.f32 v37, v59  }
0xf3: {  	v61 =	vor.u32 v3, v55;
	v36 =	vand.u32 $0xFFFF0, v57;
	v55 =	vand.u32 $0xFFFFFFF0, v62  }
0xf4: {  	v36 =	vor.u32 v3, v36;
	v59 =	vshll.u32 v63, $0x4;
	v63 =	vperm.xlane v41, v8;
	[tilespmem:v53+s12+$0x0] =	vst.idx.add.f32.msk $0xffff, v37  }
0xf5: {  	v37 =	vperm.xlane v45, v2;
	v53 =	vand.u32 $0x7FF0, v59;
	v48 =	vld.idx.msk [tilespmem:v58+s9+$0x0], $0xffff;
	v58 =	vperm.xlane v31, v7  }
0xf6: {  	v59 =	vshll.u32 v63, $0x4;
	v50 =	vshra.s32 v63, $0x7;
	v40 =	vshll.u32 v40, v42  }
0xf7: {  	v42 =	vor.u32 v3, v53;
	v40 =	vand.u32 $0xFFFF0000, v40;
	v60 =	vshll.u32 v58, $0x4  }
0xf8: {  	v50 =	vand.u32 $0xFFFFFFF0, v50;
	v40 =	vmul.f32 v40, v47;
	v54 =	vand.u32 $0xFFFF0, v60  }
0xf9: {  	v56 =	vshll.u32 v37, $0x4;
	v37 =	vand.u32 $0xFFFF0000, v37;
	v54 =	vor.u32 v3, v54  }
0xfa: {  	v43 =	vand.u32 $0xFFFF0000, v58;
	v60 =	vperm.xlane v31, v2;
	[tilespmem:v44+s12+$0x0] =	vst.idx.add.f32.msk $0xffff, v40;
	v48 =	vshll.u32 v48, v51  }
0xfb: {  	v57 =	vand.u32 $0xFFFF0, v56;
	v56 =	vperm.xlane v41, v4;
	v46 =	vld.idx.msk [tilespmem:v46+s9+$0x0], $0xffff;
	v48 =	vand.u32 $0xFFFF0000, v48  }
0xfc: {  	v51 =	vperm.xlane v25, v8;
	v62 =	vshll.u32 v60, $0x4;
	v43 =	vmul.f32 v48, v43  }
0xfd: {  	v40 =	vor.u32 v3, v57;
	v44 =	vand.u32 $0xFFFF0000, v60;
	v53 =	vand.u32 $0xFFFF0, v62  }
0xfe: {  	v63 =	vshll.u32 v51, $0x4;
	v53 =	vor.u32 v3, v53;
	v51 =	vshra.s32 v51, $0x7;
	[tilespmem:v54+s12+$0x0] =	vst.idx.add.f32.msk $0xffff, v43  }
0xff: {  	v51 =	vand.u32 $0xFFFFFFF0, v51;
	v43 =	vsub.s32 $0x10, v55;
	v54 =	vand.u32 $0x7FF0, v63;
	v58 =	vld.idx.msk [tilespmem:v61+s9+$0x0], $0xffff  }
0x100: {  	v61 =	vand.u32 $0x7FF0, v59;
	v32 =	vshll.u32 v46, v32;
	v59 =	vperm.xlane v41, v9  }
0x101: {  	v63 =	vperm.xlane v45, v9;
	v51 =	vsub.s32 $0x10, v51;
	v32 =	vand.u32 $0xFFFF0000, v32  }
0x102: {  	v57 =	vor.u32 v3, v54;
	v32 =	vmul.f32 v32, v49;
	v46 =	vshra.s32 v59, $0x7  }
0x103: {  	v47 =	vor.u32 v3, v61;
	v61 =	vshll.u32 v59, $0x4;
	v62 =	vand.u32 $0xFFFFFFF0, v46  }
0x104: {  	[tilespmem:v36+s12+$0x0] =	vst.idx.add.f32.msk $0xffff, v32;
	v36 =	vperm.xlane v31, v8;
	v32 =	vsub.s32 $0x10, v62;
	v48 =	vshll.u32 v58, v52  }
0x105: {  	v62 =	vshll.u32 v63, $0x4;
	v58 =	vperm.xlane v45, v8;
	v48 =	vand.u32 $0xFFFF0000, v48  }
0x106: {  	v42 =	vld.idx.msk [tilespmem:v42+s9+$0x0], $0xffff;
	v59 =	vshll.u32 v36, $0x4;
	v36 =	vand.u32 $0xFFFF0000, v36;
	v44 =	vmul.f32 v48, v44  }
0x107: {  	v48 =	vsub.s32 $0x10, v50;
	v60 =	vshll.u32 v58, $0x4;
	v49 =	vand.u32 $0xFFFF0000, v58  }
0x108: {  	v54 =	vand.u32 $0xFFFF0, v59;
	v58 =	vshra.s32 v56, $0x7;
	v59 =	vperm.xlane v45, v4  }
0x109: {  	v50 =	vand.u32 $0xFFFF0, v60;
	v54 =	vor.u32 v3, v54;
	[tilespmem:v53+s12+$0x0] =	vst.idx.add.f32.msk $0xffff, v44;
	v44 =	vand.u32 $0x7FF0, v61  }
0x10a: {  	v50 =	vor.u32 v3, v50;
	v53 =	vperm.xlane v25, v9;
	v44 =	vor.u32 v3, v44  }
0x10b: {  	v52 =	vld.idx.msk [tilespmem:v57+s9+$0x0], $0xffff;
	v42 =	vshll.u32 v42, v43;
	v43 =	vand.u32 $0xFFFF0000, v63;
	v63 =	vand.u32 $0xFFFF0, v62  }
0x10c: {  	v60 =	vshll.u32 v53, $0x4;
	v42 =	vand.u32 $0xFFFF0000, v42;
	v53 =	vshra.s32 v53, $0x7  }
0x10d: {  	v55 =	vand.u32 $0x7FF0, v60;
	v37 =	vmul.f32 v42, v37;
	v42 =	vor.u32 v3, v63  }
0x10e: {  	v53 =	vand.u32 $0xFFFFFFF0, v53;
	v61 =	vor.u32 v3, v55;
	v55 =	vshll.u32 v56, $0x4  }
0x10f: {  	v60 =	vshll.u32 v59, $0x4;
	v53 =	vsub.s32 $0x10, v53;
	v57 =	vand.u32 $0x7FF0, v55;
	[tilespmem:v40+s12+$0x0] =	vst.idx.add.f32.msk $0xffff, v37  }
0x110: {  	v37 =	vperm.xlane v41, v10;
	v55 =	vperm.xlane v25, v4;
	v51 =	vshll.u32 v52, v51  }
0x111: {  	v40 =	vperm.xlane v31, v9;
	v46 =	vor.u32 v3, v57;
	v47 =	vld.idx.msk [tilespmem:v47+s9+$0x0], $0xffff;
	v51 =	vand.u32 $0xFFFF0000, v51  }
0x112: {  	v57 =	vshll.u32 v55, $0x4;
	v63 =	vshll.u32 v37, $0x4;
	v36 =	vmul.f32 v51, v36  }
0x113: {  	v37 =	vshra.s32 v37, $0x7;
	v55 =	vshra.s32 v55, $0x7;
	v51 =	vand.u32 $0xFFFF0000, v59  }
0x114: {  	v57 =	vand.u32 $0x7FF0, v57;
	v59 =	vand.u32 $0x7FF0, v63;
	v37 =	vand.u32 $0xFFFFFFF0, v37;
	[tilespmem:v54+s12+$0x0] =	vst.idx.add.f32.msk $0xffff, v36  }
0x115: {  	v55 =	vand.u32 $0xFFFFFFF0, v55;
	v62 =	vor.u32 v3, v57;
	v37 =	vsub.s32 $0x10, v37;
	v52 =	vld.idx.msk [tilespmem:v61+s9+$0x0], $0xffff  }
0x116: {  	v55 =	vsub.s32 $0x10, v55;
	v36 =	vand.u32 $0xFFFFFFF0, v58;
	v47 =	vshll.u32 v47, v48  }
0x117: {  	v54 =	vand.u32 $0xFFFF0, v60;
	v61 =	vshll.u32 v40, $0x4;
	v47 =	vand.u32 $0xFFFF0000, v47  }
0x118: {  	v60 =	vperm.xlane v45, v10;
	v56 =	vand.u32 $0xFFFF0, v61;
	v47 =	vmul.f32 v47, v49  }
0x119: {  	v36 =	vsub.s32 $0x10, v36;
	v61 =	vperm.xlane v31, v4;
	v56 =	vor.u32 v3, v56  }
0x11a: {  	v40 =	vand.u32 $0xFFFF0000, v40;
	v48 =	vor.u32 v3, v54;
	[tilespmem:v50+s12+$0x0] =	vst.idx.add.f32.msk $0xffff, v47;
	v52 =	vshll.u32 v52, v53  }
0x11b: {  	v49 =	vor.u32 v3, v59;
	v63 =	vshll.u32 v61, $0x4;
	v44 =	vld.idx.msk [tilespmem:v44+s9+$0x0], $0xffff;
	v52 =	vand.u32 $0xFFFF0000, v52  }
0x11c: {  	v57 =	vand.u32 $0xFFFF0, v63;
	v40 =	vmul.f32 v52, v40;
	v52 =	vperm.xlane v41, v11  }
0x11d: {  	v54 =	vand.u32 $0xFFFF0000, v61;
	v50 =	vand.u32 $0xFFFF0000, v60;
	v57 =	vor.u32 v3, v57  }
0x11e: {  	[tilespmem:v56+s12+$0x0] =	vst.idx.add.f32.msk $0xffff, v40;
	v40 =	vshll.u32 v60, $0x4;
	v56 =	vperm.xlane v25, v10;
	v59 =	vshll.u32 v52, $0x4  }
0x11f: {  	v52 =	vshra.s32 v52, $0x7;
	v53 =	vld.idx.msk [tilespmem:v62+s9+$0x0], $0xffff;
	v62 =	vperm.xlane v45, v11;
	v40 =	vand.u32 $0xFFFF0, v40  }
0x120: {  	v32 =	vshll.u32 v44, v32;
	v60 =	vand.u32 $0x7FF0, v59;
	v52 =	vand.u32 $0xFFFFFFF0, v52  }
0x121: {  	v58 =	vshll.u32 v56, $0x4;
	v40 =	vor.u32 v3, v40;
	v32 =	vand.u32 $0xFFFF0000, v32  }
0x122: {  	v44 =	vor.u32 v3, v60;
	v52 =	vsub.s32 $0x10, v52;
	v32 =	vmul.f32 v32, v43  }
0x123: {  	v63 =	vshra.s32 v56, $0x7;
	v58 =	vand.u32 $0x7FF0, v58;
	v43 =	vperm.xlane v41, v12  }
0x124: {  	v47 =	vshll.u32 v62, $0x4;
	v58 =	vor.u32 v3, v58;
	[tilespmem:v42+s12+$0x0] =	vst.idx.add.f32.msk $0xffff, v32;
	v53 =	vshll.u32 v53, v55  }
0x125: {  	v61 =	vshll.u32 v43, $0x4;
	v43 =	vshra.s32 v43, $0x7;
	v46 =	vld.idx.msk [tilespmem:v46+s9+$0x0], $0xffff;
	v53 =	vand.u32 $0xFFFF0000, v53  }
0x126: {  	v47 =	vand.u32 $0xFFFF0, v47;
	v43 =	vand.u32 $0xFFFFFFF0, v43;
	v53 =	vmul.f32 v53, v54  }
0x127: {  	v42 =	vor.u32 v3, v47;
	v47 =	vperm.xlane v25, v11;
	v43 =	vsub.s32 $0x10, v43  }
0x128: {  	[tilespmem:v57+s12+$0x0] =	vst.idx.add.f32.msk $0xffff, v53;
	v53 =	vand.u32 $0xFFFF0000, v62;
	v57 =	vperm.xlane v31, v10;
	v62 =	vand.u32 $0x7FF0, v61  }
0x129: {  	v61 =	vand.u32 $0xFFFFFFF0, v63;
	v63 =	vshll.u32 v47, $0x4;
	v54 =	vld.idx.msk [tilespmem:v58+s9+$0x0], $0xffff;
	v58 =	vor.u32 v3, v62  }
0x12a: {  	v32 =	vsub.s32 $0x10, v61;
	v56 =	vand.u32 $0x7FF0, v63;
	v36 =	vshll.u32 v46, v36  }
0x12b: {  	v61 =	vperm.xlane v45, v12;
	v60 =	vshll.u32 v57, $0x4;
	v36 =	vand.u32 $0xFFFF0000, v36  }
0x12c: {  	v62 =	vand.u32 $0xFFFF0, v60;
	v60 =	vand.u32 $0xFFFF0000, v57;
	v36 =	vmul.f32 v36, v51  }
0x12d: {  	v63 =	vshll.u32 v61, $0x4;
	v57 =	vand.u32 $0xFFFF0000, v61;
	v55 =	vor.u32 v3, v62  }
0x12e: {  	v51 =	vperm.xlane v45, v13;
	v32 =	vshll.u32 v54, v32;
	v54 =	vor.u32 v3, v56  }
0x12f: {  	v62 =	vperm.xlane v41, v13;
	v59 =	vand.u32 $0xFFFF0, v63;
	[tilespmem:v48+s12+$0x0] =	vst.idx.add.f32.msk $0xffff, v36;
	v32 =	vand.u32 $0xFFFF0000, v32  }
0x130: {  	v63 =	vshra.s32 v47, $0x7;
	v36 =	vld.idx.msk [tilespmem:v49+s9+$0x0], $0xffff;
	v49 =	vperm.xlane v25, v12;
	v32 =	vmul.f32 v32, v60  }
0x131: {  	v48 =	vor.u32 v3, v59;
	v61 =	vshra.s32 v62, $0x7;
	v60 =	vshll.u32 v62, $0x4  }
0x132: {  	v62 =	vand.u32 $0xFFFFFFF0, v61;
	v46 =	vand.u32 $0x7FF0, v60;
	v60 =	vshll.u32 v49, $0x4;
	[tilespmem:v55+s12+$0x0] =	vst.idx.add.f32.msk $0xffff, v32  }
0x133: {  	v55 =	vperm.xlane v31, v11;
	v56 =	vor.u32 v3, v46;
	v46 =	vand.u32 $0xFFFFFFF0, v63;
	v54 =	vld.idx.msk [tilespmem:v54+s9+$0x0], $0xffff  }
0x134: {  	v63 =	vshll.u32 v51, $0x4;
	v51 =	vand.u32 $0xFFFF0000, v51;
	v46 =	vsub.s32 $0x10, v46  }
0x135: {  	v36 =	vshll.u32 v36, v37;
	v37 =	vand.u32 $0xFFFF0, v63;
	v59 =	vshll.u32 v55, $0x4  }
0x136: {  	v36 =	vand.u32 $0xFFFF0000, v36;
	v47 =	vand.u32 $0xFFFF0, v59;
	v59 =	vand.u32 $0x7FF0, v60  }
0x137: {  	v60 =	vsub.s32 $0x10, v62;
	v62 =	vperm.xlane v41, v14;
	v47 =	vor.u32 v3, v47  }
0x138: {  	v36 =	vmul.f32 v36, v50;
	v61 =	vshll.u32 v54, v46;
	v46 =	vor.u32 v3, v59  }
0x139: {  	v55 =	vand.u32 $0xFFFF0000, v55;
	v59 =	vshll.u32 v62, $0x4;
	v32 =	vand.u32 $0xFFFF0000, v61  }
0x13a: {  	v50 =	vor.u32 v3, v37;
	[tilespmem:v40+s12+$0x0] =	vst.idx.add.f32.msk $0xffff, v36;
	v37 =	vand.u32 $0x7FF0, v59;
	v32 =	vmul.f32 v32, v55  }
0x13b: {  	v63 =	vshra.s32 v49, $0x7;
	v36 =	vperm.xlane v41, v15;
	v55 =	vor.u32 v3, v37;
	v37 =	vld.idx.msk [tilespmem:v44+s9+$0x0], $0xffff  }
0x13c: {  	v40 =	vperm.xlane v25, v13;
	v61 =	vshra.s32 v62, $0x7;
	[tilespmem:v47+s12+$0x0] =	vst.idx.add.f32.msk $0xffff, v32;
	v47 =	vperm.xlane v31, v12  }
0x13d: {  	v62 =	vand.u32 $0xFFFFFFF0, v61;
	v44 =	vand.u32 $0xFFFFFFF0, v63;
	v32 =	vperm.xlane v45, v14;
	v54 =	vld.idx.msk [tilespmem:v46+s9+$0x0], $0xffff  }
0x13e: {  	v44 =	vsub.s32 $0x10, v44;
	v46 =	vsub.s32 $0x10, v62;
	v61 =	vshll.u32 v47, $0x4  }
0x13f: {  	v59 =	vshll.u32 v32, $0x4;
	v32 =	vand.u32 $0xFFFF0000, v32;
	v47 =	vand.u32 $0xFFFF0000, v47  }
0x140: {  	v49 =	vand.u32 $0xFFFF0, v61;
	v61 =	vshll.u32 v40, $0x4;
	v62 =	vshll.u32 v37, v52  }
0x141: {  	v63 =	vand.u32 $0xFFFF0, v59;
	v49 =	vor.u32 v3, v49;
	v61 =	vand.u32 $0x7FF0, v61  }
0x142: {  	v40 =	vshra.s32 v40, $0x7;
	v44 =	vshll.u32 v54, v44;
	v54 =	vor.u32 v3, v61  }
0x143: {  	v59 =	vand.u32 $0xFFFF0000, v62;
	v61 =	vmul.f32 v35, v34;
	v44 =	vand.u32 $0xFFFF0000, v44  }
0x144: {  	v62 =	vshll.u32 v36, $0x4;
	v36 =	vshra.s32 v36, $0x7;
	v52 =	vmul.f32 v44, v47  }
0x145: {  	v34 =	vor.u32 v3, v63;
	v35 =	vand.u32 $0x7FF0, v62;
	v63 =	vperm.xlane v45, v15;
	[tilespmem:v24+s12+$0x0] =	vst.idx.add.f32.msk $0xffff, v61  }
0x146: {  	v44 =	vmul.f32 v59, v53;
	v53 =	vand.u32 $0xFFFFFFF0, v36;
	v36 =	vor.u32 v3, v35;
	[tilespmem:v49+s12+$0x0] =	vst.idx.add.f32.msk $0xffff, v52  }
0x147: {  	v35 =	vand.u32 $0xFFFF0000, v63;
	v47 =	vshll.u32 v63, $0x4;
	v52 =	vperm.xlane v31, v13;
	v49 =	vld.idx.msk [tilespmem:v54+s9+$0x0], $0xffff  }
0x148: {  	v24 =	vand.u32 $0xFFFFFFF0, v40;
	v37 =	vsub.s32 $0x10, v53;
	v53 =	vperm.xlane v25, v14;
	[tilespmem:v42+s12+$0x0] =	vst.idx.add.f32.msk $0xffff, v44  }
0x149: {  	v24 =	vsub.s32 $0x10, v24;
	v42 =	vperm.xlane v41, v16;
	v44 =	vld.idx.msk [tilespmem:v58+s9+$0x0], $0xffff;
	v58 =	vshll.u32 v52, $0x4  }
0x14a: {  	v39 =	vld.idx.msk [tilespmem:v39+s9+$0x0], $0xffff;
	v47 =	vand.u32 $0xFFFF0, v47;
	v61 =	vshll.u32 v53, $0x4;
	v59 =	vand.u32 $0xFFFF0, v58  }
0x14b: {  	v54 =	vand.u32 $0x7FF0, v61;
	v63 =	vshll.u32 v42, $0x4;
	v40 =	vor.u32 v3, v59  }
0x14c: {  	v52 =	vand.u32 $0xFFFF0000, v52;
	v62 =	vor.u32 v3, v54;
	v24 =	vshll.u32 v49, v24  }
0x14d: {  	v42 =	vshra.s32 v42, $0x7;
	v61 =	vshra.s32 v53, $0x7;
	v24 =	vand.u32 $0xFFFF0000, v24  }
0x14e: {  	v54 =	vand.u32 $0x7FF0, v63;
	v43 =	vshll.u32 v44, v43;
	v24 =	vmul.f32 v24, v52  }
0x14f: {  	v33 =	vshll.u32 v39, v33;
	v59 =	vand.u32 $0xFFFFFFF0, v42;
	v52 =	vand.u32 $0xFFFF0000, v43  }
0x150: {  	v42 =	vand.u32 $0xFFFFFFF0, v61;
	v44 =	vor.u32 v3, v47;
	v58 =	vmul.f32 v52, v57;
	[tilespmem:v40+s12+$0x0] =	vst.idx.add.f32.msk $0xffff, v24  }
0x151: {  	v49 =	vperm.xlane v31, v14;
	v43 =	vor.u32 v3, v54;
	v57 =	vperm.xlane v41, v17;
	v47 =	vld.idx.msk [tilespmem:v62+s9+$0x0], $0xffff  }
0x152: {  	v24 =	vand.u32 $0xFFFF0000, v33;
	v33 =	vperm.xlane v45, v16;
	v40 =	vsub.s32 $0x10, v59;
	[tilespmem:v48+s12+$0x0] =	vst.idx.add.f32.msk $0xffff, v58  }
0x153: {  	v24 =	vmul.f32 v24, v38;
	v38 =	vperm.xlane v25, v15;
	v62 =	vshll.u32 v49, $0x4;
	v39 =	vld.idx.msk [tilespmem:v56+s9+$0x0], $0xffff  }
0x154: {  	v48 =	vand.u32 $0xFFFF0, v62;
	v41 =	vand.u32 $0xFFFF0000, v33;
	v33 =	vshll.u32 v33, $0x4  }
0x155: {  	v63 =	vshll.u32 v38, $0x4;
	[tilespmem:v20+s12+$0x0] =	vst.idx.add.f32.msk $0xffff, v24;
	v20 =	vsub.s32 $0x10, v42;
	v24 =	vor.u32 v3, v48  }
0x156: {  	v56 =	vand.u32 $0x7FF0, v63;
	v58 =	vld.idx.msk [tilespmem:v22+s9+$0x0], $0xffff;
	v22 =	vand.u32 $0xFFFF0000, v49;
	v63 =	vperm.xlane v31, v15  }
0x157: {  	v49 =	vperm.xlane v25, v16;
	v59 =	vor.u32 v3, v56;
	v20 =	vshll.u32 v47, v20  }
0x158: {  	s23 =	sadd.s32 $0x20, s21;
	v56 =	vperm.xlane v45, v17;
	v20 =	vand.u32 $0xFFFF0000, v20;
	v39 =	vshll.u32 v39, v60  }
0x159: {  	v47 =	vld [tilespmem:s23+$0xFFFFFFF0];
	v60 =	vshll.u32 v57, $0x4;
	v20 =	vmul.f32 v20, v22;
	v22 =	vand.u32 $0xFFFF0, v33  }
0x15a: {  	v39 =	vand.u32 $0xFFFF0000, v39;
	v33 =	vand.u32 $0xFFFF0000, v63;
	v42 =	vor.u32 v3, v22  }
0x15b: {  	v22 =	vand.u32 $0x7FF0, v60;
	v61 =	vmul.f32 v39, v51;
	v23 =	vshll.u32 v58, v23  }
0x15c: {  	v58 =	vshll.u32 v56, $0x4;
	[tilespmem:v24+s12+$0x0] =	vst.idx.add.f32.msk $0xffff, v20;
	v20 =	vshra.s32 v57, $0x7;
	v23 =	vand.u32 $0xFFFF0000, v23  }
0x15d: {  	v57 =	vshll.u32 v63, $0x4;
	v45 =	vmul.f32 v23, v21;
	v21 =	vshra.s32 v38, $0x7  }
0x15e: {  	v62 =	vld.idx.msk [tilespmem:v59+s9+$0x0], $0xffff;
	v38 =	vand.u32 $0xFFFF0, v57;
	v59 =	vshll.u32 v49, $0x4;
	v63 =	vperm.xlane v47, v1  }
0x15f: {  	v24 =	vld [tilespmem:s23+$0x0];
	v52 =	vperm.xlane v47, v5;
	v53 =	vperm.xlane v47, v6;
	v49 =	vshra.s32 v49, $0x7  }
0x160: {  	[tilespmem:v50+s12+$0x0] =	vst.idx.add.f32.msk $0xffff, v61;
	v21 =	vand.u32 $0xFFFFFFF0, v21;
	v38 =	vor.u32 v3, v38;
	v51 =	vand.u32 $0x7FF0, v59  }
0x161: {  	v23 =	vld.idx.msk [tilespmem:v55+s9+$0x0], $0xffff;
	v55 =	vperm.xlane v25, v17;
	v49 =	vand.u32 $0xFFFFFFF0, v49;
	v60 =	vsub.s32 $0x10, v21  }
0x162: {  	v21 =	vand.u32 $0xFFFF0000, v56;
	v61 =	vor.u32 v3, v51;
	v51 =	vshra.s32 v63, $0x7  }
0x163: {  	v59 =	vshll.u32 v63, $0x4;
	v49 =	vsub.s32 $0x10, v49;
	v51 =	vand.u32 $0xFFFFFFF0, v51  }
0x164: {  	v50 =	vperm.xlane v24, v1;
	v51 =	vsub.s32 $0x10, v51;
	v39 =	vshll.u32 v62, v60  }
0x165: {  	v62 =	vand.u32 $0xFFFF0, v58;
	v60 =	vperm.xlane v31, v16;
	v39 =	vand.u32 $0xFFFF0000, v39  }
0x166: {  	s21 =	sadd.s32 $0x20, s22;
	v23 =	vshll.u32 v23, v46;
	v46 =	vand.u32 $0x7FF0, v59;
	v39 =	vmul.f32 v39, v33  }
0x167: {  	v25 =	vld [tilespmem:s21+$0x0];
	v31 =	vperm.xlane v31, v17;
	v58 =	vshll.u32 v50, $0x4;
	v56 =	vor.u32 v3, v46  }
0x168: {  	v59 =	vshll.u32 v52, $0x4;
	v50 =	vshra.s32 v50, $0x7;
	v52 =	vshra.s32 v52, $0x7;
	[tilespmem:v38+s12+$0x0] =	vst.idx.add.f32.msk $0xffff, v39  }
0x169: {  	v33 =	vand.u32 $0xFFFF0000, v23;
	v23 =	vor.u32 v3, v62;
	v39 =	vand.u32 $0x7FF0, v58;
	v48 =	vld.idx.msk [tilespmem:v61+s9+$0x0], $0xffff  }
0x16a: {  	v62 =	vshll.u32 v55, $0x4;
	v54 =	vand.u32 $0xFFFF0000, v60;
	v39 =	vor.u32 v3, v39  }
0x16b: {  	v46 =	vld [tilespmem:s21+$0xFFFFFFF0];
	v50 =	vand.u32 $0xFFFFFFF0, v50;
	v55 =	vshra.s32 v55, $0x7;
	v61 =	vshll.u32 v60, $0x4  }
0x16c: {  	v52 =	vand.u32 $0xFFFFFFF0, v52;
	v50 =	vsub.s32 $0x10, v50;
	v57 =	vand.u32 $0xFFFF0, v61;
	v56 =	vld.idx.msk [tilespmem:v56+s9+$0x0], $0xffff  }
0x16d: {  	v32 =	vmul.f32 v33, v32;
	v58 =	vand.u32 $0x7FF0, v62;
	v57 =	vor.u32 v3, v57  }
0x16e: {  	v48 =	vshll.u32 v48, v49;
	v49 =	vor.u32 v3, v58;
	v58 =	vperm.xlane v25, v1  }
0x16f: {  	v38 =	vperm.xlane v47, v7;
	v60 =	vperm.xlane v24, v5;
	v39 =	vld.idx.msk [tilespmem:v39+s9+$0x0], $0xffff;
	v48 =	vand.u32 $0xFFFF0000, v48  }
0x170: {  	v48 =	vmul.f32 v48, v54;
	v54 =	vperm.xlane v46, v1;
	v61 =	vshll.u32 v58, $0x4  }
0x171: {  	v62 =	vand.u32 $0xFFFF0000, v58;
	v58 =	vand.u32 $0xFFFFFFF0, v55;
	v51 =	vshll.u32 v56, v51  }
0x172: {  	v55 =	vperm.xlane v25, v5;
	v56 =	vperm.xlane v24, v6;
	v63 =	vand.u32 $0xFFFF0, v61  }
0x173: {  	v51 =	vand.u32 $0xFFFF0000, v51;
	[tilespmem:v57+s12+$0x0] =	vst.idx.add.f32.msk $0xffff, v48;
	v57 =	vshll.u32 v60, $0x4;
	v61 =	vor.u32 v3, v63  }
0x174: {  	v63 =	vshll.u32 v31, $0x4;
	v49 =	vld.idx.msk [tilespmem:v49+s9+$0x0], $0xffff;
	v57 =	vand.u32 $0x7FF0, v57;
	v39 =	vshll.u32 v39, v50  }
0x175: {  	v31 =	vand.u32 $0xFFFF0000, v31;
	v50 =	vor.u32 v3, v57;
	v39 =	vand.u32 $0xFFFF0000, v39  }
0x176: {  	v57 =	vshll.u32 v54, $0x4;
	v39 =	vmul.f32 v39, v62;
	v62 =	vand.u32 $0xFFFF0, v63  }
0x177: {  	v63 =	vsub.s32 $0x10, v58;
	v48 =	vor.u32 v3, v62;
	v62 =	vand.u32 $0xFFFF0, v57  }
0x178: {  	[tilespmem:v61+s12+$0x0] =	vst.idx.add.f32.msk $0xffff, v39;
	v61 =	vand.u32 $0xFFFF0000, v54;
	v54 =	vor.u32 v3, v62;
	v62 =	vshll.u32 v56, $0x4  }
0x179: {  	v56 =	vshra.s32 v56, $0x7;
	v58 =	vshll.u32 v49, v63;
	v51 =	vmul.f32 v51, v61  }
0x17a: {  	v63 =	vshra.s32 v60, $0x7;
	v60 =	vshll.u32 v55, $0x4;
	v61 =	vand.u32 $0x7FF0, v59  }
0x17b: {  	v59 =	vand.u32 $0x7FF0, v62;
	v55 =	vand.u32 $0xFFFF0000, v55;
	v56 =	vand.u32 $0xFFFFFFF0, v56;
	v50 =	vld.idx.msk [tilespmem:v50+s9+$0x0], $0xffff  }
0x17c: {  	v39 =	vand.u32 $0xFFFF0000, v58;
	v49 =	vand.u32 $0xFFFFFFF0, v63;
	v57 =	vand.u32 $0xFFFF0, v60  }
0x17d: {  	v58 =	vor.u32 v3, v61;
	v60 =	vperm.xlane v46, v5;
	v63 =	vshll.u32 v53, $0x4  }
0x17e: {  	v56 =	vsub.s32 $0x10, v56;
	v49 =	vsub.s32 $0x10, v49;
	v57 =	vor.u32 v3, v57  }
0x17f: {  	v61 =	vshll.u32 v60, $0x4;
	[tilespmem:v54+s12+$0x0] =	vst.idx.add.f32.msk $0xffff, v51;
	v54 =	vand.u32 $0xFFFF0000, v60;
	v51 =	vand.u32 $0x7FF0, v63  }
0x180: {  	v51 =	vor.u32 v3, v51;
	v49 =	vshll.u32 v50, v49;
	v50 =	vor.u32 v3, v59  }
0x181: {  	v59 =	vand.u32 $0xFFFF0000, v49;
	v49 =	vmul.f32 v39, v31;
	v39 =	vsub.s32 $0x10, v52  }
0x182: {  	v31 =	vmul.f32 v59, v55;
	v59 =	vshra.s32 v53, $0x7;
	v55 =	vperm.xlane v46, v6  }
0x183: {  	v53 =	vld.idx.msk [tilespmem:v58+s9+$0x0], $0xffff;
	v58 =	vshll.u32 v38, $0x4;
	v38 =	vshra.s32 v38, $0x7;
	v52 =	vand.u32 $0xFFFFFFF0, v59  }
0x184: {  	v59 =	vperm.xlane v24, v7;
	v38 =	vand.u32 $0xFFFFFFF0, v38;
	[tilespmem:v57+s12+$0x0] =	vst.idx.add.f32.msk $0xffff, v31;
	v31 =	vand.u32 $0xFFFF0, v61  }
0x185: {  	v57 =	vperm.xlane v25, v6;
	v52 =	vsub.s32 $0x10, v52;
	v60 =	vshll.u32 v55, $0x4;
	v50 =	vld.idx.msk [tilespmem:v50+s9+$0x0], $0xffff  }
0x186: {  	v55 =	vand.u32 $0xFFFF0000, v55;
	v38 =	vsub.s32 $0x10, v38;
	v31 =	vor.u32 v3, v31  }
0x187: {  	v62 =	vshll.u32 v59, $0x4;
	v63 =	vand.u32 $0xFFFF0, v60;
	v61 =	vshll.u32 v57, $0x4  }
0x188: {  	v60 =	vand.u32 $0x7FF0, v58;
	v61 =	vand.u32 $0xFFFF0, v61;
	v39 =	vshll.u32 v53, v39  }
0x189: {  	v62 =	vand.u32 $0x7FF0, v62;
	v61 =	vor.u32 v3, v61;
	v39 =	vand.u32 $0xFFFF0000, v39  }
0x18a: {  	v39 =	vmul.f32 v39, v54;
	v50 =	vshll.u32 v50, v56;
	v56 =	vor.u32 v3, v62  }
0x18b: {  	v54 =	vor.u32 v3, v60;
	v62 =	vand.u32 $0xFFFF0000, v57;
	v50 =	vand.u32 $0xFFFF0000, v50  }
0x18c: {  	v59 =	vshra.s32 v59, $0x7;
	v60 =	vperm.xlane v24, v2;
	[tilespmem:v31+s12+$0x0] =	vst.idx.add.f32.msk $0xffff, v39;
	v50 =	vmul.f32 v50, v62  }
0x18d: {  	v58 =	vperm.xlane v47, v2;
	v59 =	vand.u32 $0xFFFFFFF0, v59;
	v53 =	vor.u32 v3, v63;
	v51 =	vld.idx.msk [tilespmem:v51+s9+$0x0], $0xffff  }
0x18e: {  	v59 =	vsub.s32 $0x10, v59;
	v63 =	vshll.u32 v60, $0x4;
	v62 =	vperm.xlane v46, v7;
	[tilespmem:v61+s12+$0x0] =	vst.idx.add.f32.msk $0xffff, v50  }
0x18f: {  	v39 =	vperm.xlane v25, v7;
	v60 =	vshra.s32 v60, $0x7;
	v63 =	vand.u32 $0x7FF0, v63;
	v56 =	vld.idx.msk [tilespmem:v56+s9+$0x0], $0xffff  }
0x190: {  	v60 =	vand.u32 $0xFFFFFFF0, v60;
	v50 =	vperm.xlane v46, v2;
	v31 =	vshll.u32 v62, $0x4  }
0x191: {  	v57 =	vand.u32 $0xFFFF0000, v62;
	v61 =	vshll.u32 v58, $0x4;
	v62 =	vshll.u32 v39, $0x4  }
0x192: {  	v39 =	vand.u32 $0xFFFF0000, v39;
	v62 =	vand.u32 $0xFFFF0, v62;
	v51 =	vshll.u32 v51, v52  }
0x193: {  	v31 =	vand.u32 $0xFFFF0, v31;
	v62 =	vor.u32 v3, v62;
	v51 =	vand.u32 $0xFFFF0000, v51  }
0x194: {  	v51 =	vmul.f32 v51, v55;
	v56 =	vshll.u32 v56, v59;
	v59 =	vor.u32 v3, v63  }
0x195: {  	v61 =	vand.u32 $0x7FF0, v61;
	v31 =	vor.u32 v3, v31;
	v56 =	vand.u32 $0xFFFF0000, v56  }
0x196: {  	v60 =	vsub.s32 $0x10, v60;
	v52 =	vor.u32 v3, v61;
	[tilespmem:v53+s12+$0x0] =	vst.idx.add.f32.msk $0xffff, v51;
	v39 =	vmul.f32 v56, v39  }
0x197: {  	v55 =	vperm.xlane v24, v8;
	v63 =	vshra.s32 v58, $0x7;
	v58 =	vperm.xlane v47, v8;
	v54 =	vld.idx.msk [tilespmem:v54+s9+$0x0], $0xffff  }
0x198: {  	v61 =	vand.u32 $0xFFFFFFF0, v63;
	v63 =	vshll.u32 v50, $0x4;
	[tilespmem:v62+s12+$0x0] =	vst.idx.add.f32.msk $0xffff, v39;
	v39 =	vand.u32 $0xFFFF0000, v50  }
0x199: {  	v50 =	vsub.s32 $0x10, v61;
	v61 =	vand.u32 $0xFFFF0, v63;
	v56 =	vld.idx.msk [tilespmem:v59+s9+$0x0], $0xffff;
	v59 =	vperm.xlane v25, v2  }
0x19a: {  	v62 =	vshll.u32 v58, $0x4;
	v58 =	vshra.s32 v58, $0x7;
	v51 =	vor.u32 v3, v61  }
0x19b: {  	v53 =	vand.u32 $0x7FF0, v62;
	v62 =	vshll.u32 v55, $0x4;
	v61 =	vshll.u32 v59, $0x4  }
0x19c: {  	v58 =	vand.u32 $0xFFFFFFF0, v58;
	v38 =	vshll.u32 v54, v38;
	v61 =	vand.u32 $0xFFFF0, v61  }
0x19d: {  	v62 =	vand.u32 $0x7FF0, v62;
	v38 =	vand.u32 $0xFFFF0000, v38;
	v61 =	vor.u32 v3, v61  }
0x19e: {  	v38 =	vmul.f32 v38, v57;
	v56 =	vshll.u32 v56, v60;
	v60 =	vor.u32 v3, v62  }
0x19f: {  	v55 =	vshra.s32 v55, $0x7;
	v59 =	vand.u32 $0xFFFF0000, v59;
	v56 =	vand.u32 $0xFFFF0000, v56  }
0x1a0: {  	v55 =	vand.u32 $0xFFFFFFF0, v55;
	v62 =	vperm.xlane v46, v8;
	[tilespmem:v31+s12+$0x0] =	vst.idx.add.f32.msk $0xffff, v38;
	v54 =	vmul.f32 v56, v59  }
0x1a1: {  	v53 =	vor.u32 v3, v53;
	v55 =	vsub.s32 $0x10, v55;
	v31 =	vperm.xlane v24, v9;
	v52 =	vld.idx.msk [tilespmem:v52+s9+$0x0], $0xffff  }
0x1a2: {  	v56 =	vsub.s32 $0x10, v58;
	v63 =	vshll.u32 v62, $0x4;
	v59 =	vperm.xlane v47, v9;
	[tilespmem:v61+s12+$0x0] =	vst.idx.add.f32.msk $0xffff, v54  }
0x1a3: {  	v57 =	vand.u32 $0xFFFF0, v63;
	v54 =	vand.u32 $0xFFFF0000, v62;
	v58 =	vld.idx.msk [tilespmem:v60+s9+$0x0], $0xffff;
	v60 =	vperm.xlane v25, v8  }
0x1a4: {  	v57 =	vor.u32 v3, v57;
	v61 =	vshll.u32 v59, $0x4;
	v38 =	vshra.s32 v59, $0x7  }
0x1a5: {  	v62 =	vshll.u32 v31, $0x4;
	v31 =	vshra.s32 v31, $0x7;
	v63 =	vshll.u32 v60, $0x4  }
0x1a6: {  	v62 =	vand.u32 $0x7FF0, v62;
	v50 =	vshll.u32 v52, v50;
	v59 =	vand.u32 $0xFFFF0, v63  }
0x1a7: {  	v61 =	vand.u32 $0x7FF0, v61;
	v50 =	vand.u32 $0xFFFF0000, v50;
	v59 =	vor.u32 v3, v59  }
0x1a8: {  	v39 =	vmul.f32 v50, v39;
	v55 =	vshll.u32 v58, v55;
	v58 =	vor.u32 v3, v62  }
0x1a9: {  	v38 =	vand.u32 $0xFFFFFFF0, v38;
	v60 =	vand.u32 $0xFFFF0000, v60;
	v55 =	vand.u32 $0xFFFF0000, v55  }
0x1aa: {  	v31 =	vand.u32 $0xFFFFFFF0, v31;
	v63 =	vperm.xlane v46, v4;
	[tilespmem:v51+s12+$0x0] =	vst.idx.add.f32.msk $0xffff, v39;
	v52 =	vmul.f32 v55, v60  }
0x1ab: {  	v38 =	vsub.s32 $0x10, v38;
	v62 =	vperm.xlane v46, v9;
	v39 =	vperm.xlane v24, v4;
	v53 =	vld.idx.msk [tilespmem:v53+s9+$0x0], $0xffff  }
0x1ac: {  	v31 =	vsub.s32 $0x10, v31;
	v55 =	vor.u32 v3, v61;
	v60 =	vperm.xlane v47, v4;
	[tilespmem:v59+s12+$0x0] =	vst.idx.add.f32.msk $0xffff, v52  }
0x1ad: {  	v61 =	vshll.u32 v62, $0x4;
	v50 =	vand.u32 $0xFFFF0000, v62;
	v59 =	vperm.xlane v25, v9;
	v58 =	vld.idx.msk [tilespmem:v58+s9+$0x0], $0xffff  }
0x1ae: {  	v62 =	vshll.u32 v39, $0x4;
	v52 =	vand.u32 $0xFFFF0, v61;
	v61 =	vshll.u32 v60, $0x4  }
0x1af: {  	v39 =	vshra.s32 v39, $0x7;
	v51 =	vand.u32 $0x7FF0, v61;
	v61 =	vshll.u32 v59, $0x4  }
0x1b0: {  	v62 =	vand.u32 $0x7FF0, v62;
	v61 =	vand.u32 $0xFFFF0, v61;
	v53 =	vshll.u32 v53, v56  }
0x1b1: {  	v60 =	vshra.s32 v60, $0x7;
	v61 =	vor.u32 v3, v61;
	v53 =	vand.u32 $0xFFFF0000, v53  }
0x1b2: {  	v53 =	vmul.f32 v53, v54;
	v31 =	vshll.u32 v58, v31;
	v58 =	vor.u32 v3, v62  }
0x1b3: {  	v39 =	vand.u32 $0xFFFFFFF0, v39;
	v59 =	vand.u32 $0xFFFF0000, v59;
	v31 =	vand.u32 $0xFFFF0000, v31  }
0x1b4: {  	v52 =	vor.u32 v3, v52;
	v60 =	vand.u32 $0xFFFFFFF0, v60;
	[tilespmem:v57+s12+$0x0] =	vst.idx.add.f32.msk $0xffff, v53;
	v31 =	vmul.f32 v31, v59  }
0x1b5: {  	v39 =	vsub.s32 $0x10, v39;
	v56 =	vsub.s32 $0x10, v60;
	v60 =	vshll.u32 v63, $0x4;
	v55 =	vld.idx.msk [tilespmem:v55+s9+$0x0], $0xffff  }
0x1b6: {  	v54 =	vand.u32 $0xFFFF0, v60;
	v53 =	vperm.xlane v24, v10;
	v59 =	vperm.xlane v47, v10;
	[tilespmem:v61+s12+$0x0] =	vst.idx.add.f32.msk $0xffff, v31  }
0x1b7: {  	v51 =	vor.u32 v3, v51;
	v60 =	vperm.xlane v25, v4;
	v54 =	vor.u32 v3, v54;
	v58 =	vld.idx.msk [tilespmem:v58+s9+$0x0], $0xffff  }
0x1b8: {  	v62 =	vshll.u32 v53, $0x4;
	v31 =	vand.u32 $0xFFFF0000, v63;
	v61 =	vshll.u32 v59, $0x4  }
0x1b9: {  	v62 =	vand.u32 $0x7FF0, v62;
	v57 =	vand.u32 $0x7FF0, v61;
	v61 =	vshll.u32 v60, $0x4  }
0x1ba: {  	v59 =	vshra.s32 v59, $0x7;
	v61 =	vand.u32 $0xFFFF0, v61;
	v38 =	vshll.u32 v55, v38  }
0x1bb: {  	v60 =	vand.u32 $0xFFFF0000, v60;
	v61 =	vor.u32 v3, v61;
	v38 =	vand.u32 $0xFFFF0000, v38  }
0x1bc: {  	v38 =	vmul.f32 v38, v50;
	v39 =	vshll.u32 v58, v39;
	v58 =	vor.u32 v3, v62  }
0x1bd: {  	v59 =	vand.u32 $0xFFFFFFF0, v59;
	v57 =	vor.u32 v3, v57;
	v39 =	vand.u32 $0xFFFF0000, v39  }
0x1be: {  	v59 =	vsub.s32 $0x10, v59;
	[tilespmem:v52+s12+$0x0] =	vst.idx.add.f32.msk $0xffff, v38;
	v52 =	vshra.s32 v53, $0x7;
	v39 =	vmul.f32 v39, v60  }
0x1bf: {  	v55 =	vperm.xlane v46, v10;
	v62 =	vperm.xlane v46, v11;
	v51 =	vld.idx.msk [tilespmem:v51+s9+$0x0], $0xffff;
	v52 =	vand.u32 $0xFFFFFFF0, v52  }
0x1c0: {  	v38 =	vperm.xlane v24, v11;
	v60 =	vperm.xlane v47, v11;
	v52 =	vsub.s32 $0x10, v52;
	[tilespmem:v61+s12+$0x0] =	vst.idx.add.f32.msk $0xffff, v39  }
0x1c1: {  	v39 =	vand.u32 $0xFFFF0000, v55;
	v61 =	vshll.u32 v55, $0x4;
	v55 =	vld.idx.msk [tilespmem:v58+s9+$0x0], $0xffff;
	v58 =	vperm.xlane v25, v10  }
0x1c2: {  	v50 =	vand.u32 $0xFFFF0, v61;
	v61 =	vshll.u32 v60, $0x4;
	v60 =	vshra.s32 v60, $0x7  }
0x1c3: {  	v50 =	vor.u32 v3, v50;
	v61 =	vand.u32 $0x7FF0, v61;
	v63 =	vshll.u32 v58, $0x4  }
0x1c4: {  	v58 =	vand.u32 $0xFFFF0000, v58;
	v51 =	vshll.u32 v51, v56;
	v56 =	vand.u32 $0xFFFFFFF0, v60  }
0x1c5: {  	v53 =	vand.u32 $0xFFFF0, v63;
	v63 =	vshll.u32 v38, $0x4;
	v51 =	vand.u32 $0xFFFF0000, v51  }
0x1c6: {  	v53 =	vor.u32 v3, v53;
	v63 =	vand.u32 $0x7FF0, v63;
	v31 =	vmul.f32 v51, v31  }
0x1c7: {  	v60 =	vand.u32 $0xFFFF0000, v62;
	v52 =	vshll.u32 v55, v52;
	v55 =	vor.u32 v3, v63  }
0x1c8: {  	v62 =	vshll.u32 v62, $0x4;
	v38 =	vshra.s32 v38, $0x7;
	v52 =	vand.u32 $0xFFFF0000, v52;
	[tilespmem:v54+s12+$0x0] =	vst.idx.add.f32.msk $0xffff, v31  }
0x1c9: {  	v51 =	vsub.s32 $0x10, v56;
	v52 =	vmul.f32 v52, v58;
	v58 =	vperm.xlane v47, v12;
	v56 =	vld.idx.msk [tilespmem:v57+s9+$0x0], $0xffff  }
0x1ca: {  	v61 =	vor.u32 v3, v61;
	v62 =	vand.u32 $0xFFFF0, v62;
	v38 =	vand.u32 $0xFFFFFFF0, v38  }
0x1cb: {  	v38 =	vsub.s32 $0x10, v38;
	v31 =	vperm.xlane v24, v12;
	[tilespmem:v53+s12+$0x0] =	vst.idx.add.f32.msk $0xffff, v52;
	v63 =	vshll.u32 v58, $0x4  }
0x1cc: {  	v52 =	vor.u32 v3, v62;
	v58 =	vshra.s32 v58, $0x7;
	v53 =	vld.idx.msk [tilespmem:v55+s9+$0x0], $0xffff;
	v55 =	vperm.xlane v25, v11  }
0x1cd: {  	v54 =	vand.u32 $0x7FF0, v63;
	v63 =	vand.u32 $0xFFFFFFF0, v58;
	v58 =	vperm.xlane v47, v13  }
0x1ce: {  	v62 =	vshll.u32 v55, $0x4;
	v55 =	vand.u32 $0xFFFF0000, v55;
	v56 =	vshll.u32 v56, v59  }
0x1cf: {  	v57 =	vand.u32 $0xFFFF0, v62;
	v62 =	vshll.u32 v31, $0x4;
	v56 =	vand.u32 $0xFFFF0000, v56  }
0x1d0: {  	v31 =	vshra.s32 v31, $0x7;
	v57 =	vor.u32 v3, v57;
	v62 =	vand.u32 $0x7FF0, v62  }
0x1d1: {  	v39 =	vmul.f32 v56, v39;
	v31 =	vand.u32 $0xFFFFFFF0, v31;
	v38 =	vshll.u32 v53, v38  }
0x1d2: {  	v53 =	vor.u32 v3, v62;
	v62 =	vperm.xlane v46, v12;
	v38 =	vand.u32 $0xFFFF0000, v38  }
0x1d3: {  	v54 =	vor.u32 v3, v54;
	v31 =	vsub.s32 $0x10, v31;
	v38 =	vmul.f32 v38, v55  }
0x1d4: {  	[tilespmem:v50+s12+$0x0] =	vst.idx.add.f32.msk $0xffff, v39;
	v55 =	vsub.s32 $0x10, v63;
	v63 =	vshll.u32 v62, $0x4;
	v56 =	vand.u32 $0xFFFF0000, v62  }
0x1d5: {  	v39 =	vld.idx.msk [tilespmem:v61+s9+$0x0], $0xffff;
	v62 =	vand.u32 $0xFFFF0, v63;
	v63 =	vshll.u32 v58, $0x4;
	v58 =	vshra.s32 v58, $0x7  }
0x1d6: {  	[tilespmem:v57+s12+$0x0] =	vst.idx.add.f32.msk $0xffff, v38;
	v59 =	vor.u32 v3, v62;
	v62 =	vand.u32 $0x7FF0, v63;
	v38 =	vperm.xlane v46, v13  }
0x1d7: {  	v63 =	vand.u32 $0xFFFFFFF0, v58;
	v58 =	vperm.xlane v25, v12;
	v57 =	vor.u32 v3, v62  }
0x1d8: {  	v53 =	vld.idx.msk [tilespmem:v53+s9+$0x0], $0xffff;
	v61 =	vsub.s32 $0x10, v63;
	v62 =	vperm.xlane v24, v13;
	v50 =	vshll.u32 v38, $0x4  }
0x1d9: {  	v63 =	vshll.u32 v58, $0x4;
	v0 =	vand.u32 $0xFFFF0000, v38;
	v58 =	vand.u32 $0xFFFF0000, v58  }
0x1da: {  	v50 =	vand.u32 $0xFFFF0, v50;
	v63 =	vand.u32 $0xFFFF0, v63;
	v39 =	vshll.u32 v39, v51  }
0x1db: {  	v51 =	vshll.u32 v62, $0x4;
	v62 =	vshra.s32 v62, $0x7;
	v63 =	vor.u32 v3, v63  }
0x1dc: {  	v26 =	vor.u32 v3, v50;
	v51 =	vand.u32 $0x7FF0, v51;
	v39 =	vand.u32 $0xFFFF0000, v39  }
0x1dd: {  	v38 =	vor.u32 v3, v51;
	v31 =	vshll.u32 v53, v31;
	v53 =	vperm.xlane v47, v14  }
0x1de: {  	v39 =	vmul.f32 v39, v60;
	v51 =	vperm.xlane v46, v14;
	v31 =	vand.u32 $0xFFFF0000, v31  }
0x1df: {  	v31 =	vmul.f32 v31, v58;
	v58 =	vshll.u32 v53, $0x4;
	v53 =	vshra.s32 v53, $0x7  }
0x1e0: {  	[tilespmem:v52+s12+$0x0] =	vst.idx.add.f32.msk $0xffff, v39;
	v50 =	vand.u32 $0x7FF0, v58;
	v53 =	vand.u32 $0xFFFFFFF0, v53;
	v58 =	vperm.xlane v47, v15  }
0x1e1: {  	[tilespmem:v63+s12+$0x0] =	vst.idx.add.f32.msk $0xffff, v31;
	v60 =	vor.u32 v3, v50;
	v50 =	vsub.s32 $0x10, v53;
	v63 =	vshll.u32 v51, $0x4  }
0x1e2: {  	v31 =	vand.u32 $0xFFFF0000, v51;
	v51 =	vld.idx.msk [tilespmem:v54+s9+$0x0], $0xffff;
	v53 =	vperm.xlane v46, v15;
	v54 =	vand.u32 $0xFFFFFFF0, v62  }
0x1e3: {  	v39 =	vand.u32 $0xFFFF0, v63;
	v63 =	vshll.u32 v58, $0x4;
	v38 =	vld.idx.msk [tilespmem:v38+s9+$0x0], $0xffff;
	v58 =	vshra.s32 v58, $0x7  }
0x1e4: {  	v33 =	vor.u32 v3, v39;
	v52 =	vand.u32 $0xFFFFFFF0, v58;
	v58 =	vperm.xlane v25, v13  }
0x1e5: {  	[tilespmem:v34+s12+$0x0] =	vst.idx.add.f32.msk $0xffff, v32;
	v63 =	vand.u32 $0x7FF0, v63;
	v32 =	vsub.s32 $0x10, v52;
	v52 =	vperm.xlane v24, v14  }
0x1e6: {  	v39 =	vsub.s32 $0x10, v54;
	v34 =	vor.u32 v3, v63;
	v54 =	vshll.u32 v58, $0x4  }
0x1e7: {  	v51 =	vshll.u32 v51, v55;
	v63 =	vshll.u32 v52, $0x4;
	v55 =	vand.u32 $0xFFFF0000, v58  }
0x1e8: {  	v62 =	vld.idx.msk [tilespmem:v36+s9+$0x0], $0xffff;
	v36 =	vshll.u32 v38, v39;
	v38 =	vand.u32 $0xFFFF0, v54;
	v63 =	vand.u32 $0x7FF0, v63  }
0x1e9: {  	v51 =	vand.u32 $0xFFFF0000, v51;
	v36 =	vand.u32 $0xFFFF0000, v36;
	v58 =	vor.u32 v3, v38  }
0x1ea: {  	v51 =	vmul.f32 v51, v56;
	v54 =	vmul.f32 v36, v55;
	v55 =	vor.u32 v3, v63  }
0x1eb: {  	v52 =	vshra.s32 v52, $0x7;
	v39 =	vperm.xlane v47, v16  }
0x1ec: {  	v56 =	vperm.xlane v25, v14;
	v36 =	vand.u32 $0xFFFF0000, v53;
	v53 =	vshll.u32 v53, $0x4;
	[tilespmem:v59+s12+$0x0] =	vst.idx.add.f32.msk $0xffff, v51  }
0x1ed: {  	v38 =	vand.u32 $0xFFFF0, v53;
	v53 =	vshll.u32 v62, v37;
	v62 =	vshll.u32 v39, $0x4;
	v57 =	vld.idx.msk [tilespmem:v57+s9+$0x0], $0xffff  }
0x1ee: {  	v63 =	vperm.xlane v46, v16;
	v51 =	vperm.xlane v24, v15;
	v62 =	vand.u32 $0x7FF0, v62;
	[tilespmem:v58+s12+$0x0] =	vst.idx.add.f32.msk $0xffff, v54  }
0x1ef: {  	v37 =	vor.u32 v3, v38;
	v53 =	vand.u32 $0xFFFF0000, v53;
	v38 =	vor.u32 v3, v62;
	v55 =	vld.idx.msk [tilespmem:v55+s9+$0x0], $0xffff  }
0x1f0: {  	v53 =	vmul.f32 v53, v35;
	v35 =	vand.u32 $0xFFFF0000, v63;
	v62 =	vshll.u32 v56, $0x4  }
0x1f1: {  	[tilespmem:v29+s12+$0x0] =	vst.idx.add.f32.msk $0xffff, v30;
	v54 =	vshll.u32 v63, $0x4;
	v63 =	vand.u32 $0xFFFFFFF0, v52;
	v59 =	vand.u32 $0xFFFF0, v62  }
0x1f2: {  	v62 =	vshll.u32 v51, $0x4;
	[tilespmem:v44+s12+$0x0] =	vst.idx.add.f32.msk $0xffff, v53;
	v44 =	vsub.s32 $0x10, v63;
	v52 =	vor.u32 v3, v59  }
0x1f3: {  	[tilespmem:v27+s12+$0x0] =	vst.idx.add.f32.msk $0xffff, v45;
	v53 =	vand.u32 $0x7FF0, v62;
	v29 =	vand.u32 $0xFFFF0, v54;
	v62 =	vshll.u32 v57, v61  }
0x1f4: {  	v59 =	vld.idx.msk [tilespmem:v28+s9+$0x0], $0xffff;
	v28 =	vor.u32 v3, v29;
	v29 =	vand.u32 $0xFFFF0000, v62;
	v30 =	vshll.u32 v55, v44  }
0x1f5: {  	[tilespmem:v48+s12+$0x0] =	vst.idx.add.f32.msk $0xffff, v49;
	v58 =	vand.u32 $0xFFFF0000, v56;
	v0 =	vmul.f32 v29, v0;
	v30 =	vand.u32 $0xFFFF0000, v30  }
0x1f6: {  	v47 =	vperm.xlane v47, v17;
	v43 =	vld.idx.msk [tilespmem:v43+s9+$0x0], $0xffff;
	v30 =	vmul.f32 v30, v58  }
0x1f7: {  	v18 =	vand.u32 $0xFFFF0000, v18;
	[tilespmem:v26+s12+$0x0] =	vst.idx.add.f32.msk $0xffff, v0  }
0x1f8: {  	v22 =	vor.u32 v3, v22;
	v27 =	vshll.u32 v47, $0x4;
	v63 =	vor.u32 v3, v53;
	[tilespmem:v52+s12+$0x0] =	vst.idx.add.f32.msk $0xffff, v30  }
0x1f9: {  	v20 =	vand.u32 $0xFFFFFFF0, v20;
	v39 =	vshra.s32 v39, $0x7;
	v27 =	vand.u32 $0x7FF0, v27;
	v26 =	vld [tilespmem:$0x1FFF0]  }
0x1fa: {  	v20 =	vsub.s32 $0x10, v20;
	v39 =	vand.u32 $0xFFFFFFF0, v39;
	v45 =	vor.u32 v3, v27  }
0x1fb: {  	v27 =	vshra.s32 v47, $0x7;
	v39 =	vsub.s32 $0x10, v39;
	v29 =	vshll.u32 v43, v40  }
0x1fc: {  	v27 =	vand.u32 $0xFFFFFFF0, v27;
	v29 =	vand.u32 $0xFFFF0000, v29;
	v30 =	vperm.xlane v46, v17  }
0x1fd: {  	v27 =	vsub.s32 $0x10, v27;
	v0 =	vmul.f32 v29, v41;
	v46 =	vperm.xlane v25, v15;
	v44 =	vld.idx.msk [tilespmem:v63+s9+$0x0], $0xffff  }
0x1fe: {  	v43 =	vperm.xlane v24, v16;
	v47 =	vld.idx.msk [tilespmem:v60+s9+$0x0], $0xffff;
	v40 =	vshll.u32 v30, $0x4;
	v63 =	vshll.u32 v59, v26  }
0x1ff: {  	s22 =	simm.s32 $0x4;
	s23 =	sadd.s32 $0x20, s23;
	[tilespmem:v42+s12+$0x0] =	vst.idx.add.f32.msk $0xffff, v0;
	v29 =	vshll.u32 v46, $0x4;
	v26 =	vshra.s32 v51, $0x7;
	v41 =	vand.u32 $0xFFFF0000, v63  }
.LBB2_6:
0x200: {  	v0 =	vld [tilespmem:s23+$0x0];
	s22 =	sadd.s32 $0x2, s22;
	v26 =	vand.u32 $0xFFFFFFF0, v26;
	v42 =	vand.u32 $0xFFFF0, v29;
	v48 =	vshll.u32 v43, $0x4  }
0x201: {  	v29 =	vld [tilespmem:s23+$0xFFFFFFF0];
	p0 =	slt.u32 s22, $0x6;
	v26 =	vsub.s32 $0x10, v26;
	v42 =	vor.u32 v3, v42;
	v48 =	vand.u32 $0x7FF0, v48  }
0x202: {  	v30 =	vand.u32 $0xFFFF0000, v30;
	v44 =	vshll.u32 v44, v26;
	v48 =	vor.u32 v3, v48;
	v26 =	vld.idx.msk [tilespmem:v22+s9+$0x0], $0xffff;
	v22 =	vmovc v45  }
0x203: {  	v41 =	vmul.f32 v41, v18;
	v18 =	vmovc v21;
	v21 =	vmovc v30;
	v45 =	vand.u32 $0xFFFF0000, v46;
	v44 =	vand.u32 $0xFFFF0000, v44  }
0x204: {  	v46 =	vand.u32 $0xFFFF0, v40;
	v30 =	vshll.u32 v47, v50;
	v44 =	vmul.f32 v44, v45  }
0x205: {  	v40 =	vand.u32 $0xFFFF0000, v30;
	v30 =	vor.u32 v3, v46;
	v45 =	vperm.xlane v0, v1;
	[tilespmem:v19+s12+$0x0] =	vst.idx.add.f32.msk $0xffff, v41  }
0x206: {  	v19 =	vmov v23;
	v46 =	vperm.xlane v29, v1;
	v47 =	vperm.xlane v29, v5;
	[tilespmem:v42+s12+$0x0] =	vst.idx.add.f32.msk $0xffff, v44  }
0x207: {  	v23 =	vmovc v30;
	v42 =	vperm.xlane v29, v6;
	v41 =	vperm.xlane v29, v7;
	v44 =	vshll.u32 v45, $0x4;
	v48 =	vld.idx.msk [tilespmem:v48+s9+$0x0], $0xffff  }
0x208: {  	v49 =	vperm.xlane v25, v16;
	v30 =	vshll.u32 v46, $0x4;
	v44 =	vand.u32 $0x7FF0, v44  }
0x209: {  	s21 =	sadd.s32 $0x20, s21;
	v50 =	vperm.xlane v24, v17;
	v24 =	vmovc v0;
	v30 =	vand.u32 $0x7FF0, v30;
	v44 =	vor.u32 v3, v44  }
0x20a: {  	v43 =	vshra.s32 v43, $0x7;
	v52 =	vshll.u32 v49, $0x4;
	v0 =	vor.u32 v3, v30;
	v51 =	vld [tilespmem:s21+$0x0]  }
0x20b: {  	v43 =	vand.u32 $0xFFFFFFF0, v43;
	v52 =	vand.u32 $0xFFFF0, v52;
	v53 =	vshll.u32 v50, $0x4;
	v30 =	vld [tilespmem:s21+$0xFFFFFFF0]  }
0x20c: {  	v43 =	vsub.s32 $0x10, v43;
	v52 =	vor.u32 v3, v52;
	v53 =	vand.u32 $0x7FF0, v53  }
0x20d: {  	v46 =	vshra.s32 v46, $0x7;
	v43 =	vshll.u32 v48, v43;
	v48 =	vor.u32 v3, v53  }
0x20e: {  	v49 =	vand.u32 $0xFFFF0000, v49;
	v46 =	vand.u32 $0xFFFFFFF0, v46;
	v43 =	vand.u32 $0xFFFF0000, v43;
	v44 =	vld.idx.msk [tilespmem:v44+s9+$0x0], $0xffff  }
0x20f: {  	v46 =	vsub.s32 $0x10, v46;
	v43 =	vmul.f32 v43, v49;
	v0 =	vld.idx.msk [tilespmem:v0+s9+$0x0], $0xffff;
	v53 =	vperm.xlane v51, v1  }
0x210: {  	v55 =	vperm.xlane v24, v5;
	v54 =	vshll.u32 v47, $0x4;
	v49 =	vperm.xlane v30, v1  }
0x211: {  	v45 =	vshra.s32 v45, $0x7;
	v56 =	vshll.u32 v53, $0x4;
	[tilespmem:v52+s12+$0x0] =	vst.idx.add.f32.msk $0xffff, v43;
	v43 =	vperm.xlane v25, v17;
	v25 =	vmovc v51  }
0x212: {  	v45 =	vand.u32 $0xFFFFFFF0, v45;
	v52 =	vshll.u32 v55, $0x4;
	v51 =	vand.u32 $0xFFFF0, v56;
	v48 =	vld.idx.msk [tilespmem:v48+s9+$0x0], $0xffff  }
0x213: {  	v45 =	vsub.s32 $0x10, v45;
	v52 =	vand.u32 $0x7FF0, v52;
	v51 =	vor.u32 v3, v51  }
0x214: {  	v50 =	vshra.s32 v50, $0x7;
	v44 =	vshll.u32 v44, v45;
	v45 =	vor.u32 v3, v52  }
0x215: {  	v52 =	vand.u32 $0xFFFF0000, v53;
	v53 =	vshll.u32 v43, $0x4;
	v44 =	vand.u32 $0xFFFF0000, v44  }
0x216: {  	v50 =	vand.u32 $0xFFFFFFF0, v50;
	v44 =	vmul.f32 v44, v52;
	v52 =	vand.u32 $0xFFFF0, v53  }
0x217: {  	v0 =	vshll.u32 v0, v46;
	v46 =	vsub.s32 $0x10, v50;
	v50 =	vor.u32 v3, v52  }
0x218: {  	v0 =	vand.u32 $0xFFFF0000, v0;
	v52 =	vshll.u32 v49, $0x4;
	[tilespmem:v51+s12+$0x0] =	vst.idx.add.f32.msk $0xffff, v44;
	v44 =	vshll.u32 v48, v46  }
0x219: {  	v43 =	vand.u32 $0xFFFF0000, v43;
	v46 =	vand.u32 $0xFFFF0000, v49;
	v45 =	vld.idx.msk [tilespmem:v45+s9+$0x0], $0xffff;
	v44 =	vand.u32 $0xFFFF0000, v44  }
0x21a: {  	v48 =	vand.u32 $0xFFFF0, v52;
	v49 =	vperm.xlane v25, v5;
	v43 =	vmul.f32 v44, v43  }
0x21b: {  	v0 =	vmul.f32 v0, v46;
	v46 =	vperm.xlane v24, v6;
	v44 =	vor.u32 v3, v48  }
0x21c: {  	v51 =	vshra.s32 v55, $0x7;
	v48 =	vand.u32 $0x7FF0, v54;
	v52 =	vshll.u32 v49, $0x4;
	[tilespmem:v50+s12+$0x0] =	vst.idx.add.f32.msk $0xffff, v43  }
0x21d: {  	v43 =	vand.u32 $0xFFFFFFF0, v51;
	v50 =	vand.u32 $0xFFFF0, v52;
	v51 =	vshll.u32 v46, $0x4  }
0x21e: {  	v43 =	vsub.s32 $0x10, v43;
	v50 =	vor.u32 v3, v50;
	v51 =	vand.u32 $0x7FF0, v51  }
0x21f: {  	v48 =	vor.u32 v3, v48;
	v43 =	vshll.u32 v45, v43;
	v45 =	vor.u32 v3, v51  }
0x220: {  	v43 =	vand.u32 $0xFFFF0000, v43;
	[tilespmem:v44+s12+$0x0] =	vst.idx.add.f32.msk $0xffff, v0;
	v0 =	vshra.s32 v47, $0x7;
	v44 =	vand.u32 $0xFFFF0000, v49  }
0x221: {  	v47 =	vperm.xlane v30, v5;
	v0 =	vand.u32 $0xFFFFFFF0, v0;
	v43 =	vmul.f32 v43, v44  }
0x222: {  	v44 =	vshll.u32 v42, $0x4;
	v42 =	vshra.s32 v42, $0x7;
	v0 =	vsub.s32 $0x10, v0  }
0x223: {  	v49 =	vand.u32 $0xFFFF0000, v47;
	v47 =	vshll.u32 v47, $0x4;
	v44 =	vand.u32 $0x7FF0, v44;
	[tilespmem:v50+s12+$0x0] =	vst.idx.add.f32.msk $0xffff, v43  }
0x224: {  	v42 =	vand.u32 $0xFFFFFFF0, v42;
	v43 =	vand.u32 $0xFFFF0, v47;
	v44 =	vor.u32 v3, v44;
	v45 =	vld.idx.msk [tilespmem:v45+s9+$0x0], $0xffff  }
0x225: {  	v50 =	vperm.xlane v25, v6;
	v43 =	vor.u32 v3, v43;
	v47 =	vld.idx.msk [tilespmem:v48+s9+$0x0], $0xffff;
	v48 =	vperm.xlane v30, v6  }
0x226: {  	v52 =	vperm.xlane v24, v7;
	v51 =	vshll.u32 v41, $0x4;
	v42 =	vsub.s32 $0x10, v42  }
0x227: {  	v46 =	vshra.s32 v46, $0x7;
	v54 =	vshll.u32 v50, $0x4;
	v53 =	vshll.u32 v48, $0x4  }
0x228: {  	v46 =	vand.u32 $0xFFFFFFF0, v46;
	v55 =	vshll.u32 v52, $0x4;
	v54 =	vand.u32 $0xFFFF0, v54  }
0x229: {  	v46 =	vsub.s32 $0x10, v46;
	v55 =	vand.u32 $0x7FF0, v55;
	v54 =	vor.u32 v3, v54  }
0x22a: {  	v48 =	vand.u32 $0xFFFF0000, v48;
	v45 =	vshll.u32 v45, v46;
	v46 =	vor.u32 v3, v55  }
0x22b: {  	v0 =	vshll.u32 v47, v0;
	v47 =	vand.u32 $0xFFFF0000, v50;
	v45 =	vand.u32 $0xFFFF0000, v45  }
0x22c: {  	v50 =	vand.u32 $0xFFFF0, v53;
	v0 =	vand.u32 $0xFFFF0000, v0;
	v45 =	vmul.f32 v45, v47  }
0x22d: {  	v47 =	vor.u32 v3, v50;
	v0 =	vmul.f32 v0, v49;
	v49 =	vand.u32 $0x7FF0, v51  }
0x22e: {  	v41 =	vshra.s32 v41, $0x7;
	v50 =	vperm.xlane v30, v7;
	v49 =	vor.u32 v3, v49;
	[tilespmem:v54+s12+$0x0] =	vst.idx.add.f32.msk $0xffff, v45  }
0x22f: {  	v41 =	vand.u32 $0xFFFFFFF0, v41;
	v51 =	vperm.xlane v29, v2;
	v45 =	vperm.xlane v30, v2;
	v46 =	vld.idx.msk [tilespmem:v46+s9+$0x0], $0xffff  }
0x230: {  	[tilespmem:v43+s12+$0x0] =	vst.idx.add.f32.msk $0xffff, v0;
	v0 =	vsub.s32 $0x10, v41;
	v41 =	vshll.u32 v50, $0x4;
	v43 =	vperm.xlane v25, v7  }
0x231: {  	v53 =	vperm.xlane v24, v2;
	v50 =	vand.u32 $0xFFFF0000, v50;
	v44 =	vld.idx.msk [tilespmem:v44+s9+$0x0], $0xffff;
	v41 =	vand.u32 $0xFFFF0, v41  }
0x232: {  	v52 =	vshra.s32 v52, $0x7;
	v54 =	vshll.u32 v51, $0x4;
	v55 =	vshll.u32 v43, $0x4  }
0x233: {  	v52 =	vand.u32 $0xFFFFFFF0, v52;
	v56 =	vshll.u32 v53, $0x4;
	v55 =	vand.u32 $0xFFFF0, v55  }
0x234: {  	v52 =	vsub.s32 $0x10, v52;
	v56 =	vand.u32 $0x7FF0, v56;
	v55 =	vor.u32 v3, v55  }
0x235: {  	v41 =	vor.u32 v3, v41;
	v46 =	vshll.u32 v46, v52;
	v52 =	vor.u32 v3, v56  }
0x236: {  	v54 =	vand.u32 $0x7FF0, v54;
	v43 =	vand.u32 $0xFFFF0000, v43;
	v46 =	vand.u32 $0xFFFF0000, v46  }
0x237: {  	v42 =	vshll.u32 v44, v42;
	v44 =	vor.u32 v3, v54;
	v43 =	vmul.f32 v46, v43  }
0x238: {  	v46 =	vshra.s32 v51, $0x7;
	v51 =	vperm.xlane v29, v8;
	v42 =	vand.u32 $0xFFFF0000, v42  }
0x239: {  	v46 =	vand.u32 $0xFFFFFFF0, v46;
	v42 =	vmul.f32 v42, v48;
	v48 =	vshll.u32 v45, $0x4;
	[tilespmem:v55+s12+$0x0] =	vst.idx.add.f32.msk $0xffff, v43  }
0x23a: {  	v43 =	vand.u32 $0xFFFF0000, v45;
	v45 =	vsub.s32 $0x10, v46;
	v46 =	vand.u32 $0xFFFF0, v48;
	v48 =	vld.idx.msk [tilespmem:v52+s9+$0x0], $0xffff  }
0x23b: {  	[tilespmem:v47+s12+$0x0] =	vst.idx.add.f32.msk $0xffff, v42;
	v42 =	vor.u32 v3, v46;
	v46 =	vshll.u32 v51, $0x4;
	v47 =	vperm.xlane v25, v2  }
0x23c: {  	v52 =	vperm.xlane v24, v8;
	v51 =	vshra.s32 v51, $0x7;
	v49 =	vld.idx.msk [tilespmem:v49+s9+$0x0], $0xffff;
	v46 =	vand.u32 $0x7FF0, v46  }
0x23d: {  	v53 =	vshra.s32 v53, $0x7;
	v46 =	vor.u32 v3, v46;
	v54 =	vshll.u32 v47, $0x4  }
0x23e: {  	v53 =	vand.u32 $0xFFFFFFF0, v53;
	v55 =	vshll.u32 v52, $0x4;
	v54 =	vand.u32 $0xFFFF0, v54  }
0x23f: {  	v53 =	vsub.s32 $0x10, v53;
	v55 =	vand.u32 $0x7FF0, v55;
	v54 =	vor.u32 v3, v54  }
0x240: {  	v51 =	vand.u32 $0xFFFFFFF0, v51;
	v48 =	vshll.u32 v48, v53;
	v53 =	vor.u32 v3, v55  }
0x241: {  	v47 =	vand.u32 $0xFFFF0000, v47;
	v55 =	vperm.xlane v30, v8;
	v48 =	vand.u32 $0xFFFF0000, v48  }
0x242: {  	v0 =	vshll.u32 v49, v0;
	v49 =	vsub.s32 $0x10, v51;
	v47 =	vmul.f32 v48, v47  }
0x243: {  	v48 =	vshll.u32 v55, $0x4;
	v51 =	vperm.xlane v29, v9;
	v0 =	vand.u32 $0xFFFF0000, v0  }
0x244: {  	v48 =	vand.u32 $0xFFFF0, v48;
	v0 =	vmul.f32 v0, v50;
	v50 =	vand.u32 $0xFFFF0000, v55;
	[tilespmem:v54+s12+$0x0] =	vst.idx.add.f32.msk $0xffff, v47  }
0x245: {  	v47 =	vor.u32 v3, v48;
	v48 =	vshll.u32 v51, $0x4;
	v51 =	vshra.s32 v51, $0x7;
	v53 =	vld.idx.msk [tilespmem:v53+s9+$0x0], $0xffff  }
0x246: {  	[tilespmem:v41+s12+$0x0] =	vst.idx.add.f32.msk $0xffff, v0;
	v0 =	vand.u32 $0x7FF0, v48;
	v41 =	vand.u32 $0xFFFFFFF0, v51;
	v48 =	vperm.xlane v25, v8  }
0x247: {  	v54 =	vperm.xlane v24, v9;
	v51 =	vperm.xlane v30, v9;
	v44 =	vld.idx.msk [tilespmem:v44+s9+$0x0], $0xffff;
	v0 =	vor.u32 v3, v0  }
0x248: {  	v55 =	vsub.s32 $0x10, v41;
	v41 =	vshra.s32 v52, $0x7;
	v52 =	vshll.u32 v48, $0x4  }
0x249: {  	v56 =	vshll.u32 v54, $0x4;
	v41 =	vand.u32 $0xFFFFFFF0, v41;
	v52 =	vand.u32 $0xFFFF0, v52  }
0x24a: {  	v56 =	vand.u32 $0x7FF0, v56;
	v41 =	vsub.s32 $0x10, v41;
	v52 =	vor.u32 v3, v52  }
0x24b: {  	v57 =	vperm.xlane v29, v4;
	v41 =	vshll.u32 v53, v41;
	v53 =	vor.u32 v3, v56  }
0x24c: {  	v48 =	vand.u32 $0xFFFF0000, v48;
	v56 =	vshll.u32 v51, $0x4;
	v41 =	vand.u32 $0xFFFF0000, v41  }
0x24d: {  	v44 =	vshll.u32 v44, v45;
	v45 =	vand.u32 $0xFFFF0000, v51;
	v41 =	vmul.f32 v41, v48  }
0x24e: {  	v48 =	vand.u32 $0xFFFF0, v56;
	v51 =	vshll.u32 v57, $0x4;
	v44 =	vand.u32 $0xFFFF0000, v44  }
0x24f: {  	v43 =	vmul.f32 v44, v43;
	v44 =	vor.u32 v3, v48;
	v48 =	vand.u32 $0x7FF0, v51;
	[tilespmem:v52+s12+$0x0] =	vst.idx.add.f32.msk $0xffff, v41  }
0x250: {  	v51 =	vshra.s32 v57, $0x7;
	v41 =	vperm.xlane v30, v4;
	v48 =	vor.u32 v3, v48;
	v52 =	vld.idx.msk [tilespmem:v53+s9+$0x0], $0xffff  }
0x251: {  	[tilespmem:v42+s12+$0x0] =	vst.idx.add.f32.msk $0xffff, v43;
	v42 =	vand.u32 $0xFFFFFFF0, v51;
	v43 =	vperm.xlane v29, v10;
	v51 =	vperm.xlane v25, v9  }
0x252: {  	v56 =	vperm.xlane v24, v4;
	v53 =	vshll.u32 v41, $0x4;
	v46 =	vld.idx.msk [tilespmem:v46+s9+$0x0], $0xffff;
	v42 =	vsub.s32 $0x10, v42  }
0x253: {  	v57 =	vand.u32 $0xFFFF0000, v41;
	v41 =	vshra.s32 v54, $0x7;
	v54 =	vshll.u32 v51, $0x4  }
0x254: {  	v58 =	vshll.u32 v56, $0x4;
	v41 =	vand.u32 $0xFFFFFFF0, v41;
	v54 =	vand.u32 $0xFFFF0, v54  }
0x255: {  	v58 =	vand.u32 $0x7FF0, v58;
	v41 =	vsub.s32 $0x10, v41;
	v54 =	vor.u32 v3, v54  }
0x256: {  	v53 =	vand.u32 $0xFFFF0, v53;
	v41 =	vshll.u32 v52, v41;
	v52 =	vor.u32 v3, v58  }
0x257: {  	v51 =	vand.u32 $0xFFFF0000, v51;
	v58 =	vshll.u32 v43, $0x4;
	v41 =	vand.u32 $0xFFFF0000, v41  }
0x258: {  	v59 =	vor.u32 v3, v53;
	v46 =	vshll.u32 v46, v49;
	v41 =	vmul.f32 v41, v51  }
0x259: {  	v43 =	vshra.s32 v43, $0x7;
	v49 =	vand.u32 $0x7FF0, v58;
	v46 =	vand.u32 $0xFFFF0000, v46  }
0x25a: {  	v43 =	vand.u32 $0xFFFFFFF0, v43;
	v46 =	vmul.f32 v46, v50;
	v50 =	vor.u32 v3, v49;
	[tilespmem:v54+s12+$0x0] =	vst.idx.add.f32.msk $0xffff, v41  }
0x25b: {  	v49 =	vperm.xlane v30, v10;
	v41 =	vsub.s32 $0x10, v43;
	v43 =	vperm.xlane v29, v11;
	v51 =	vld.idx.msk [tilespmem:v52+s9+$0x0], $0xffff  }
0x25c: {  	[tilespmem:v47+s12+$0x0] =	vst.idx.add.f32.msk $0xffff, v46;
	v46 =	vperm.xlane v30, v11;
	v47 =	vperm.xlane v25, v4  }
0x25d: {  	v58 =	vperm.xlane v24, v10;
	v54 =	vand.u32 $0xFFFF0000, v49;
	v49 =	vshll.u32 v49, $0x4;
	v0 =	vld.idx.msk [tilespmem:v0+s9+$0x0], $0xffff  }
0x25e: {  	v52 =	vshra.s32 v56, $0x7;
	v49 =	vand.u32 $0xFFFF0, v49;
	v53 =	vshll.u32 v47, $0x4  }
0x25f: {  	v56 =	vshll.u32 v58, $0x4;
	v52 =	vand.u32 $0xFFFFFFF0, v52;
	v53 =	vand.u32 $0xFFFF0, v53  }
0x260: {  	v56 =	vand.u32 $0x7FF0, v56;
	v52 =	vsub.s32 $0x10, v52;
	v53 =	vor.u32 v3, v53  }
0x261: {  	v60 =	vshll.u32 v43, $0x4;
	v51 =	vshll.u32 v51, v52;
	v52 =	vor.u32 v3, v56  }
0x262: {  	v47 =	vand.u32 $0xFFFF0000, v47;
	v56 =	vor.u32 v3, v49;
	v49 =	vand.u32 $0xFFFF0000, v51  }
0x263: {  	v51 =	vand.u32 $0x7FF0, v60;
	v0 =	vshll.u32 v0, v55;
	v47 =	vmul.f32 v49, v47  }
0x264: {  	v43 =	vshra.s32 v43, $0x7;
	v55 =	vor.u32 v3, v51;
	v0 =	vand.u32 $0xFFFF0000, v0  }
0x265: {  	v43 =	vand.u32 $0xFFFFFFF0, v43;
	v0 =	vmul.f32 v0, v45;
	v45 =	vperm.xlane v29, v12;
	[tilespmem:v53+s12+$0x0] =	vst.idx.add.f32.msk $0xffff, v47  }
0x266: {  	v49 =	vand.u32 $0xFFFF0000, v46;
	v53 =	vsub.s32 $0x10, v43;
	v43 =	vshll.u32 v46, $0x4;
	v46 =	vld.idx.msk [tilespmem:v52+s9+$0x0], $0xffff  }
0x267: {  	[tilespmem:v44+s12+$0x0] =	vst.idx.add.f32.msk $0xffff, v0;
	v0 =	vand.u32 $0xFFFF0, v43;
	v43 =	vshll.u32 v45, $0x4;
	v44 =	vperm.xlane v25, v10  }
0x268: {  	v47 =	vld.idx.msk [tilespmem:v48+s9+$0x0], $0xffff;
	v52 =	vor.u32 v3, v0;
	v0 =	vand.u32 $0x7FF0, v43;
	v43 =	vperm.xlane v24, v11  }
0x269: {  	v51 =	vor.u32 v3, v0;
	v0 =	vshra.s32 v58, $0x7;
	v48 =	vshll.u32 v44, $0x4  }
0x26a: {  	v0 =	vand.u32 $0xFFFFFFF0, v0;
	v48 =	vand.u32 $0xFFFF0, v48;
	v58 =	vshll.u32 v43, $0x4  }
0x26b: {  	v0 =	vsub.s32 $0x10, v0;
	v60 =	vor.u32 v3, v48;
	v48 =	vand.u32 $0x7FF0, v58  }
0x26c: {  	v45 =	vshra.s32 v45, $0x7;
	v0 =	vshll.u32 v46, v0;
	v46 =	vor.u32 v3, v48  }
0x26d: {  	v45 =	vand.u32 $0xFFFFFFF0, v45;
	v44 =	vand.u32 $0xFFFF0000, v44;
	v0 =	vand.u32 $0xFFFF0000, v0  }
0x26e: {  	v58 =	vperm.xlane v30, v12;
	v42 =	vshll.u32 v47, v42;
	v0 =	vmul.f32 v0, v44  }
0x26f: {  	v48 =	vsub.s32 $0x10, v45;
	v42 =	vand.u32 $0xFFFF0000, v42;
	v44 =	vperm.xlane v29, v13  }
0x270: {  	v47 =	vand.u32 $0xFFFF0000, v58;
	v45 =	vshll.u32 v58, $0x4;
	v42 =	vmul.f32 v42, v57;
	[tilespmem:v60+s12+$0x0] =	vst.idx.add.f32.msk $0xffff, v0  }
0x271: {  	v0 =	vand.u32 $0xFFFF0, v45;
	v57 =	vshll.u32 v44, $0x4;
	v44 =	vshra.s32 v44, $0x7;
	v58 =	vld.idx.msk [tilespmem:v46+s9+$0x0], $0xffff  }
0x272: {  	v45 =	vor.u32 v3, v0;
	v0 =	vand.u32 $0x7FF0, v57;
	v57 =	vperm.xlane v25, v11;
	[tilespmem:v59+s12+$0x0] =	vst.idx.add.f32.msk $0xffff, v42  }
0x273: {  	v46 =	vor.u32 v3, v0;
	v0 =	vand.u32 $0xFFFFFFF0, v44;
	v59 =	vperm.xlane v24, v12;
	v50 =	vld.idx.msk [tilespmem:v50+s9+$0x0], $0xffff  }
0x274: {  	v44 =	vperm.xlane v30, v13;
	v42 =	vshra.s32 v43, $0x7;
	v43 =	vshll.u32 v57, $0x4  }
0x275: {  	v42 =	vand.u32 $0xFFFFFFF0, v42;
	v43 =	vand.u32 $0xFFFF0, v43;
	v60 =	vshll.u32 v59, $0x4  }
0x276: {  	v61 =	vsub.s32 $0x10, v42;
	v43 =	vor.u32 v3, v43;
	v60 =	vand.u32 $0x7FF0, v60  }
0x277: {  	v42 =	vsub.s32 $0x10, v0;
	v0 =	vshll.u32 v58, v61;
	v58 =	vor.u32 v3, v60  }
0x278: {  	v57 =	vand.u32 $0xFFFF0000, v57;
	v60 =	vperm.xlane v29, v14;
	v0 =	vand.u32 $0xFFFF0000, v0  }
0x279: {  	v41 =	vshll.u32 v50, v41;
	v50 =	vshll.u32 v44, $0x4;
	v0 =	vmul.f32 v0, v57  }
0x27a: {  	v44 =	vand.u32 $0xFFFF0000, v44;
	v41 =	vand.u32 $0xFFFF0000, v41;
	v50 =	vand.u32 $0xFFFF0, v50  }
0x27b: {  	v54 =	vmul.f32 v41, v54;
	v41 =	vor.u32 v3, v50;
	v50 =	vshll.u32 v60, $0x4;
	[tilespmem:v43+s12+$0x0] =	vst.idx.add.f32.msk $0xffff, v0  }
0x27c: {  	v0 =	vperm.xlane v30, v14;
	v43 =	vand.u32 $0x7FF0, v50;
	v50 =	vshra.s32 v60, $0x7;
	v57 =	vld.idx.msk [tilespmem:v58+s9+$0x0], $0xffff  }
0x27d: {  	v43 =	vor.u32 v3, v43;
	v50 =	vand.u32 $0xFFFFFFF0, v50;
	[tilespmem:v56+s12+$0x0] =	vst.idx.add.f32.msk $0xffff, v54;
	v54 =	vperm.xlane v25, v12  }
0x27e: {  	v58 =	vperm.xlane v24, v13;
	v50 =	vsub.s32 $0x10, v50;
	v56 =	vperm.xlane v29, v15;
	v55 =	vld.idx.msk [tilespmem:v55+s9+$0x0], $0xffff  }
0x27f: {  	v59 =	vshra.s32 v59, $0x7;
	v60 =	vshll.u32 v0, $0x4;
	v61 =	vshll.u32 v54, $0x4  }
0x280: {  	v59 =	vand.u32 $0xFFFFFFF0, v59;
	v62 =	vshll.u32 v58, $0x4;
	v61 =	vand.u32 $0xFFFF0, v61  }
0x281: {  	v59 =	vsub.s32 $0x10, v59;
	v62 =	vand.u32 $0x7FF0, v62;
	v61 =	vor.u32 v3, v61  }
0x282: {  	v0 =	vand.u32 $0xFFFF0000, v0;
	v57 =	vshll.u32 v57, v59;
	v59 =	vor.u32 v3, v62  }
0x283: {  	v40 =	vmul.f32 v40, v31;
	v31 =	vmovc v0;
	v54 =	vand.u32 $0xFFFF0000, v54;
	v57 =	vand.u32 $0xFFFF0000, v57  }
0x284: {  	v0 =	vshll.u32 v55, v53;
	v53 =	vand.u32 $0xFFFF0, v60;
	v54 =	vmul.f32 v57, v54  }
0x285: {  	v55 =	vshll.u32 v56, $0x4;
	v0 =	vand.u32 $0xFFFF0000, v0;
	[tilespmem:v33+s12+$0x0] =	vst.idx.add.f32.msk $0xffff, v40;
	v33 =	vor.u32 v3, v53  }
0x286: {  	v0 =	vmul.f32 v0, v49;
	v40 =	vand.u32 $0x7FF0, v55;
	v49 =	vshra.s32 v56, $0x7;
	[tilespmem:v61+s12+$0x0] =	vst.idx.add.f32.msk $0xffff, v54  }
0x287: {  	v53 =	vperm.xlane v30, v15;
	v40 =	vor.u32 v3, v40;
	v49 =	vand.u32 $0xFFFFFFF0, v49;
	v54 =	vld.idx.msk [tilespmem:v59+s9+$0x0], $0xffff  }
0x288: {  	[tilespmem:v52+s12+$0x0] =	vst.idx.add.f32.msk $0xffff, v0;
	v0 =	vsub.s32 $0x10, v49;
	v49 =	vperm.xlane v29, v16;
	v52 =	vperm.xlane v25, v13  }
0x289: {  	v56 =	vperm.xlane v24, v14;
	v55 =	vand.u32 $0xFFFF0000, v53;
	v53 =	vshll.u32 v53, $0x4;
	v51 =	vld.idx.msk [tilespmem:v51+s9+$0x0], $0xffff  }
0x28a: {  	v57 =	vshra.s32 v58, $0x7;
	v53 =	vand.u32 $0xFFFF0, v53;
	v58 =	vshll.u32 v52, $0x4;
	v59 =	vld.idx.msk [tilespmem:v34+s9+$0x0], $0xffff;
	v34 =	vmovc v40  }
0x28b: {  	v40 =	vand.u32 $0xFFFFFFF0, v57;
	v57 =	vand.u32 $0xFFFF0, v58;
	v58 =	vshll.u32 v56, $0x4  }
0x28c: {  	v40 =	vsub.s32 $0x10, v40;
	v57 =	vor.u32 v3, v57;
	v58 =	vand.u32 $0x7FF0, v58  }
0x28d: {  	v60 =	vshll.u32 v49, $0x4;
	v40 =	vshll.u32 v54, v40;
	v54 =	vor.u32 v3, v58  }
0x28e: {  	v53 =	vor.u32 v3, v53;
	v52 =	vand.u32 $0xFFFF0000, v52;
	v40 =	vand.u32 $0xFFFF0000, v40  }
0x28f: {  	v48 =	vshll.u32 v51, v48;
	v51 =	vand.u32 $0x7FF0, v60;
	v40 =	vmul.f32 v40, v52  }
0x290: {  	v48 =	vand.u32 $0xFFFF0000, v48;
	v51 =	vor.u32 v3, v51;
	v52 =	vshll.u32 v59, v32;
	v32 =	vmovc v0  }
0x291: {  	v0 =	vmul.f32 v48, v47;
	v47 =	vshra.s32 v49, $0x7;
	[tilespmem:v57+s12+$0x0] =	vst.idx.add.f32.msk $0xffff, v40;
	v40 =	vand.u32 $0xFFFF0000, v52  }
0x292: {  	v48 =	vperm.xlane v30, v16;
	v47 =	vand.u32 $0xFFFFFFF0, v47;
	v49 =	vld.idx.msk [tilespmem:v54+s9+$0x0], $0xffff;
	v40 =	vmul.f32 v40, v36;
	v36 =	vmovc v55  }
0x293: {  	v29 =	vperm.xlane v29, v17;
	[tilespmem:v45+s12+$0x0] =	vst.idx.add.f32.msk $0xffff, v0;
	v0 =	vsub.s32 $0x10, v47;
	v45 =	vperm.xlane v25, v14  }
0x294: {  	v52 =	vperm.xlane v24, v15;
	v47 =	vand.u32 $0xFFFF0000, v48;
	v48 =	vshll.u32 v48, $0x4;
	v46 =	vld.idx.msk [tilespmem:v46+s9+$0x0], $0xffff  }
0x295: {  	v54 =	vshra.s32 v56, $0x7;
	v48 =	vand.u32 $0xFFFF0, v48;
	v55 =	vshll.u32 v45, $0x4;
	[tilespmem:v37+s12+$0x0] =	vst.idx.add.f32.msk $0xffff, v40;
	v37 =	vmovc v53  }
0x296: {  	v40 =	vand.u32 $0xFFFFFFF0, v54;
	v54 =	vshll.u32 v52, $0x4;
	v53 =	vand.u32 $0xFFFF0, v55;
	v55 =	vld.idx.msk [tilespmem:v38+s9+$0x0], $0xffff;
	v38 =	vmovc v51  }
0x297: {  	v40 =	vsub.s32 $0x10, v40;
	v51 =	vor.u32 v3, v53;
	v53 =	vand.u32 $0x7FF0, v54  }
0x298: {  	v54 =	vshll.u32 v29, $0x4;
	v40 =	vshll.u32 v49, v40;
	v49 =	vor.u32 v3, v53  }
0x299: {  	v48 =	vor.u32 v3, v48;
	v45 =	vand.u32 $0xFFFF0000, v45;
	v40 =	vand.u32 $0xFFFF0000, v40  }
0x29a: {  	v42 =	vshll.u32 v46, v42;
	v46 =	vand.u32 $0x7FF0, v54;
	v40 =	vmul.f32 v40, v45  }
0x29b: {  	v29 =	vshra.s32 v29, $0x7;
	v42 =	vand.u32 $0xFFFF0000, v42;
	v45 =	vor.u32 v3, v46  }
.Ltmp1:
0x29c: {  	v29 =	vand.u32 $0xFFFFFFF0, v29;
	v42 =	vmul.f32 v42, v44;
	[tilespmem:v51+s12+$0x0] =	vst.idx.add.f32.msk $0xffff, v40;
	v40 =	vshll.u32 v55, v39;
	(pc) =	sbr.rel @p0 .LBB2_6-.Ltmp1, $4  }
0x29d: {  	v30 =	vperm.xlane v30, v17;
	v51 =	vsub.s32 $0x10, v29;
	v39 =	vmovc v0;
	v44 =	vld.idx.msk [tilespmem:v49+s9+$0x0], $0xffff;
	v29 =	vand.u32 $0xFFFF0000, v40  }
0x29e: {  	v46 =	vperm.xlane v25, v15;
	[tilespmem:v41+s12+$0x0] =	vst.idx.add.f32.msk $0xffff, v42;
	v0 =	vmul.f32 v29, v35;
	v35 =	vmov v47  }
0x29f: {  	v40 =	vshll.u32 v30, $0x4;
	v41 =	vshll.u32 v26, v20;
	v20 =	vmovc v27;
	v47 =	vld.idx.msk [tilespmem:v43+s9+$0x0], $0xffff;
	v43 =	vperm.xlane v24, v16  }
0x2a0: {  	s23 =	sadd.s32 $0x20, s23;
	v26 =	vshra.s32 v52, $0x7;
	v29 =	vshll.u32 v46, $0x4;
	v27 =	vmovc v51;
	v41 =	vand.u32 $0xFFFF0000, v41;
	[tilespmem:v28+s12+$0x0] =	vst.idx.add.f32.msk $0xffff, v0;
	v28 =	vmovc v48  }
0x2a1: {  	_ =	sdelay $0x2  }
0x2a2: {  	v0 =	vshll.u32 v47, v50  }
0x2a3: {  	v0 =	vand.u32 $0xFFFF0000, v0  }
0x2a4: {  	v0 =	vmul.f32 v0, v31;
	_ =	sdelay $0x1  }
0x2a5: {  	[tilespmem:v33+s12+$0x0] =	vst.idx.add.f32.msk $0xffff, v0  }
0x2a6: {  	v0 =	vld.idx.msk [tilespmem:v34+s9+$0x0], $0xffff  }
0x2a7: {  	v26 =	vand.u32 $0xFFFFFFF0, v26;
	v29 =	vand.u32 $0xFFFF0, v29;
	v51 =	vshll.u32 v43, $0x4  }
0x2a8: {  	v26 =	vsub.s32 $0x10, v26;
	v29 =	vor.u32 v3, v29;
	v31 =	vand.u32 $0x7FF0, v51  }
0x2a9: {  	v26 =	vshll.u32 v44, v26;
	v31 =	vor.u32 v3, v31  }
0x2aa: {  	v52 =	vand.u32 $0xFFFF0000, v46;
	v26 =	vand.u32 $0xFFFF0000, v26  }
0x2ab: {  	v26 =	vmul.f32 v26, v52;
	v0 =	vshll.u32 v0, v32  }
0x2ac: {  	v0 =	vand.u32 $0xFFFF0000, v0  }
0x2ad: {  	[tilespmem:v29+s12+$0x0] =	vst.idx.add.f32.msk $0xffff, v26;
	v0 =	vmul.f32 v0, v36  }
0x2ae: {  	v53 =	vperm.xlane v25, v16;
	v26 =	vld.idx.msk [tilespmem:v31+s9+$0x0], $0xffff  }
0x2af: {  	v24 =	vperm.xlane v24, v17;
	[tilespmem:v37+s12+$0x0] =	vst.idx.add.f32.msk $0xffff, v0  }
0x2b0: {  	v54 =	vshll.u32 v53, $0x4;
	v0 =	vshra.s32 v43, $0x7;
	v55 =	vld.idx.msk [tilespmem:v38+s9+$0x0], $0xffff  }
0x2b1: {  	v56 =	vshll.u32 v24, $0x4;
	v31 =	vand.u32 $0xFFFF0, v54;
	v0 =	vand.u32 $0xFFFFFFF0, v0  }
0x2b2: {  	v33 =	vand.u32 $0x7FF0, v56;
	v31 =	vor.u32 v3, v31;
	v0 =	vsub.s32 $0x10, v0  }
0x2b3: {  	v57 =	vor.u32 v3, v33;
	v0 =	vshll.u32 v26, v0  }
0x2b4: {  	v29 =	vand.u32 $0xFFFF0000, v53;
	v0 =	vand.u32 $0xFFFF0000, v0  }
0x2b5: {  	v0 =	vmul.f32 v0, v29;
	v58 =	vshll.u32 v55, v39  }
0x2b6: {  	v22 =	vld.idx.msk [tilespmem:v22+s9+$0x0], $0xffff;
	v29 =	vand.u32 $0xFFFF0000, v58  }
0x2b7: {  	[tilespmem:v31+s12+$0x0] =	vst.idx.add.f32.msk $0xffff, v0;
	v0 =	vmul.f32 v29, v35  }
0x2b8: {  	v59 =	vperm.xlane v25, v17;
	v26 =	vld.idx.msk [tilespmem:v57+s9+$0x0], $0xffff  }
0x2b9: {  	[tilespmem:v28+s12+$0x0] =	vst.idx.add.f32.msk $0xffff, v0  }
0x2ba: {  	v60 =	vshll.u32 v59, $0x4;
	v0 =	vshra.s32 v24, $0x7;
	v28 =	vld.idx.msk [tilespmem:v45+s9+$0x0], $0xffff  }
0x2bb: {  	v24 =	vand.u32 $0xFFFF0, v60;
	v0 =	vand.u32 $0xFFFFFFF0, v0  }
0x2bc: {  	v61 =	vand.u32 $0xFFFF0, v40;
	v24 =	vor.u32 v3, v24;
	v0 =	vsub.s32 $0x10, v0  }
0x2bd: {  	v18 =	vmul.f32 v41, v18;
	s20 =	sadd.s32 $0x1, s20;
	v25 =	vand.u32 $0xFFFF0000, v59;
	v0 =	vshll.u32 v26, v0  }
0x2be: {  	p0 =	sne.s32 s20, $0x10;
	v20 =	vshll.u32 v22, v20;
	v29 =	vor.u32 v3, v61;
	v0 =	vand.u32 $0xFFFF0000, v0  }
.Ltmp2:
0x2bf: {  	v20 =	vand.u32 $0xFFFF0000, v20;
	v0 =	vmul.f32 v0, v25;
	v62 =	vshll.u32 v28, v27;
	(pc) =	sbr.rel @p0 .LBB2_5-.Ltmp2, $4  }
0x2c0: {  	v63 =	vand.u32 $0xFFFF0000, v30;
	[tilespmem:v19+s12+$0x0] =	vst.idx.add.f32.msk $0xffff, v18;
	v18 =	vmul.f32 v20, v21;
	v19 =	vand.u32 $0xFFFF0000, v62  }
0x2c1: {  	[tilespmem:v24+s12+$0x0] =	vst.idx.add.f32.msk $0xffff, v0;
	v0 =	vmul.f32 v19, v63  }
0x2c2: {  	[tilespmem:v23+s12+$0x0] =	vst.idx.add.f32.msk $0xffff, v18  }
0x2c3: {  	s18 =	sadd.s32 $0x80, s18;
	s19 =	sadd.s32 $0x80, s19;
	[tilespmem:v29+s12+$0x0] =	vst.idx.add.f32.msk $0xffff, v0  }
0x2c4: {  	s17 =	sadd.s32 $0x1, s17  }
0x2c5: {  	p0 =	sne.s32 s17, $0x10  }
.Ltmp3:
0x2c6: {  	_ = 	snop;
	(pc) =	sbr.rel @p0 .LBB2_4-.Ltmp3, $1  }
0x2c7: {  	_ =	sdelay $0x3  }
0x2c8: {  	s15 =	sadd.s32 $0x1, s15  }
0x2c9: {  	p0 =	sne.s32 s15, s8  }
.Ltmp4:
0x2ca: {  	_ = 	snop;
	(pc) =	sbr.rel @p0 .LBB2_1-.Ltmp4, $4  }
0x2cb: {  	[hbm4b:s7+s13] =	stream.strided.scatter [tilespmem:s12], [sflag:$0x1], $0x10000, s14, s13, $0x38;
	[tilespmem:$0x19000] =	vst v63  }
0x2cc: {  	_ =	swait.ge [sflag:s10], $0x10000  }
0x2cd: {  	[sflag:s10] =	ssyncset.done $0x0  }
0x2ce: {  	v0 =	vimm.f32 $0.0e+00;
	[sflag:s10] =	ssyncadd.s32 $0xFFFF0000  }
0x2cf: {  	_ =	sfence.sel $0x180000  }
0x2d0: {  	[bflag:$0x0] =	sbarrier.arrive $0xFFFF  }
0x2d1: {  	p0 =	sne.s32 s1, $0x0;
	_ =	strace $0x9000004D  }
0x2d2: {  	s0 =	sadd.s32 @!p0 $0x100000, s0;
	[bflag:$0x2] =	sbarrier.arrive $0xFFFF  }
0x2d3: {  	[sflag:s0] =	ssyncadd.tile.s32 @!p0 $0x1;
	_ =	shalt  }
.Lfunc_end2:
_tile_overlayer_lowered:
.L_overlay_start_2:
0x2d4: {  	(tag) =	ssettag $0x2  }
0x2d5: {  	s0 =	rddreg [dreg:$0x0];
	s2 =	stileid.u32  }
0x2d6: {  	s1 =	rddreg [dreg:$0x1];
	p0 =	sne.s32 s2, $0x0  }
0x2d7: {  	s3 =	rddreg [dreg:$0x2];
	[bflag:$0x3] =	sbarrier.arrive $0xFFFF;
	s2 =	simm.s32 @!p0 $0x1C01  }
0x2d8: {  	[timem:s3], [sflag:s2] =	dma.local @!p0 [hbm:s0], s1  }
0x2d9: {  	s0 =	simm.s32 @!p0 $0x1  }
0x2da: {  	_ =	swait.ge @!p0 [sflag:s0], s1  }
0x2db: {  	s1 =	ssub.s32 @!p0 $0x0, s1;
	[sflag:s0] =	ssyncset.done @!p0 $0x0  }
0x2dc: {  	[sflag:s0] =	ssyncadd.s32 @!p0 s1  }
0x2dd: {  	[bflag:$0x3] =	sbarrier.arrive $0xFFFF  }
0x2de: {  	_ =	shalt  }

</sc_bundles>
